<compile_context>
chip_gen: v7x
topology: tpu7x:2x2x1
jax: 0.10.2.dev20260603
libtpu: 0.0.44.dev20260713+nightly
codegen_flags: <defaults>
</compile_context>

<pallas_src>
import jax
import jax.numpy as jnp
from jax import lax
from jax.experimental import pallas as pl
from jax.experimental.pallas import tpu as pltpu
from jax.experimental.pallas import tpu_sc as plsc

N_NODES = 10000
N_EDGES = 320000
D_FEAT = 128
D_HALF = 64
D_EDGE = 16

NC = 2
NS = 16
CHUNK = 128
N_CHUNKS = 158
N_CHUNKS_PAD = 160
ROWS_PER_TILE = 632
ACC_ROWS = NS * ROWS_PER_TILE


def _node_mm_body(x_ref, w_ref, b_ref, o_ref):
    o_ref[...] = jnp.dot(x_ref[...], w_ref[...],
                         preferred_element_type=jnp.float32) + b_ref[...]


def _node_transform_half(x, W_half, b_half):
    return pl.pallas_call(
        _node_mm_body,
        out_shape=jax.ShapeDtypeStruct((N_NODES, D_HALF), jnp.float32),
    )(x, W_half, b_half.reshape(1, D_HALF))


def _edge_gate_body(ef_ref, w_ref, b_ref, o_ref):
    z = jnp.dot(ef_ref[...], w_ref[...],
                preferred_element_type=jnp.float32) + b_ref[0, 0]
    o_ref[...] = jax.nn.sigmoid(z)


def _edge_gate(edge_feature, W_edge, b_edge):
    efr = edge_feature.reshape(N_EDGES // 8, 128)
    n_in = N_EDGES // 8
    W128 = jnp.kron(jnp.eye(8, dtype=jnp.float32), W_edge)
    grid = 4
    blk_i = n_in // grid
    return pl.pallas_call(
        _edge_gate_body,
        grid=(grid,),
        in_specs=[
            pl.BlockSpec((blk_i, 128), lambda i: (i, 0)),
            pl.BlockSpec((128, 8), lambda i: (0, 0)),
            pl.BlockSpec((1, 1), lambda i: (0, 0), memory_space=pltpu.SMEM),
        ],
        out_specs=pl.BlockSpec((blk_i, 8), lambda i: (i, 0)),
        out_shape=jax.ShapeDtypeStruct((n_in, 8), jnp.float32),
    )(efr, W128, b_edge.reshape(1, 1))


def _sc_body(h0_hbm, h1_hbm, col_hbm, row_hbm, ew_hbm, p_hbm, cnt_hbm,
             col_v, row_v, ew_v, msgs_a, msgs_b, cnt_tile, acc,
             gsem_a, gsem_b, ssem_a, ssem_b):
    cid = lax.axis_index("c")
    sid = lax.axis_index("s")

    pltpu.sync_copy(col_hbm.at[sid], col_v)
    pltpu.sync_copy(row_hbm.at[sid], row_v)
    pltpu.sync_copy(ew_hbm.at[sid], ew_v)

    zv = jnp.zeros((16,), jnp.float32)
    ov = jnp.ones((16,), jnp.float32)

    def zero_msgs(i, c):
        for d in range(D_HALF // 16):
            msgs_a[i, pl.ds(d * 16, 16)] = zv
            msgs_b[i, pl.ds(d * 16, 16)] = zv
        return c

    lax.fori_loop(0, CHUNK, zero_msgs, 0)

    def zero_cnt(i, c):
        cnt_tile[pl.ds(i * 16, 16)] = zv
        return c

    lax.fori_loop(0, ACC_ROWS // 16, zero_cnt, 0)

    base = sid * ROWS_PER_TILE
    rem = ROWS_PER_TILE - 4 * CHUNK
    for k in range(4):
        pltpu.sync_copy(msgs_a, acc.at[pl.ds(base + k * CHUNK, CHUNK)])
    pltpu.sync_copy(msgs_a.at[pl.ds(0, rem)],
                    acc.at[pl.ds(base + 4 * CHUNK, rem)])
    plsc.subcore_barrier()

    def scale(msgs, j):
        def group_step(g, c):
            ew16 = ew_v[j, pl.ds(g * 16, 16)]
            for l in range(16):
                w = jnp.full((16,), ew16[l])
                e = g * 16 + l
                for d in range(D_HALF // 16):
                    sl = pl.ds(d * 16, 16)
                    msgs[e, sl] = msgs[e, sl] * w
            return c

        lax.fori_loop(0, CHUNK // 16, group_step, 0)

    def run(h_ref):
        pltpu.async_copy(msgs_b, acc.at[row_v.at[0]], ssem_b, add=True)
        pltpu.async_copy(h_ref.at[col_v.at[0]], msgs_a, gsem_a)

        def slot(c, msgs, other, gsem, gsem_o, ssem, ssem_o):
            pltpu.make_async_copy(h_ref.at[col_v.at[c]], msgs, gsem).wait()
            scale(msgs, c)
            pltpu.async_copy(msgs, acc.at[row_v.at[c]], ssem, add=True)
            pltpu.make_async_copy(other, acc.at[row_v.at[c]], ssem_o).wait()
            pltpu.async_copy(h_ref.at[col_v.at[c + 1]], other, gsem_o)

        def pair_step(t, carry):
            a = 2 * t
            slot(a, msgs_a, msgs_b, gsem_a, gsem_b, ssem_a, ssem_b)
            slot(a + 1, msgs_b, msgs_a, gsem_b, gsem_a, ssem_b, ssem_a)
            return carry

        lax.fori_loop(0, N_CHUNKS // 2, pair_step, 0)

        pltpu.make_async_copy(h_ref.at[col_v.at[0]], msgs_a, gsem_a).wait()
        pltpu.make_async_copy(msgs_b, acc.at[row_v.at[0]], ssem_b).wait()

    @pl.when(cid == 0)
    def _():
        run(h0_hbm)

    @pl.when(cid == 1)
    def _():
        run(h1_hbm)

    def count_step(j, carry):
        def cgroup(g, c):
            row16 = row_v[j, pl.ds(g * 16, 16)]
            cnts, last = plsc.scan_count(row16)
            plsc.addupdate_scatter(cnt_tile, [row16],
                                   cnts.astype(jnp.float32), mask=last)
            return c

        lax.fori_loop(0, CHUNK // 16, cgroup, 0)
        return carry

    half = N_CHUNKS // 2
    lax.fori_loop(cid * half, (cid + 1) * half, count_step, 0)
    plsc.subcore_barrier()

    for k in range(4):
        pltpu.sync_copy(acc.at[pl.ds(base + k * CHUNK, CHUNK)],
                        p_hbm.at[cid, pl.ds(base + k * CHUNK, CHUNK)])
    pltpu.sync_copy(acc.at[pl.ds(base + 4 * CHUNK, rem)],
                    p_hbm.at[cid, pl.ds(base + 4 * CHUNK, rem)])

    pltpu.sync_copy(cnt_tile, cnt_hbm.at[cid, sid])


def _sc_scatter(h0, h1, col3, row3, ew3):
    mesh = plsc.VectorSubcoreMesh(core_axis_name="c", subcore_axis_name="s")
    k = pl.kernel(
        _sc_body,
        compiler_params=pltpu.CompilerParams(use_tc_tiling_on_sc=False,
                                             needs_layout_passes=False),
        out_type=(
            jax.ShapeDtypeStruct((NC, ACC_ROWS, D_HALF), jnp.float32),
            jax.ShapeDtypeStruct((NC, NS, ACC_ROWS), jnp.float32),
        ),
        mesh=mesh,
        scratch_types=[
            pltpu.VMEM((N_CHUNKS_PAD, CHUNK), jnp.int32),
            pltpu.VMEM((N_CHUNKS_PAD, CHUNK), jnp.int32),
            pltpu.VMEM((N_CHUNKS_PAD, CHUNK), jnp.float32),
            pltpu.VMEM((CHUNK, D_HALF), jnp.float32),
            pltpu.VMEM((CHUNK, D_HALF), jnp.float32),
            pltpu.VMEM((ACC_ROWS,), jnp.float32),
            pltpu.VMEM_SHARED((ACC_ROWS, D_HALF), jnp.float32),
            pltpu.SemaphoreType.DMA,
            pltpu.SemaphoreType.DMA,
            pltpu.SemaphoreType.DMA,
            pltpu.SemaphoreType.DMA,
        ],
    )
    return k(h0, h1, col3, row3, ew3)


def _combine_body(p_ref, c_ref, o_ref):
    cnt = jnp.sum(c_ref[...], axis=1, keepdims=True)
    inv = 1.0 / jnp.maximum(cnt, 1.0)
    o_ref[:, 0:D_HALF] = p_ref[0] * inv
    o_ref[:, D_HALF:D_FEAT] = p_ref[1] * inv


def _combine(p, cnt_t):
    grid = 5
    blk = N_NODES // grid
    return pl.pallas_call(
        _combine_body,
        grid=(grid,),
        in_specs=[
            pl.BlockSpec((NC, blk, D_HALF), lambda i: (0, i, 0)),
            pl.BlockSpec((blk, NC * NS), lambda i: (i, 0)),
        ],
        out_specs=pl.BlockSpec((blk, D_FEAT), lambda i: (i, 0)),
        out_shape=jax.ShapeDtypeStruct((N_NODES, D_FEAT), jnp.float32),
    )(p, cnt_t)


def kernel(x, edge_index, edge_feature, W_edge, b_edge, W_node, b_node):
    e_main = NS * N_CHUNKS * CHUNK
    pad = e_main - N_EDGES
    n_dummy = N_CHUNKS_PAD - N_CHUNKS
    row = edge_index[0].astype(jnp.int32)
    col = edge_index[1].astype(jnp.int32)
    row3 = jnp.concatenate(
        [row, jnp.full((pad,), N_NODES, jnp.int32)]).reshape(NS, N_CHUNKS,
                                                             CHUNK)
    row3 = jnp.concatenate(
        [row3, jnp.full((NS, n_dummy, CHUNK), N_NODES, jnp.int32)], axis=1)
    col3 = jnp.concatenate(
        [col, jnp.zeros((pad,), jnp.int32)]).reshape(NS, N_CHUNKS, CHUNK)
    col3 = jnp.concatenate(
        [col3, jnp.zeros((NS, n_dummy, CHUNK), jnp.int32)], axis=1)

    h0 = _node_transform_half(x, W_node[:, :D_HALF], b_node[:D_HALF])
    h1 = _node_transform_half(x, W_node[:, D_HALF:], b_node[D_HALF:])
    ew = _edge_gate(edge_feature, W_edge, b_edge).reshape(N_EDGES)
    ew3 = jnp.pad(ew, (0, pad)).reshape(NS, N_CHUNKS, CHUNK)
    ew3 = jnp.concatenate(
        [ew3, jnp.zeros((NS, n_dummy, CHUNK), jnp.float32)], axis=1)
    p, cnt = _sc_scatter(h0, h1, col3, row3, ew3)
    return _combine(p, cnt.reshape(NC * NS, ACC_ROWS).T)

# --- scband reference (transcript-rebuilt; emitter-appended) ---
"""Pipeline reference for scband-sparse-edge-conv-43903155699866 (READ-ONLY COPY).

The authoritative reference and input builder live on the scoring server;
editing this copy changes nothing except your own understanding.
"""

import jax, jax.numpy as jnp
import numpy as np

N_NODES = 10000
N_EDGES = 320000
D_FEAT = 128
D_EDGE = 16

def setup_inputs(seed: int = 0) -> dict:
    key = jax.random.key(seed)
    k1, k2, k3, k4, k5, k6, k7 = jax.random.split(key, 7)
    x = jax.random.normal(k1, (N_NODES, D_FEAT), dtype=jnp.float32)
    edge_index = jax.random.randint(k2, (2, N_EDGES), 0, N_NODES, dtype=jnp.int64)
    edge_feature = jax.random.normal(k3, (N_EDGES, D_EDGE), dtype=jnp.float32)
    # parameters: linear_edge = Linear(D_EDGE, 1) + Sigmoid; linear_node = Linear(D_FEAT, D_FEAT)
    W_edge = jax.random.normal(k4, (D_EDGE, 1), dtype=jnp.float32) * (1.0 / np.sqrt(D_EDGE))
    b_edge = jnp.zeros((1,), dtype=jnp.float32)
    W_node = jax.random.normal(k5, (D_FEAT, D_FEAT), dtype=jnp.float32) * (1.0 / np.sqrt(D_FEAT))
    b_node = jnp.zeros((D_FEAT,), dtype=jnp.float32)
    return {"x": x, "edge_index": edge_index, "edge_feature": edge_feature,
            "W_edge": W_edge, "b_edge": b_edge, "W_node": W_node, "b_node": b_node}

def reference(x, edge_index, edge_feature, W_edge, b_edge, W_node, b_node):
    # edge gate: Linear(edge_dim, 1) -> Sigmoid, squeezed to scalar edge weight
    ew = jax.nn.sigmoid(edge_feature @ W_edge + b_edge)[:, 0]  # [E]
    # node transform
    h = x @ W_node + b_node  # [N, D]
    num_nodes = x.shape[0]
    row = edge_index[0]  # dst (sparse row)
    col = edge_index[1]  # src (sparse col)
    # matmul(adj_t, x, reduce='mean'): out[r] = sum_e w_e * h[col_e] / deg(r)
    msgs = ew[:, None] * jnp.take(h, col, axis=0)  # [E, D]
    summed = jax.ops.segment_sum(msgs, row, num_segments=num_nodes)
    cnt = jax.ops.segment_sum(jnp.ones_like(ew), row, num_segments=num_nodes)
    out = summed / jnp.clip(cnt, 1.0, None)[:, None]
    # bias=False in SparseEdgeConv default, so no bias add in update()
    return out

if __name__ == "__main__":
    import jax
    _d = setup_inputs()
    print(jax.jit(kernel)(*tuple(_d.values())))

</pallas_src>

<mosaic_0001>
#map = affine_map<(d0, d1) -> (0, 0)>
#map1 = affine_map<(d0, d1) -> (0, 0, 0)>
module attributes {stable_mosaic.version = 14 : i64} {
  func.func @_sc_body(%arg0: i32, %arg1: i32, %arg2: memref<10000x64xf32, #tpu.memory_space<hbm>>, %arg3: memref<10000x64xf32, #tpu.memory_space<hbm>>, %arg4: memref<16x160x128xi32, #tpu.memory_space<hbm>>, %arg5: memref<16x160x128xi32, #tpu.memory_space<hbm>>, %arg6: memref<16x160x128xf32, #tpu.memory_space<hbm>>, %arg7: memref<2x10112x64xf32, #tpu.memory_space<hbm>>, %arg8: memref<2x16x10112xf32, #tpu.memory_space<hbm>>, %arg9: memref<160x128xi32, #tpu.memory_space<vmem>>, %arg10: memref<160x128xi32, #tpu.memory_space<vmem>>, %arg11: memref<160x128xf32, #tpu.memory_space<vmem>>, %arg12: memref<128x64xf32, #tpu.memory_space<vmem>>, %arg13: memref<128x64xf32, #tpu.memory_space<vmem>>, %arg14: memref<10112xf32, #tpu.memory_space<vmem>>, %arg15: memref<10112x64xf32, #tpu.memory_space<vmem_shared>>, %arg16: memref<!tpu.dma_semaphore, #tpu.memory_space<semaphore_mem>>, %arg17: memref<!tpu.dma_semaphore, #tpu.memory_space<semaphore_mem>>, %arg18: memref<!tpu.dma_semaphore, #tpu.memory_space<semaphore_mem>>, %arg19: memref<!tpu.dma_semaphore, #tpu.memory_space<semaphore_mem>>) attributes {dimension_semantics = [#tpu.dimension_semantics<core_parallel>, #tpu.dimension_semantics<subcore_parallel>], iteration_bounds = array<i64: 2, 16>, scalar_prefetch = 0 : i64, scratch_operands = 11 : i64, tpu.core_type = #tpu.core_type<sc_vector_subcore>, window_params = [{transform_indices = #map}, {transform_indices = #map}, {transform_indices = #map1}, {transform_indices = #map1}, {transform_indices = #map1}, {transform_indices = #map1}, {transform_indices = #map1}]} {
    "tpu.region"() ({
      %run_scoped3A = tpu.sem_alloc : memref<!tpu.dma_semaphore, #tpu.memory_space<semaphore_mem>>
      %dma_start3A = arith.constant 0 : i32
      %dma_start3A_66 = arith.constant 0 : i32
      %dma_start3A_67 = tpu.memref_slice %arg4[%arg1, %dma_start3A, %dma_start3A_66] : memref<16x160x128xi32, #tpu.memory_space<hbm>> -> memref<1x160x128xi32, #tpu.memory_space<hbm>>
      %dma_start3A_68 = tpu.memref_squeeze %dma_start3A_67 : memref<1x160x128xi32, #tpu.memory_space<hbm>> -> memref<160x128xi32, #tpu.memory_space<hbm>>
      %dma_start3A_69 = arith.constant 0 : i32
      %dma_start3A_70 = arith.constant 0 : i32
      %dma_start3A_71 = tpu.memref_slice %arg4[%arg1, %dma_start3A_69, %dma_start3A_70] : memref<16x160x128xi32, #tpu.memory_space<hbm>> -> memref<1x160x128xi32, #tpu.memory_space<hbm>>
      %dma_start3A_72 = tpu.memref_squeeze %dma_start3A_71 : memref<1x160x128xi32, #tpu.memory_space<hbm>> -> memref<160x128xi32, #tpu.memory_space<hbm>>
      tpu.enqueue_dma source(%dma_start3A_72 : memref<160x128xi32, #tpu.memory_space<hbm>>) target(%arg9 : memref<160x128xi32, #tpu.memory_space<vmem>>) target_semaphore(%run_scoped3A : memref<!tpu.dma_semaphore, #tpu.memory_space<semaphore_mem>>)
      %dma_wait3A = arith.constant 0 : i32
      %dma_wait3A_73 = arith.constant 0 : i32
      %dma_wait3A_74 = tpu.memref_slice %arg4[%arg1, %dma_wait3A, %dma_wait3A_73] : memref<16x160x128xi32, #tpu.memory_space<hbm>> -> memref<1x160x128xi32, #tpu.memory_space<hbm>>
      %dma_wait3A_75 = tpu.memref_squeeze %dma_wait3A_74 : memref<1x160x128xi32, #tpu.memory_space<hbm>> -> memref<160x128xi32, #tpu.memory_space<hbm>>
      %dma_wait3A_76 = arith.constant 0 : i32
      %dma_wait3A_77 = arith.constant 0 : i32
      %dma_wait3A_78 = tpu.memref_slice %arg4[%arg1, %dma_wait3A_76, %dma_wait3A_77] : memref<16x160x128xi32, #tpu.memory_space<hbm>> -> memref<1x160x128xi32, #tpu.memory_space<hbm>>
      %dma_wait3A_79 = tpu.memref_squeeze %dma_wait3A_78 : memref<1x160x128xi32, #tpu.memory_space<hbm>> -> memref<160x128xi32, #tpu.memory_space<hbm>>
      tpu.wait_dma2 semaphore(%run_scoped3A : memref<!tpu.dma_semaphore, #tpu.memory_space<semaphore_mem>>) src(%dma_wait3A_79 : memref<160x128xi32, #tpu.memory_space<hbm>>) dst(%arg9 : memref<160x128xi32, #tpu.memory_space<vmem>>)
      tpu.yield
    }) : () -> ()
    "tpu.region"() ({
      %run_scoped3A = tpu.sem_alloc : memref<!tpu.dma_semaphore, #tpu.memory_space<semaphore_mem>>
      %dma_start3A = arith.constant 0 : i32
      %dma_start3A_66 = arith.constant 0 : i32
      %dma_start3A_67 = tpu.memref_slice %arg5[%arg1, %dma_start3A, %dma_start3A_66] : memref<16x160x128xi32, #tpu.memory_space<hbm>> -> memref<1x160x128xi32, #tpu.memory_space<hbm>>
      %dma_start3A_68 = tpu.memref_squeeze %dma_start3A_67 : memref<1x160x128xi32, #tpu.memory_space<hbm>> -> memref<160x128xi32, #tpu.memory_space<hbm>>
      %dma_start3A_69 = arith.constant 0 : i32
      %dma_start3A_70 = arith.constant 0 : i32
      %dma_start3A_71 = tpu.memref_slice %arg5[%arg1, %dma_start3A_69, %dma_start3A_70] : memref<16x160x128xi32, #tpu.memory_space<hbm>> -> memref<1x160x128xi32, #tpu.memory_space<hbm>>
      %dma_start3A_72 = tpu.memref_squeeze %dma_start3A_71 : memref<1x160x128xi32, #tpu.memory_space<hbm>> -> memref<160x128xi32, #tpu.memory_space<hbm>>
      tpu.enqueue_dma source(%dma_start3A_72 : memref<160x128xi32, #tpu.memory_space<hbm>>) target(%arg10 : memref<160x128xi32, #tpu.memory_space<vmem>>) target_semaphore(%run_scoped3A : memref<!tpu.dma_semaphore, #tpu.memory_space<semaphore_mem>>)
      %dma_wait3A = arith.constant 0 : i32
      %dma_wait3A_73 = arith.constant 0 : i32
      %dma_wait3A_74 = tpu.memref_slice %arg5[%arg1, %dma_wait3A, %dma_wait3A_73] : memref<16x160x128xi32, #tpu.memory_space<hbm>> -> memref<1x160x128xi32, #tpu.memory_space<hbm>>
      %dma_wait3A_75 = tpu.memref_squeeze %dma_wait3A_74 : memref<1x160x128xi32, #tpu.memory_space<hbm>> -> memref<160x128xi32, #tpu.memory_space<hbm>>
      %dma_wait3A_76 = arith.constant 0 : i32
      %dma_wait3A_77 = arith.constant 0 : i32
      %dma_wait3A_78 = tpu.memref_slice %arg5[%arg1, %dma_wait3A_76, %dma_wait3A_77] : memref<16x160x128xi32, #tpu.memory_space<hbm>> -> memref<1x160x128xi32, #tpu.memory_space<hbm>>
      %dma_wait3A_79 = tpu.memref_squeeze %dma_wait3A_78 : memref<1x160x128xi32, #tpu.memory_space<hbm>> -> memref<160x128xi32, #tpu.memory_space<hbm>>
      tpu.wait_dma2 semaphore(%run_scoped3A : memref<!tpu.dma_semaphore, #tpu.memory_space<semaphore_mem>>) src(%dma_wait3A_79 : memref<160x128xi32, #tpu.memory_space<hbm>>) dst(%arg10 : memref<160x128xi32, #tpu.memory_space<vmem>>)
      tpu.yield
    }) : () -> ()
    "tpu.region"() ({
      %run_scoped3A = tpu.sem_alloc : memref<!tpu.dma_semaphore, #tpu.memory_space<semaphore_mem>>
      %dma_start3A = arith.constant 0 : i32
      %dma_start3A_66 = arith.constant 0 : i32
      %dma_start3A_67 = tpu.memref_slice %arg6[%arg1, %dma_start3A, %dma_start3A_66] : memref<16x160x128xf32, #tpu.memory_space<hbm>> -> memref<1x160x128xf32, #tpu.memory_space<hbm>>
      %dma_start3A_68 = tpu.memref_squeeze %dma_start3A_67 : memref<1x160x128xf32, #tpu.memory_space<hbm>> -> memref<160x128xf32, #tpu.memory_space<hbm>>
      %dma_start3A_69 = arith.constant 0 : i32
      %dma_start3A_70 = arith.constant 0 : i32
      %dma_start3A_71 = tpu.memref_slice %arg6[%arg1, %dma_start3A_69, %dma_start3A_70] : memref<16x160x128xf32, #tpu.memory_space<hbm>> -> memref<1x160x128xf32, #tpu.memory_space<hbm>>
      %dma_start3A_72 = tpu.memref_squeeze %dma_start3A_71 : memref<1x160x128xf32, #tpu.memory_space<hbm>> -> memref<160x128xf32, #tpu.memory_space<hbm>>
      tpu.enqueue_dma source(%dma_start3A_72 : memref<160x128xf32, #tpu.memory_space<hbm>>) target(%arg11 : memref<160x128xf32, #tpu.memory_space<vmem>>) target_semaphore(%run_scoped3A : memref<!tpu.dma_semaphore, #tpu.memory_space<semaphore_mem>>)
      %dma_wait3A = arith.constant 0 : i32
      %dma_wait3A_73 = arith.constant 0 : i32
      %dma_wait3A_74 = tpu.memref_slice %arg6[%arg1, %dma_wait3A, %dma_wait3A_73] : memref<16x160x128xf32, #tpu.memory_space<hbm>> -> memref<1x160x128xf32, #tpu.memory_space<hbm>>
      %dma_wait3A_75 = tpu.memref_squeeze %dma_wait3A_74 : memref<1x160x128xf32, #tpu.memory_space<hbm>> -> memref<160x128xf32, #tpu.memory_space<hbm>>
      %dma_wait3A_76 = arith.constant 0 : i32
      %dma_wait3A_77 = arith.constant 0 : i32
      %dma_wait3A_78 = tpu.memref_slice %arg6[%arg1, %dma_wait3A_76, %dma_wait3A_77] : memref<16x160x128xf32, #tpu.memory_space<hbm>> -> memref<1x160x128xf32, #tpu.memory_space<hbm>>
      %dma_wait3A_79 = tpu.memref_squeeze %dma_wait3A_78 : memref<1x160x128xf32, #tpu.memory_space<hbm>> -> memref<160x128xf32, #tpu.memory_space<hbm>>
      tpu.wait_dma2 semaphore(%run_scoped3A : memref<!tpu.dma_semaphore, #tpu.memory_space<semaphore_mem>>) src(%dma_wait3A_79 : memref<160x128xf32, #tpu.memory_space<hbm>>) dst(%arg11 : memref<160x128xf32, #tpu.memory_space<vmem>>)
      tpu.yield
    }) : () -> ()
    %broadcast_in_dim3A = arith.constant 0.000000e+00 : f32
    %broadcast_in_dim3A_0 = vector.broadcast %broadcast_in_dim3A : f32 to vector<16xf32>
    %broadcast_in_dim3A_1 = arith.constant 1.000000e+00 : f32
    %broadcast_in_dim3A_2 = vector.broadcast %broadcast_in_dim3A_1 : f32 to vector<16xf32>
    %scan3A = arith.constant 0 : i32
    %scan3A_3 = arith.constant 0 : i32
    %scan3A_4 = arith.constant 128 : i32
    %scan3A_5 = arith.addi %scan3A_3, %scan3A_4 : i32
    %scan3A_6 = arith.constant 1 : i32
    scf.for %scan3A_66 = %scan3A_3 to %scan3A_5 step %scan3A_6  : i32 {
      %swap3A = arith.index_cast %scan3A_66 : i32 to index
      %swap3A_67 = arith.constant 0 : index
      %swap3A_68 = tpu.vector_load %arg12[%swap3A, %swap3A_67] {strides = array<i32>} : memref<128x64xf32, #tpu.memory_space<vmem>>, vector<16xf32>,
      tpu.vector_store %arg12[%swap3A, %swap3A_67], %broadcast_in_dim3A_0 {strides = array<i32>} : memref<128x64xf32, #tpu.memory_space<vmem>>, vector<16xf32>,
      %swap3A_69 = arith.index_cast %scan3A_66 : i32 to index
      %swap3A_70 = arith.constant 0 : index
      %swap3A_71 = tpu.vector_load %arg13[%swap3A_69, %swap3A_70] {strides = array<i32>} : memref<128x64xf32, #tpu.memory_space<vmem>>, vector<16xf32>,
      tpu.vector_store %arg13[%swap3A_69, %swap3A_70], %broadcast_in_dim3A_0 {strides = array<i32>} : memref<128x64xf32, #tpu.memory_space<vmem>>, vector<16xf32>,
      %swap3A_72 = arith.index_cast %scan3A_66 : i32 to index
      %swap3A_73 = arith.constant 16 : index
      %swap3A_74 = tpu.vector_load %arg12[%swap3A_72, %swap3A_73] {strides = array<i32>} : memref<128x64xf32, #tpu.memory_space<vmem>>, vector<16xf32>,
      tpu.vector_store %arg12[%swap3A_72, %swap3A_73], %broadcast_in_dim3A_0 {strides = array<i32>} : memref<128x64xf32, #tpu.memory_space<vmem>>, vector<16xf32>,
      %swap3A_75 = arith.index_cast %scan3A_66 : i32 to index
      %swap3A_76 = arith.constant 16 : index
      %swap3A_77 = tpu.vector_load %arg13[%swap3A_75, %swap3A_76] {strides = array<i32>} : memref<128x64xf32, #tpu.memory_space<vmem>>, vector<16xf32>,
      tpu.vector_store %arg13[%swap3A_75, %swap3A_76], %broadcast_in_dim3A_0 {strides = array<i32>} : memref<128x64xf32, #tpu.memory_space<vmem>>, vector<16xf32>,
      %swap3A_78 = arith.index_cast %scan3A_66 : i32 to index
      %swap3A_79 = arith.constant 32 : index
      %swap3A_80 = tpu.vector_load %arg12[%swap3A_78, %swap3A_79] {strides = array<i32>} : memref<128x64xf32, #tpu.memory_space<vmem>>, vector<16xf32>,
      tpu.vector_store %arg12[%swap3A_78, %swap3A_79], %broadcast_in_dim3A_0 {strides = array<i32>} : memref<128x64xf32, #tpu.memory_space<vmem>>, vector<16xf32>,
      %swap3A_81 = arith.index_cast %scan3A_66 : i32 to index
      %swap3A_82 = arith.constant 32 : index
      %swap3A_83 = tpu.vector_load %arg13[%swap3A_81, %swap3A_82] {strides = array<i32>} : memref<128x64xf32, #tpu.memory_space<vmem>>, vector<16xf32>,
      tpu.vector_store %arg13[%swap3A_81, %swap3A_82], %broadcast_in_dim3A_0 {strides = array<i32>} : memref<128x64xf32, #tpu.memory_space<vmem>>, vector<16xf32>,
      %swap3A_84 = arith.index_cast %scan3A_66 : i32 to index
      %swap3A_85 = arith.constant 48 : index
      %swap3A_86 = tpu.vector_load %arg12[%swap3A_84, %swap3A_85] {strides = array<i32>} : memref<128x64xf32, #tpu.memory_space<vmem>>, vector<16xf32>,
      tpu.vector_store %arg12[%swap3A_84, %swap3A_85], %broadcast_in_dim3A_0 {strides = array<i32>} : memref<128x64xf32, #tpu.memory_space<vmem>>, vector<16xf32>,
      %swap3A_87 = arith.index_cast %scan3A_66 : i32 to index
      %swap3A_88 = arith.constant 48 : index
      %swap3A_89 = tpu.vector_load %arg13[%swap3A_87, %swap3A_88] {strides = array<i32>} : memref<128x64xf32, #tpu.memory_space<vmem>>, vector<16xf32>,
      tpu.vector_store %arg13[%swap3A_87, %swap3A_88], %broadcast_in_dim3A_0 {strides = array<i32>} : memref<128x64xf32, #tpu.memory_space<vmem>>, vector<16xf32>,
    }
    %scan3A_7 = arith.constant 128 : i32
    %scan3A_8 = arith.constant 0 : i32
    %scan3A_9 = arith.constant 0 : i32
    %scan3A_10 = arith.constant 632 : i32
    %scan3A_11 = arith.addi %scan3A_9, %scan3A_10 : i32
    %scan3A_12 = arith.constant 1 : i32
    scf.for %scan3A_66 = %scan3A_9 to %scan3A_11 step %scan3A_12  : i32 {
      %mul3A_67 = arith.constant 16 : i32
      %mul3A_68 = arith.muli %scan3A_66, %mul3A_67 : i32
      %swap3A = arith.index_cast %mul3A_68 : i32 to index
      %swap3A_69 = tpu.vector_load %arg14[%swap3A] {strides = array<i32>} : memref<10112xf32, #tpu.memory_space<vmem>>, vector<16xf32>,
      tpu.vector_store %arg14[%swap3A], %broadcast_in_dim3A_0 {strides = array<i32>} : memref<10112xf32, #tpu.memory_space<vmem>>, vector<16xf32>,
    }
    %scan3A_13 = arith.constant 632 : i32
    %mul3A = arith.constant 632 : i32
    %mul3A_14 = arith.muli %arg1, %mul3A : i32
    %add3A = arith.constant 0 : i32
    %add3A_15 = arith.addi %mul3A_14, %add3A : i32
    "tpu.region"() ({
      %run_scoped3A = tpu.sem_alloc : memref<!tpu.dma_semaphore, #tpu.memory_space<semaphore_mem>>
      %dma_start3A = arith.constant 0 : i32
      %dma_start3A_66 = tpu.memref_slice %arg15[%add3A_15, %dma_start3A] : memref<10112x64xf32, #tpu.memory_space<vmem_shared>> -> memref<128x64xf32, #tpu.memory_space<vmem_shared>>
      %dma_start3A_67 = arith.constant 0 : i32
      %dma_start3A_68 = tpu.memref_slice %arg15[%add3A_15, %dma_start3A_67] : memref<10112x64xf32, #tpu.memory_space<vmem_shared>> -> memref<128x64xf32, #tpu.memory_space<vmem_shared>>
      tpu.enqueue_dma source(%arg12 : memref<128x64xf32, #tpu.memory_space<vmem>>) target(%dma_start3A_68 : memref<128x64xf32, #tpu.memory_space<vmem_shared>>) target_semaphore(%run_scoped3A : memref<!tpu.dma_semaphore, #tpu.memory_space<semaphore_mem>>)
      %dma_wait3A = arith.constant 0 : i32
      %dma_wait3A_69 = tpu.memref_slice %arg15[%add3A_15, %dma_wait3A] : memref<10112x64xf32, #tpu.memory_space<vmem_shared>> -> memref<128x64xf32, #tpu.memory_space<vmem_shared>>
      %dma_wait3A_70 = arith.constant 0 : i32
      %dma_wait3A_71 = tpu.memref_slice %arg15[%add3A_15, %dma_wait3A_70] : memref<10112x64xf32, #tpu.memory_space<vmem_shared>> -> memref<128x64xf32, #tpu.memory_space<vmem_shared>>
      tpu.wait_dma2 semaphore(%run_scoped3A : memref<!tpu.dma_semaphore, #tpu.memory_space<semaphore_mem>>) src(%arg12 : memref<128x64xf32, #tpu.memory_space<vmem>>) dst(%dma_wait3A_71 : memref<128x64xf32, #tpu.memory_space<vmem_shared>>)
      tpu.yield
    }) : () -> ()
    %add3A_16 = arith.constant 128 : i32
    %add3A_17 = arith.addi %mul3A_14, %add3A_16 : i32
    "tpu.region"() ({
      %run_scoped3A = tpu.sem_alloc : memref<!tpu.dma_semaphore, #tpu.memory_space<semaphore_mem>>
      %dma_start3A = arith.constant 0 : i32
      %dma_start3A_66 = tpu.memref_slice %arg15[%add3A_17, %dma_start3A] : memref<10112x64xf32, #tpu.memory_space<vmem_shared>> -> memref<128x64xf32, #tpu.memory_space<vmem_shared>>
      %dma_start3A_67 = arith.constant 0 : i32
      %dma_start3A_68 = tpu.memref_slice %arg15[%add3A_17, %dma_start3A_67] : memref<10112x64xf32, #tpu.memory_space<vmem_shared>> -> memref<128x64xf32, #tpu.memory_space<vmem_shared>>
      tpu.enqueue_dma source(%arg12 : memref<128x64xf32, #tpu.memory_space<vmem>>) target(%dma_start3A_68 : memref<128x64xf32, #tpu.memory_space<vmem_shared>>) target_semaphore(%run_scoped3A : memref<!tpu.dma_semaphore, #tpu.memory_space<semaphore_mem>>)
      %dma_wait3A = arith.constant 0 : i32
      %dma_wait3A_69 = tpu.memref_slice %arg15[%add3A_17, %dma_wait3A] : memref<10112x64xf32, #tpu.memory_space<vmem_shared>> -> memref<128x64xf32, #tpu.memory_space<vmem_shared>>
      %dma_wait3A_70 = arith.constant 0 : i32
      %dma_wait3A_71 = tpu.memref_slice %arg15[%add3A_17, %dma_wait3A_70] : memref<10112x64xf32, #tpu.memory_space<vmem_shared>> -> memref<128x64xf32, #tpu.memory_space<vmem_shared>>
      tpu.wait_dma2 semaphore(%run_scoped3A : memref<!tpu.dma_semaphore, #tpu.memory_space<semaphore_mem>>) src(%arg12 : memref<128x64xf32, #tpu.memory_space<vmem>>) dst(%dma_wait3A_71 : memref<128x64xf32, #tpu.memory_space<vmem_shared>>)
      tpu.yield
    }) : () -> ()
    %add3A_18 = arith.constant 256 : i32
    %add3A_19 = arith.addi %mul3A_14, %add3A_18 : i32
    "tpu.region"() ({
      %run_scoped3A = tpu.sem_alloc : memref<!tpu.dma_semaphore, #tpu.memory_space<semaphore_mem>>
      %dma_start3A = arith.constant 0 : i32
      %dma_start3A_66 = tpu.memref_slice %arg15[%add3A_19, %dma_start3A] : memref<10112x64xf32, #tpu.memory_space<vmem_shared>> -> memref<128x64xf32, #tpu.memory_space<vmem_shared>>
      %dma_start3A_67 = arith.constant 0 : i32
      %dma_start3A_68 = tpu.memref_slice %arg15[%add3A_19, %dma_start3A_67] : memref<10112x64xf32, #tpu.memory_space<vmem_shared>> -> memref<128x64xf32, #tpu.memory_space<vmem_shared>>
      tpu.enqueue_dma source(%arg12 : memref<128x64xf32, #tpu.memory_space<vmem>>) target(%dma_start3A_68 : memref<128x64xf32, #tpu.memory_space<vmem_shared>>) target_semaphore(%run_scoped3A : memref<!tpu.dma_semaphore, #tpu.memory_space<semaphore_mem>>)
      %dma_wait3A = arith.constant 0 : i32
      %dma_wait3A_69 = tpu.memref_slice %arg15[%add3A_19, %dma_wait3A] : memref<10112x64xf32, #tpu.memory_space<vmem_shared>> -> memref<128x64xf32, #tpu.memory_space<vmem_shared>>
      %dma_wait3A_70 = arith.constant 0 : i32
      %dma_wait3A_71 = tpu.memref_slice %arg15[%add3A_19, %dma_wait3A_70] : memref<10112x64xf32, #tpu.memory_space<vmem_shared>> -> memref<128x64xf32, #tpu.memory_space<vmem_shared>>
      tpu.wait_dma2 semaphore(%run_scoped3A : memref<!tpu.dma_semaphore, #tpu.memory_space<semaphore_mem>>) src(%arg12 : memref<128x64xf32, #tpu.memory_space<vmem>>) dst(%dma_wait3A_71 : memref<128x64xf32, #tpu.memory_space<vmem_shared>>)
      tpu.yield
    }) : () -> ()
    %add3A_20 = arith.constant 384 : i32
    %add3A_21 = arith.addi %mul3A_14, %add3A_20 : i32
    "tpu.region"() ({
      %run_scoped3A = tpu.sem_alloc : memref<!tpu.dma_semaphore, #tpu.memory_space<semaphore_mem>>
      %dma_start3A = arith.constant 0 : i32
      %dma_start3A_66 = tpu.memref_slice %arg15[%add3A_21, %dma_start3A] : memref<10112x64xf32, #tpu.memory_space<vmem_shared>> -> memref<128x64xf32, #tpu.memory_space<vmem_shared>>
      %dma_start3A_67 = arith.constant 0 : i32
      %dma_start3A_68 = tpu.memref_slice %arg15[%add3A_21, %dma_start3A_67] : memref<10112x64xf32, #tpu.memory_space<vmem_shared>> -> memref<128x64xf32, #tpu.memory_space<vmem_shared>>
      tpu.enqueue_dma source(%arg12 : memref<128x64xf32, #tpu.memory_space<vmem>>) target(%dma_start3A_68 : memref<128x64xf32, #tpu.memory_space<vmem_shared>>) target_semaphore(%run_scoped3A : memref<!tpu.dma_semaphore, #tpu.memory_space<semaphore_mem>>)
      %dma_wait3A = arith.constant 0 : i32
      %dma_wait3A_69 = tpu.memref_slice %arg15[%add3A_21, %dma_wait3A] : memref<10112x64xf32, #tpu.memory_space<vmem_shared>> -> memref<128x64xf32, #tpu.memory_space<vmem_shared>>
      %dma_wait3A_70 = arith.constant 0 : i32
      %dma_wait3A_71 = tpu.memref_slice %arg15[%add3A_21, %dma_wait3A_70] : memref<10112x64xf32, #tpu.memory_space<vmem_shared>> -> memref<128x64xf32, #tpu.memory_space<vmem_shared>>
      tpu.wait_dma2 semaphore(%run_scoped3A : memref<!tpu.dma_semaphore, #tpu.memory_space<semaphore_mem>>) src(%arg12 : memref<128x64xf32, #tpu.memory_space<vmem>>) dst(%dma_wait3A_71 : memref<128x64xf32, #tpu.memory_space<vmem_shared>>)
      tpu.yield
    }) : () -> ()
    %add3A_22 = arith.constant 512 : i32
    %add3A_23 = arith.addi %mul3A_14, %add3A_22 : i32
    "tpu.region"() ({
      %run_scoped3A = tpu.sem_alloc : memref<!tpu.dma_semaphore, #tpu.memory_space<semaphore_mem>>
      %dma_start3A = arith.constant 0 : i32
      %dma_start3A_66 = arith.constant 0 : i32
      %dma_start3A_67 = tpu.memref_slice %arg12[%dma_start3A, %dma_start3A_66] : memref<128x64xf32, #tpu.memory_space<vmem>> -> memref<120x64xf32, #tpu.memory_space<vmem>>
      %dma_start3A_68 = arith.constant 0 : i32
      %dma_start3A_69 = tpu.memref_slice %arg15[%add3A_23, %dma_start3A_68] : memref<10112x64xf32, #tpu.memory_space<vmem_shared>> -> memref<120x64xf32, #tpu.memory_space<vmem_shared>>
      %dma_start3A_70 = arith.constant 0 : i32
      %dma_start3A_71 = tpu.memref_slice %arg15[%add3A_23, %dma_start3A_70] : memref<10112x64xf32, #tpu.memory_space<vmem_shared>> -> memref<120x64xf32, #tpu.memory_space<vmem_shared>>
      %dma_start3A_72 = arith.constant 0 : i32
      %dma_start3A_73 = arith.constant 0 : i32
      %dma_start3A_74 = tpu.memref_slice %arg12[%dma_start3A_72, %dma_start3A_73] : memref<128x64xf32, #tpu.memory_space<vmem>> -> memref<120x64xf32, #tpu.memory_space<vmem>>
      tpu.enqueue_dma source(%dma_start3A_74 : memref<120x64xf32, #tpu.memory_space<vmem>>) target(%dma_start3A_71 : memref<120x64xf32, #tpu.memory_space<vmem_shared>>) target_semaphore(%run_scoped3A : memref<!tpu.dma_semaphore, #tpu.memory_space<semaphore_mem>>)
      %dma_wait3A = arith.constant 0 : i32
      %dma_wait3A_75 = arith.constant 0 : i32
      %dma_wait3A_76 = tpu.memref_slice %arg12[%dma_wait3A, %dma_wait3A_75] : memref<128x64xf32, #tpu.memory_space<vmem>> -> memref<120x64xf32, #tpu.memory_space<vmem>>
      %dma_wait3A_77 = arith.constant 0 : i32
      %dma_wait3A_78 = tpu.memref_slice %arg15[%add3A_23, %dma_wait3A_77] : memref<10112x64xf32, #tpu.memory_space<vmem_shared>> -> memref<120x64xf32, #tpu.memory_space<vmem_shared>>
      %dma_wait3A_79 = arith.constant 0 : i32
      %dma_wait3A_80 = tpu.memref_slice %arg15[%add3A_23, %dma_wait3A_79] : memref<10112x64xf32, #tpu.memory_space<vmem_shared>> -> memref<120x64xf32, #tpu.memory_space<vmem_shared>>
      %dma_wait3A_81 = arith.constant 0 : i32
      %dma_wait3A_82 = arith.constant 0 : i32
      %dma_wait3A_83 = tpu.memref_slice %arg12[%dma_wait3A_81, %dma_wait3A_82] : memref<128x64xf32, #tpu.memory_space<vmem>> -> memref<120x64xf32, #tpu.memory_space<vmem>>
      tpu.wait_dma2 semaphore(%run_scoped3A : memref<!tpu.dma_semaphore, #tpu.memory_space<semaphore_mem>>) src(%dma_wait3A_83 : memref<120x64xf32, #tpu.memory_space<vmem>>) dst(%dma_wait3A_80 : memref<120x64xf32, #tpu.memory_space<vmem_shared>>)
      tpu.yield
    }) : () -> ()
    %barrier3A = arith.constant 0 : index
    tpu.barrier barrier_id(%barrier3A)
    %eq3A = arith.constant 0 : i32
    %eq3A_24 = arith.cmpi eq, %arg0, %eq3A : i32
    %convert_element_type3A = arith.extui %eq3A_24 : i1 to i32
    %cond3A = arith.constant 0 : i32
    %cond3A_25 = arith.cmpi ne, %convert_element_type3A, %cond3A : i32
    scf.if %cond3A_25 {
      %dma_start3A = arith.constant 0 : i32
      %dma_start3A_66 = arith.constant 0 : i32
      %dma_start3A_67 = tpu.memref_slice %arg10[%dma_start3A, %dma_start3A_66] : memref<160x128xi32, #tpu.memory_space<vmem>> -> memref<1x128xi32, #tpu.memory_space<vmem>>
      %dma_start3A_68 = tpu.memref_squeeze %dma_start3A_67 : memref<1x128xi32, #tpu.memory_space<vmem>> -> memref<128xi32, #tpu.memory_space<vmem>>
      %dma_start3A_69 = arith.constant 0 : i32
      %dma_start3A_70 = arith.constant 0 : i32
      %dma_start3A_71 = tpu.memref_slice %arg15[%dma_start3A_69, %dma_start3A_70] : memref<10112x64xf32, #tpu.memory_space<vmem_shared>> -> memref<10112x64xf32, #tpu.memory_space<vmem_shared>>
      tpu.enqueue_indirect_dma source(%arg13 : memref<128x64xf32, #tpu.memory_space<vmem>>) target(%dma_start3A_71 : memref<10112x64xf32, #tpu.memory_space<vmem_shared>>) offsets(%dma_start3A_68 : memref<128xi32, #tpu.memory_space<vmem>>) semaphore(%arg19 : memref<!tpu.dma_semaphore, #tpu.memory_space<semaphore_mem>>) {add = true}
      %dma_start3A_72 = arith.constant 0 : i32
      %dma_start3A_73 = arith.constant 0 : i32
      %dma_start3A_74 = tpu.memref_slice %arg9[%dma_start3A_72, %dma_start3A_73] : memref<160x128xi32, #tpu.memory_space<vmem>> -> memref<1x128xi32, #tpu.memory_space<vmem>>
      %dma_start3A_75 = tpu.memref_squeeze %dma_start3A_74 : memref<1x128xi32, #tpu.memory_space<vmem>> -> memref<128xi32, #tpu.memory_space<vmem>>
      %dma_start3A_76 = arith.constant 0 : i32
      %dma_start3A_77 = arith.constant 0 : i32
      %dma_start3A_78 = tpu.memref_slice %arg2[%dma_start3A_76, %dma_start3A_77] : memref<10000x64xf32, #tpu.memory_space<hbm>> -> memref<10000x64xf32, #tpu.memory_space<hbm>>
      tpu.enqueue_indirect_dma source(%dma_start3A_78 : memref<10000x64xf32, #tpu.memory_space<hbm>>) target(%arg12 : memref<128x64xf32, #tpu.memory_space<vmem>>) offsets(%dma_start3A_75 : memref<128xi32, #tpu.memory_space<vmem>>) semaphore(%arg16 : memref<!tpu.dma_semaphore, #tpu.memory_space<semaphore_mem>>)
      %scan3A_79 = arith.constant 0 : i32
      %scan3A_80 = arith.constant 0 : i32
      %scan3A_81 = arith.constant 79 : i32
      %scan3A_82 = arith.addi %scan3A_80, %scan3A_81 : i32
      %scan3A_83 = arith.constant 1 : i32
      scf.for %scan3A_98 = %scan3A_80 to %scan3A_82 step %scan3A_83  : i32 {
        %mul3A_99 = arith.constant 2 : i32
        %mul3A_100 = arith.muli %mul3A_99, %scan3A_98 : i32
        %dma_wait3A_101 = arith.constant 0 : i32
        %dma_wait3A_102 = tpu.memref_slice %arg9[%mul3A_100, %dma_wait3A_101] : memref<160x128xi32, #tpu.memory_space<vmem>> -> memref<1x128xi32, #tpu.memory_space<vmem>>
        %dma_wait3A_103 = tpu.memref_squeeze %dma_wait3A_102 : memref<1x128xi32, #tpu.memory_space<vmem>> -> memref<128xi32, #tpu.memory_space<vmem>>
        %dma_wait3A_104 = arith.constant 0 : i32
        %dma_wait3A_105 = arith.constant 0 : i32
        %dma_wait3A_106 = tpu.memref_slice %arg2[%dma_wait3A_104, %dma_wait3A_105] : memref<10000x64xf32, #tpu.memory_space<hbm>> -> memref<10000x64xf32, #tpu.memory_space<hbm>>
        tpu.wait_indirect_dma semaphore(%arg16 : memref<!tpu.dma_semaphore, #tpu.memory_space<semaphore_mem>>) src(%dma_wait3A_106 : memref<10000x64xf32, #tpu.memory_space<hbm>>) dst(%arg12 : memref<128x64xf32, #tpu.memory_space<vmem>>)
        %scan3A_107 = arith.constant 0 : i32
        %scan3A_108 = arith.constant 0 : i32
        %scan3A_109 = arith.constant 8 : i32
        %scan3A_110 = arith.addi %scan3A_108, %scan3A_109 : i32
        %scan3A_111 = arith.constant 1 : i32
        scf.for %scan3A_167 = %scan3A_108 to %scan3A_110 step %scan3A_111  : i32 {
          %mul3A_168 = arith.constant 16 : i32
          %mul3A_169 = arith.muli %scan3A_167, %mul3A_168 : i32
          %get3A = arith.index_cast %mul3A_100 : i32 to index
          %get3A_170 = arith.index_cast %mul3A_169 : i32 to index
          %get3A_171 = tpu.vector_load %arg11[%get3A, %get3A_170] {strides = array<i32>} : memref<160x128xf32, #tpu.memory_space<vmem>>, vector<16xf32>,
          %slice3A = vector.extract_strided_slice %get3A_171 {offsets = [0], sizes = [1], strides = [1]} : vector<16xf32> to vector<1xf32>
          %squeeze3A = vector.extract %slice3A[0] : f32 from vector<1xf32>
          %broadcast_in_dim3A_172 = vector.broadcast %squeeze3A : f32 to vector<16xf32>
          %mul3A_173 = arith.constant 16 : i32
          %mul3A_174 = arith.muli %scan3A_167, %mul3A_173 : i32
          %add3A_175 = arith.constant 0 : i32
          %add3A_176 = arith.addi %mul3A_174, %add3A_175 : i32
          %get3A_177 = arith.index_cast %add3A_176 : i32 to index
          %get3A_178 = arith.constant 0 : index
          %get3A_179 = tpu.vector_load %arg12[%get3A_177, %get3A_178] {strides = array<i32>} : memref<128x64xf32, #tpu.memory_space<vmem>>, vector<16xf32>,
          %mul3A_180 = arith.mulf %get3A_179, %broadcast_in_dim3A_172 : vector<16xf32>
          %swap3A = arith.index_cast %add3A_176 : i32 to index
          %swap3A_181 = arith.constant 0 : index
          %swap3A_182 = tpu.vector_load %arg12[%swap3A, %swap3A_181] {strides = array<i32>} : memref<128x64xf32, #tpu.memory_space<vmem>>, vector<16xf32>,
          tpu.vector_store %arg12[%swap3A, %swap3A_181], %mul3A_180 {strides = array<i32>} : memref<128x64xf32, #tpu.memory_space<vmem>>, vector<16xf32>,
          %get3A_183 = arith.index_cast %add3A_176 : i32 to index
          %get3A_184 = arith.constant 16 : index
          %get3A_185 = tpu.vector_load %arg12[%get3A_183, %get3A_184] {strides = array<i32>} : memref<128x64xf32, #tpu.memory_space<vmem>>, vector<16xf32>,
          %mul3A_186 = arith.mulf %get3A_185, %broadcast_in_dim3A_172 : vector<16xf32>
          %swap3A_187 = arith.index_cast %add3A_176 : i32 to index
          %swap3A_188 = arith.constant 16 : index
          %swap3A_189 = tpu.vector_load %arg12[%swap3A_187, %swap3A_188] {strides = array<i32>} : memref<128x64xf32, #tpu.memory_space<vmem>>, vector<16xf32>,
          tpu.vector_store %arg12[%swap3A_187, %swap3A_188], %mul3A_186 {strides = array<i32>} : memref<128x64xf32, #tpu.memory_space<vmem>>, vector<16xf32>,
          %get3A_190 = arith.index_cast %add3A_176 : i32 to index
          %get3A_191 = arith.constant 32 : index
          %get3A_192 = tpu.vector_load %arg12[%get3A_190, %get3A_191] {strides = array<i32>} : memref<128x64xf32, #tpu.memory_space<vmem>>, vector<16xf32>,
          %mul3A_193 = arith.mulf %get3A_192, %broadcast_in_dim3A_172 : vector<16xf32>
          %swap3A_194 = arith.index_cast %add3A_176 : i32 to index
          %swap3A_195 = arith.constant 32 : index
          %swap3A_196 = tpu.vector_load %arg12[%swap3A_194, %swap3A_195] {strides = array<i32>} : memref<128x64xf32, #tpu.memory_space<vmem>>, vector<16xf32>,
          tpu.vector_store %arg12[%swap3A_194, %swap3A_195], %mul3A_193 {strides = array<i32>} : memref<128x64xf32, #tpu.memory_space<vmem>>, vector<16xf32>,
          %get3A_197 = arith.index_cast %add3A_176 : i32 to index
          %get3A_198 = arith.constant 48 : index
          %get3A_199 = tpu.vector_load %arg12[%get3A_197, %get3A_198] {strides = array<i32>} : memref<128x64xf32, #tpu.memory_space<vmem>>, vector<16xf32>,
          %mul3A_200 = arith.mulf %get3A_199, %broadcast_in_dim3A_172 : vector<16xf32>
          %swap3A_201 = arith.index_cast %add3A_176 : i32 to index
          %swap3A_202 = arith.constant 48 : index
          %swap3A_203 = tpu.vector_load %arg12[%swap3A_201, %swap3A_202] {strides = array<i32>} : memref<128x64xf32, #tpu.memory_space<vmem>>, vector<16xf32>,
          tpu.vector_store %arg12[%swap3A_201, %swap3A_202], %mul3A_200 {strides = array<i32>} : memref<128x64xf32, #tpu.memory_space<vmem>>, vector<16xf32>,
          %slice3A_204 = vector.extract_strided_slice %get3A_171 {offsets = [1], sizes = [1], strides = [1]} : vector<16xf32> to vector<1xf32>
          %squeeze3A_205 = vector.extract %slice3A_204[0] : f32 from vector<1xf32>
          %broadcast_in_dim3A_206 = vector.broadcast %squeeze3A_205 : f32 to vector<16xf32>
          %mul3A_207 = arith.constant 16 : i32
          %mul3A_208 = arith.muli %scan3A_167, %mul3A_207 : i32
          %add3A_209 = arith.constant 1 : i32
          %add3A_210 = arith.addi %mul3A_208, %add3A_209 : i32
          %get3A_211 = arith.index_cast %add3A_210 : i32 to index
          %get3A_212 = arith.constant 0 : index
          %get3A_213 = tpu.vector_load %arg12[%get3A_211, %get3A_212] {strides = array<i32>} : memref<128x64xf32, #tpu.memory_space<vmem>>, vector<16xf32>,
          %mul3A_214 = arith.mulf %get3A_213, %broadcast_in_dim3A_206 : vector<16xf32>
          %swap3A_215 = arith.index_cast %add3A_210 : i32 to index
          %swap3A_216 = arith.constant 0 : index
          %swap3A_217 = tpu.vector_load %arg12[%swap3A_215, %swap3A_216] {strides = array<i32>} : memref<128x64xf32, #tpu.memory_space<vmem>>, vector<16xf32>,
          tpu.vector_store %arg12[%swap3A_215, %swap3A_216], %mul3A_214 {strides = array<i32>} : memref<128x64xf32, #tpu.memory_space<vmem>>, vector<16xf32>,
          %get3A_218 = arith.index_cast %add3A_210 : i32 to index
          %get3A_219 = arith.constant 16 : index
          %get3A_220 = tpu.vector_load %arg12[%get3A_218, %get3A_219] {strides = array<i32>} : memref<128x64xf32, #tpu.memory_space<vmem>>, vector<16xf32>,
          %mul3A_221 = arith.mulf %get3A_220, %broadcast_in_dim3A_206 : vector<16xf32>
          %swap3A_222 = arith.index_cast %add3A_210 : i32 to index
          %swap3A_223 = arith.constant 16 : index
          %swap3A_224 = tpu.vector_load %arg12[%swap3A_222, %swap3A_223] {strides = array<i32>} : memref<128x64xf32, #tpu.memory_space<vmem>>, vector<16xf32>,
          tpu.vector_store %arg12[%swap3A_222, %swap3A_223], %mul3A_221 {strides = array<i32>} : memref<128x64xf32, #tpu.memory_space<vmem>>, vector<16xf32>,
          %get3A_225 = arith.index_cast %add3A_210 : i32 to index
          %get3A_226 = arith.constant 32 : index
          %get3A_227 = tpu.vector_load %arg12[%get3A_225, %get3A_226] {strides = array<i32>} : memref<128x64xf32, #tpu.memory_space<vmem>>, vector<16xf32>,
          %mul3A_228 = arith.mulf %get3A_227, %broadcast_in_dim3A_206 : vector<16xf32>
          %swap3A_229 = arith.index_cast %add3A_210 : i32 to index
          %swap3A_230 = arith.constant 32 : index
          %swap3A_231 = tpu.vector_load %arg12[%swap3A_229, %swap3A_230] {strides = array<i32>} : memref<128x64xf32, #tpu.memory_space<vmem>>, vector<16xf32>,
          tpu.vector_store %arg12[%swap3A_229, %swap3A_230], %mul3A_228 {strides = array<i32>} : memref<128x64xf32, #tpu.memory_space<vmem>>, vector<16xf32>,
          %get3A_232 = arith.index_cast %add3A_210 : i32 to index
          %get3A_233 = arith.constant 48 : index
          %get3A_234 = tpu.vector_load %arg12[%get3A_232, %get3A_233] {strides = array<i32>} : memref<128x64xf32, #tpu.memory_space<vmem>>, vector<16xf32>,
          %mul3A_235 = arith.mulf %get3A_234, %broadcast_in_dim3A_206 : vector<16xf32>
          %swap3A_236 = arith.index_cast %add3A_210 : i32 to index
          %swap3A_237 = arith.constant 48 : index
          %swap3A_238 = tpu.vector_load %arg12[%swap3A_236, %swap3A_237] {strides = array<i32>} : memref<128x64xf32, #tpu.memory_space<vmem>>, vector<16xf32>,
          tpu.vector_store %arg12[%swap3A_236, %swap3A_237], %mul3A_235 {strides = array<i32>} : memref<128x64xf32, #tpu.memory_space<vmem>>, vector<16xf32>,
          %slice3A_239 = vector.extract_strided_slice %get3A_171 {offsets = [2], sizes = [1], strides = [1]} : vector<16xf32> to vector<1xf32>
          %squeeze3A_240 = vector.extract %slice3A_239[0] : f32 from vector<1xf32>
          %broadcast_in_dim3A_241 = vector.broadcast %squeeze3A_240 : f32 to vector<16xf32>
          %mul3A_242 = arith.constant 16 : i32
          %mul3A_243 = arith.muli %scan3A_167, %mul3A_242 : i32
          %add3A_244 = arith.constant 2 : i32
          %add3A_245 = arith.addi %mul3A_243, %add3A_244 : i32
          %get3A_246 = arith.index_cast %add3A_245 : i32 to index
          %get3A_247 = arith.constant 0 : index
          %get3A_248 = tpu.vector_load %arg12[%get3A_246, %get3A_247] {strides = array<i32>} : memref<128x64xf32, #tpu.memory_space<vmem>>, vector<16xf32>,
          %mul3A_249 = arith.mulf %get3A_248, %broadcast_in_dim3A_241 : vector<16xf32>
          %swap3A_250 = arith.index_cast %add3A_245 : i32 to index
          %swap3A_251 = arith.constant 0 : index
          %swap3A_252 = tpu.vector_load %arg12[%swap3A_250, %swap3A_251] {strides = array<i32>} : memref<128x64xf32, #tpu.memory_space<vmem>>, vector<16xf32>,
          tpu.vector_store %arg12[%swap3A_250, %swap3A_251], %mul3A_249 {strides = array<i32>} : memref<128x64xf32, #tpu.memory_space<vmem>>, vector<16xf32>,
          %get3A_253 = arith.index_cast %add3A_245 : i32 to index
          %get3A_254 = arith.constant 16 : index
          %get3A_255 = tpu.vector_load %arg12[%get3A_253, %get3A_254] {strides = array<i32>} : memref<128x64xf32, #tpu.memory_space<vmem>>, vector<16xf32>,
          %mul3A_256 = arith.mulf %get3A_255, %broadcast_in_dim3A_241 : vector<16xf32>
          %swap3A_257 = arith.index_cast %add3A_245 : i32 to index
          %swap3A_258 = arith.constant 16 : index
          %swap3A_259 = tpu.vector_load %arg12[%swap3A_257, %swap3A_258] {strides = array<i32>} : memref<128x64xf32, #tpu.memory_space<vmem>>, vector<16xf32>,
          tpu.vector_store %arg12[%swap3A_257, %swap3A_258], %mul3A_256 {strides = array<i32>} : memref<128x64xf32, #tpu.memory_space<vmem>>, vector<16xf32>,
          %get3A_260 = arith.index_cast %add3A_245 : i32 to index
          %get3A_261 = arith.constant 32 : index
          %get3A_262 = tpu.vector_load %arg12[%get3A_260, %get3A_261] {strides = array<i32>} : memref<128x64xf32, #tpu.memory_space<vmem>>, vector<16xf32>,
          %mul3A_263 = arith.mulf %get3A_262, %broadcast_in_dim3A_241 : vector<16xf32>
          %swap3A_264 = arith.index_cast %add3A_245 : i32 to index
          %swap3A_265 = arith.constant 32 : index
          %swap3A_266 = tpu.vector_load %arg12[%swap3A_264, %swap3A_265] {strides = array<i32>} : memref<128x64xf32, #tpu.memory_space<vmem>>, vector<16xf32>,
          tpu.vector_store %arg12[%swap3A_264, %swap3A_265], %mul3A_263 {strides = array<i32>} : memref<128x64xf32, #tpu.memory_space<vmem>>, vector<16xf32>,
          %get3A_267 = arith.index_cast %add3A_245 : i32 to index
          %get3A_268 = arith.constant 48 : index
          %get3A_269 = tpu.vector_load %arg12[%get3A_267, %get3A_268] {strides = array<i32>} : memref<128x64xf32, #tpu.memory_space<vmem>>, vector<16xf32>,
          %mul3A_270 = arith.mulf %get3A_269, %broadcast_in_dim3A_241 : vector<16xf32>
          %swap3A_271 = arith.index_cast %add3A_245 : i32 to index
          %swap3A_272 = arith.constant 48 : index
          %swap3A_273 = tpu.vector_load %arg12[%swap3A_271, %swap3A_272] {strides = array<i32>} : memref<128x64xf32, #tpu.memory_space<vmem>>, vector<16xf32>,
          tpu.vector_store %arg12[%swap3A_271, %swap3A_272], %mul3A_270 {strides = array<i32>} : memref<128x64xf32, #tpu.memory_space<vmem>>, vector<16xf32>,
          %slice3A_274 = vector.extract_strided_slice %get3A_171 {offsets = [3], sizes = [1], strides = [1]} : vector<16xf32> to vector<1xf32>
          %squeeze3A_275 = vector.extract %slice3A_274[0] : f32 from vector<1xf32>
          %broadcast_in_dim3A_276 = vector.broadcast %squeeze3A_275 : f32 to vector<16xf32>
          %mul3A_277 = arith.constant 16 : i32
          %mul3A_278 = arith.muli %scan3A_167, %mul3A_277 : i32
          %add3A_279 = arith.constant 3 : i32
          %add3A_280 = arith.addi %mul3A_278, %add3A_279 : i32
          %get3A_281 = arith.index_cast %add3A_280 : i32 to index
          %get3A_282 = arith.constant 0 : index
          %get3A_283 = tpu.vector_load %arg12[%get3A_281, %get3A_282] {strides = array<i32>} : memref<128x64xf32, #tpu.memory_space<vmem>>, vector<16xf32>,
          %mul3A_284 = arith.mulf %get3A_283, %broadcast_in_dim3A_276 : vector<16xf32>
          %swap3A_285 = arith.index_cast %add3A_280 : i32 to index
          %swap3A_286 = arith.constant 0 : index
          %swap3A_287 = tpu.vector_load %arg12[%swap3A_285, %swap3A_286] {strides = array<i32>} : memref<128x64xf32, #tpu.memory_space<vmem>>, vector<16xf32>,
          tpu.vector_store %arg12[%swap3A_285, %swap3A_286], %mul3A_284 {strides = array<i32>} : memref<128x64xf32, #tpu.memory_space<vmem>>, vector<16xf32>,
          %get3A_288 = arith.index_cast %add3A_280 : i32 to index
          %get3A_289 = arith.constant 16 : index
          %get3A_290 = tpu.vector_load %arg12[%get3A_288, %get3A_289] {strides = array<i32>} : memref<128x64xf32, #tpu.memory_space<vmem>>, vector<16xf32>,
          %mul3A_291 = arith.mulf %get3A_290, %broadcast_in_dim3A_276 : vector<16xf32>
          %swap3A_292 = arith.index_cast %add3A_280 : i32 to index
          %swap3A_293 = arith.constant 16 : index
          %swap3A_294 = tpu.vector_load %arg12[%swap3A_292, %swap3A_293] {strides = array<i32>} : memref<128x64xf32, #tpu.memory_space<vmem>>, vector<16xf32>,
          tpu.vector_store %arg12[%swap3A_292, %swap3A_293], %mul3A_291 {strides = array<i32>} : memref<128x64xf32, #tpu.memory_space<vmem>>, vector<16xf32>,
          %get3A_295 = arith.index_cast %add3A_280 : i32 to index
          %get3A_296 = arith.constant 32 : index
          %get3A_297 = tpu.vector_load %arg12[%get3A_295, %get3A_296] {strides = array<i32>} : memref<128x64xf32, #tpu.memory_space<vmem>>, vector<16xf32>,
          %mul3A_298 = arith.mulf %get3A_297, %broadcast_in_dim3A_276 : vector<16xf32>
          %swap3A_299 = arith.index_cast %add3A_280 : i32 to index
          %swap3A_300 = arith.constant 32 : index
          %swap3A_301 = tpu.vector_load %arg12[%swap3A_299, %swap3A_300] {strides = array<i32>} : memref<128x64xf32, #tpu.memory_space<vmem>>, vector<16xf32>,
          tpu.vector_store %arg12[%swap3A_299, %swap3A_300], %mul3A_298 {strides = array<i32>} : memref<128x64xf32, #tpu.memory_space<vmem>>, vector<16xf32>,
          %get3A_302 = arith.index_cast %add3A_280 : i32 to index
          %get3A_303 = arith.constant 48 : index
          %get3A_304 = tpu.vector_load %arg12[%get3A_302, %get3A_303] {strides = array<i32>} : memref<128x64xf32, #tpu.memory_space<vmem>>, vector<16xf32>,
          %mul3A_305 = arith.mulf %get3A_304, %broadcast_in_dim3A_276 : vector<16xf32>
          %swap3A_306 = arith.index_cast %add3A_280 : i32 to index
          %swap3A_307 = arith.constant 48 : index
          %swap3A_308 = tpu.vector_load %arg12[%swap3A_306, %swap3A_307] {strides = array<i32>} : memref<128x64xf32, #tpu.memory_space<vmem>>, vector<16xf32>,
          tpu.vector_store %arg12[%swap3A_306, %swap3A_307], %mul3A_305 {strides = array<i32>} : memref<128x64xf32, #tpu.memory_space<vmem>>, vector<16xf32>,
          %slice3A_309 = vector.extract_strided_slice %get3A_171 {offsets = [4], sizes = [1], strides = [1]} : vector<16xf32> to vector<1xf32>
          %squeeze3A_310 = vector.extract %slice3A_309[0] : f32 from vector<1xf32>
          %broadcast_in_dim3A_311 = vector.broadcast %squeeze3A_310 : f32 to vector<16xf32>
          %mul3A_312 = arith.constant 16 : i32
          %mul3A_313 = arith.muli %scan3A_167, %mul3A_312 : i32
          %add3A_314 = arith.constant 4 : i32
          %add3A_315 = arith.addi %mul3A_313, %add3A_314 : i32
          %get3A_316 = arith.index_cast %add3A_315 : i32 to index
          %get3A_317 = arith.constant 0 : index
          %get3A_318 = tpu.vector_load %arg12[%get3A_316, %get3A_317] {strides = array<i32>} : memref<128x64xf32, #tpu.memory_space<vmem>>, vector<16xf32>,
          %mul3A_319 = arith.mulf %get3A_318, %broadcast_in_dim3A_311 : vector<16xf32>
          %swap3A_320 = arith.index_cast %add3A_315 : i32 to index
          %swap3A_321 = arith.constant 0 : index
          %swap3A_322 = tpu.vector_load %arg12[%swap3A_320, %swap3A_321] {strides = array<i32>} : memref<128x64xf32, #tpu.memory_space<vmem>>, vector<16xf32>,
          tpu.vector_store %arg12[%swap3A_320, %swap3A_321], %mul3A_319 {strides = array<i32>} : memref<128x64xf32, #tpu.memory_space<vmem>>, vector<16xf32>,
          %get3A_323 = arith.index_cast %add3A_315 : i32 to index
          %get3A_324 = arith.constant 16 : index
          %get3A_325 = tpu.vector_load %arg12[%get3A_323, %get3A_324] {strides = array<i32>} : memref<128x64xf32, #tpu.memory_space<vmem>>, vector<16xf32>,
          %mul3A_326 = arith.mulf %get3A_325, %broadcast_in_dim3A_311 : vector<16xf32>
          %swap3A_327 = arith.index_cast %add3A_315 : i32 to index
          %swap3A_328 = arith.constant 16 : index
          %swap3A_329 = tpu.vector_load %arg12[%swap3A_327, %swap3A_328] {strides = array<i32>} : memref<128x64xf32, #tpu.memory_space<vmem>>, vector<16xf32>,
          tpu.vector_store %arg12[%swap3A_327, %swap3A_328], %mul3A_326 {strides = array<i32>} : memref<128x64xf32, #tpu.memory_space<vmem>>, vector<16xf32>,
          %get3A_330 = arith.index_cast %add3A_315 : i32 to index
          %get3A_331 = arith.constant 32 : index
          %get3A_332 = tpu.vector_load %arg12[%get3A_330, %get3A_331] {strides = array<i32>} : memref<128x64xf32, #tpu.memory_space<vmem>>, vector<16xf32>,
          %mul3A_333 = arith.mulf %get3A_332, %broadcast_in_dim3A_311 : vector<16xf32>
          %swap3A_334 = arith.index_cast %add3A_315 : i32 to index
          %swap3A_335 = arith.constant 32 : index
          %swap3A_336 = tpu.vector_load %arg12[%swap3A_334, %swap3A_335] {strides = array<i32>} : memref<128x64xf32, #tpu.memory_space<vmem>>, vector<16xf32>,
          tpu.vector_store %arg12[%swap3A_334, %swap3A_335], %mul3A_333 {strides = array<i32>} : memref<128x64xf32, #tpu.memory_space<vmem>>, vector<16xf32>,
          %get3A_337 = arith.index_cast %add3A_315 : i32 to index
          %get3A_338 = arith.constant 48 : index
          %get3A_339 = tpu.vector_load %arg12[%get3A_337, %get3A_338] {strides = array<i32>} : memref<128x64xf32, #tpu.memory_space<vmem>>, vector<16xf32>,
          %mul3A_340 = arith.mulf %get3A_339, %broadcast_in_dim3A_311 : vector<16xf32>
          %swap3A_341 = arith.index_cast %add3A_315 : i32 to index
          %swap3A_342 = arith.constant 48 : index
          %swap3A_343 = tpu.vector_load %arg12[%swap3A_341, %swap3A_342] {strides = array<i32>} : memref<128x64xf32, #tpu.memory_space<vmem>>, vector<16xf32>,
          tpu.vector_store %arg12[%swap3A_341, %swap3A_342], %mul3A_340 {strides = array<i32>} : memref<128x64xf32, #tpu.memory_space<vmem>>, vector<16xf32>,
          %slice3A_344 = vector.extract_strided_slice %get3A_171 {offsets = [5], sizes = [1], strides = [1]} : vector<16xf32> to vector<1xf32>
          %squeeze3A_345 = vector.extract %slice3A_344[0] : f32 from vector<1xf32>
          %broadcast_in_dim3A_346 = vector.broadcast %squeeze3A_345 : f32 to vector<16xf32>
          %mul3A_347 = arith.constant 16 : i32
          %mul3A_348 = arith.muli %scan3A_167, %mul3A_347 : i32
          %add3A_349 = arith.constant 5 : i32
          %add3A_350 = arith.addi %mul3A_348, %add3A_349 : i32
          %get3A_351 = arith.index_cast %add3A_350 : i32 to index
          %get3A_352 = arith.constant 0 : index
          %get3A_353 = tpu.vector_load %arg12[%get3A_351, %get3A_352] {strides = array<i32>} : memref<128x64xf32, #tpu.memory_space<vmem>>, vector<16xf32>,
          %mul3A_354 = arith.mulf %get3A_353, %broadcast_in_dim3A_346 : vector<16xf32>
          %swap3A_355 = arith.index_cast %add3A_350 : i32 to index
          %swap3A_356 = arith.constant 0 : index
          %swap3A_357 = tpu.vector_load %arg12[%swap3A_355, %swap3A_356] {strides = array<i32>} : memref<128x64xf32, #tpu.memory_space<vmem>>, vector<16xf32>,
          tpu.vector_store %arg12[%swap3A_355, %swap3A_356], %mul3A_354 {strides = array<i32>} : memref<128x64xf32, #tpu.memory_space<vmem>>, vector<16xf32>,
          %get3A_358 = arith.index_cast %add3A_350 : i32 to index
          %get3A_359 = arith.constant 16 : index
          %get3A_360 = tpu.vector_load %arg12[%get3A_358, %get3A_359] {strides = array<i32>} : memref<128x64xf32, #tpu.memory_space<vmem>>, vector<16xf32>,
          %mul3A_361 = arith.mulf %get3A_360, %broadcast_in_dim3A_346 : vector<16xf32>
          %swap3A_362 = arith.index_cast %add3A_350 : i32 to index
          %swap3A_363 = arith.constant 16 : index
          %swap3A_364 = tpu.vector_load %arg12[%swap3A_362, %swap3A_363] {strides = array<i32>} : memref<128x64xf32, #tpu.memory_space<vmem>>, vector<16xf32>,
          tpu.vector_store %arg12[%swap3A_362, %swap3A_363], %mul3A_361 {strides = array<i32>} : memref<128x64xf32, #tpu.memory_space<vmem>>, vector<16xf32>,
          %get3A_365 = arith.index_cast %add3A_350 : i32 to index
          %get3A_366 = arith.constant 32 : index
          %get3A_367 = tpu.vector_load %arg12[%get3A_365, %get3A_366] {strides = array<i32>} : memref<128x64xf32, #tpu.memory_space<vmem>>, vector<16xf32>,
          %mul3A_368 = arith.mulf %get3A_367, %broadcast_in_dim3A_346 : vector<16xf32>
          %swap3A_369 = arith.index_cast %add3A_350 : i32 to index
          %swap3A_370 = arith.constant 32 : index
          %swap3A_371 = tpu.vector_load %arg12[%swap3A_369, %swap3A_370] {strides = array<i32>} : memref<128x64xf32, #tpu.memory_space<vmem>>, vector<16xf32>,
          tpu.vector_store %arg12[%swap3A_369, %swap3A_370], %mul3A_368 {strides = array<i32>} : memref<128x64xf32, #tpu.memory_space<vmem>>, vector<16xf32>,
          %get3A_372 = arith.index_cast %add3A_350 : i32 to index
          %get3A_373 = arith.constant 48 : index
          %get3A_374 = tpu.vector_load %arg12[%get3A_372, %get3A_373] {strides = array<i32>} : memref<128x64xf32, #tpu.memory_space<vmem>>, vector<16xf32>,
          %mul3A_375 = arith.mulf %get3A_374, %broadcast_in_dim3A_346 : vector<16xf32>
          %swap3A_376 = arith.index_cast %add3A_350 : i32 to index
          %swap3A_377 = arith.constant 48 : index
          %swap3A_378 = tpu.vector_load %arg12[%swap3A_376, %swap3A_377] {strides = array<i32>} : memref<128x64xf32, #tpu.memory_space<vmem>>, vector<16xf32>,
          tpu.vector_store %arg12[%swap3A_376, %swap3A_377], %mul3A_375 {strides = array<i32>} : memref<128x64xf32, #tpu.memory_space<vmem>>, vector<16xf32>,
          %slice3A_379 = vector.extract_strided_slice %get3A_171 {offsets = [6], sizes = [1], strides = [1]} : vector<16xf32> to vector<1xf32>
          %squeeze3A_380 = vector.extract %slice3A_379[0] : f32 from vector<1xf32>
          %broadcast_in_dim3A_381 = vector.broadcast %squeeze3A_380 : f32 to vector<16xf32>
          %mul3A_382 = arith.constant 16 : i32
          %mul3A_383 = arith.muli %scan3A_167, %mul3A_382 : i32
          %add3A_384 = arith.constant 6 : i32
          %add3A_385 = arith.addi %mul3A_383, %add3A_384 : i32
          %get3A_386 = arith.index_cast %add3A_385 : i32 to index
          %get3A_387 = arith.constant 0 : index
          %get3A_388 = tpu.vector_load %arg12[%get3A_386, %get3A_387] {strides = array<i32>} : memref<128x64xf32, #tpu.memory_space<vmem>>, vector<16xf32>,
          %mul3A_389 = arith.mulf %get3A_388, %broadcast_in_dim3A_381 : vector<16xf32>
          %swap3A_390 = arith.index_cast %add3A_385 : i32 to index
          %swap3A_391 = arith.constant 0 : index
          %swap3A_392 = tpu.vector_load %arg12[%swap3A_390, %swap3A_391] {strides = array<i32>} : memref<128x64xf32, #tpu.memory_space<vmem>>, vector<16xf32>,
          tpu.vector_store %arg12[%swap3A_390, %swap3A_391], %mul3A_389 {strides = array<i32>} : memref<128x64xf32, #tpu.memory_space<vmem>>, vector<16xf32>,
          %get3A_393 = arith.index_cast %add3A_385 : i32 to index
          %get3A_394 = arith.constant 16 : index
          %get3A_395 = tpu.vector_load %arg12[%get3A_393, %get3A_394] {strides = array<i32>} : memref<128x64xf32, #tpu.memory_space<vmem>>, vector<16xf32>,
          %mul3A_396 = arith.mulf %get3A_395, %broadcast_in_dim3A_381 : vector<16xf32>
          %swap3A_397 = arith.index_cast %add3A_385 : i32 to index
          %swap3A_398 = arith.constant 16 : index
          %swap3A_399 = tpu.vector_load %arg12[%swap3A_397, %swap3A_398] {strides = array<i32>} : memref<128x64xf32, #tpu.memory_space<vmem>>, vector<16xf32>,
          tpu.vector_store %arg12[%swap3A_397, %swap3A_398], %mul3A_396 {strides = array<i32>} : memref<128x64xf32, #tpu.memory_space<vmem>>, vector<16xf32>,
          %get3A_400 = arith.index_cast %add3A_385 : i32 to index
          %get3A_401 = arith.constant 32 : index
          %get3A_402 = tpu.vector_load %arg12[%get3A_400, %get3A_401] {strides = array<i32>} : memref<128x64xf32, #tpu.memory_space<vmem>>, vector<16xf32>,
          %mul3A_403 = arith.mulf %get3A_402, %broadcast_in_dim3A_381 : vector<16xf32>
          %swap3A_404 = arith.index_cast %add3A_385 : i32 to index
          %swap3A_405 = arith.constant 32 : index
          %swap3A_406 = tpu.vector_load %arg12[%swap3A_404, %swap3A_405] {strides = array<i32>} : memref<128x64xf32, #tpu.memory_space<vmem>>, vector<16xf32>,
          tpu.vector_store %arg12[%swap3A_404, %swap3A_405], %mul3A_403 {strides = array<i32>} : memref<128x64xf32, #tpu.memory_space<vmem>>, vector<16xf32>,
          %get3A_407 = arith.index_cast %add3A_385 : i32 to index
          %get3A_408 = arith.constant 48 : index
          %get3A_409 = tpu.vector_load %arg12[%get3A_407, %get3A_408] {strides = array<i32>} : memref<128x64xf32, #tpu.memory_space<vmem>>, vector<16xf32>,
          %mul3A_410 = arith.mulf %get3A_409, %broadcast_in_dim3A_381 : vector<16xf32>
          %swap3A_411 = arith.index_cast %add3A_385 : i32 to index
          %swap3A_412 = arith.constant 48 : index
          %swap3A_413 = tpu.vector_load %arg12[%swap3A_411, %swap3A_412] {strides = array<i32>} : memref<128x64xf32, #tpu.memory_space<vmem>>, vector<16xf32>,
          tpu.vector_store %arg12[%swap3A_411, %swap3A_412], %mul3A_410 {strides = array<i32>} : memref<128x64xf32, #tpu.memory_space<vmem>>, vector<16xf32>,
          %slice3A_414 = vector.extract_strided_slice %get3A_171 {offsets = [7], sizes = [1], strides = [1]} : vector<16xf32> to vector<1xf32>
          %squeeze3A_415 = vector.extract %slice3A_414[0] : f32 from vector<1xf32>
          %broadcast_in_dim3A_416 = vector.broadcast %squeeze3A_415 : f32 to vector<16xf32>
          %mul3A_417 = arith.constant 16 : i32
          %mul3A_418 = arith.muli %scan3A_167, %mul3A_417 : i32
          %add3A_419 = arith.constant 7 : i32
          %add3A_420 = arith.addi %mul3A_418, %add3A_419 : i32
          %get3A_421 = arith.index_cast %add3A_420 : i32 to index
          %get3A_422 = arith.constant 0 : index
          %get3A_423 = tpu.vector_load %arg12[%get3A_421, %get3A_422] {strides = array<i32>} : memref<128x64xf32, #tpu.memory_space<vmem>>, vector<16xf32>,
          %mul3A_424 = arith.mulf %get3A_423, %broadcast_in_dim3A_416 : vector<16xf32>
          %swap3A_425 = arith.index_cast %add3A_420 : i32 to index
          %swap3A_426 = arith.constant 0 : index
          %swap3A_427 = tpu.vector_load %arg12[%swap3A_425, %swap3A_426] {strides = array<i32>} : memref<128x64xf32, #tpu.memory_space<vmem>>, vector<16xf32>,
          tpu.vector_store %arg12[%swap3A_425, %swap3A_426], %mul3A_424 {strides = array<i32>} : memref<128x64xf32, #tpu.memory_space<vmem>>, vector<16xf32>,
          %get3A_428 = arith.index_cast %add3A_420 : i32 to index
          %get3A_429 = arith.constant 16 : index
          %get3A_430 = tpu.vector_load %arg12[%get3A_428, %get3A_429] {strides = array<i32>} : memref<128x64xf32, #tpu.memory_space<vmem>>, vector<16xf32>,
          %mul3A_431 = arith.mulf %get3A_430, %broadcast_in_dim3A_416 : vector<16xf32>
          %swap3A_432 = arith.index_cast %add3A_420 : i32 to index
          %swap3A_433 = arith.constant 16 : index
          %swap3A_434 = tpu.vector_load %arg12[%swap3A_432, %swap3A_433] {strides = array<i32>} : memref<128x64xf32, #tpu.memory_space<vmem>>, vector<16xf32>,
          tpu.vector_store %arg12[%swap3A_432, %swap3A_433], %mul3A_431 {strides = array<i32>} : memref<128x64xf32, #tpu.memory_space<vmem>>, vector<16xf32>,
          %get3A_435 = arith.index_cast %add3A_420 : i32 to index
          %get3A_436 = arith.constant 32 : index
          %get3A_437 = tpu.vector_load %arg12[%get3A_435, %get3A_436] {strides = array<i32>} : memref<128x64xf32, #tpu.memory_space<vmem>>, vector<16xf32>,
          %mul3A_438 = arith.mulf %get3A_437, %broadcast_in_dim3A_416 : vector<16xf32>
          %swap3A_439 = arith.index_cast %add3A_420 : i32 to index
          %swap3A_440 = arith.constant 32 : index
          %swap3A_441 = tpu.vector_load %arg12[%swap3A_439, %swap3A_440] {strides = array<i32>} : memref<128x64xf32, #tpu.memory_space<vmem>>, vector<16xf32>,
          tpu.vector_store %arg12[%swap3A_439, %swap3A_440], %mul3A_438 {strides = array<i32>} : memref<128x64xf32, #tpu.memory_space<vmem>>, vector<16xf32>,
          %get3A_442 = arith.index_cast %add3A_420 : i32 to index
          %get3A_443 = arith.constant 48 : index
          %get3A_444 = tpu.vector_load %arg12[%get3A_442, %get3A_443] {strides = array<i32>} : memref<128x64xf32, #tpu.memory_space<vmem>>, vector<16xf32>,
          %mul3A_445 = arith.mulf %get3A_444, %broadcast_in_dim3A_416 : vector<16xf32>
          %swap3A_446 = arith.index_cast %add3A_420 : i32 to index
          %swap3A_447 = arith.constant 48 : index
          %swap3A_448 = tpu.vector_load %arg12[%swap3A_446, %swap3A_447] {strides = array<i32>} : memref<128x64xf32, #tpu.memory_space<vmem>>, vector<16xf32>,
          tpu.vector_store %arg12[%swap3A_446, %swap3A_447], %mul3A_445 {strides = array<i32>} : memref<128x64xf32, #tpu.memory_space<vmem>>, vector<16xf32>,
          %slice3A_449 = vector.extract_strided_slice %get3A_171 {offsets = [8], sizes = [1], strides = [1]} : vector<16xf32> to vector<1xf32>
          %squeeze3A_450 = vector.extract %slice3A_449[0] : f32 from vector<1xf32>
          %broadcast_in_dim3A_451 = vector.broadcast %squeeze3A_450 : f32 to vector<16xf32>
          %mul3A_452 = arith.constant 16 : i32
          %mul3A_453 = arith.muli %scan3A_167, %mul3A_452 : i32
          %add3A_454 = arith.constant 8 : i32
          %add3A_455 = arith.addi %mul3A_453, %add3A_454 : i32
          %get3A_456 = arith.index_cast %add3A_455 : i32 to index
          %get3A_457 = arith.constant 0 : index
          %get3A_458 = tpu.vector_load %arg12[%get3A_456, %get3A_457] {strides = array<i32>} : memref<128x64xf32, #tpu.memory_space<vmem>>, vector<16xf32>,
          %mul3A_459 = arith.mulf %get3A_458, %broadcast_in_dim3A_451 : vector<16xf32>
          %swap3A_460 = arith.index_cast %add3A_455 : i32 to index
          %swap3A_461 = arith.constant 0 : index
          %swap3A_462 = tpu.vector_load %arg12[%swap3A_460, %swap3A_461] {strides = array<i32>} : memref<128x64xf32, #tpu.memory_space<vmem>>, vector<16xf32>,
          tpu.vector_store %arg12[%swap3A_460, %swap3A_461], %mul3A_459 {strides = array<i32>} : memref<128x64xf32, #tpu.memory_space<vmem>>, vector<16xf32>,
          %get3A_463 = arith.index_cast %add3A_455 : i32 to index
          %get3A_464 = arith.constant 16 : index
          %get3A_465 = tpu.vector_load %arg12[%get3A_463, %get3A_464] {strides = array<i32>} : memref<128x64xf32, #tpu.memory_space<vmem>>, vector<16xf32>,
          %mul3A_466 = arith.mulf %get3A_465, %broadcast_in_dim3A_451 : vector<16xf32>
          %swap3A_467 = arith.index_cast %add3A_455 : i32 to index
          %swap3A_468 = arith.constant 16 : index
          %swap3A_469 = tpu.vector_load %arg12[%swap3A_467, %swap3A_468] {strides = array<i32>} : memref<128x64xf32, #tpu.memory_space<vmem>>, vector<16xf32>,
          tpu.vector_store %arg12[%swap3A_467, %swap3A_468], %mul3A_466 {strides = array<i32>} : memref<128x64xf32, #tpu.memory_space<vmem>>, vector<16xf32>,
          %get3A_470 = arith.index_cast %add3A_455 : i32 to index
          %get3A_471 = arith.constant 32 : index
          %get3A_472 = tpu.vector_load %arg12[%get3A_470, %get3A_471] {strides = array<i32>} : memref<128x64xf32, #tpu.memory_space<vmem>>, vector<16xf32>,
          %mul3A_473 = arith.mulf %get3A_472, %broadcast_in_dim3A_451 : vector<16xf32>
          %swap3A_474 = arith.index_cast %add3A_455 : i32 to index
          %swap3A_475 = arith.constant 32 : index
          %swap3A_476 = tpu.vector_load %arg12[%swap3A_474, %swap3A_475] {strides = array<i32>} : memref<128x64xf32, #tpu.memory_space<vmem>>, vector<16xf32>,
          tpu.vector_store %arg12[%swap3A_474, %swap3A_475], %mul3A_473 {strides = array<i32>} : memref<128x64xf32, #tpu.memory_space<vmem>>, vector<16xf32>,
          %get3A_477 = arith.index_cast %add3A_455 : i32 to index
          %get3A_478 = arith.constant 48 : index
          %get3A_479 = tpu.vector_load %arg12[%get3A_477, %get3A_478] {strides = array<i32>} : memref<128x64xf32, #tpu.memory_space<vmem>>, vector<16xf32>,
          %mul3A_480 = arith.mulf %get3A_479, %broadcast_in_dim3A_451 : vector<16xf32>
          %swap3A_481 = arith.index_cast %add3A_455 : i32 to index
          %swap3A_482 = arith.constant 48 : index
          %swap3A_483 = tpu.vector_load %arg12[%swap3A_481, %swap3A_482] {strides = array<i32>} : memref<128x64xf32, #tpu.memory_space<vmem>>, vector<16xf32>,
          tpu.vector_store %arg12[%swap3A_481, %swap3A_482], %mul3A_480 {strides = array<i32>} : memref<128x64xf32, #tpu.memory_space<vmem>>, vector<16xf32>,
          %slice3A_484 = vector.extract_strided_slice %get3A_171 {offsets = [9], sizes = [1], strides = [1]} : vector<16xf32> to vector<1xf32>
          %squeeze3A_485 = vector.extract %slice3A_484[0] : f32 from vector<1xf32>
          %broadcast_in_dim3A_486 = vector.broadcast %squeeze3A_485 : f32 to vector<16xf32>
          %mul3A_487 = arith.constant 16 : i32
          %mul3A_488 = arith.muli %scan3A_167, %mul3A_487 : i32
          %add3A_489 = arith.constant 9 : i32
          %add3A_490 = arith.addi %mul3A_488, %add3A_489 : i32
          %get3A_491 = arith.index_cast %add3A_490 : i32 to index
          %get3A_492 = arith.constant 0 : index
          %get3A_493 = tpu.vector_load %arg12[%get3A_491, %get3A_492] {strides = array<i32>} : memref<128x64xf32, #tpu.memory_space<vmem>>, vector<16xf32>,
          %mul3A_494 = arith.mulf %get3A_493, %broadcast_in_dim3A_486 : vector<16xf32>
          %swap3A_495 = arith.index_cast %add3A_490 : i32 to index
          %swap3A_496 = arith.constant 0 : index
          %swap3A_497 = tpu.vector_load %arg12[%swap3A_495, %swap3A_496] {strides = array<i32>} : memref<128x64xf32, #tpu.memory_space<vmem>>, vector<16xf32>,
          tpu.vector_store %arg12[%swap3A_495, %swap3A_496], %mul3A_494 {strides = array<i32>} : memref<128x64xf32, #tpu.memory_space<vmem>>, vector<16xf32>,
          %get3A_498 = arith.index_cast %add3A_490 : i32 to index
          %get3A_499 = arith.constant 16 : index
          %get3A_500 = tpu.vector_load %arg12[%get3A_498, %get3A_499] {strides = array<i32>} : memref<128x64xf32, #tpu.memory_space<vmem>>, vector<16xf32>,
          %mul3A_501 = arith.mulf %get3A_500, %broadcast_in_dim3A_486 : vector<16xf32>
          %swap3A_502 = arith.index_cast %add3A_490 : i32 to index
          %swap3A_503 = arith.constant 16 : index
          %swap3A_504 = tpu.vector_load %arg12[%swap3A_502, %swap3A_503] {strides = array<i32>} : memref<128x64xf32, #tpu.memory_space<vmem>>, vector<16xf32>,
          tpu.vector_store %arg12[%swap3A_502, %swap3A_503], %mul3A_501 {strides = array<i32>} : memref<128x64xf32, #tpu.memory_space<vmem>>, vector<16xf32>,
          %get3A_505 = arith.index_cast %add3A_490 : i32 to index
          %get3A_506 = arith.constant 32 : index
          %get3A_507 = tpu.vector_load %arg12[%get3A_505, %get3A_506] {strides = array<i32>} : memref<128x64xf32, #tpu.memory_space<vmem>>, vector<16xf32>,
          %mul3A_508 = arith.mulf %get3A_507, %broadcast_in_dim3A_486 : vector<16xf32>
          %swap3A_509 = arith.index_cast %add3A_490 : i32 to index
          %swap3A_510 = arith.constant 32 : index
          %swap3A_511 = tpu.vector_load %arg12[%swap3A_509, %swap3A_510] {strides = array<i32>} : memref<128x64xf32, #tpu.memory_space<vmem>>, vector<16xf32>,
          tpu.vector_store %arg12[%swap3A_509, %swap3A_510], %mul3A_508 {strides = array<i32>} : memref<128x64xf32, #tpu.memory_space<vmem>>, vector<16xf32>,
          %get3A_512 = arith.index_cast %add3A_490 : i32 to index
          %get3A_513 = arith.constant 48 : index
          %get3A_514 = tpu.vector_load %arg12[%get3A_512, %get3A_513] {strides = array<i32>} : memref<128x64xf32, #tpu.memory_space<vmem>>, vector<16xf32>,
          %mul3A_515 = arith.mulf %get3A_514, %broadcast_in_dim3A_486 : vector<16xf32>
          %swap3A_516 = arith.index_cast %add3A_490 : i32 to index
          %swap3A_517 = arith.constant 48 : index
          %swap3A_518 = tpu.vector_load %arg12[%swap3A_516, %swap3A_517] {strides = array<i32>} : memref<128x64xf32, #tpu.memory_space<vmem>>, vector<16xf32>,
          tpu.vector_store %arg12[%swap3A_516, %swap3A_517], %mul3A_515 {strides = array<i32>} : memref<128x64xf32, #tpu.memory_space<vmem>>, vector<16xf32>,
          %slice3A_519 = vector.extract_strided_slice %get3A_171 {offsets = [10], sizes = [1], strides = [1]} : vector<16xf32> to vector<1xf32>
          %squeeze3A_520 = vector.extract %slice3A_519[0] : f32 from vector<1xf32>
          %broadcast_in_dim3A_521 = vector.broadcast %squeeze3A_520 : f32 to vector<16xf32>
          %mul3A_522 = arith.constant 16 : i32
          %mul3A_523 = arith.muli %scan3A_167, %mul3A_522 : i32
          %add3A_524 = arith.constant 10 : i32
          %add3A_525 = arith.addi %mul3A_523, %add3A_524 : i32
          %get3A_526 = arith.index_cast %add3A_525 : i32 to index
          %get3A_527 = arith.constant 0 : index
          %get3A_528 = tpu.vector_load %arg12[%get3A_526, %get3A_527] {strides = array<i32>} : memref<128x64xf32, #tpu.memory_space<vmem>>, vector<16xf32>,
          %mul3A_529 = arith.mulf %get3A_528, %broadcast_in_dim3A_521 : vector<16xf32>
          %swap3A_530 = arith.index_cast %add3A_525 : i32 to index
          %swap3A_531 = arith.constant 0 : index
          %swap3A_532 = tpu.vector_load %arg12[%swap3A_530, %swap3A_531] {strides = array<i32>} : memref<128x64xf32, #tpu.memory_space<vmem>>, vector<16xf32>,
          tpu.vector_store %arg12[%swap3A_530, %swap3A_531], %mul3A_529 {strides = array<i32>} : memref<128x64xf32, #tpu.memory_space<vmem>>, vector<16xf32>,
          %get3A_533 = arith.index_cast %add3A_525 : i32 to index
          %get3A_534 = arith.constant 16 : index
          %get3A_535 = tpu.vector_load %arg12[%get3A_533, %get3A_534] {strides = array<i32>} : memref<128x64xf32, #tpu.memory_space<vmem>>, vector<16xf32>,
          %mul3A_536 = arith.mulf %get3A_535, %broadcast_in_dim3A_521 : vector<16xf32>
          %swap3A_537 = arith.index_cast %add3A_525 : i32 to index
          %swap3A_538 = arith.constant 16 : index
          %swap3A_539 = tpu.vector_load %arg12[%swap3A_537, %swap3A_538] {strides = array<i32>} : memref<128x64xf32, #tpu.memory_space<vmem>>, vector<16xf32>,
          tpu.vector_store %arg12[%swap3A_537, %swap3A_538], %mul3A_536 {strides = array<i32>} : memref<128x64xf32, #tpu.memory_space<vmem>>, vector<16xf32>,
          %get3A_540 = arith.index_cast %add3A_525 : i32 to index
          %get3A_541 = arith.constant 32 : index
          %get3A_542 = tpu.vector_load %arg12[%get3A_540, %get3A_541] {strides = array<i32>} : memref<128x64xf32, #tpu.memory_space<vmem>>, vector<16xf32>,
          %mul3A_543 = arith.mulf %get3A_542, %broadcast_in_dim3A_521 : vector<16xf32>
          %swap3A_544 = arith.index_cast %add3A_525 : i32 to index
          %swap3A_545 = arith.constant 32 : index
          %swap3A_546 = tpu.vector_load %arg12[%swap3A_544, %swap3A_545] {strides = array<i32>} : memref<128x64xf32, #tpu.memory_space<vmem>>, vector<16xf32>,
          tpu.vector_store %arg12[%swap3A_544, %swap3A_545], %mul3A_543 {strides = array<i32>} : memref<128x64xf32, #tpu.memory_space<vmem>>, vector<16xf32>,
          %get3A_547 = arith.index_cast %add3A_525 : i32 to index
          %get3A_548 = arith.constant 48 : index
          %get3A_549 = tpu.vector_load %arg12[%get3A_547, %get3A_548] {strides = array<i32>} : memref<128x64xf32, #tpu.memory_space<vmem>>, vector<16xf32>,
          %mul3A_550 = arith.mulf %get3A_549, %broadcast_in_dim3A_521 : vector<16xf32>
          %swap3A_551 = arith.index_cast %add3A_525 : i32 to index
          %swap3A_552 = arith.constant 48 : index
          %swap3A_553 = tpu.vector_load %arg12[%swap3A_551, %swap3A_552] {strides = array<i32>} : memref<128x64xf32, #tpu.memory_space<vmem>>, vector<16xf32>,
          tpu.vector_store %arg12[%swap3A_551, %swap3A_552], %mul3A_550 {strides = array<i32>} : memref<128x64xf32, #tpu.memory_space<vmem>>, vector<16xf32>,
          %slice3A_554 = vector.extract_strided_slice %get3A_171 {offsets = [11], sizes = [1], strides = [1]} : vector<16xf32> to vector<1xf32>
          %squeeze3A_555 = vector.extract %slice3A_554[0] : f32 from vector<1xf32>
          %broadcast_in_dim3A_556 = vector.broadcast %squeeze3A_555 : f32 to vector<16xf32>
          %mul3A_557 = arith.constant 16 : i32
          %mul3A_558 = arith.muli %scan3A_167, %mul3A_557 : i32
          %add3A_559 = arith.constant 11 : i32
          %add3A_560 = arith.addi %mul3A_558, %add3A_559 : i32
          %get3A_561 = arith.index_cast %add3A_560 : i32 to index
          %get3A_562 = arith.constant 0 : index
          %get3A_563 = tpu.vector_load %arg12[%get3A_561, %get3A_562] {strides = array<i32>} : memref<128x64xf32, #tpu.memory_space<vmem>>, vector<16xf32>,
          %mul3A_564 = arith.mulf %get3A_563, %broadcast_in_dim3A_556 : vector<16xf32>
          %swap3A_565 = arith.index_cast %add3A_560 : i32 to index
          %swap3A_566 = arith.constant 0 : index
          %swap3A_567 = tpu.vector_load %arg12[%swap3A_565, %swap3A_566] {strides = array<i32>} : memref<128x64xf32, #tpu.memory_space<vmem>>, vector<16xf32>,
          tpu.vector_store %arg12[%swap3A_565, %swap3A_566], %mul3A_564 {strides = array<i32>} : memref<128x64xf32, #tpu.memory_space<vmem>>, vector<16xf32>,
          %get3A_568 = arith.index_cast %add3A_560 : i32 to index
          %get3A_569 = arith.constant 16 : index
          %get3A_570 = tpu.vector_load %arg12[%get3A_568, %get3A_569] {strides = array<i32>} : memref<128x64xf32, #tpu.memory_space<vmem>>, vector<16xf32>,
          %mul3A_571 = arith.mulf %get3A_570, %broadcast_in_dim3A_556 : vector<16xf32>
          %swap3A_572 = arith.index_cast %add3A_560 : i32 to index
          %swap3A_573 = arith.constant 16 : index
          %swap3A_574 = tpu.vector_load %arg12[%swap3A_572, %swap3A_573] {strides = array<i32>} : memref<128x64xf32, #tpu.memory_space<vmem>>, vector<16xf32>,
          tpu.vector_store %arg12[%swap3A_572, %swap3A_573], %mul3A_571 {strides = array<i32>} : memref<128x64xf32, #tpu.memory_space<vmem>>, vector<16xf32>,
          %get3A_575 = arith.index_cast %add3A_560 : i32 to index
          %get3A_576 = arith.constant 32 : index
          %get3A_577 = tpu.vector_load %arg12[%get3A_575, %get3A_576] {strides = array<i32>} : memref<128x64xf32, #tpu.memory_space<vmem>>, vector<16xf32>,
          %mul3A_578 = arith.mulf %get3A_577, %broadcast_in_dim3A_556 : vector<16xf32>
          %swap3A_579 = arith.index_cast %add3A_560 : i32 to index
          %swap3A_580 = arith.constant 32 : index
          %swap3A_581 = tpu.vector_load %arg12[%swap3A_579, %swap3A_580] {strides = array<i32>} : memref<128x64xf32, #tpu.memory_space<vmem>>, vector<16xf32>,
          tpu.vector_store %arg12[%swap3A_579, %swap3A_580], %mul3A_578 {strides = array<i32>} : memref<128x64xf32, #tpu.memory_space<vmem>>, vector<16xf32>,
          %get3A_582 = arith.index_cast %add3A_560 : i32 to index
          %get3A_583 = arith.constant 48 : index
          %get3A_584 = tpu.vector_load %arg12[%get3A_582, %get3A_583] {strides = array<i32>} : memref<128x64xf32, #tpu.memory_space<vmem>>, vector<16xf32>,
          %mul3A_585 = arith.mulf %get3A_584, %broadcast_in_dim3A_556 : vector<16xf32>
          %swap3A_586 = arith.index_cast %add3A_560 : i32 to index
          %swap3A_587 = arith.constant 48 : index
          %swap3A_588 = tpu.vector_load %arg12[%swap3A_586, %swap3A_587] {strides = array<i32>} : memref<128x64xf32, #tpu.memory_space<vmem>>, vector<16xf32>,
          tpu.vector_store %arg12[%swap3A_586, %swap3A_587], %mul3A_585 {strides = array<i32>} : memref<128x64xf32, #tpu.memory_space<vmem>>, vector<16xf32>,
          %slice3A_589 = vector.extract_strided_slice %get3A_171 {offsets = [12], sizes = [1], strides = [1]} : vector<16xf32> to vector<1xf32>
          %squeeze3A_590 = vector.extract %slice3A_589[0] : f32 from vector<1xf32>
          %broadcast_in_dim3A_591 = vector.broadcast %squeeze3A_590 : f32 to vector<16xf32>
          %mul3A_592 = arith.constant 16 : i32
          %mul3A_593 = arith.muli %scan3A_167, %mul3A_592 : i32
          %add3A_594 = arith.constant 12 : i32
          %add3A_595 = arith.addi %mul3A_593, %add3A_594 : i32
          %get3A_596 = arith.index_cast %add3A_595 : i32 to index
          %get3A_597 = arith.constant 0 : index
          %get3A_598 = tpu.vector_load %arg12[%get3A_596, %get3A_597] {strides = array<i32>} : memref<128x64xf32, #tpu.memory_space<vmem>>, vector<16xf32>,
          %mul3A_599 = arith.mulf %get3A_598, %broadcast_in_dim3A_591 : vector<16xf32>
          %swap3A_600 = arith.index_cast %add3A_595 : i32 to index
          %swap3A_601 = arith.constant 0 : index
          %swap3A_602 = tpu.vector_load %arg12[%swap3A_600, %swap3A_601] {strides = array<i32>} : memref<128x64xf32, #tpu.memory_space<vmem>>, vector<16xf32>,
          tpu.vector_store %arg12[%swap3A_600, %swap3A_601], %mul3A_599 {strides = array<i32>} : memref<128x64xf32, #tpu.memory_space<vmem>>, vector<16xf32>,
          %get3A_603 = arith.index_cast %add3A_595 : i32 to index
          %get3A_604 = arith.constant 16 : index
          %get3A_605 = tpu.vector_load %arg12[%get3A_603, %get3A_604] {strides = array<i32>} : memref<128x64xf32, #tpu.memory_space<vmem>>, vector<16xf32>,
          %mul3A_606 = arith.mulf %get3A_605, %broadcast_in_dim3A_591 : vector<16xf32>
          %swap3A_607 = arith.index_cast %add3A_595 : i32 to index
          %swap3A_608 = arith.constant 16 : index
          %swap3A_609 = tpu.vector_load %arg12[%swap3A_607, %swap3A_608] {strides = array<i32>} : memref<128x64xf32, #tpu.memory_space<vmem>>, vector<16xf32>,
          tpu.vector_store %arg12[%swap3A_607, %swap3A_608], %mul3A_606 {strides = array<i32>} : memref<128x64xf32, #tpu.memory_space<vmem>>, vector<16xf32>,
          %get3A_610 = arith.index_cast %add3A_595 : i32 to index
          %get3A_611 = arith.constant 32 : index
          %get3A_612 = tpu.vector_load %arg12[%get3A_610, %get3A_611] {strides = array<i32>} : memref<128x64xf32, #tpu.memory_space<vmem>>, vector<16xf32>,
          %mul3A_613 = arith.mulf %get3A_612, %broadcast_in_dim3A_591 : vector<16xf32>
          %swap3A_614 = arith.index_cast %add3A_595 : i32 to index
          %swap3A_615 = arith.constant 32 : index
          %swap3A_616 = tpu.vector_load %arg12[%swap3A_614, %swap3A_615] {strides = array<i32>} : memref<128x64xf32, #tpu.memory_space<vmem>>, vector<16xf32>,
          tpu.vector_store %arg12[%swap3A_614, %swap3A_615], %mul3A_613 {strides = array<i32>} : memref<128x64xf32, #tpu.memory_space<vmem>>, vector<16xf32>,
          %get3A_617 = arith.index_cast %add3A_595 : i32 to index
          %get3A_618 = arith.constant 48 : index
          %get3A_619 = tpu.vector_load %arg12[%get3A_617, %get3A_618] {strides = array<i32>} : memref<128x64xf32, #tpu.memory_space<vmem>>, vector<16xf32>,
          %mul3A_620 = arith.mulf %get3A_619, %broadcast_in_dim3A_591 : vector<16xf32>
          %swap3A_621 = arith.index_cast %add3A_595 : i32 to index
          %swap3A_622 = arith.constant 48 : index
          %swap3A_623 = tpu.vector_load %arg12[%swap3A_621, %swap3A_622] {strides = array<i32>} : memref<128x64xf32, #tpu.memory_space<vmem>>, vector<16xf32>,
          tpu.vector_store %arg12[%swap3A_621, %swap3A_622], %mul3A_620 {strides = array<i32>} : memref<128x64xf32, #tpu.memory_space<vmem>>, vector<16xf32>,
          %slice3A_624 = vector.extract_strided_slice %get3A_171 {offsets = [13], sizes = [1], strides = [1]} : vector<16xf32> to vector<1xf32>
          %squeeze3A_625 = vector.extract %slice3A_624[0] : f32 from vector<1xf32>
          %broadcast_in_dim3A_626 = vector.broadcast %squeeze3A_625 : f32 to vector<16xf32>
          %mul3A_627 = arith.constant 16 : i32
          %mul3A_628 = arith.muli %scan3A_167, %mul3A_627 : i32
          %add3A_629 = arith.constant 13 : i32
          %add3A_630 = arith.addi %mul3A_628, %add3A_629 : i32
          %get3A_631 = arith.index_cast %add3A_630 : i32 to index
          %get3A_632 = arith.constant 0 : index
          %get3A_633 = tpu.vector_load %arg12[%get3A_631, %get3A_632] {strides = array<i32>} : memref<128x64xf32, #tpu.memory_space<vmem>>, vector<16xf32>,
          %mul3A_634 = arith.mulf %get3A_633, %broadcast_in_dim3A_626 : vector<16xf32>
          %swap3A_635 = arith.index_cast %add3A_630 : i32 to index
          %swap3A_636 = arith.constant 0 : index
          %swap3A_637 = tpu.vector_load %arg12[%swap3A_635, %swap3A_636] {strides = array<i32>} : memref<128x64xf32, #tpu.memory_space<vmem>>, vector<16xf32>,
          tpu.vector_store %arg12[%swap3A_635, %swap3A_636], %mul3A_634 {strides = array<i32>} : memref<128x64xf32, #tpu.memory_space<vmem>>, vector<16xf32>,
          %get3A_638 = arith.index_cast %add3A_630 : i32 to index
          %get3A_639 = arith.constant 16 : index
          %get3A_640 = tpu.vector_load %arg12[%get3A_638, %get3A_639] {strides = array<i32>} : memref<128x64xf32, #tpu.memory_space<vmem>>, vector<16xf32>,
          %mul3A_641 = arith.mulf %get3A_640, %broadcast_in_dim3A_626 : vector<16xf32>
          %swap3A_642 = arith.index_cast %add3A_630 : i32 to index
          %swap3A_643 = arith.constant 16 : index
          %swap3A_644 = tpu.vector_load %arg12[%swap3A_642, %swap3A_643] {strides = array<i32>} : memref<128x64xf32, #tpu.memory_space<vmem>>, vector<16xf32>,
          tpu.vector_store %arg12[%swap3A_642, %swap3A_643], %mul3A_641 {strides = array<i32>} : memref<128x64xf32, #tpu.memory_space<vmem>>, vector<16xf32>,
          %get3A_645 = arith.index_cast %add3A_630 : i32 to index
          %get3A_646 = arith.constant 32 : index
          %get3A_647 = tpu.vector_load %arg12[%get3A_645, %get3A_646] {strides = array<i32>} : memref<128x64xf32, #tpu.memory_space<vmem>>, vector<16xf32>,
          %mul3A_648 = arith.mulf %get3A_647, %broadcast_in_dim3A_626 : vector<16xf32>
          %swap3A_649 = arith.index_cast %add3A_630 : i32 to index
          %swap3A_650 = arith.constant 32 : index
          %swap3A_651 = tpu.vector_load %arg12[%swap3A_649, %swap3A_650] {strides = array<i32>} : memref<128x64xf32, #tpu.memory_space<vmem>>, vector<16xf32>,
          tpu.vector_store %arg12[%swap3A_649, %swap3A_650], %mul3A_648 {strides = array<i32>} : memref<128x64xf32, #tpu.memory_space<vmem>>, vector<16xf32>,
          %get3A_652 = arith.index_cast %add3A_630 : i32 to index
          %get3A_653 = arith.constant 48 : index
          %get3A_654 = tpu.vector_load %arg12[%get3A_652, %get3A_653] {strides = array<i32>} : memref<128x64xf32, #tpu.memory_space<vmem>>, vector<16xf32>,
          %mul3A_655 = arith.mulf %get3A_654, %broadcast_in_dim3A_626 : vector<16xf32>
          %swap3A_656 = arith.index_cast %add3A_630 : i32 to index
          %swap3A_657 = arith.constant 48 : index
          %swap3A_658 = tpu.vector_load %arg12[%swap3A_656, %swap3A_657] {strides = array<i32>} : memref<128x64xf32, #tpu.memory_space<vmem>>, vector<16xf32>,
          tpu.vector_store %arg12[%swap3A_656, %swap3A_657], %mul3A_655 {strides = array<i32>} : memref<128x64xf32, #tpu.memory_space<vmem>>, vector<16xf32>,
          %slice3A_659 = vector.extract_strided_slice %get3A_171 {offsets = [14], sizes = [1], strides = [1]} : vector<16xf32> to vector<1xf32>
          %squeeze3A_660 = vector.extract %slice3A_659[0] : f32 from vector<1xf32>
          %broadcast_in_dim3A_661 = vector.broadcast %squeeze3A_660 : f32 to vector<16xf32>
          %mul3A_662 = arith.constant 16 : i32
          %mul3A_663 = arith.muli %scan3A_167, %mul3A_662 : i32
          %add3A_664 = arith.constant 14 : i32
          %add3A_665 = arith.addi %mul3A_663, %add3A_664 : i32
          %get3A_666 = arith.index_cast %add3A_665 : i32 to index
          %get3A_667 = arith.constant 0 : index
          %get3A_668 = tpu.vector_load %arg12[%get3A_666, %get3A_667] {strides = array<i32>} : memref<128x64xf32, #tpu.memory_space<vmem>>, vector<16xf32>,
          %mul3A_669 = arith.mulf %get3A_668, %broadcast_in_dim3A_661 : vector<16xf32>
          %swap3A_670 = arith.index_cast %add3A_665 : i32 to index
          %swap3A_671 = arith.constant 0 : index
          %swap3A_672 = tpu.vector_load %arg12[%swap3A_670, %swap3A_671] {strides = array<i32>} : memref<128x64xf32, #tpu.memory_space<vmem>>, vector<16xf32>,
          tpu.vector_store %arg12[%swap3A_670, %swap3A_671], %mul3A_669 {strides = array<i32>} : memref<128x64xf32, #tpu.memory_space<vmem>>, vector<16xf32>,
          %get3A_673 = arith.index_cast %add3A_665 : i32 to index
          %get3A_674 = arith.constant 16 : index
          %get3A_675 = tpu.vector_load %arg12[%get3A_673, %get3A_674] {strides = array<i32>} : memref<128x64xf32, #tpu.memory_space<vmem>>, vector<16xf32>,
          %mul3A_676 = arith.mulf %get3A_675, %broadcast_in_dim3A_661 : vector<16xf32>
          %swap3A_677 = arith.index_cast %add3A_665 : i32 to index
          %swap3A_678 = arith.constant 16 : index
          %swap3A_679 = tpu.vector_load %arg12[%swap3A_677, %swap3A_678] {strides = array<i32>} : memref<128x64xf32, #tpu.memory_space<vmem>>, vector<16xf32>,
          tpu.vector_store %arg12[%swap3A_677, %swap3A_678], %mul3A_676 {strides = array<i32>} : memref<128x64xf32, #tpu.memory_space<vmem>>, vector<16xf32>,
          %get3A_680 = arith.index_cast %add3A_665 : i32 to index
          %get3A_681 = arith.constant 32 : index
          %get3A_682 = tpu.vector_load %arg12[%get3A_680, %get3A_681] {strides = array<i32>} : memref<128x64xf32, #tpu.memory_space<vmem>>, vector<16xf32>,
          %mul3A_683 = arith.mulf %get3A_682, %broadcast_in_dim3A_661 : vector<16xf32>
          %swap3A_684 = arith.index_cast %add3A_665 : i32 to index
          %swap3A_685 = arith.constant 32 : index
          %swap3A_686 = tpu.vector_load %arg12[%swap3A_684, %swap3A_685] {strides = array<i32>} : memref<128x64xf32, #tpu.memory_space<vmem>>, vector<16xf32>,
          tpu.vector_store %arg12[%swap3A_684, %swap3A_685], %mul3A_683 {strides = array<i32>} : memref<128x64xf32, #tpu.memory_space<vmem>>, vector<16xf32>,
          %get3A_687 = arith.index_cast %add3A_665 : i32 to index
          %get3A_688 = arith.constant 48 : index
          %get3A_689 = tpu.vector_load %arg12[%get3A_687, %get3A_688] {strides = array<i32>} : memref<128x64xf32, #tpu.memory_space<vmem>>, vector<16xf32>,
          %mul3A_690 = arith.mulf %get3A_689, %broadcast_in_dim3A_661 : vector<16xf32>
          %swap3A_691 = arith.index_cast %add3A_665 : i32 to index
          %swap3A_692 = arith.constant 48 : index
          %swap3A_693 = tpu.vector_load %arg12[%swap3A_691, %swap3A_692] {strides = array<i32>} : memref<128x64xf32, #tpu.memory_space<vmem>>, vector<16xf32>,
          tpu.vector_store %arg12[%swap3A_691, %swap3A_692], %mul3A_690 {strides = array<i32>} : memref<128x64xf32, #tpu.memory_space<vmem>>, vector<16xf32>,
          %slice3A_694 = vector.extract_strided_slice %get3A_171 {offsets = [15], sizes = [1], strides = [1]} : vector<16xf32> to vector<1xf32>
          %squeeze3A_695 = vector.extract %slice3A_694[0] : f32 from vector<1xf32>
          %broadcast_in_dim3A_696 = vector.broadcast %squeeze3A_695 : f32 to vector<16xf32>
          %mul3A_697 = arith.constant 16 : i32
          %mul3A_698 = arith.muli %scan3A_167, %mul3A_697 : i32
          %add3A_699 = arith.constant 15 : i32
          %add3A_700 = arith.addi %mul3A_698, %add3A_699 : i32
          %get3A_701 = arith.index_cast %add3A_700 : i32 to index
          %get3A_702 = arith.constant 0 : index
          %get3A_703 = tpu.vector_load %arg12[%get3A_701, %get3A_702] {strides = array<i32>} : memref<128x64xf32, #tpu.memory_space<vmem>>, vector<16xf32>,
          %mul3A_704 = arith.mulf %get3A_703, %broadcast_in_dim3A_696 : vector<16xf32>
          %swap3A_705 = arith.index_cast %add3A_700 : i32 to index
          %swap3A_706 = arith.constant 0 : index
          %swap3A_707 = tpu.vector_load %arg12[%swap3A_705, %swap3A_706] {strides = array<i32>} : memref<128x64xf32, #tpu.memory_space<vmem>>, vector<16xf32>,
          tpu.vector_store %arg12[%swap3A_705, %swap3A_706], %mul3A_704 {strides = array<i32>} : memref<128x64xf32, #tpu.memory_space<vmem>>, vector<16xf32>,
          %get3A_708 = arith.index_cast %add3A_700 : i32 to index
          %get3A_709 = arith.constant 16 : index
          %get3A_710 = tpu.vector_load %arg12[%get3A_708, %get3A_709] {strides = array<i32>} : memref<128x64xf32, #tpu.memory_space<vmem>>, vector<16xf32>,
          %mul3A_711 = arith.mulf %get3A_710, %broadcast_in_dim3A_696 : vector<16xf32>
          %swap3A_712 = arith.index_cast %add3A_700 : i32 to index
          %swap3A_713 = arith.constant 16 : index
          %swap3A_714 = tpu.vector_load %arg12[%swap3A_712, %swap3A_713] {strides = array<i32>} : memref<128x64xf32, #tpu.memory_space<vmem>>, vector<16xf32>,
          tpu.vector_store %arg12[%swap3A_712, %swap3A_713], %mul3A_711 {strides = array<i32>} : memref<128x64xf32, #tpu.memory_space<vmem>>, vector<16xf32>,
          %get3A_715 = arith.index_cast %add3A_700 : i32 to index
          %get3A_716 = arith.constant 32 : index
          %get3A_717 = tpu.vector_load %arg12[%get3A_715, %get3A_716] {strides = array<i32>} : memref<128x64xf32, #tpu.memory_space<vmem>>, vector<16xf32>,
          %mul3A_718 = arith.mulf %get3A_717, %broadcast_in_dim3A_696 : vector<16xf32>
          %swap3A_719 = arith.index_cast %add3A_700 : i32 to index
          %swap3A_720 = arith.constant 32 : index
          %swap3A_721 = tpu.vector_load %arg12[%swap3A_719, %swap3A_720] {strides = array<i32>} : memref<128x64xf32, #tpu.memory_space<vmem>>, vector<16xf32>,
          tpu.vector_store %arg12[%swap3A_719, %swap3A_720], %mul3A_718 {strides = array<i32>} : memref<128x64xf32, #tpu.memory_space<vmem>>, vector<16xf32>,
          %get3A_722 = arith.index_cast %add3A_700 : i32 to index
          %get3A_723 = arith.constant 48 : index
          %get3A_724 = tpu.vector_load %arg12[%get3A_722, %get3A_723] {strides = array<i32>} : memref<128x64xf32, #tpu.memory_space<vmem>>, vector<16xf32>,
          %mul3A_725 = arith.mulf %get3A_724, %broadcast_in_dim3A_696 : vector<16xf32>
          %swap3A_726 = arith.index_cast %add3A_700 : i32 to index
          %swap3A_727 = arith.constant 48 : index
          %swap3A_728 = tpu.vector_load %arg12[%swap3A_726, %swap3A_727] {strides = array<i32>} : memref<128x64xf32, #tpu.memory_space<vmem>>, vector<16xf32>,
          tpu.vector_store %arg12[%swap3A_726, %swap3A_727], %mul3A_725 {strides = array<i32>} : memref<128x64xf32, #tpu.memory_space<vmem>>, vector<16xf32>,
        }
        %scan3A_112 = arith.constant 8 : i32
        %dma_start3A_113 = arith.constant 0 : i32
        %dma_start3A_114 = tpu.memref_slice %arg10[%mul3A_100, %dma_start3A_113] : memref<160x128xi32, #tpu.memory_space<vmem>> -> memref<1x128xi32, #tpu.memory_space<vmem>>
        %dma_start3A_115 = tpu.memref_squeeze %dma_start3A_114 : memref<1x128xi32, #tpu.memory_space<vmem>> -> memref<128xi32, #tpu.memory_space<vmem>>
        %dma_start3A_116 = arith.constant 0 : i32
        %dma_start3A_117 = arith.constant 0 : i32
        %dma_start3A_118 = tpu.memref_slice %arg15[%dma_start3A_116, %dma_start3A_117] : memref<10112x64xf32, #tpu.memory_space<vmem_shared>> -> memref<10112x64xf32, #tpu.memory_space<vmem_shared>>
        tpu.enqueue_indirect_dma source(%arg12 : memref<128x64xf32, #tpu.memory_space<vmem>>) target(%dma_start3A_118 : memref<10112x64xf32, #tpu.memory_space<vmem_shared>>) offsets(%dma_start3A_115 : memref<128xi32, #tpu.memory_space<vmem>>) semaphore(%arg18 : memref<!tpu.dma_semaphore, #tpu.memory_space<semaphore_mem>>) {add = true}
        %dma_wait3A_119 = arith.constant 0 : i32
        %dma_wait3A_120 = tpu.memref_slice %arg10[%mul3A_100, %dma_wait3A_119] : memref<160x128xi32, #tpu.memory_space<vmem>> -> memref<1x128xi32, #tpu.memory_space<vmem>>
        %dma_wait3A_121 = tpu.memref_squeeze %dma_wait3A_120 : memref<1x128xi32, #tpu.memory_space<vmem>> -> memref<128xi32, #tpu.memory_space<vmem>>
        %dma_wait3A_122 = arith.constant 0 : i32
        %dma_wait3A_123 = arith.constant 0 : i32
        %dma_wait3A_124 = tpu.memref_slice %arg15[%dma_wait3A_122, %dma_wait3A_123] : memref<10112x64xf32, #tpu.memory_space<vmem_shared>> -> memref<10112x64xf32, #tpu.memory_space<vmem_shared>>
        tpu.wait_indirect_dma semaphore(%arg19 : memref<!tpu.dma_semaphore, #tpu.memory_space<semaphore_mem>>) src(%arg13 : memref<128x64xf32, #tpu.memory_space<vmem>>) dst(%dma_wait3A_124 : memref<10112x64xf32, #tpu.memory_space<vmem_shared>>)
        %add3A_125 = arith.constant 1 : i32
        %add3A_126 = arith.addi %mul3A_100, %add3A_125 : i32
        %dma_start3A_127 = arith.constant 0 : i32
        %dma_start3A_128 = tpu.memref_slice %arg9[%add3A_126, %dma_start3A_127] : memref<160x128xi32, #tpu.memory_space<vmem>> -> memref<1x128xi32, #tpu.memory_space<vmem>>
        %dma_start3A_129 = tpu.memref_squeeze %dma_start3A_128 : memref<1x128xi32, #tpu.memory_space<vmem>> -> memref<128xi32, #tpu.memory_space<vmem>>
        %dma_start3A_130 = arith.constant 0 : i32
        %dma_start3A_131 = arith.constant 0 : i32
        %dma_start3A_132 = tpu.memref_slice %arg2[%dma_start3A_130, %dma_start3A_131] : memref<10000x64xf32, #tpu.memory_space<hbm>> -> memref<10000x64xf32, #tpu.memory_space<hbm>>
        tpu.enqueue_indirect_dma source(%dma_start3A_132 : memref<10000x64xf32, #tpu.memory_space<hbm>>) target(%arg13 : memref<128x64xf32, #tpu.memory_space<vmem>>) offsets(%dma_start3A_129 : memref<128xi32, #tpu.memory_space<vmem>>) semaphore(%arg17 : memref<!tpu.dma_semaphore, #tpu.memory_space<semaphore_mem>>)
        %add3A_133 = arith.constant 1 : i32
        %add3A_134 = arith.addi %mul3A_100, %add3A_133 : i32
        %dma_wait3A_135 = arith.constant 0 : i32
        %dma_wait3A_136 = tpu.memref_slice %arg9[%add3A_134, %dma_wait3A_135] : memref<160x128xi32, #tpu.memory_space<vmem>> -> memref<1x128xi32, #tpu.memory_space<vmem>>
        %dma_wait3A_137 = tpu.memref_squeeze %dma_wait3A_136 : memref<1x128xi32, #tpu.memory_space<vmem>> -> memref<128xi32, #tpu.memory_space<vmem>>
        %dma_wait3A_138 = arith.constant 0 : i32
        %dma_wait3A_139 = arith.constant 0 : i32
        %dma_wait3A_140 = tpu.memref_slice %arg2[%dma_wait3A_138, %dma_wait3A_139] : memref<10000x64xf32, #tpu.memory_space<hbm>> -> memref<10000x64xf32, #tpu.memory_space<hbm>>
        tpu.wait_indirect_dma semaphore(%arg17 : memref<!tpu.dma_semaphore, #tpu.memory_space<semaphore_mem>>) src(%dma_wait3A_140 : memref<10000x64xf32, #tpu.memory_space<hbm>>) dst(%arg13 : memref<128x64xf32, #tpu.memory_space<vmem>>)
        %scan3A_141 = arith.constant 0 : i32
        %scan3A_142 = arith.constant 0 : i32
        %scan3A_143 = arith.constant 8 : i32
        %scan3A_144 = arith.addi %scan3A_142, %scan3A_143 : i32
        %scan3A_145 = arith.constant 1 : i32
        scf.for %scan3A_167 = %scan3A_142 to %scan3A_144 step %scan3A_145  : i32 {
          %mul3A_168 = arith.constant 16 : i32
          %mul3A_169 = arith.muli %scan3A_167, %mul3A_168 : i32
          %get3A = arith.index_cast %add3A_134 : i32 to index
          %get3A_170 = arith.index_cast %mul3A_169 : i32 to index
          %get3A_171 = tpu.vector_load %arg11[%get3A, %get3A_170] {strides = array<i32>} : memref<160x128xf32, #tpu.memory_space<vmem>>, vector<16xf32>,
          %slice3A = vector.extract_strided_slice %get3A_171 {offsets = [0], sizes = [1], strides = [1]} : vector<16xf32> to vector<1xf32>
          %squeeze3A = vector.extract %slice3A[0] : f32 from vector<1xf32>
          %broadcast_in_dim3A_172 = vector.broadcast %squeeze3A : f32 to vector<16xf32>
          %mul3A_173 = arith.constant 16 : i32
          %mul3A_174 = arith.muli %scan3A_167, %mul3A_173 : i32
          %add3A_175 = arith.constant 0 : i32
          %add3A_176 = arith.addi %mul3A_174, %add3A_175 : i32
          %get3A_177 = arith.index_cast %add3A_176 : i32 to index
          %get3A_178 = arith.constant 0 : index
          %get3A_179 = tpu.vector_load %arg13[%get3A_177, %get3A_178] {strides = array<i32>} : memref<128x64xf32, #tpu.memory_space<vmem>>, vector<16xf32>,
          %mul3A_180 = arith.mulf %get3A_179, %broadcast_in_dim3A_172 : vector<16xf32>
          %swap3A = arith.index_cast %add3A_176 : i32 to index
          %swap3A_181 = arith.constant 0 : index
          %swap3A_182 = tpu.vector_load %arg13[%swap3A, %swap3A_181] {strides = array<i32>} : memref<128x64xf32, #tpu.memory_space<vmem>>, vector<16xf32>,
          tpu.vector_store %arg13[%swap3A, %swap3A_181], %mul3A_180 {strides = array<i32>} : memref<128x64xf32, #tpu.memory_space<vmem>>, vector<16xf32>,
          %get3A_183 = arith.index_cast %add3A_176 : i32 to index
          %get3A_184 = arith.constant 16 : index
          %get3A_185 = tpu.vector_load %arg13[%get3A_183, %get3A_184] {strides = array<i32>} : memref<128x64xf32, #tpu.memory_space<vmem>>, vector<16xf32>,
          %mul3A_186 = arith.mulf %get3A_185, %broadcast_in_dim3A_172 : vector<16xf32>
          %swap3A_187 = arith.index_cast %add3A_176 : i32 to index
          %swap3A_188 = arith.constant 16 : index
          %swap3A_189 = tpu.vector_load %arg13[%swap3A_187, %swap3A_188] {strides = array<i32>} : memref<128x64xf32, #tpu.memory_space<vmem>>, vector<16xf32>,
          tpu.vector_store %arg13[%swap3A_187, %swap3A_188], %mul3A_186 {strides = array<i32>} : memref<128x64xf32, #tpu.memory_space<vmem>>, vector<16xf32>,
          %get3A_190 = arith.index_cast %add3A_176 : i32 to index
          %get3A_191 = arith.constant 32 : index
          %get3A_192 = tpu.vector_load %arg13[%get3A_190, %get3A_191] {strides = array<i32>} : memref<128x64xf32, #tpu.memory_space<vmem>>, vector<16xf32>,
          %mul3A_193 = arith.mulf %get3A_192, %broadcast_in_dim3A_172 : vector<16xf32>
          %swap3A_194 = arith.index_cast %add3A_176 : i32 to index
          %swap3A_195 = arith.constant 32 : index
          %swap3A_196 = tpu.vector_load %arg13[%swap3A_194, %swap3A_195] {strides = array<i32>} : memref<128x64xf32, #tpu.memory_space<vmem>>, vector<16xf32>,
          tpu.vector_store %arg13[%swap3A_194, %swap3A_195], %mul3A_193 {strides = array<i32>} : memref<128x64xf32, #tpu.memory_space<vmem>>, vector<16xf32>,
          %get3A_197 = arith.index_cast %add3A_176 : i32 to index
          %get3A_198 = arith.constant 48 : index
          %get3A_199 = tpu.vector_load %arg13[%get3A_197, %get3A_198] {strides = array<i32>} : memref<128x64xf32, #tpu.memory_space<vmem>>, vector<16xf32>,
          %mul3A_200 = arith.mulf %get3A_199, %broadcast_in_dim3A_172 : vector<16xf32>
          %swap3A_201 = arith.index_cast %add3A_176 : i32 to index
          %swap3A_202 = arith.constant 48 : index
          %swap3A_203 = tpu.vector_load %arg13[%swap3A_201, %swap3A_202] {strides = array<i32>} : memref<128x64xf32, #tpu.memory_space<vmem>>, vector<16xf32>,
          tpu.vector_store %arg13[%swap3A_201, %swap3A_202], %mul3A_200 {strides = array<i32>} : memref<128x64xf32, #tpu.memory_space<vmem>>, vector<16xf32>,
          %slice3A_204 = vector.extract_strided_slice %get3A_171 {offsets = [1], sizes = [1], strides = [1]} : vector<16xf32> to vector<1xf32>
          %squeeze3A_205 = vector.extract %slice3A_204[0] : f32 from vector<1xf32>
          %broadcast_in_dim3A_206 = vector.broadcast %squeeze3A_205 : f32 to vector<16xf32>
          %mul3A_207 = arith.constant 16 : i32
          %mul3A_208 = arith.muli %scan3A_167, %mul3A_207 : i32
          %add3A_209 = arith.constant 1 : i32
          %add3A_210 = arith.addi %mul3A_208, %add3A_209 : i32
          %get3A_211 = arith.index_cast %add3A_210 : i32 to index
          %get3A_212 = arith.constant 0 : index
          %get3A_213 = tpu.vector_load %arg13[%get3A_211, %get3A_212] {strides = array<i32>} : memref<128x64xf32, #tpu.memory_space<vmem>>, vector<16xf32>,
          %mul3A_214 = arith.mulf %get3A_213, %broadcast_in_dim3A_206 : vector<16xf32>
          %swap3A_215 = arith.index_cast %add3A_210 : i32 to index
          %swap3A_216 = arith.constant 0 : index
          %swap3A_217 = tpu.vector_load %arg13[%swap3A_215, %swap3A_216] {strides = array<i32>} : memref<128x64xf32, #tpu.memory_space<vmem>>, vector<16xf32>,
          tpu.vector_store %arg13[%swap3A_215, %swap3A_216], %mul3A_214 {strides = array<i32>} : memref<128x64xf32, #tpu.memory_space<vmem>>, vector<16xf32>,
          %get3A_218 = arith.index_cast %add3A_210 : i32 to index
          %get3A_219 = arith.constant 16 : index
          %get3A_220 = tpu.vector_load %arg13[%get3A_218, %get3A_219] {strides = array<i32>} : memref<128x64xf32, #tpu.memory_space<vmem>>, vector<16xf32>,
          %mul3A_221 = arith.mulf %get3A_220, %broadcast_in_dim3A_206 : vector<16xf32>
          %swap3A_222 = arith.index_cast %add3A_210 : i32 to index
          %swap3A_223 = arith.constant 16 : index
          %swap3A_224 = tpu.vector_load %arg13[%swap3A_222, %swap3A_223] {strides = array<i32>} : memref<128x64xf32, #tpu.memory_space<vmem>>, vector<16xf32>,
          tpu.vector_store %arg13[%swap3A_222, %swap3A_223], %mul3A_221 {strides = array<i32>} : memref<128x64xf32, #tpu.memory_space<vmem>>, vector<16xf32>,
          %get3A_225 = arith.index_cast %add3A_210 : i32 to index
          %get3A_226 = arith.constant 32 : index
          %get3A_227 = tpu.vector_load %arg13[%get3A_225, %get3A_226] {strides = array<i32>} : memref<128x64xf32, #tpu.memory_space<vmem>>, vector<16xf32>,
          %mul3A_228 = arith.mulf %get3A_227, %broadcast_in_dim3A_206 : vector<16xf32>
          %swap3A_229 = arith.index_cast %add3A_210 : i32 to index
          %swap3A_230 = arith.constant 32 : index
          %swap3A_231 = tpu.vector_load %arg13[%swap3A_229, %swap3A_230] {strides = array<i32>} : memref<128x64xf32, #tpu.memory_space<vmem>>, vector<16xf32>,
          tpu.vector_store %arg13[%swap3A_229, %swap3A_230], %mul3A_228 {strides = array<i32>} : memref<128x64xf32, #tpu.memory_space<vmem>>, vector<16xf32>,
          %get3A_232 = arith.index_cast %add3A_210 : i32 to index
          %get3A_233 = arith.constant 48 : index
          %get3A_234 = tpu.vector_load %arg13[%get3A_232, %get3A_233] {strides = array<i32>} : memref<128x64xf32, #tpu.memory_space<vmem>>, vector<16xf32>,
          %mul3A_235 = arith.mulf %get3A_234, %broadcast_in_dim3A_206 : vector<16xf32>
          %swap3A_236 = arith.index_cast %add3A_210 : i32 to index
          %swap3A_237 = arith.constant 48 : index
          %swap3A_238 = tpu.vector_load %arg13[%swap3A_236, %swap3A_237] {strides = array<i32>} : memref<128x64xf32, #tpu.memory_space<vmem>>, vector<16xf32>,
          tpu.vector_store %arg13[%swap3A_236, %swap3A_237], %mul3A_235 {strides = array<i32>} : memref<128x64xf32, #tpu.memory_space<vmem>>, vector<16xf32>,
          %slice3A_239 = vector.extract_strided_slice %get3A_171 {offsets = [2], sizes = [1], strides = [1]} : vector<16xf32> to vector<1xf32>
          %squeeze3A_240 = vector.extract %slice3A_239[0] : f32 from vector<1xf32>
          %broadcast_in_dim3A_241 = vector.broadcast %squeeze3A_240 : f32 to vector<16xf32>
          %mul3A_242 = arith.constant 16 : i32
          %mul3A_243 = arith.muli %scan3A_167, %mul3A_242 : i32
          %add3A_244 = arith.constant 2 : i32
          %add3A_245 = arith.addi %mul3A_243, %add3A_244 : i32
          %get3A_246 = arith.index_cast %add3A_245 : i32 to index
          %get3A_247 = arith.constant 0 : index
          %get3A_248 = tpu.vector_load %arg13[%get3A_246, %get3A_247] {strides = array<i32>} : memref<128x64xf32, #tpu.memory_space<vmem>>, vector<16xf32>,
          %mul3A_249 = arith.mulf %get3A_248, %broadcast_in_dim3A_241 : vector<16xf32>
          %swap3A_250 = arith.index_cast %add3A_245 : i32 to index
          %swap3A_251 = arith.constant 0 : index
          %swap3A_252 = tpu.vector_load %arg13[%swap3A_250, %swap3A_251] {strides = array<i32>} : memref<128x64xf32, #tpu.memory_space<vmem>>, vector<16xf32>,
          tpu.vector_store %arg13[%swap3A_250, %swap3A_251], %mul3A_249 {strides = array<i32>} : memref<128x64xf32, #tpu.memory_space<vmem>>, vector<16xf32>,
          %get3A_253 = arith.index_cast %add3A_245 : i32 to index
          %get3A_254 = arith.constant 16 : index
          %get3A_255 = tpu.vector_load %arg13[%get3A_253, %get3A_254] {strides = array<i32>} : memref<128x64xf32, #tpu.memory_space<vmem>>, vector<16xf32>,
          %mul3A_256 = arith.mulf %get3A_255, %broadcast_in_dim3A_241 : vector<16xf32>
          %swap3A_257 = arith.index_cast %add3A_245 : i32 to index
          %swap3A_258 = arith.constant 16 : index
          %swap3A_259 = tpu.vector_load %arg13[%swap3A_257, %swap3A_258] {strides = array<i32>} : memref<128x64xf32, #tpu.memory_space<vmem>>, vector<16xf32>,
          tpu.vector_store %arg13[%swap3A_257, %swap3A_258], %mul3A_256 {strides = array<i32>} : memref<128x64xf32, #tpu.memory_space<vmem>>, vector<16xf32>,
          %get3A_260 = arith.index_cast %add3A_245 : i32 to index
          %get3A_261 = arith.constant 32 : index
          %get3A_262 = tpu.vector_load %arg13[%get3A_260, %get3A_261] {strides = array<i32>} : memref<128x64xf32, #tpu.memory_space<vmem>>, vector<16xf32>,
          %mul3A_263 = arith.mulf %get3A_262, %broadcast_in_dim3A_241 : vector<16xf32>
          %swap3A_264 = arith.index_cast %add3A_245 : i32 to index
          %swap3A_265 = arith.constant 32 : index
          %swap3A_266 = tpu.vector_load %arg13[%swap3A_264, %swap3A_265] {strides = array<i32>} : memref<128x64xf32, #tpu.memory_space<vmem>>, vector<16xf32>,
          tpu.vector_store %arg13[%swap3A_264, %swap3A_265], %mul3A_263 {strides = array<i32>} : memref<128x64xf32, #tpu.memory_space<vmem>>, vector<16xf32>,
          %get3A_267 = arith.index_cast %add3A_245 : i32 to index
          %get3A_268 = arith.constant 48 : index
          %get3A_269 = tpu.vector_load %arg13[%get3A_267, %get3A_268] {strides = array<i32>} : memref<128x64xf32, #tpu.memory_space<vmem>>, vector<16xf32>,
          %mul3A_270 = arith.mulf %get3A_269, %broadcast_in_dim3A_241 : vector<16xf32>
          %swap3A_271 = arith.index_cast %add3A_245 : i32 to index
          %swap3A_272 = arith.constant 48 : index
          %swap3A_273 = tpu.vector_load %arg13[%swap3A_271, %swap3A_272] {strides = array<i32>} : memref<128x64xf32, #tpu.memory_space<vmem>>, vector<16xf32>,
          tpu.vector_store %arg13[%swap3A_271, %swap3A_272], %mul3A_270 {strides = array<i32>} : memref<128x64xf32, #tpu.memory_space<vmem>>, vector<16xf32>,
          %slice3A_274 = vector.extract_strided_slice %get3A_171 {offsets = [3], sizes = [1], strides = [1]} : vector<16xf32> to vector<1xf32>
          %squeeze3A_275 = vector.extract %slice3A_274[0] : f32 from vector<1xf32>
          %broadcast_in_dim3A_276 = vector.broadcast %squeeze3A_275 : f32 to vector<16xf32>
          %mul3A_277 = arith.constant 16 : i32
          %mul3A_278 = arith.muli %scan3A_167, %mul3A_277 : i32
          %add3A_279 = arith.constant 3 : i32
          %add3A_280 = arith.addi %mul3A_278, %add3A_279 : i32
          %get3A_281 = arith.index_cast %add3A_280 : i32 to index
          %get3A_282 = arith.constant 0 : index
          %get3A_283 = tpu.vector_load %arg13[%get3A_281, %get3A_282] {strides = array<i32>} : memref<128x64xf32, #tpu.memory_space<vmem>>, vector<16xf32>,
          %mul3A_284 = arith.mulf %get3A_283, %broadcast_in_dim3A_276 : vector<16xf32>
          %swap3A_285 = arith.index_cast %add3A_280 : i32 to index
          %swap3A_286 = arith.constant 0 : index
          %swap3A_287 = tpu.vector_load %arg13[%swap3A_285, %swap3A_286] {strides = array<i32>} : memref<128x64xf32, #tpu.memory_space<vmem>>, vector<16xf32>,
          tpu.vector_store %arg13[%swap3A_285, %swap3A_286], %mul3A_284 {strides = array<i32>} : memref<128x64xf32, #tpu.memory_space<vmem>>, vector<16xf32>,
          %get3A_288 = arith.index_cast %add3A_280 : i32 to index
          %get3A_289 = arith.constant 16 : index
          %get3A_290 = tpu.vector_load %arg13[%get3A_288, %get3A_289] {strides = array<i32>} : memref<128x64xf32, #tpu.memory_space<vmem>>, vector<16xf32>,
          %mul3A_291 = arith.mulf %get3A_290, %broadcast_in_dim3A_276 : vector<16xf32>
          %swap3A_292 = arith.index_cast %add3A_280 : i32 to index
          %swap3A_293 = arith.constant 16 : index
          %swap3A_294 = tpu.vector_load %arg13[%swap3A_292, %swap3A_293] {strides = array<i32>} : memref<128x64xf32, #tpu.memory_space<vmem>>, vector<16xf32>,
          tpu.vector_store %arg13[%swap3A_292, %swap3A_293], %mul3A_291 {strides = array<i32>} : memref<128x64xf32, #tpu.memory_space<vmem>>, vector<16xf32>,
          %get3A_295 = arith.index_cast %add3A_280 : i32 to index
          %get3A_296 = arith.constant 32 : index
          %get3A_297 = tpu.vector_load %arg13[%get3A_295, %get3A_296] {strides = array<i32>} : memref<128x64xf32, #tpu.memory_space<vmem>>, vector<16xf32>,
          %mul3A_298 = arith.mulf %get3A_297, %broadcast_in_dim3A_276 : vector<16xf32>
          %swap3A_299 = arith.index_cast %add3A_280 : i32 to index
          %swap3A_300 = arith.constant 32 : index
          %swap3A_301 = tpu.vector_load %arg13[%swap3A_299, %swap3A_300] {strides = array<i32>} : memref<128x64xf32, #tpu.memory_space<vmem>>, vector<16xf32>,
          tpu.vector_store %arg13[%swap3A_299, %swap3A_300], %mul3A_298 {strides = array<i32>} : memref<128x64xf32, #tpu.memory_space<vmem>>, vector<16xf32>,
          %get3A_302 = arith.index_cast %add3A_280 : i32 to index
          %get3A_303 = arith.constant 48 : index
          %get3A_304 = tpu.vector_load %arg13[%get3A_302, %get3A_303] {strides = array<i32>} : memref<128x64xf32, #tpu.memory_space<vmem>>, vector<16xf32>,
          %mul3A_305 = arith.mulf %get3A_304, %broadcast_in_dim3A_276 : vector<16xf32>
          %swap3A_306 = arith.index_cast %add3A_280 : i32 to index
          %swap3A_307 = arith.constant 48 : index
          %swap3A_308 = tpu.vector_load %arg13[%swap3A_306, %swap3A_307] {strides = array<i32>} : memref<128x64xf32, #tpu.memory_space<vmem>>, vector<16xf32>,
          tpu.vector_store %arg13[%swap3A_306, %swap3A_307], %mul3A_305 {strides = array<i32>} : memref<128x64xf32, #tpu.memory_space<vmem>>, vector<16xf32>,
          %slice3A_309 = vector.extract_strided_slice %get3A_171 {offsets = [4], sizes = [1], strides = [1]} : vector<16xf32> to vector<1xf32>
          %squeeze3A_310 = vector.extract %slice3A_309[0] : f32 from vector<1xf32>
          %broadcast_in_dim3A_311 = vector.broadcast %squeeze3A_310 : f32 to vector<16xf32>
          %mul3A_312 = arith.constant 16 : i32
          %mul3A_313 = arith.muli %scan3A_167, %mul3A_312 : i32
          %add3A_314 = arith.constant 4 : i32
          %add3A_315 = arith.addi %mul3A_313, %add3A_314 : i32
          %get3A_316 = arith.index_cast %add3A_315 : i32 to index
          %get3A_317 = arith.constant 0 : index
          %get3A_318 = tpu.vector_load %arg13[%get3A_316, %get3A_317] {strides = array<i32>} : memref<128x64xf32, #tpu.memory_space<vmem>>, vector<16xf32>,
          %mul3A_319 = arith.mulf %get3A_318, %broadcast_in_dim3A_311 : vector<16xf32>
          %swap3A_320 = arith.index_cast %add3A_315 : i32 to index
          %swap3A_321 = arith.constant 0 : index
          %swap3A_322 = tpu.vector_load %arg13[%swap3A_320, %swap3A_321] {strides = array<i32>} : memref<128x64xf32, #tpu.memory_space<vmem>>, vector<16xf32>,
          tpu.vector_store %arg13[%swap3A_320, %swap3A_321], %mul3A_319 {strides = array<i32>} : memref<128x64xf32, #tpu.memory_space<vmem>>, vector<16xf32>,
          %get3A_323 = arith.index_cast %add3A_315 : i32 to index
          %get3A_324 = arith.constant 16 : index
          %get3A_325 = tpu.vector_load %arg13[%get3A_323, %get3A_324] {strides = array<i32>} : memref<128x64xf32, #tpu.memory_space<vmem>>, vector<16xf32>,
          %mul3A_326 = arith.mulf %get3A_325, %broadcast_in_dim3A_311 : vector<16xf32>
          %swap3A_327 = arith.index_cast %add3A_315 : i32 to index
          %swap3A_328 = arith.constant 16 : index
          %swap3A_329 = tpu.vector_load %arg13[%swap3A_327, %swap3A_328] {strides = array<i32>} : memref<128x64xf32, #tpu.memory_space<vmem>>, vector<16xf32>,
          tpu.vector_store %arg13[%swap3A_327, %swap3A_328], %mul3A_326 {strides = array<i32>} : memref<128x64xf32, #tpu.memory_space<vmem>>, vector<16xf32>,
          %get3A_330 = arith.index_cast %add3A_315 : i32 to index
          %get3A_331 = arith.constant 32 : index
          %get3A_332 = tpu.vector_load %arg13[%get3A_330, %get3A_331] {strides = array<i32>} : memref<128x64xf32, #tpu.memory_space<vmem>>, vector<16xf32>,
          %mul3A_333 = arith.mulf %get3A_332, %broadcast_in_dim3A_311 : vector<16xf32>
          %swap3A_334 = arith.index_cast %add3A_315 : i32 to index
          %swap3A_335 = arith.constant 32 : index
          %swap3A_336 = tpu.vector_load %arg13[%swap3A_334, %swap3A_335] {strides = array<i32>} : memref<128x64xf32, #tpu.memory_space<vmem>>, vector<16xf32>,
          tpu.vector_store %arg13[%swap3A_334, %swap3A_335], %mul3A_333 {strides = array<i32>} : memref<128x64xf32, #tpu.memory_space<vmem>>, vector<16xf32>,
          %get3A_337 = arith.index_cast %add3A_315 : i32 to index
          %get3A_338 = arith.constant 48 : index
          %get3A_339 = tpu.vector_load %arg13[%get3A_337, %get3A_338] {strides = array<i32>} : memref<128x64xf32, #tpu.memory_space<vmem>>, vector<16xf32>,
          %mul3A_340 = arith.mulf %get3A_339, %broadcast_in_dim3A_311 : vector<16xf32>
          %swap3A_341 = arith.index_cast %add3A_315 : i32 to index
          %swap3A_342 = arith.constant 48 : index
          %swap3A_343 = tpu.vector_load %arg13[%swap3A_341, %swap3A_342] {strides = array<i32>} : memref<128x64xf32, #tpu.memory_space<vmem>>, vector<16xf32>,
          tpu.vector_store %arg13[%swap3A_341, %swap3A_342], %mul3A_340 {strides = array<i32>} : memref<128x64xf32, #tpu.memory_space<vmem>>, vector<16xf32>,
          %slice3A_344 = vector.extract_strided_slice %get3A_171 {offsets = [5], sizes = [1], strides = [1]} : vector<16xf32> to vector<1xf32>
          %squeeze3A_345 = vector.extract %slice3A_344[0] : f32 from vector<1xf32>
          %broadcast_in_dim3A_346 = vector.broadcast %squeeze3A_345 : f32 to vector<16xf32>
          %mul3A_347 = arith.constant 16 : i32
          %mul3A_348 = arith.muli %scan3A_167, %mul3A_347 : i32
          %add3A_349 = arith.constant 5 : i32
          %add3A_350 = arith.addi %mul3A_348, %add3A_349 : i32
          %get3A_351 = arith.index_cast %add3A_350 : i32 to index
          %get3A_352 = arith.constant 0 : index
          %get3A_353 = tpu.vector_load %arg13[%get3A_351, %get3A_352] {strides = array<i32>} : memref<128x64xf32, #tpu.memory_space<vmem>>, vector<16xf32>,
          %mul3A_354 = arith.mulf %get3A_353, %broadcast_in_dim3A_346 : vector<16xf32>
          %swap3A_355 = arith.index_cast %add3A_350 : i32 to index
          %swap3A_356 = arith.constant 0 : index
          %swap3A_357 = tpu.vector_load %arg13[%swap3A_355, %swap3A_356] {strides = array<i32>} : memref<128x64xf32, #tpu.memory_space<vmem>>, vector<16xf32>,
          tpu.vector_store %arg13[%swap3A_355, %swap3A_356], %mul3A_354 {strides = array<i32>} : memref<128x64xf32, #tpu.memory_space<vmem>>, vector<16xf32>,
          %get3A_358 = arith.index_cast %add3A_350 : i32 to index
          %get3A_359 = arith.constant 16 : index
          %get3A_360 = tpu.vector_load %arg13[%get3A_358, %get3A_359] {strides = array<i32>} : memref<128x64xf32, #tpu.memory_space<vmem>>, vector<16xf32>,
          %mul3A_361 = arith.mulf %get3A_360, %broadcast_in_dim3A_346 : vector<16xf32>
          %swap3A_362 = arith.index_cast %add3A_350 : i32 to index
          %swap3A_363 = arith.constant 16 : index
          %swap3A_364 = tpu.vector_load %arg13[%swap3A_362, %swap3A_363] {strides = array<i32>} : memref<128x64xf32, #tpu.memory_space<vmem>>, vector<16xf32>,
          tpu.vector_store %arg13[%swap3A_362, %swap3A_363], %mul3A_361 {strides = array<i32>} : memref<128x64xf32, #tpu.memory_space<vmem>>, vector<16xf32>,
          %get3A_365 = arith.index_cast %add3A_350 : i32 to index
          %get3A_366 = arith.constant 32 : index
          %get3A_367 = tpu.vector_load %arg13[%get3A_365, %get3A_366] {strides = array<i32>} : memref<128x64xf32, #tpu.memory_space<vmem>>, vector<16xf32>,
          %mul3A_368 = arith.mulf %get3A_367, %broadcast_in_dim3A_346 : vector<16xf32>
          %swap3A_369 = arith.index_cast %add3A_350 : i32 to index
          %swap3A_370 = arith.constant 32 : index
          %swap3A_371 = tpu.vector_load %arg13[%swap3A_369, %swap3A_370] {strides = array<i32>} : memref<128x64xf32, #tpu.memory_space<vmem>>, vector<16xf32>,
          tpu.vector_store %arg13[%swap3A_369, %swap3A_370], %mul3A_368 {strides = array<i32>} : memref<128x64xf32, #tpu.memory_space<vmem>>, vector<16xf32>,
          %get3A_372 = arith.index_cast %add3A_350 : i32 to index
          %get3A_373 = arith.constant 48 : index
          %get3A_374 = tpu.vector_load %arg13[%get3A_372, %get3A_373] {strides = array<i32>} : memref<128x64xf32, #tpu.memory_space<vmem>>, vector<16xf32>,
          %mul3A_375 = arith.mulf %get3A_374, %broadcast_in_dim3A_346 : vector<16xf32>
          %swap3A_376 = arith.index_cast %add3A_350 : i32 to index
          %swap3A_377 = arith.constant 48 : index
          %swap3A_378 = tpu.vector_load %arg13[%swap3A_376, %swap3A_377] {strides = array<i32>} : memref<128x64xf32, #tpu.memory_space<vmem>>, vector<16xf32>,
          tpu.vector_store %arg13[%swap3A_376, %swap3A_377], %mul3A_375 {strides = array<i32>} : memref<128x64xf32, #tpu.memory_space<vmem>>, vector<16xf32>,
          %slice3A_379 = vector.extract_strided_slice %get3A_171 {offsets = [6], sizes = [1], strides = [1]} : vector<16xf32> to vector<1xf32>
          %squeeze3A_380 = vector.extract %slice3A_379[0] : f32 from vector<1xf32>
          %broadcast_in_dim3A_381 = vector.broadcast %squeeze3A_380 : f32 to vector<16xf32>
          %mul3A_382 = arith.constant 16 : i32
          %mul3A_383 = arith.muli %scan3A_167, %mul3A_382 : i32
          %add3A_384 = arith.constant 6 : i32
          %add3A_385 = arith.addi %mul3A_383, %add3A_384 : i32
          %get3A_386 = arith.index_cast %add3A_385 : i32 to index
          %get3A_387 = arith.constant 0 : index
          %get3A_388 = tpu.vector_load %arg13[%get3A_386, %get3A_387] {strides = array<i32>} : memref<128x64xf32, #tpu.memory_space<vmem>>, vector<16xf32>,
          %mul3A_389 = arith.mulf %get3A_388, %broadcast_in_dim3A_381 : vector<16xf32>
          %swap3A_390 = arith.index_cast %add3A_385 : i32 to index
          %swap3A_391 = arith.constant 0 : index
          %swap3A_392 = tpu.vector_load %arg13[%swap3A_390, %swap3A_391] {strides = array<i32>} : memref<128x64xf32, #tpu.memory_space<vmem>>, vector<16xf32>,
          tpu.vector_store %arg13[%swap3A_390, %swap3A_391], %mul3A_389 {strides = array<i32>} : memref<128x64xf32, #tpu.memory_space<vmem>>, vector<16xf32>,
          %get3A_393 = arith.index_cast %add3A_385 : i32 to index
          %get3A_394 = arith.constant 16 : index
          %get3A_395 = tpu.vector_load %arg13[%get3A_393, %get3A_394] {strides = array<i32>} : memref<128x64xf32, #tpu.memory_space<vmem>>, vector<16xf32>,
          %mul3A_396 = arith.mulf %get3A_395, %broadcast_in_dim3A_381 : vector<16xf32>
          %swap3A_397 = arith.index_cast %add3A_385 : i32 to index
          %swap3A_398 = arith.constant 16 : index
          %swap3A_399 = tpu.vector_load %arg13[%swap3A_397, %swap3A_398] {strides = array<i32>} : memref<128x64xf32, #tpu.memory_space<vmem>>, vector<16xf32>,
          tpu.vector_store %arg13[%swap3A_397, %swap3A_398], %mul3A_396 {strides = array<i32>} : memref<128x64xf32, #tpu.memory_space<vmem>>, vector<16xf32>,
          %get3A_400 = arith.index_cast %add3A_385 : i32 to index
          %get3A_401 = arith.constant 32 : index
          %get3A_402 = tpu.vector_load %arg13[%get3A_400, %get3A_401] {strides = array<i32>} : memref<128x64xf32, #tpu.memory_space<vmem>>, vector<16xf32>,
          %mul3A_403 = arith.mulf %get3A_402, %broadcast_in_dim3A_381 : vector<16xf32>
          %swap3A_404 = arith.index_cast %add3A_385 : i32 to index
          %swap3A_405 = arith.constant 32 : index
          %swap3A_406 = tpu.vector_load %arg13[%swap3A_404, %swap3A_405] {strides = array<i32>} : memref<128x64xf32, #tpu.memory_space<vmem>>, vector<16xf32>,
          tpu.vector_store %arg13[%swap3A_404, %swap3A_405], %mul3A_403 {strides = array<i32>} : memref<128x64xf32, #tpu.memory_space<vmem>>, vector<16xf32>,
          %get3A_407 = arith.index_cast %add3A_385 : i32 to index
          %get3A_408 = arith.constant 48 : index
          %get3A_409 = tpu.vector_load %arg13[%get3A_407, %get3A_408] {strides = array<i32>} : memref<128x64xf32, #tpu.memory_space<vmem>>, vector<16xf32>,
          %mul3A_410 = arith.mulf %get3A_409, %broadcast_in_dim3A_381 : vector<16xf32>
          %swap3A_411 = arith.index_cast %add3A_385 : i32 to index
          %swap3A_412 = arith.constant 48 : index
          %swap3A_413 = tpu.vector_load %arg13[%swap3A_411, %swap3A_412] {strides = array<i32>} : memref<128x64xf32, #tpu.memory_space<vmem>>, vector<16xf32>,
          tpu.vector_store %arg13[%swap3A_411, %swap3A_412], %mul3A_410 {strides = array<i32>} : memref<128x64xf32, #tpu.memory_space<vmem>>, vector<16xf32>,
          %slice3A_414 = vector.extract_strided_slice %get3A_171 {offsets = [7], sizes = [1], strides = [1]} : vector<16xf32> to vector<1xf32>
          %squeeze3A_415 = vector.extract %slice3A_414[0] : f32 from vector<1xf32>
          %broadcast_in_dim3A_416 = vector.broadcast %squeeze3A_415 : f32 to vector<16xf32>
          %mul3A_417 = arith.constant 16 : i32
          %mul3A_418 = arith.muli %scan3A_167, %mul3A_417 : i32
          %add3A_419 = arith.constant 7 : i32
          %add3A_420 = arith.addi %mul3A_418, %add3A_419 : i32
          %get3A_421 = arith.index_cast %add3A_420 : i32 to index
          %get3A_422 = arith.constant 0 : index
          %get3A_423 = tpu.vector_load %arg13[%get3A_421, %get3A_422] {strides = array<i32>} : memref<128x64xf32, #tpu.memory_space<vmem>>, vector<16xf32>,
          %mul3A_424 = arith.mulf %get3A_423, %broadcast_in_dim3A_416 : vector<16xf32>
          %swap3A_425 = arith.index_cast %add3A_420 : i32 to index
          %swap3A_426 = arith.constant 0 : index
          %swap3A_427 = tpu.vector_load %arg13[%swap3A_425, %swap3A_426] {strides = array<i32>} : memref<128x64xf32, #tpu.memory_space<vmem>>, vector<16xf32>,
          tpu.vector_store %arg13[%swap3A_425, %swap3A_426], %mul3A_424 {strides = array<i32>} : memref<128x64xf32, #tpu.memory_space<vmem>>, vector<16xf32>,
          %get3A_428 = arith.index_cast %add3A_420 : i32 to index
          %get3A_429 = arith.constant 16 : index
          %get3A_430 = tpu.vector_load %arg13[%get3A_428, %get3A_429] {strides = array<i32>} : memref<128x64xf32, #tpu.memory_space<vmem>>, vector<16xf32>,
          %mul3A_431 = arith.mulf %get3A_430, %broadcast_in_dim3A_416 : vector<16xf32>
          %swap3A_432 = arith.index_cast %add3A_420 : i32 to index
          %swap3A_433 = arith.constant 16 : index
          %swap3A_434 = tpu.vector_load %arg13[%swap3A_432, %swap3A_433] {strides = array<i32>} : memref<128x64xf32, #tpu.memory_space<vmem>>, vector<16xf32>,
          tpu.vector_store %arg13[%swap3A_432, %swap3A_433], %mul3A_431 {strides = array<i32>} : memref<128x64xf32, #tpu.memory_space<vmem>>, vector<16xf32>,
          %get3A_435 = arith.index_cast %add3A_420 : i32 to index
          %get3A_436 = arith.constant 32 : index
          %get3A_437 = tpu.vector_load %arg13[%get3A_435, %get3A_436] {strides = array<i32>} : memref<128x64xf32, #tpu.memory_space<vmem>>, vector<16xf32>,
          %mul3A_438 = arith.mulf %get3A_437, %broadcast_in_dim3A_416 : vector<16xf32>
          %swap3A_439 = arith.index_cast %add3A_420 : i32 to index
          %swap3A_440 = arith.constant 32 : index
          %swap3A_441 = tpu.vector_load %arg13[%swap3A_439, %swap3A_440] {strides = array<i32>} : memref<128x64xf32, #tpu.memory_space<vmem>>, vector<16xf32>,
          tpu.vector_store %arg13[%swap3A_439, %swap3A_440], %mul3A_438 {strides = array<i32>} : memref<128x64xf32, #tpu.memory_space<vmem>>, vector<16xf32>,
          %get3A_442 = arith.index_cast %add3A_420 : i32 to index
          %get3A_443 = arith.constant 48 : index
          %get3A_444 = tpu.vector_load %arg13[%get3A_442, %get3A_443] {strides = array<i32>} : memref<128x64xf32, #tpu.memory_space<vmem>>, vector<16xf32>,
          %mul3A_445 = arith.mulf %get3A_444, %broadcast_in_dim3A_416 : vector<16xf32>
          %swap3A_446 = arith.index_cast %add3A_420 : i32 to index
          %swap3A_447 = arith.constant 48 : index
          %swap3A_448 = tpu.vector_load %arg13[%swap3A_446, %swap3A_447] {strides = array<i32>} : memref<128x64xf32, #tpu.memory_space<vmem>>, vector<16xf32>,
          tpu.vector_store %arg13[%swap3A_446, %swap3A_447], %mul3A_445 {strides = array<i32>} : memref<128x64xf32, #tpu.memory_space<vmem>>, vector<16xf32>,
          %slice3A_449 = vector.extract_strided_slice %get3A_171 {offsets = [8], sizes = [1], strides = [1]} : vector<16xf32> to vector<1xf32>
          %squeeze3A_450 = vector.extract %slice3A_449[0] : f32 from vector<1xf32>
          %broadcast_in_dim3A_451 = vector.broadcast %squeeze3A_450 : f32 to vector<16xf32>
          %mul3A_452 = arith.constant 16 : i32
          %mul3A_453 = arith.muli %scan3A_167, %mul3A_452 : i32
          %add3A_454 = arith.constant 8 : i32
          %add3A_455 = arith.addi %mul3A_453, %add3A_454 : i32
          %get3A_456 = arith.index_cast %add3A_455 : i32 to index
          %get3A_457 = arith.constant 0 : index
          %get3A_458 = tpu.vector_load %arg13[%get3A_456, %get3A_457] {strides = array<i32>} : memref<128x64xf32, #tpu.memory_space<vmem>>, vector<16xf32>,
          %mul3A_459 = arith.mulf %get3A_458, %broadcast_in_dim3A_451 : vector<16xf32>
          %swap3A_460 = arith.index_cast %add3A_455 : i32 to index
          %swap3A_461 = arith.constant 0 : index
          %swap3A_462 = tpu.vector_load %arg13[%swap3A_460, %swap3A_461] {strides = array<i32>} : memref<128x64xf32, #tpu.memory_space<vmem>>, vector<16xf32>,
          tpu.vector_store %arg13[%swap3A_460, %swap3A_461], %mul3A_459 {strides = array<i32>} : memref<128x64xf32, #tpu.memory_space<vmem>>, vector<16xf32>,
          %get3A_463 = arith.index_cast %add3A_455 : i32 to index
          %get3A_464 = arith.constant 16 : index
          %get3A_465 = tpu.vector_load %arg13[%get3A_463, %get3A_464] {strides = array<i32>} : memref<128x64xf32, #tpu.memory_space<vmem>>, vector<16xf32>,
          %mul3A_466 = arith.mulf %get3A_465, %broadcast_in_dim3A_451 : vector<16xf32>
          %swap3A_467 = arith.index_cast %add3A_455 : i32 to index
          %swap3A_468 = arith.constant 16 : index
          %swap3A_469 = tpu.vector_load %arg13[%swap3A_467, %swap3A_468] {strides = array<i32>} : memref<128x64xf32, #tpu.memory_space<vmem>>, vector<16xf32>,
          tpu.vector_store %arg13[%swap3A_467, %swap3A_468], %mul3A_466 {strides = array<i32>} : memref<128x64xf32, #tpu.memory_space<vmem>>, vector<16xf32>,
          %get3A_470 = arith.index_cast %add3A_455 : i32 to index
          %get3A_471 = arith.constant 32 : index
          %get3A_472 = tpu.vector_load %arg13[%get3A_470, %get3A_471] {strides = array<i32>} : memref<128x64xf32, #tpu.memory_space<vmem>>, vector<16xf32>,
          %mul3A_473 = arith.mulf %get3A_472, %broadcast_in_dim3A_451 : vector<16xf32>
          %swap3A_474 = arith.index_cast %add3A_455 : i32 to index
          %swap3A_475 = arith.constant 32 : index
          %swap3A_476 = tpu.vector_load %arg13[%swap3A_474, %swap3A_475] {strides = array<i32>} : memref<128x64xf32, #tpu.memory_space<vmem>>, vector<16xf32>,
          tpu.vector_store %arg13[%swap3A_474, %swap3A_475], %mul3A_473 {strides = array<i32>} : memref<128x64xf32, #tpu.memory_space<vmem>>, vector<16xf32>,
          %get3A_477 = arith.index_cast %add3A_455 : i32 to index
          %get3A_478 = arith.constant 48 : index
          %get3A_479 = tpu.vector_load %arg13[%get3A_477, %get3A_478] {strides = array<i32>} : memref<128x64xf32, #tpu.memory_space<vmem>>, vector<16xf32>,
          %mul3A_480 = arith.mulf %get3A_479, %broadcast_in_dim3A_451 : vector<16xf32>
          %swap3A_481 = arith.index_cast %add3A_455 : i32 to index
          %swap3A_482 = arith.constant 48 : index
          %swap3A_483 = tpu.vector_load %arg13[%swap3A_481, %swap3A_482] {strides = array<i32>} : memref<128x64xf32, #tpu.memory_space<vmem>>, vector<16xf32>,
          tpu.vector_store %arg13[%swap3A_481, %swap3A_482], %mul3A_480 {strides = array<i32>} : memref<128x64xf32, #tpu.memory_space<vmem>>, vector<16xf32>,
          %slice3A_484 = vector.extract_strided_slice %get3A_171 {offsets = [9], sizes = [1], strides = [1]} : vector<16xf32> to vector<1xf32>
          %squeeze3A_485 = vector.extract %slice3A_484[0] : f32 from vector<1xf32>
          %broadcast_in_dim3A_486 = vector.broadcast %squeeze3A_485 : f32 to vector<16xf32>
          %mul3A_487 = arith.constant 16 : i32
          %mul3A_488 = arith.muli %scan3A_167, %mul3A_487 : i32
          %add3A_489 = arith.constant 9 : i32
          %add3A_490 = arith.addi %mul3A_488, %add3A_489 : i32
          %get3A_491 = arith.index_cast %add3A_490 : i32 to index
          %get3A_492 = arith.constant 0 : index
          %get3A_493 = tpu.vector_load %arg13[%get3A_491, %get3A_492] {strides = array<i32>} : memref<128x64xf32, #tpu.memory_space<vmem>>, vector<16xf32>,
          %mul3A_494 = arith.mulf %get3A_493, %broadcast_in_dim3A_486 : vector<16xf32>
          %swap3A_495 = arith.index_cast %add3A_490 : i32 to index
          %swap3A_496 = arith.constant 0 : index
          %swap3A_497 = tpu.vector_load %arg13[%swap3A_495, %swap3A_496] {strides = array<i32>} : memref<128x64xf32, #tpu.memory_space<vmem>>, vector<16xf32>,
          tpu.vector_store %arg13[%swap3A_495, %swap3A_496], %mul3A_494 {strides = array<i32>} : memref<128x64xf32, #tpu.memory_space<vmem>>, vector<16xf32>,
          %get3A_498 = arith.index_cast %add3A_490 : i32 to index
          %get3A_499 = arith.constant 16 : index
          %get3A_500 = tpu.vector_load %arg13[%get3A_498, %get3A_499] {strides = array<i32>} : memref<128x64xf32, #tpu.memory_space<vmem>>, vector<16xf32>,
          %mul3A_501 = arith.mulf %get3A_500, %broadcast_in_dim3A_486 : vector<16xf32>
          %swap3A_502 = arith.index_cast %add3A_490 : i32 to index
          %swap3A_503 = arith.constant 16 : index
          %swap3A_504 = tpu.vector_load %arg13[%swap3A_502, %swap3A_503] {strides = array<i32>} : memref<128x64xf32, #tpu.memory_space<vmem>>, vector<16xf32>,
          tpu.vector_store %arg13[%swap3A_502, %swap3A_503], %mul3A_501 {strides = array<i32>} : memref<128x64xf32, #tpu.memory_space<vmem>>, vector<16xf32>,
          %get3A_505 = arith.index_cast %add3A_490 : i32 to index
          %get3A_506 = arith.constant 32 : index
          %get3A_507 = tpu.vector_load %arg13[%get3A_505, %get3A_506] {strides = array<i32>} : memref<128x64xf32, #tpu.memory_space<vmem>>, vector<16xf32>,
          %mul3A_508 = arith.mulf %get3A_507, %broadcast_in_dim3A_486 : vector<16xf32>
          %swap3A_509 = arith.index_cast %add3A_490 : i32 to index
          %swap3A_510 = arith.constant 32 : index
          %swap3A_511 = tpu.vector_load %arg13[%swap3A_509, %swap3A_510] {strides = array<i32>} : memref<128x64xf32, #tpu.memory_space<vmem>>, vector<16xf32>,
          tpu.vector_store %arg13[%swap3A_509, %swap3A_510], %mul3A_508 {strides = array<i32>} : memref<128x64xf32, #tpu.memory_space<vmem>>, vector<16xf32>,
          %get3A_512 = arith.index_cast %add3A_490 : i32 to index
          %get3A_513 = arith.constant 48 : index
          %get3A_514 = tpu.vector_load %arg13[%get3A_512, %get3A_513] {strides = array<i32>} : memref<128x64xf32, #tpu.memory_space<vmem>>, vector<16xf32>,
          %mul3A_515 = arith.mulf %get3A_514, %broadcast_in_dim3A_486 : vector<16xf32>
          %swap3A_516 = arith.index_cast %add3A_490 : i32 to index
          %swap3A_517 = arith.constant 48 : index
          %swap3A_518 = tpu.vector_load %arg13[%swap3A_516, %swap3A_517] {strides = array<i32>} : memref<128x64xf32, #tpu.memory_space<vmem>>, vector<16xf32>,
          tpu.vector_store %arg13[%swap3A_516, %swap3A_517], %mul3A_515 {strides = array<i32>} : memref<128x64xf32, #tpu.memory_space<vmem>>, vector<16xf32>,
          %slice3A_519 = vector.extract_strided_slice %get3A_171 {offsets = [10], sizes = [1], strides = [1]} : vector<16xf32> to vector<1xf32>
          %squeeze3A_520 = vector.extract %slice3A_519[0] : f32 from vector<1xf32>
          %broadcast_in_dim3A_521 = vector.broadcast %squeeze3A_520 : f32 to vector<16xf32>
          %mul3A_522 = arith.constant 16 : i32
          %mul3A_523 = arith.muli %scan3A_167, %mul3A_522 : i32
          %add3A_524 = arith.constant 10 : i32
          %add3A_525 = arith.addi %mul3A_523, %add3A_524 : i32
          %get3A_526 = arith.index_cast %add3A_525 : i32 to index
          %get3A_527 = arith.constant 0 : index
          %get3A_528 = tpu.vector_load %arg13[%get3A_526, %get3A_527] {strides = array<i32>} : memref<128x64xf32, #tpu.memory_space<vmem>>, vector<16xf32>,
          %mul3A_529 = arith.mulf %get3A_528, %broadcast_in_dim3A_521 : vector<16xf32>
          %swap3A_530 = arith.index_cast %add3A_525 : i32 to index
          %swap3A_531 = arith.constant 0 : index
          %swap3A_532 = tpu.vector_load %arg13[%swap3A_530, %swap3A_531] {strides = array<i32>} : memref<128x64xf32, #tpu.memory_space<vmem>>, vector<16xf32>,
          tpu.vector_store %arg13[%swap3A_530, %swap3A_531], %mul3A_529 {strides = array<i32>} : memref<128x64xf32, #tpu.memory_space<vmem>>, vector<16xf32>,
          %get3A_533 = arith.index_cast %add3A_525 : i32 to index
          %get3A_534 = arith.constant 16 : index
          %get3A_535 = tpu.vector_load %arg13[%get3A_533, %get3A_534] {strides = array<i32>} : memref<128x64xf32, #tpu.memory_space<vmem>>, vector<16xf32>,
          %mul3A_536 = arith.mulf %get3A_535, %broadcast_in_dim3A_521 : vector<16xf32>
          %swap3A_537 = arith.index_cast %add3A_525 : i32 to index
          %swap3A_538 = arith.constant 16 : index
          %swap3A_539 = tpu.vector_load %arg13[%swap3A_537, %swap3A_538] {strides = array<i32>} : memref<128x64xf32, #tpu.memory_space<vmem>>, vector<16xf32>,
          tpu.vector_store %arg13[%swap3A_537, %swap3A_538], %mul3A_536 {strides = array<i32>} : memref<128x64xf32, #tpu.memory_space<vmem>>, vector<16xf32>,
          %get3A_540 = arith.index_cast %add3A_525 : i32 to index
          %get3A_541 = arith.constant 32 : index
          %get3A_542 = tpu.vector_load %arg13[%get3A_540, %get3A_541] {strides = array<i32>} : memref<128x64xf32, #tpu.memory_space<vmem>>, vector<16xf32>,
          %mul3A_543 = arith.mulf %get3A_542, %broadcast_in_dim3A_521 : vector<16xf32>
          %swap3A_544 = arith.index_cast %add3A_525 : i32 to index
          %swap3A_545 = arith.constant 32 : index
          %swap3A_546 = tpu.vector_load %arg13[%swap3A_544, %swap3A_545] {strides = array<i32>} : memref<128x64xf32, #tpu.memory_space<vmem>>, vector<16xf32>,
          tpu.vector_store %arg13[%swap3A_544, %swap3A_545], %mul3A_543 {strides = array<i32>} : memref<128x64xf32, #tpu.memory_space<vmem>>, vector<16xf32>,
          %get3A_547 = arith.index_cast %add3A_525 : i32 to index
          %get3A_548 = arith.constant 48 : index
          %get3A_549 = tpu.vector_load %arg13[%get3A_547, %get3A_548] {strides = array<i32>} : memref<128x64xf32, #tpu.memory_space<vmem>>, vector<16xf32>,
          %mul3A_550 = arith.mulf %get3A_549, %broadcast_in_dim3A_521 : vector<16xf32>
          %swap3A_551 = arith.index_cast %add3A_525 : i32 to index
          %swap3A_552 = arith.constant 48 : index
          %swap3A_553 = tpu.vector_load %arg13[%swap3A_551, %swap3A_552] {strides = array<i32>} : memref<128x64xf32, #tpu.memory_space<vmem>>, vector<16xf32>,
          tpu.vector_store %arg13[%swap3A_551, %swap3A_552], %mul3A_550 {strides = array<i32>} : memref<128x64xf32, #tpu.memory_space<vmem>>, vector<16xf32>,
          %slice3A_554 = vector.extract_strided_slice %get3A_171 {offsets = [11], sizes = [1], strides = [1]} : vector<16xf32> to vector<1xf32>
          %squeeze3A_555 = vector.extract %slice3A_554[0] : f32 from vector<1xf32>
          %broadcast_in_dim3A_556 = vector.broadcast %squeeze3A_555 : f32 to vector<16xf32>
          %mul3A_557 = arith.constant 16 : i32
          %mul3A_558 = arith.muli %scan3A_167, %mul3A_557 : i32
          %add3A_559 = arith.constant 11 : i32
          %add3A_560 = arith.addi %mul3A_558, %add3A_559 : i32
          %get3A_561 = arith.index_cast %add3A_560 : i32 to index
          %get3A_562 = arith.constant 0 : index
          %get3A_563 = tpu.vector_load %arg13[%get3A_561, %get3A_562] {strides = array<i32>} : memref<128x64xf32, #tpu.memory_space<vmem>>, vector<16xf32>,
          %mul3A_564 = arith.mulf %get3A_563, %broadcast_in_dim3A_556 : vector<16xf32>
          %swap3A_565 = arith.index_cast %add3A_560 : i32 to index
          %swap3A_566 = arith.constant 0 : index
          %swap3A_567 = tpu.vector_load %arg13[%swap3A_565, %swap3A_566] {strides = array<i32>} : memref<128x64xf32, #tpu.memory_space<vmem>>, vector<16xf32>,
          tpu.vector_store %arg13[%swap3A_565, %swap3A_566], %mul3A_564 {strides = array<i32>} : memref<128x64xf32, #tpu.memory_space<vmem>>, vector<16xf32>,
          %get3A_568 = arith.index_cast %add3A_560 : i32 to index
          %get3A_569 = arith.constant 16 : index
          %get3A_570 = tpu.vector_load %arg13[%get3A_568, %get3A_569] {strides = array<i32>} : memref<128x64xf32, #tpu.memory_space<vmem>>, vector<16xf32>,
          %mul3A_571 = arith.mulf %get3A_570, %broadcast_in_dim3A_556 : vector<16xf32>
          %swap3A_572 = arith.index_cast %add3A_560 : i32 to index
          %swap3A_573 = arith.constant 16 : index
          %swap3A_574 = tpu.vector_load %arg13[%swap3A_572, %swap3A_573] {strides = array<i32>} : memref<128x64xf32, #tpu.memory_space<vmem>>, vector<16xf32>,
          tpu.vector_store %arg13[%swap3A_572, %swap3A_573], %mul3A_571 {strides = array<i32>} : memref<128x64xf32, #tpu.memory_space<vmem>>, vector<16xf32>,
          %get3A_575 = arith.index_cast %add3A_560 : i32 to index
          %get3A_576 = arith.constant 32 : index
          %get3A_577 = tpu.vector_load %arg13[%get3A_575, %get3A_576] {strides = array<i32>} : memref<128x64xf32, #tpu.memory_space<vmem>>, vector<16xf32>,
          %mul3A_578 = arith.mulf %get3A_577, %broadcast_in_dim3A_556 : vector<16xf32>
          %swap3A_579 = arith.index_cast %add3A_560 : i32 to index
          %swap3A_580 = arith.constant 32 : index
          %swap3A_581 = tpu.vector_load %arg13[%swap3A_579, %swap3A_580] {strides = array<i32>} : memref<128x64xf32, #tpu.memory_space<vmem>>, vector<16xf32>,
          tpu.vector_store %arg13[%swap3A_579, %swap3A_580], %mul3A_578 {strides = array<i32>} : memref<128x64xf32, #tpu.memory_space<vmem>>, vector<16xf32>,
          %get3A_582 = arith.index_cast %add3A_560 : i32 to index
          %get3A_583 = arith.constant 48 : index
          %get3A_584 = tpu.vector_load %arg13[%get3A_582, %get3A_583] {strides = array<i32>} : memref<128x64xf32, #tpu.memory_space<vmem>>, vector<16xf32>,
          %mul3A_585 = arith.mulf %get3A_584, %broadcast_in_dim3A_556 : vector<16xf32>
          %swap3A_586 = arith.index_cast %add3A_560 : i32 to index
          %swap3A_587 = arith.constant 48 : index
          %swap3A_588 = tpu.vector_load %arg13[%swap3A_586, %swap3A_587] {strides = array<i32>} : memref<128x64xf32, #tpu.memory_space<vmem>>, vector<16xf32>,
          tpu.vector_store %arg13[%swap3A_586, %swap3A_587], %mul3A_585 {strides = array<i32>} : memref<128x64xf32, #tpu.memory_space<vmem>>, vector<16xf32>,
          %slice3A_589 = vector.extract_strided_slice %get3A_171 {offsets = [12], sizes = [1], strides = [1]} : vector<16xf32> to vector<1xf32>
          %squeeze3A_590 = vector.extract %slice3A_589[0] : f32 from vector<1xf32>
          %broadcast_in_dim3A_591 = vector.broadcast %squeeze3A_590 : f32 to vector<16xf32>
          %mul3A_592 = arith.constant 16 : i32
          %mul3A_593 = arith.muli %scan3A_167, %mul3A_592 : i32
          %add3A_594 = arith.constant 12 : i32
          %add3A_595 = arith.addi %mul3A_593, %add3A_594 : i32
          %get3A_596 = arith.index_cast %add3A_595 : i32 to index
          %get3A_597 = arith.constant 0 : index
          %get3A_598 = tpu.vector_load %arg13[%get3A_596, %get3A_597] {strides = array<i32>} : memref<128x64xf32, #tpu.memory_space<vmem>>, vector<16xf32>,
          %mul3A_599 = arith.mulf %get3A_598, %broadcast_in_dim3A_591 : vector<16xf32>
          %swap3A_600 = arith.index_cast %add3A_595 : i32 to index
          %swap3A_601 = arith.constant 0 : index
          %swap3A_602 = tpu.vector_load %arg13[%swap3A_600, %swap3A_601] {strides = array<i32>} : memref<128x64xf32, #tpu.memory_space<vmem>>, vector<16xf32>,
          tpu.vector_store %arg13[%swap3A_600, %swap3A_601], %mul3A_599 {strides = array<i32>} : memref<128x64xf32, #tpu.memory_space<vmem>>, vector<16xf32>,
          %get3A_603 = arith.index_cast %add3A_595 : i32 to index
          %get3A_604 = arith.constant 16 : index
          %get3A_605 = tpu.vector_load %arg13[%get3A_603, %get3A_604] {strides = array<i32>} : memref<128x64xf32, #tpu.memory_space<vmem>>, vector<16xf32>,
          %mul3A_606 = arith.mulf %get3A_605, %broadcast_in_dim3A_591 : vector<16xf32>
          %swap3A_607 = arith.index_cast %add3A_595 : i32 to index
          %swap3A_608 = arith.constant 16 : index
          %swap3A_609 = tpu.vector_load %arg13[%swap3A_607, %swap3A_608] {strides = array<i32>} : memref<128x64xf32, #tpu.memory_space<vmem>>, vector<16xf32>,
          tpu.vector_store %arg13[%swap3A_607, %swap3A_608], %mul3A_606 {strides = array<i32>} : memref<128x64xf32, #tpu.memory_space<vmem>>, vector<16xf32>,
          %get3A_610 = arith.index_cast %add3A_595 : i32 to index
          %get3A_611 = arith.constant 32 : index
          %get3A_612 = tpu.vector_load %arg13[%get3A_610, %get3A_611] {strides = array<i32>} : memref<128x64xf32, #tpu.memory_space<vmem>>, vector<16xf32>,
          %mul3A_613 = arith.mulf %get3A_612, %broadcast_in_dim3A_591 : vector<16xf32>
          %swap3A_614 = arith.index_cast %add3A_595 : i32 to index
          %swap3A_615 = arith.constant 32 : index
          %swap3A_616 = tpu.vector_load %arg13[%swap3A_614, %swap3A_615] {strides = array<i32>} : memref<128x64xf32, #tpu.memory_space<vmem>>, vector<16xf32>,
          tpu.vector_store %arg13[%swap3A_614, %swap3A_615], %mul3A_613 {strides = array<i32>} : memref<128x64xf32, #tpu.memory_space<vmem>>, vector<16xf32>,
          %get3A_617 = arith.index_cast %add3A_595 : i32 to index
          %get3A_618 = arith.constant 48 : index
          %get3A_619 = tpu.vector_load %arg13[%get3A_617, %get3A_618] {strides = array<i32>} : memref<128x64xf32, #tpu.memory_space<vmem>>, vector<16xf32>,
          %mul3A_620 = arith.mulf %get3A_619, %broadcast_in_dim3A_591 : vector<16xf32>
          %swap3A_621 = arith.index_cast %add3A_595 : i32 to index
          %swap3A_622 = arith.constant 48 : index
          %swap3A_623 = tpu.vector_load %arg13[%swap3A_621, %swap3A_622] {strides = array<i32>} : memref<128x64xf32, #tpu.memory_space<vmem>>, vector<16xf32>,
          tpu.vector_store %arg13[%swap3A_621, %swap3A_622], %mul3A_620 {strides = array<i32>} : memref<128x64xf32, #tpu.memory_space<vmem>>, vector<16xf32>,
          %slice3A_624 = vector.extract_strided_slice %get3A_171 {offsets = [13], sizes = [1], strides = [1]} : vector<16xf32> to vector<1xf32>
          %squeeze3A_625 = vector.extract %slice3A_624[0] : f32 from vector<1xf32>
          %broadcast_in_dim3A_626 = vector.broadcast %squeeze3A_625 : f32 to vector<16xf32>
          %mul3A_627 = arith.constant 16 : i32
          %mul3A_628 = arith.muli %scan3A_167, %mul3A_627 : i32
          %add3A_629 = arith.constant 13 : i32
          %add3A_630 = arith.addi %mul3A_628, %add3A_629 : i32
          %get3A_631 = arith.index_cast %add3A_630 : i32 to index
          %get3A_632 = arith.constant 0 : index
          %get3A_633 = tpu.vector_load %arg13[%get3A_631, %get3A_632] {strides = array<i32>} : memref<128x64xf32, #tpu.memory_space<vmem>>, vector<16xf32>,
          %mul3A_634 = arith.mulf %get3A_633, %broadcast_in_dim3A_626 : vector<16xf32>
          %swap3A_635 = arith.index_cast %add3A_630 : i32 to index
          %swap3A_636 = arith.constant 0 : index
          %swap3A_637 = tpu.vector_load %arg13[%swap3A_635, %swap3A_636] {strides = array<i32>} : memref<128x64xf32, #tpu.memory_space<vmem>>, vector<16xf32>,
          tpu.vector_store %arg13[%swap3A_635, %swap3A_636], %mul3A_634 {strides = array<i32>} : memref<128x64xf32, #tpu.memory_space<vmem>>, vector<16xf32>,
          %get3A_638 = arith.index_cast %add3A_630 : i32 to index
          %get3A_639 = arith.constant 16 : index
          %get3A_640 = tpu.vector_load %arg13[%get3A_638, %get3A_639] {strides = array<i32>} : memref<128x64xf32, #tpu.memory_space<vmem>>, vector<16xf32>,
          %mul3A_641 = arith.mulf %get3A_640, %broadcast_in_dim3A_626 : vector<16xf32>
          %swap3A_642 = arith.index_cast %add3A_630 : i32 to index
          %swap3A_643 = arith.constant 16 : index
          %swap3A_644 = tpu.vector_load %arg13[%swap3A_642, %swap3A_643] {strides = array<i32>} : memref<128x64xf32, #tpu.memory_space<vmem>>, vector<16xf32>,
          tpu.vector_store %arg13[%swap3A_642, %swap3A_643], %mul3A_641 {strides = array<i32>} : memref<128x64xf32, #tpu.memory_space<vmem>>, vector<16xf32>,
          %get3A_645 = arith.index_cast %add3A_630 : i32 to index
          %get3A_646 = arith.constant 32 : index
          %get3A_647 = tpu.vector_load %arg13[%get3A_645, %get3A_646] {strides = array<i32>} : memref<128x64xf32, #tpu.memory_space<vmem>>, vector<16xf32>,
          %mul3A_648 = arith.mulf %get3A_647, %broadcast_in_dim3A_626 : vector<16xf32>
          %swap3A_649 = arith.index_cast %add3A_630 : i32 to index
          %swap3A_650 = arith.constant 32 : index
          %swap3A_651 = tpu.vector_load %arg13[%swap3A_649, %swap3A_650] {strides = array<i32>} : memref<128x64xf32, #tpu.memory_space<vmem>>, vector<16xf32>,
          tpu.vector_store %arg13[%swap3A_649, %swap3A_650], %mul3A_648 {strides = array<i32>} : memref<128x64xf32, #tpu.memory_space<vmem>>, vector<16xf32>,
          %get3A_652 = arith.index_cast %add3A_630 : i32 to index
          %get3A_653 = arith.constant 48 : index
          %get3A_654 = tpu.vector_load %arg13[%get3A_652, %get3A_653] {strides = array<i32>} : memref<128x64xf32, #tpu.memory_space<vmem>>, vector<16xf32>,
          %mul3A_655 = arith.mulf %get3A_654, %broadcast_in_dim3A_626 : vector<16xf32>
          %swap3A_656 = arith.index_cast %add3A_630 : i32 to index
          %swap3A_657 = arith.constant 48 : index
          %swap3A_658 = tpu.vector_load %arg13[%swap3A_656, %swap3A_657] {strides = array<i32>} : memref<128x64xf32, #tpu.memory_space<vmem>>, vector<16xf32>,
          tpu.vector_store %arg13[%swap3A_656, %swap3A_657], %mul3A_655 {strides = array<i32>} : memref<128x64xf32, #tpu.memory_space<vmem>>, vector<16xf32>,
          %slice3A_659 = vector.extract_strided_slice %get3A_171 {offsets = [14], sizes = [1], strides = [1]} : vector<16xf32> to vector<1xf32>
          %squeeze3A_660 = vector.extract %slice3A_659[0] : f32 from vector<1xf32>
          %broadcast_in_dim3A_661 = vector.broadcast %squeeze3A_660 : f32 to vector<16xf32>
          %mul3A_662 = arith.constant 16 : i32
          %mul3A_663 = arith.muli %scan3A_167, %mul3A_662 : i32
          %add3A_664 = arith.constant 14 : i32
          %add3A_665 = arith.addi %mul3A_663, %add3A_664 : i32
          %get3A_666 = arith.index_cast %add3A_665 : i32 to index
          %get3A_667 = arith.constant 0 : index
          %get3A_668 = tpu.vector_load %arg13[%get3A_666, %get3A_667] {strides = array<i32>} : memref<128x64xf32, #tpu.memory_space<vmem>>, vector<16xf32>,
          %mul3A_669 = arith.mulf %get3A_668, %broadcast_in_dim3A_661 : vector<16xf32>
          %swap3A_670 = arith.index_cast %add3A_665 : i32 to index
          %swap3A_671 = arith.constant 0 : index
          %swap3A_672 = tpu.vector_load %arg13[%swap3A_670, %swap3A_671] {strides = array<i32>} : memref<128x64xf32, #tpu.memory_space<vmem>>, vector<16xf32>,
          tpu.vector_store %arg13[%swap3A_670, %swap3A_671], %mul3A_669 {strides = array<i32>} : memref<128x64xf32, #tpu.memory_space<vmem>>, vector<16xf32>,
          %get3A_673 = arith.index_cast %add3A_665 : i32 to index
          %get3A_674 = arith.constant 16 : index
          %get3A_675 = tpu.vector_load %arg13[%get3A_673, %get3A_674] {strides = array<i32>} : memref<128x64xf32, #tpu.memory_space<vmem>>, vector<16xf32>,
          %mul3A_676 = arith.mulf %get3A_675, %broadcast_in_dim3A_661 : vector<16xf32>
          %swap3A_677 = arith.index_cast %add3A_665 : i32 to index
          %swap3A_678 = arith.constant 16 : index
          %swap3A_679 = tpu.vector_load %arg13[%swap3A_677, %swap3A_678] {strides = array<i32>} : memref<128x64xf32, #tpu.memory_space<vmem>>, vector<16xf32>,
          tpu.vector_store %arg13[%swap3A_677, %swap3A_678], %mul3A_676 {strides = array<i32>} : memref<128x64xf32, #tpu.memory_space<vmem>>, vector<16xf32>,
          %get3A_680 = arith.index_cast %add3A_665 : i32 to index
          %get3A_681 = arith.constant 32 : index
          %get3A_682 = tpu.vector_load %arg13[%get3A_680, %get3A_681] {strides = array<i32>} : memref<128x64xf32, #tpu.memory_space<vmem>>, vector<16xf32>,
          %mul3A_683 = arith.mulf %get3A_682, %broadcast_in_dim3A_661 : vector<16xf32>
          %swap3A_684 = arith.index_cast %add3A_665 : i32 to index
          %swap3A_685 = arith.constant 32 : index
          %swap3A_686 = tpu.vector_load %arg13[%swap3A_684, %swap3A_685] {strides = array<i32>} : memref<128x64xf32, #tpu.memory_space<vmem>>, vector<16xf32>,
          tpu.vector_store %arg13[%swap3A_684, %swap3A_685], %mul3A_683 {strides = array<i32>} : memref<128x64xf32, #tpu.memory_space<vmem>>, vector<16xf32>,
          %get3A_687 = arith.index_cast %add3A_665 : i32 to index
          %get3A_688 = arith.constant 48 : index
          %get3A_689 = tpu.vector_load %arg13[%get3A_687, %get3A_688] {strides = array<i32>} : memref<128x64xf32, #tpu.memory_space<vmem>>, vector<16xf32>,
          %mul3A_690 = arith.mulf %get3A_689, %broadcast_in_dim3A_661 : vector<16xf32>
          %swap3A_691 = arith.index_cast %add3A_665 : i32 to index
          %swap3A_692 = arith.constant 48 : index
          %swap3A_693 = tpu.vector_load %arg13[%swap3A_691, %swap3A_692] {strides = array<i32>} : memref<128x64xf32, #tpu.memory_space<vmem>>, vector<16xf32>,
          tpu.vector_store %arg13[%swap3A_691, %swap3A_692], %mul3A_690 {strides = array<i32>} : memref<128x64xf32, #tpu.memory_space<vmem>>, vector<16xf32>,
          %slice3A_694 = vector.extract_strided_slice %get3A_171 {offsets = [15], sizes = [1], strides = [1]} : vector<16xf32> to vector<1xf32>
          %squeeze3A_695 = vector.extract %slice3A_694[0] : f32 from vector<1xf32>
          %broadcast_in_dim3A_696 = vector.broadcast %squeeze3A_695 : f32 to vector<16xf32>
          %mul3A_697 = arith.constant 16 : i32
          %mul3A_698 = arith.muli %scan3A_167, %mul3A_697 : i32
          %add3A_699 = arith.constant 15 : i32
          %add3A_700 = arith.addi %mul3A_698, %add3A_699 : i32
          %get3A_701 = arith.index_cast %add3A_700 : i32 to index
          %get3A_702 = arith.constant 0 : index
          %get3A_703 = tpu.vector_load %arg13[%get3A_701, %get3A_702] {strides = array<i32>} : memref<128x64xf32, #tpu.memory_space<vmem>>, vector<16xf32>,
          %mul3A_704 = arith.mulf %get3A_703, %broadcast_in_dim3A_696 : vector<16xf32>
          %swap3A_705 = arith.index_cast %add3A_700 : i32 to index
          %swap3A_706 = arith.constant 0 : index
          %swap3A_707 = tpu.vector_load %arg13[%swap3A_705, %swap3A_706] {strides = array<i32>} : memref<128x64xf32, #tpu.memory_space<vmem>>, vector<16xf32>,
          tpu.vector_store %arg13[%swap3A_705, %swap3A_706], %mul3A_704 {strides = array<i32>} : memref<128x64xf32, #tpu.memory_space<vmem>>, vector<16xf32>,
          %get3A_708 = arith.index_cast %add3A_700 : i32 to index
          %get3A_709 = arith.constant 16 : index
          %get3A_710 = tpu.vector_load %arg13[%get3A_708, %get3A_709] {strides = array<i32>} : memref<128x64xf32, #tpu.memory_space<vmem>>, vector<16xf32>,
          %mul3A_711 = arith.mulf %get3A_710, %broadcast_in_dim3A_696 : vector<16xf32>
          %swap3A_712 = arith.index_cast %add3A_700 : i32 to index
          %swap3A_713 = arith.constant 16 : index
          %swap3A_714 = tpu.vector_load %arg13[%swap3A_712, %swap3A_713] {strides = array<i32>} : memref<128x64xf32, #tpu.memory_space<vmem>>, vector<16xf32>,
          tpu.vector_store %arg13[%swap3A_712, %swap3A_713], %mul3A_711 {strides = array<i32>} : memref<128x64xf32, #tpu.memory_space<vmem>>, vector<16xf32>,
          %get3A_715 = arith.index_cast %add3A_700 : i32 to index
          %get3A_716 = arith.constant 32 : index
          %get3A_717 = tpu.vector_load %arg13[%get3A_715, %get3A_716] {strides = array<i32>} : memref<128x64xf32, #tpu.memory_space<vmem>>, vector<16xf32>,
          %mul3A_718 = arith.mulf %get3A_717, %broadcast_in_dim3A_696 : vector<16xf32>
          %swap3A_719 = arith.index_cast %add3A_700 : i32 to index
          %swap3A_720 = arith.constant 32 : index
          %swap3A_721 = tpu.vector_load %arg13[%swap3A_719, %swap3A_720] {strides = array<i32>} : memref<128x64xf32, #tpu.memory_space<vmem>>, vector<16xf32>,
          tpu.vector_store %arg13[%swap3A_719, %swap3A_720], %mul3A_718 {strides = array<i32>} : memref<128x64xf32, #tpu.memory_space<vmem>>, vector<16xf32>,
          %get3A_722 = arith.index_cast %add3A_700 : i32 to index
          %get3A_723 = arith.constant 48 : index
          %get3A_724 = tpu.vector_load %arg13[%get3A_722, %get3A_723] {strides = array<i32>} : memref<128x64xf32, #tpu.memory_space<vmem>>, vector<16xf32>,
          %mul3A_725 = arith.mulf %get3A_724, %broadcast_in_dim3A_696 : vector<16xf32>
          %swap3A_726 = arith.index_cast %add3A_700 : i32 to index
          %swap3A_727 = arith.constant 48 : index
          %swap3A_728 = tpu.vector_load %arg13[%swap3A_726, %swap3A_727] {strides = array<i32>} : memref<128x64xf32, #tpu.memory_space<vmem>>, vector<16xf32>,
          tpu.vector_store %arg13[%swap3A_726, %swap3A_727], %mul3A_725 {strides = array<i32>} : memref<128x64xf32, #tpu.memory_space<vmem>>, vector<16xf32>,
        }
        %scan3A_146 = arith.constant 8 : i32
        %dma_start3A_147 = arith.constant 0 : i32
        %dma_start3A_148 = tpu.memref_slice %arg10[%add3A_134, %dma_start3A_147] : memref<160x128xi32, #tpu.memory_space<vmem>> -> memref<1x128xi32, #tpu.memory_space<vmem>>
        %dma_start3A_149 = tpu.memref_squeeze %dma_start3A_148 : memref<1x128xi32, #tpu.memory_space<vmem>> -> memref<128xi32, #tpu.memory_space<vmem>>
        %dma_start3A_150 = arith.constant 0 : i32
        %dma_start3A_151 = arith.constant 0 : i32
        %dma_start3A_152 = tpu.memref_slice %arg15[%dma_start3A_150, %dma_start3A_151] : memref<10112x64xf32, #tpu.memory_space<vmem_shared>> -> memref<10112x64xf32, #tpu.memory_space<vmem_shared>>
        tpu.enqueue_indirect_dma source(%arg13 : memref<128x64xf32, #tpu.memory_space<vmem>>) target(%dma_start3A_152 : memref<10112x64xf32, #tpu.memory_space<vmem_shared>>) offsets(%dma_start3A_149 : memref<128xi32, #tpu.memory_space<vmem>>) semaphore(%arg19 : memref<!tpu.dma_semaphore, #tpu.memory_space<semaphore_mem>>) {add = true}
        %dma_wait3A_153 = arith.constant 0 : i32
        %dma_wait3A_154 = tpu.memref_slice %arg10[%add3A_134, %dma_wait3A_153] : memref<160x128xi32, #tpu.memory_space<vmem>> -> memref<1x128xi32, #tpu.memory_space<vmem>>
        %dma_wait3A_155 = tpu.memref_squeeze %dma_wait3A_154 : memref<1x128xi32, #tpu.memory_space<vmem>> -> memref<128xi32, #tpu.memory_space<vmem>>
        %dma_wait3A_156 = arith.constant 0 : i32
        %dma_wait3A_157 = arith.constant 0 : i32
        %dma_wait3A_158 = tpu.memref_slice %arg15[%dma_wait3A_156, %dma_wait3A_157] : memref<10112x64xf32, #tpu.memory_space<vmem_shared>> -> memref<10112x64xf32, #tpu.memory_space<vmem_shared>>
        tpu.wait_indirect_dma semaphore(%arg18 : memref<!tpu.dma_semaphore, #tpu.memory_space<semaphore_mem>>) src(%arg12 : memref<128x64xf32, #tpu.memory_space<vmem>>) dst(%dma_wait3A_158 : memref<10112x64xf32, #tpu.memory_space<vmem_shared>>)
        %add3A_159 = arith.constant 1 : i32
        %add3A_160 = arith.addi %add3A_134, %add3A_159 : i32
        %dma_start3A_161 = arith.constant 0 : i32
        %dma_start3A_162 = tpu.memref_slice %arg9[%add3A_160, %dma_start3A_161] : memref<160x128xi32, #tpu.memory_space<vmem>> -> memref<1x128xi32, #tpu.memory_space<vmem>>
        %dma_start3A_163 = tpu.memref_squeeze %dma_start3A_162 : memref<1x128xi32, #tpu.memory_space<vmem>> -> memref<128xi32, #tpu.memory_space<vmem>>
        %dma_start3A_164 = arith.constant 0 : i32
        %dma_start3A_165 = arith.constant 0 : i32
        %dma_start3A_166 = tpu.memref_slice %arg2[%dma_start3A_164, %dma_start3A_165] : memref<10000x64xf32, #tpu.memory_space<hbm>> -> memref<10000x64xf32, #tpu.memory_space<hbm>>
        tpu.enqueue_indirect_dma source(%dma_start3A_166 : memref<10000x64xf32, #tpu.memory_space<hbm>>) target(%arg12 : memref<128x64xf32, #tpu.memory_space<vmem>>) offsets(%dma_start3A_163 : memref<128xi32, #tpu.memory_space<vmem>>) semaphore(%arg16 : memref<!tpu.dma_semaphore, #tpu.memory_space<semaphore_mem>>)
      }
      %scan3A_84 = arith.constant 79 : i32
      %dma_wait3A = arith.constant 0 : i32
      %dma_wait3A_85 = arith.constant 0 : i32
      %dma_wait3A_86 = tpu.memref_slice %arg9[%dma_wait3A, %dma_wait3A_85] : memref<160x128xi32, #tpu.memory_space<vmem>> -> memref<1x128xi32, #tpu.memory_space<vmem>>
      %dma_wait3A_87 = tpu.memref_squeeze %dma_wait3A_86 : memref<1x128xi32, #tpu.memory_space<vmem>> -> memref<128xi32, #tpu.memory_space<vmem>>
      %dma_wait3A_88 = arith.constant 0 : i32
      %dma_wait3A_89 = arith.constant 0 : i32
      %dma_wait3A_90 = tpu.memref_slice %arg2[%dma_wait3A_88, %dma_wait3A_89] : memref<10000x64xf32, #tpu.memory_space<hbm>> -> memref<10000x64xf32, #tpu.memory_space<hbm>>
      tpu.wait_indirect_dma semaphore(%arg16 : memref<!tpu.dma_semaphore, #tpu.memory_space<semaphore_mem>>) src(%dma_wait3A_90 : memref<10000x64xf32, #tpu.memory_space<hbm>>) dst(%arg12 : memref<128x64xf32, #tpu.memory_space<vmem>>)
      %dma_wait3A_91 = arith.constant 0 : i32
      %dma_wait3A_92 = arith.constant 0 : i32
      %dma_wait3A_93 = tpu.memref_slice %arg10[%dma_wait3A_91, %dma_wait3A_92] : memref<160x128xi32, #tpu.memory_space<vmem>> -> memref<1x128xi32, #tpu.memory_space<vmem>>
      %dma_wait3A_94 = tpu.memref_squeeze %dma_wait3A_93 : memref<1x128xi32, #tpu.memory_space<vmem>> -> memref<128xi32, #tpu.memory_space<vmem>>
      %dma_wait3A_95 = arith.constant 0 : i32
      %dma_wait3A_96 = arith.constant 0 : i32
      %dma_wait3A_97 = tpu.memref_slice %arg15[%dma_wait3A_95, %dma_wait3A_96] : memref<10112x64xf32, #tpu.memory_space<vmem_shared>> -> memref<10112x64xf32, #tpu.memory_space<vmem_shared>>
      tpu.wait_indirect_dma semaphore(%arg19 : memref<!tpu.dma_semaphore, #tpu.memory_space<semaphore_mem>>) src(%arg13 : memref<128x64xf32, #tpu.memory_space<vmem>>) dst(%dma_wait3A_97 : memref<10112x64xf32, #tpu.memory_space<vmem_shared>>)
    } else {
    }
    %eq3A_26 = arith.constant 1 : i32
    %eq3A_27 = arith.cmpi eq, %arg0, %eq3A_26 : i32
    %convert_element_type3A_28 = arith.extui %eq3A_27 : i1 to i32
    %cond3A_29 = arith.constant 0 : i32
    %cond3A_30 = arith.cmpi ne, %convert_element_type3A_28, %cond3A_29 : i32
    scf.if %cond3A_30 {
      %dma_start3A = arith.constant 0 : i32
      %dma_start3A_66 = arith.constant 0 : i32
      %dma_start3A_67 = tpu.memref_slice %arg10[%dma_start3A, %dma_start3A_66] : memref<160x128xi32, #tpu.memory_space<vmem>> -> memref<1x128xi32, #tpu.memory_space<vmem>>
      %dma_start3A_68 = tpu.memref_squeeze %dma_start3A_67 : memref<1x128xi32, #tpu.memory_space<vmem>> -> memref<128xi32, #tpu.memory_space<vmem>>
      %dma_start3A_69 = arith.constant 0 : i32
      %dma_start3A_70 = arith.constant 0 : i32
      %dma_start3A_71 = tpu.memref_slice %arg15[%dma_start3A_69, %dma_start3A_70] : memref<10112x64xf32, #tpu.memory_space<vmem_shared>> -> memref<10112x64xf32, #tpu.memory_space<vmem_shared>>
      tpu.enqueue_indirect_dma source(%arg13 : memref<128x64xf32, #tpu.memory_space<vmem>>) target(%dma_start3A_71 : memref<10112x64xf32, #tpu.memory_space<vmem_shared>>) offsets(%dma_start3A_68 : memref<128xi32, #tpu.memory_space<vmem>>) semaphore(%arg19 : memref<!tpu.dma_semaphore, #tpu.memory_space<semaphore_mem>>) {add = true}
      %dma_start3A_72 = arith.constant 0 : i32
      %dma_start3A_73 = arith.constant 0 : i32
      %dma_start3A_74 = tpu.memref_slice %arg9[%dma_start3A_72, %dma_start3A_73] : memref<160x128xi32, #tpu.memory_space<vmem>> -> memref<1x128xi32, #tpu.memory_space<vmem>>
      %dma_start3A_75 = tpu.memref_squeeze %dma_start3A_74 : memref<1x128xi32, #tpu.memory_space<vmem>> -> memref<128xi32, #tpu.memory_space<vmem>>
      %dma_start3A_76 = arith.constant 0 : i32
      %dma_start3A_77 = arith.constant 0 : i32
      %dma_start3A_78 = tpu.memref_slice %arg3[%dma_start3A_76, %dma_start3A_77] : memref<10000x64xf32, #tpu.memory_space<hbm>> -> memref<10000x64xf32, #tpu.memory_space<hbm>>
      tpu.enqueue_indirect_dma source(%dma_start3A_78 : memref<10000x64xf32, #tpu.memory_space<hbm>>) target(%arg12 : memref<128x64xf32, #tpu.memory_space<vmem>>) offsets(%dma_start3A_75 : memref<128xi32, #tpu.memory_space<vmem>>) semaphore(%arg16 : memref<!tpu.dma_semaphore, #tpu.memory_space<semaphore_mem>>)
      %scan3A_79 = arith.constant 0 : i32
      %scan3A_80 = arith.constant 0 : i32
      %scan3A_81 = arith.constant 79 : i32
      %scan3A_82 = arith.addi %scan3A_80, %scan3A_81 : i32
      %scan3A_83 = arith.constant 1 : i32
      scf.for %scan3A_98 = %scan3A_80 to %scan3A_82 step %scan3A_83  : i32 {
        %mul3A_99 = arith.constant 2 : i32
        %mul3A_100 = arith.muli %mul3A_99, %scan3A_98 : i32
        %dma_wait3A_101 = arith.constant 0 : i32
        %dma_wait3A_102 = tpu.memref_slice %arg9[%mul3A_100, %dma_wait3A_101] : memref<160x128xi32, #tpu.memory_space<vmem>> -> memref<1x128xi32, #tpu.memory_space<vmem>>
        %dma_wait3A_103 = tpu.memref_squeeze %dma_wait3A_102 : memref<1x128xi32, #tpu.memory_space<vmem>> -> memref<128xi32, #tpu.memory_space<vmem>>
        %dma_wait3A_104 = arith.constant 0 : i32
        %dma_wait3A_105 = arith.constant 0 : i32
        %dma_wait3A_106 = tpu.memref_slice %arg3[%dma_wait3A_104, %dma_wait3A_105] : memref<10000x64xf32, #tpu.memory_space<hbm>> -> memref<10000x64xf32, #tpu.memory_space<hbm>>
        tpu.wait_indirect_dma semaphore(%arg16 : memref<!tpu.dma_semaphore, #tpu.memory_space<semaphore_mem>>) src(%dma_wait3A_106 : memref<10000x64xf32, #tpu.memory_space<hbm>>) dst(%arg12 : memref<128x64xf32, #tpu.memory_space<vmem>>)
        %scan3A_107 = arith.constant 0 : i32
        %scan3A_108 = arith.constant 0 : i32
        %scan3A_109 = arith.constant 8 : i32
        %scan3A_110 = arith.addi %scan3A_108, %scan3A_109 : i32
        %scan3A_111 = arith.constant 1 : i32
        scf.for %scan3A_167 = %scan3A_108 to %scan3A_110 step %scan3A_111  : i32 {
          %mul3A_168 = arith.constant 16 : i32
          %mul3A_169 = arith.muli %scan3A_167, %mul3A_168 : i32
          %get3A = arith.index_cast %mul3A_100 : i32 to index
          %get3A_170 = arith.index_cast %mul3A_169 : i32 to index
          %get3A_171 = tpu.vector_load %arg11[%get3A, %get3A_170] {strides = array<i32>} : memref<160x128xf32, #tpu.memory_space<vmem>>, vector<16xf32>,
          %slice3A = vector.extract_strided_slice %get3A_171 {offsets = [0], sizes = [1], strides = [1]} : vector<16xf32> to vector<1xf32>
          %squeeze3A = vector.extract %slice3A[0] : f32 from vector<1xf32>
          %broadcast_in_dim3A_172 = vector.broadcast %squeeze3A : f32 to vector<16xf32>
          %mul3A_173 = arith.constant 16 : i32
          %mul3A_174 = arith.muli %scan3A_167, %mul3A_173 : i32
          %add3A_175 = arith.constant 0 : i32
          %add3A_176 = arith.addi %mul3A_174, %add3A_175 : i32
          %get3A_177 = arith.index_cast %add3A_176 : i32 to index
          %get3A_178 = arith.constant 0 : index
          %get3A_179 = tpu.vector_load %arg12[%get3A_177, %get3A_178] {strides = array<i32>} : memref<128x64xf32, #tpu.memory_space<vmem>>, vector<16xf32>,
          %mul3A_180 = arith.mulf %get3A_179, %broadcast_in_dim3A_172 : vector<16xf32>
          %swap3A = arith.index_cast %add3A_176 : i32 to index
          %swap3A_181 = arith.constant 0 : index
          %swap3A_182 = tpu.vector_load %arg12[%swap3A, %swap3A_181] {strides = array<i32>} : memref<128x64xf32, #tpu.memory_space<vmem>>, vector<16xf32>,
          tpu.vector_store %arg12[%swap3A, %swap3A_181], %mul3A_180 {strides = array<i32>} : memref<128x64xf32, #tpu.memory_space<vmem>>, vector<16xf32>,
          %get3A_183 = arith.index_cast %add3A_176 : i32 to index
          %get3A_184 = arith.constant 16 : index
          %get3A_185 = tpu.vector_load %arg12[%get3A_183, %get3A_184] {strides = array<i32>} : memref<128x64xf32, #tpu.memory_space<vmem>>, vector<16xf32>,
          %mul3A_186 = arith.mulf %get3A_185, %broadcast_in_dim3A_172 : vector<16xf32>
          %swap3A_187 = arith.index_cast %add3A_176 : i32 to index
          %swap3A_188 = arith.constant 16 : index
          %swap3A_189 = tpu.vector_load %arg12[%swap3A_187, %swap3A_188] {strides = array<i32>} : memref<128x64xf32, #tpu.memory_space<vmem>>, vector<16xf32>,
          tpu.vector_store %arg12[%swap3A_187, %swap3A_188], %mul3A_186 {strides = array<i32>} : memref<128x64xf32, #tpu.memory_space<vmem>>, vector<16xf32>,
          %get3A_190 = arith.index_cast %add3A_176 : i32 to index
          %get3A_191 = arith.constant 32 : index
          %get3A_192 = tpu.vector_load %arg12[%get3A_190, %get3A_191] {strides = array<i32>} : memref<128x64xf32, #tpu.memory_space<vmem>>, vector<16xf32>,
          %mul3A_193 = arith.mulf %get3A_192, %broadcast_in_dim3A_172 : vector<16xf32>
          %swap3A_194 = arith.index_cast %add3A_176 : i32 to index
          %swap3A_195 = arith.constant 32 : index
          %swap3A_196 = tpu.vector_load %arg12[%swap3A_194, %swap3A_195] {strides = array<i32>} : memref<128x64xf32, #tpu.memory_space<vmem>>, vector<16xf32>,
          tpu.vector_store %arg12[%swap3A_194, %swap3A_195], %mul3A_193 {strides = array<i32>} : memref<128x64xf32, #tpu.memory_space<vmem>>, vector<16xf32>,
          %get3A_197 = arith.index_cast %add3A_176 : i32 to index
          %get3A_198 = arith.constant 48 : index
          %get3A_199 = tpu.vector_load %arg12[%get3A_197, %get3A_198] {strides = array<i32>} : memref<128x64xf32, #tpu.memory_space<vmem>>, vector<16xf32>,
          %mul3A_200 = arith.mulf %get3A_199, %broadcast_in_dim3A_172 : vector<16xf32>
          %swap3A_201 = arith.index_cast %add3A_176 : i32 to index
          %swap3A_202 = arith.constant 48 : index
          %swap3A_203 = tpu.vector_load %arg12[%swap3A_201, %swap3A_202] {strides = array<i32>} : memref<128x64xf32, #tpu.memory_space<vmem>>, vector<16xf32>,
          tpu.vector_store %arg12[%swap3A_201, %swap3A_202], %mul3A_200 {strides = array<i32>} : memref<128x64xf32, #tpu.memory_space<vmem>>, vector<16xf32>,
          %slice3A_204 = vector.extract_strided_slice %get3A_171 {offsets = [1], sizes = [1], strides = [1]} : vector<16xf32> to vector<1xf32>
          %squeeze3A_205 = vector.extract %slice3A_204[0] : f32 from vector<1xf32>
          %broadcast_in_dim3A_206 = vector.broadcast %squeeze3A_205 : f32 to vector<16xf32>
          %mul3A_207 = arith.constant 16 : i32
          %mul3A_208 = arith.muli %scan3A_167, %mul3A_207 : i32
          %add3A_209 = arith.constant 1 : i32
          %add3A_210 = arith.addi %mul3A_208, %add3A_209 : i32
          %get3A_211 = arith.index_cast %add3A_210 : i32 to index
          %get3A_212 = arith.constant 0 : index
          %get3A_213 = tpu.vector_load %arg12[%get3A_211, %get3A_212] {strides = array<i32>} : memref<128x64xf32, #tpu.memory_space<vmem>>, vector<16xf32>,
          %mul3A_214 = arith.mulf %get3A_213, %broadcast_in_dim3A_206 : vector<16xf32>
          %swap3A_215 = arith.index_cast %add3A_210 : i32 to index
          %swap3A_216 = arith.constant 0 : index
          %swap3A_217 = tpu.vector_load %arg12[%swap3A_215, %swap3A_216] {strides = array<i32>} : memref<128x64xf32, #tpu.memory_space<vmem>>, vector<16xf32>,
          tpu.vector_store %arg12[%swap3A_215, %swap3A_216], %mul3A_214 {strides = array<i32>} : memref<128x64xf32, #tpu.memory_space<vmem>>, vector<16xf32>,
          %get3A_218 = arith.index_cast %add3A_210 : i32 to index
          %get3A_219 = arith.constant 16 : index
          %get3A_220 = tpu.vector_load %arg12[%get3A_218, %get3A_219] {strides = array<i32>} : memref<128x64xf32, #tpu.memory_space<vmem>>, vector<16xf32>,
          %mul3A_221 = arith.mulf %get3A_220, %broadcast_in_dim3A_206 : vector<16xf32>
          %swap3A_222 = arith.index_cast %add3A_210 : i32 to index
          %swap3A_223 = arith.constant 16 : index
          %swap3A_224 = tpu.vector_load %arg12[%swap3A_222, %swap3A_223] {strides = array<i32>} : memref<128x64xf32, #tpu.memory_space<vmem>>, vector<16xf32>,
          tpu.vector_store %arg12[%swap3A_222, %swap3A_223], %mul3A_221 {strides = array<i32>} : memref<128x64xf32, #tpu.memory_space<vmem>>, vector<16xf32>,
          %get3A_225 = arith.index_cast %add3A_210 : i32 to index
          %get3A_226 = arith.constant 32 : index
          %get3A_227 = tpu.vector_load %arg12[%get3A_225, %get3A_226] {strides = array<i32>} : memref<128x64xf32, #tpu.memory_space<vmem>>, vector<16xf32>,
          %mul3A_228 = arith.mulf %get3A_227, %broadcast_in_dim3A_206 : vector<16xf32>
          %swap3A_229 = arith.index_cast %add3A_210 : i32 to index
          %swap3A_230 = arith.constant 32 : index
          %swap3A_231 = tpu.vector_load %arg12[%swap3A_229, %swap3A_230] {strides = array<i32>} : memref<128x64xf32, #tpu.memory_space<vmem>>, vector<16xf32>,
          tpu.vector_store %arg12[%swap3A_229, %swap3A_230], %mul3A_228 {strides = array<i32>} : memref<128x64xf32, #tpu.memory_space<vmem>>, vector<16xf32>,
          %get3A_232 = arith.index_cast %add3A_210 : i32 to index
          %get3A_233 = arith.constant 48 : index
          %get3A_234 = tpu.vector_load %arg12[%get3A_232, %get3A_233] {strides = array<i32>} : memref<128x64xf32, #tpu.memory_space<vmem>>, vector<16xf32>,
          %mul3A_235 = arith.mulf %get3A_234, %broadcast_in_dim3A_206 : vector<16xf32>
          %swap3A_236 = arith.index_cast %add3A_210 : i32 to index
          %swap3A_237 = arith.constant 48 : index
          %swap3A_238 = tpu.vector_load %arg12[%swap3A_236, %swap3A_237] {strides = array<i32>} : memref<128x64xf32, #tpu.memory_space<vmem>>, vector<16xf32>,
          tpu.vector_store %arg12[%swap3A_236, %swap3A_237], %mul3A_235 {strides = array<i32>} : memref<128x64xf32, #tpu.memory_space<vmem>>, vector<16xf32>,
          %slice3A_239 = vector.extract_strided_slice %get3A_171 {offsets = [2], sizes = [1], strides = [1]} : vector<16xf32> to vector<1xf32>
          %squeeze3A_240 = vector.extract %slice3A_239[0] : f32 from vector<1xf32>
          %broadcast_in_dim3A_241 = vector.broadcast %squeeze3A_240 : f32 to vector<16xf32>
          %mul3A_242 = arith.constant 16 : i32
          %mul3A_243 = arith.muli %scan3A_167, %mul3A_242 : i32
          %add3A_244 = arith.constant 2 : i32
          %add3A_245 = arith.addi %mul3A_243, %add3A_244 : i32
          %get3A_246 = arith.index_cast %add3A_245 : i32 to index
          %get3A_247 = arith.constant 0 : index
          %get3A_248 = tpu.vector_load %arg12[%get3A_246, %get3A_247] {strides = array<i32>} : memref<128x64xf32, #tpu.memory_space<vmem>>, vector<16xf32>,
          %mul3A_249 = arith.mulf %get3A_248, %broadcast_in_dim3A_241 : vector<16xf32>
          %swap3A_250 = arith.index_cast %add3A_245 : i32 to index
          %swap3A_251 = arith.constant 0 : index
          %swap3A_252 = tpu.vector_load %arg12[%swap3A_250, %swap3A_251] {strides = array<i32>} : memref<128x64xf32, #tpu.memory_space<vmem>>, vector<16xf32>,
          tpu.vector_store %arg12[%swap3A_250, %swap3A_251], %mul3A_249 {strides = array<i32>} : memref<128x64xf32, #tpu.memory_space<vmem>>, vector<16xf32>,
          %get3A_253 = arith.index_cast %add3A_245 : i32 to index
          %get3A_254 = arith.constant 16 : index
          %get3A_255 = tpu.vector_load %arg12[%get3A_253, %get3A_254] {strides = array<i32>} : memref<128x64xf32, #tpu.memory_space<vmem>>, vector<16xf32>,
          %mul3A_256 = arith.mulf %get3A_255, %broadcast_in_dim3A_241 : vector<16xf32>
          %swap3A_257 = arith.index_cast %add3A_245 : i32 to index
          %swap3A_258 = arith.constant 16 : index
          %swap3A_259 = tpu.vector_load %arg12[%swap3A_257, %swap3A_258] {strides = array<i32>} : memref<128x64xf32, #tpu.memory_space<vmem>>, vector<16xf32>,
          tpu.vector_store %arg12[%swap3A_257, %swap3A_258], %mul3A_256 {strides = array<i32>} : memref<128x64xf32, #tpu.memory_space<vmem>>, vector<16xf32>,
          %get3A_260 = arith.index_cast %add3A_245 : i32 to index
          %get3A_261 = arith.constant 32 : index
          %get3A_262 = tpu.vector_load %arg12[%get3A_260, %get3A_261] {strides = array<i32>} : memref<128x64xf32, #tpu.memory_space<vmem>>, vector<16xf32>,
          %mul3A_263 = arith.mulf %get3A_262, %broadcast_in_dim3A_241 : vector<16xf32>
          %swap3A_264 = arith.index_cast %add3A_245 : i32 to index
          %swap3A_265 = arith.constant 32 : index
          %swap3A_266 = tpu.vector_load %arg12[%swap3A_264, %swap3A_265] {strides = array<i32>} : memref<128x64xf32, #tpu.memory_space<vmem>>, vector<16xf32>,
          tpu.vector_store %arg12[%swap3A_264, %swap3A_265], %mul3A_263 {strides = array<i32>} : memref<128x64xf32, #tpu.memory_space<vmem>>, vector<16xf32>,
          %get3A_267 = arith.index_cast %add3A_245 : i32 to index
          %get3A_268 = arith.constant 48 : index
          %get3A_269 = tpu.vector_load %arg12[%get3A_267, %get3A_268] {strides = array<i32>} : memref<128x64xf32, #tpu.memory_space<vmem>>, vector<16xf32>,
          %mul3A_270 = arith.mulf %get3A_269, %broadcast_in_dim3A_241 : vector<16xf32>
          %swap3A_271 = arith.index_cast %add3A_245 : i32 to index
          %swap3A_272 = arith.constant 48 : index
          %swap3A_273 = tpu.vector_load %arg12[%swap3A_271, %swap3A_272] {strides = array<i32>} : memref<128x64xf32, #tpu.memory_space<vmem>>, vector<16xf32>,
          tpu.vector_store %arg12[%swap3A_271, %swap3A_272], %mul3A_270 {strides = array<i32>} : memref<128x64xf32, #tpu.memory_space<vmem>>, vector<16xf32>,
          %slice3A_274 = vector.extract_strided_slice %get3A_171 {offsets = [3], sizes = [1], strides = [1]} : vector<16xf32> to vector<1xf32>
          %squeeze3A_275 = vector.extract %slice3A_274[0] : f32 from vector<1xf32>
          %broadcast_in_dim3A_276 = vector.broadcast %squeeze3A_275 : f32 to vector<16xf32>
          %mul3A_277 = arith.constant 16 : i32
          %mul3A_278 = arith.muli %scan3A_167, %mul3A_277 : i32
          %add3A_279 = arith.constant 3 : i32
          %add3A_280 = arith.addi %mul3A_278, %add3A_279 : i32
          %get3A_281 = arith.index_cast %add3A_280 : i32 to index
          %get3A_282 = arith.constant 0 : index
          %get3A_283 = tpu.vector_load %arg12[%get3A_281, %get3A_282] {strides = array<i32>} : memref<128x64xf32, #tpu.memory_space<vmem>>, vector<16xf32>,
          %mul3A_284 = arith.mulf %get3A_283, %broadcast_in_dim3A_276 : vector<16xf32>
          %swap3A_285 = arith.index_cast %add3A_280 : i32 to index
          %swap3A_286 = arith.constant 0 : index
          %swap3A_287 = tpu.vector_load %arg12[%swap3A_285, %swap3A_286] {strides = array<i32>} : memref<128x64xf32, #tpu.memory_space<vmem>>, vector<16xf32>,
          tpu.vector_store %arg12[%swap3A_285, %swap3A_286], %mul3A_284 {strides = array<i32>} : memref<128x64xf32, #tpu.memory_space<vmem>>, vector<16xf32>,
          %get3A_288 = arith.index_cast %add3A_280 : i32 to index
          %get3A_289 = arith.constant 16 : index
          %get3A_290 = tpu.vector_load %arg12[%get3A_288, %get3A_289] {strides = array<i32>} : memref<128x64xf32, #tpu.memory_space<vmem>>, vector<16xf32>,
          %mul3A_291 = arith.mulf %get3A_290, %broadcast_in_dim3A_276 : vector<16xf32>
          %swap3A_292 = arith.index_cast %add3A_280 : i32 to index
          %swap3A_293 = arith.constant 16 : index
          %swap3A_294 = tpu.vector_load %arg12[%swap3A_292, %swap3A_293] {strides = array<i32>} : memref<128x64xf32, #tpu.memory_space<vmem>>, vector<16xf32>,
          tpu.vector_store %arg12[%swap3A_292, %swap3A_293], %mul3A_291 {strides = array<i32>} : memref<128x64xf32, #tpu.memory_space<vmem>>, vector<16xf32>,
          %get3A_295 = arith.index_cast %add3A_280 : i32 to index
          %get3A_296 = arith.constant 32 : index
          %get3A_297 = tpu.vector_load %arg12[%get3A_295, %get3A_296] {strides = array<i32>} : memref<128x64xf32, #tpu.memory_space<vmem>>, vector<16xf32>,
          %mul3A_298 = arith.mulf %get3A_297, %broadcast_in_dim3A_276 : vector<16xf32>
          %swap3A_299 = arith.index_cast %add3A_280 : i32 to index
          %swap3A_300 = arith.constant 32 : index
          %swap3A_301 = tpu.vector_load %arg12[%swap3A_299, %swap3A_300] {strides = array<i32>} : memref<128x64xf32, #tpu.memory_space<vmem>>, vector<16xf32>,
          tpu.vector_store %arg12[%swap3A_299, %swap3A_300], %mul3A_298 {strides = array<i32>} : memref<128x64xf32, #tpu.memory_space<vmem>>, vector<16xf32>,
          %get3A_302 = arith.index_cast %add3A_280 : i32 to index
          %get3A_303 = arith.constant 48 : index
          %get3A_304 = tpu.vector_load %arg12[%get3A_302, %get3A_303] {strides = array<i32>} : memref<128x64xf32, #tpu.memory_space<vmem>>, vector<16xf32>,
          %mul3A_305 = arith.mulf %get3A_304, %broadcast_in_dim3A_276 : vector<16xf32>
          %swap3A_306 = arith.index_cast %add3A_280 : i32 to index
          %swap3A_307 = arith.constant 48 : index
          %swap3A_308 = tpu.vector_load %arg12[%swap3A_306, %swap3A_307] {strides = array<i32>} : memref<128x64xf32, #tpu.memory_space<vmem>>, vector<16xf32>,
          tpu.vector_store %arg12[%swap3A_306, %swap3A_307], %mul3A_305 {strides = array<i32>} : memref<128x64xf32, #tpu.memory_space<vmem>>, vector<16xf32>,
          %slice3A_309 = vector.extract_strided_slice %get3A_171 {offsets = [4], sizes = [1], strides = [1]} : vector<16xf32> to vector<1xf32>
          %squeeze3A_310 = vector.extract %slice3A_309[0] : f32 from vector<1xf32>
          %broadcast_in_dim3A_311 = vector.broadcast %squeeze3A_310 : f32 to vector<16xf32>
          %mul3A_312 = arith.constant 16 : i32
          %mul3A_313 = arith.muli %scan3A_167, %mul3A_312 : i32
          %add3A_314 = arith.constant 4 : i32
          %add3A_315 = arith.addi %mul3A_313, %add3A_314 : i32
          %get3A_316 = arith.index_cast %add3A_315 : i32 to index
          %get3A_317 = arith.constant 0 : index
          %get3A_318 = tpu.vector_load %arg12[%get3A_316, %get3A_317] {strides = array<i32>} : memref<128x64xf32, #tpu.memory_space<vmem>>, vector<16xf32>,
          %mul3A_319 = arith.mulf %get3A_318, %broadcast_in_dim3A_311 : vector<16xf32>
          %swap3A_320 = arith.index_cast %add3A_315 : i32 to index
          %swap3A_321 = arith.constant 0 : index
          %swap3A_322 = tpu.vector_load %arg12[%swap3A_320, %swap3A_321] {strides = array<i32>} : memref<128x64xf32, #tpu.memory_space<vmem>>, vector<16xf32>,
          tpu.vector_store %arg12[%swap3A_320, %swap3A_321], %mul3A_319 {strides = array<i32>} : memref<128x64xf32, #tpu.memory_space<vmem>>, vector<16xf32>,
          %get3A_323 = arith.index_cast %add3A_315 : i32 to index
          %get3A_324 = arith.constant 16 : index
          %get3A_325 = tpu.vector_load %arg12[%get3A_323, %get3A_324] {strides = array<i32>} : memref<128x64xf32, #tpu.memory_space<vmem>>, vector<16xf32>,
          %mul3A_326 = arith.mulf %get3A_325, %broadcast_in_dim3A_311 : vector<16xf32>
          %swap3A_327 = arith.index_cast %add3A_315 : i32 to index
          %swap3A_328 = arith.constant 16 : index
          %swap3A_329 = tpu.vector_load %arg12[%swap3A_327, %swap3A_328] {strides = array<i32>} : memref<128x64xf32, #tpu.memory_space<vmem>>, vector<16xf32>,
          tpu.vector_store %arg12[%swap3A_327, %swap3A_328], %mul3A_326 {strides = array<i32>} : memref<128x64xf32, #tpu.memory_space<vmem>>, vector<16xf32>,
          %get3A_330 = arith.index_cast %add3A_315 : i32 to index
          %get3A_331 = arith.constant 32 : index
          %get3A_332 = tpu.vector_load %arg12[%get3A_330, %get3A_331] {strides = array<i32>} : memref<128x64xf32, #tpu.memory_space<vmem>>, vector<16xf32>,
          %mul3A_333 = arith.mulf %get3A_332, %broadcast_in_dim3A_311 : vector<16xf32>
          %swap3A_334 = arith.index_cast %add3A_315 : i32 to index
          %swap3A_335 = arith.constant 32 : index
          %swap3A_336 = tpu.vector_load %arg12[%swap3A_334, %swap3A_335] {strides = array<i32>} : memref<128x64xf32, #tpu.memory_space<vmem>>, vector<16xf32>,
          tpu.vector_store %arg12[%swap3A_334, %swap3A_335], %mul3A_333 {strides = array<i32>} : memref<128x64xf32, #tpu.memory_space<vmem>>, vector<16xf32>,
          %get3A_337 = arith.index_cast %add3A_315 : i32 to index
          %get3A_338 = arith.constant 48 : index
          %get3A_339 = tpu.vector_load %arg12[%get3A_337, %get3A_338] {strides = array<i32>} : memref<128x64xf32, #tpu.memory_space<vmem>>, vector<16xf32>,
          %mul3A_340 = arith.mulf %get3A_339, %broadcast_in_dim3A_311 : vector<16xf32>
          %swap3A_341 = arith.index_cast %add3A_315 : i32 to index
          %swap3A_342 = arith.constant 48 : index
          %swap3A_343 = tpu.vector_load %arg12[%swap3A_341, %swap3A_342] {strides = array<i32>} : memref<128x64xf32, #tpu.memory_space<vmem>>, vector<16xf32>,
          tpu.vector_store %arg12[%swap3A_341, %swap3A_342], %mul3A_340 {strides = array<i32>} : memref<128x64xf32, #tpu.memory_space<vmem>>, vector<16xf32>,
          %slice3A_344 = vector.extract_strided_slice %get3A_171 {offsets = [5], sizes = [1], strides = [1]} : vector<16xf32> to vector<1xf32>
          %squeeze3A_345 = vector.extract %slice3A_344[0] : f32 from vector<1xf32>
          %broadcast_in_dim3A_346 = vector.broadcast %squeeze3A_345 : f32 to vector<16xf32>
          %mul3A_347 = arith.constant 16 : i32
          %mul3A_348 = arith.muli %scan3A_167, %mul3A_347 : i32
          %add3A_349 = arith.constant 5 : i32
          %add3A_350 = arith.addi %mul3A_348, %add3A_349 : i32
          %get3A_351 = arith.index_cast %add3A_350 : i32 to index
          %get3A_352 = arith.constant 0 : index
          %get3A_353 = tpu.vector_load %arg12[%get3A_351, %get3A_352] {strides = array<i32>} : memref<128x64xf32, #tpu.memory_space<vmem>>, vector<16xf32>,
          %mul3A_354 = arith.mulf %get3A_353, %broadcast_in_dim3A_346 : vector<16xf32>
          %swap3A_355 = arith.index_cast %add3A_350 : i32 to index
          %swap3A_356 = arith.constant 0 : index
          %swap3A_357 = tpu.vector_load %arg12[%swap3A_355, %swap3A_356] {strides = array<i32>} : memref<128x64xf32, #tpu.memory_space<vmem>>, vector<16xf32>,
          tpu.vector_store %arg12[%swap3A_355, %swap3A_356], %mul3A_354 {strides = array<i32>} : memref<128x64xf32, #tpu.memory_space<vmem>>, vector<16xf32>,
          %get3A_358 = arith.index_cast %add3A_350 : i32 to index
          %get3A_359 = arith.constant 16 : index
          %get3A_360 = tpu.vector_load %arg12[%get3A_358, %get3A_359] {strides = array<i32>} : memref<128x64xf32, #tpu.memory_space<vmem>>, vector<16xf32>,
          %mul3A_361 = arith.mulf %get3A_360, %broadcast_in_dim3A_346 : vector<16xf32>
          %swap3A_362 = arith.index_cast %add3A_350 : i32 to index
          %swap3A_363 = arith.constant 16 : index
          %swap3A_364 = tpu.vector_load %arg12[%swap3A_362, %swap3A_363] {strides = array<i32>} : memref<128x64xf32, #tpu.memory_space<vmem>>, vector<16xf32>,
          tpu.vector_store %arg12[%swap3A_362, %swap3A_363], %mul3A_361 {strides = array<i32>} : memref<128x64xf32, #tpu.memory_space<vmem>>, vector<16xf32>,
          %get3A_365 = arith.index_cast %add3A_350 : i32 to index
          %get3A_366 = arith.constant 32 : index
          %get3A_367 = tpu.vector_load %arg12[%get3A_365, %get3A_366] {strides = array<i32>} : memref<128x64xf32, #tpu.memory_space<vmem>>, vector<16xf32>,
          %mul3A_368 = arith.mulf %get3A_367, %broadcast_in_dim3A_346 : vector<16xf32>
          %swap3A_369 = arith.index_cast %add3A_350 : i32 to index
          %swap3A_370 = arith.constant 32 : index
          %swap3A_371 = tpu.vector_load %arg12[%swap3A_369, %swap3A_370] {strides = array<i32>} : memref<128x64xf32, #tpu.memory_space<vmem>>, vector<16xf32>,
          tpu.vector_store %arg12[%swap3A_369, %swap3A_370], %mul3A_368 {strides = array<i32>} : memref<128x64xf32, #tpu.memory_space<vmem>>, vector<16xf32>,
          %get3A_372 = arith.index_cast %add3A_350 : i32 to index
          %get3A_373 = arith.constant 48 : index
          %get3A_374 = tpu.vector_load %arg12[%get3A_372, %get3A_373] {strides = array<i32>} : memref<128x64xf32, #tpu.memory_space<vmem>>, vector<16xf32>,
          %mul3A_375 = arith.mulf %get3A_374, %broadcast_in_dim3A_346 : vector<16xf32>
          %swap3A_376 = arith.index_cast %add3A_350 : i32 to index
          %swap3A_377 = arith.constant 48 : index
          %swap3A_378 = tpu.vector_load %arg12[%swap3A_376, %swap3A_377] {strides = array<i32>} : memref<128x64xf32, #tpu.memory_space<vmem>>, vector<16xf32>,
          tpu.vector_store %arg12[%swap3A_376, %swap3A_377], %mul3A_375 {strides = array<i32>} : memref<128x64xf32, #tpu.memory_space<vmem>>, vector<16xf32>,
          %slice3A_379 = vector.extract_strided_slice %get3A_171 {offsets = [6], sizes = [1], strides = [1]} : vector<16xf32> to vector<1xf32>
          %squeeze3A_380 = vector.extract %slice3A_379[0] : f32 from vector<1xf32>
          %broadcast_in_dim3A_381 = vector.broadcast %squeeze3A_380 : f32 to vector<16xf32>
          %mul3A_382 = arith.constant 16 : i32
          %mul3A_383 = arith.muli %scan3A_167, %mul3A_382 : i32
          %add3A_384 = arith.constant 6 : i32
          %add3A_385 = arith.addi %mul3A_383, %add3A_384 : i32
          %get3A_386 = arith.index_cast %add3A_385 : i32 to index
          %get3A_387 = arith.constant 0 : index
          %get3A_388 = tpu.vector_load %arg12[%get3A_386, %get3A_387] {strides = array<i32>} : memref<128x64xf32, #tpu.memory_space<vmem>>, vector<16xf32>,
          %mul3A_389 = arith.mulf %get3A_388, %broadcast_in_dim3A_381 : vector<16xf32>
          %swap3A_390 = arith.index_cast %add3A_385 : i32 to index
          %swap3A_391 = arith.constant 0 : index
          %swap3A_392 = tpu.vector_load %arg12[%swap3A_390, %swap3A_391] {strides = array<i32>} : memref<128x64xf32, #tpu.memory_space<vmem>>, vector<16xf32>,
          tpu.vector_store %arg12[%swap3A_390, %swap3A_391], %mul3A_389 {strides = array<i32>} : memref<128x64xf32, #tpu.memory_space<vmem>>, vector<16xf32>,
          %get3A_393 = arith.index_cast %add3A_385 : i32 to index
          %get3A_394 = arith.constant 16 : index
          %get3A_395 = tpu.vector_load %arg12[%get3A_393, %get3A_394] {strides = array<i32>} : memref<128x64xf32, #tpu.memory_space<vmem>>, vector<16xf32>,
          %mul3A_396 = arith.mulf %get3A_395, %broadcast_in_dim3A_381 : vector<16xf32>
          %swap3A_397 = arith.index_cast %add3A_385 : i32 to index
          %swap3A_398 = arith.constant 16 : index
          %swap3A_399 = tpu.vector_load %arg12[%swap3A_397, %swap3A_398] {strides = array<i32>} : memref<128x64xf32, #tpu.memory_space<vmem>>, vector<16xf32>,
          tpu.vector_store %arg12[%swap3A_397, %swap3A_398], %mul3A_396 {strides = array<i32>} : memref<128x64xf32, #tpu.memory_space<vmem>>, vector<16xf32>,
          %get3A_400 = arith.index_cast %add3A_385 : i32 to index
          %get3A_401 = arith.constant 32 : index
          %get3A_402 = tpu.vector_load %arg12[%get3A_400, %get3A_401] {strides = array<i32>} : memref<128x64xf32, #tpu.memory_space<vmem>>, vector<16xf32>,
          %mul3A_403 = arith.mulf %get3A_402, %broadcast_in_dim3A_381 : vector<16xf32>
          %swap3A_404 = arith.index_cast %add3A_385 : i32 to index
          %swap3A_405 = arith.constant 32 : index
          %swap3A_406 = tpu.vector_load %arg12[%swap3A_404, %swap3A_405] {strides = array<i32>} : memref<128x64xf32, #tpu.memory_space<vmem>>, vector<16xf32>,
          tpu.vector_store %arg12[%swap3A_404, %swap3A_405], %mul3A_403 {strides = array<i32>} : memref<128x64xf32, #tpu.memory_space<vmem>>, vector<16xf32>,
          %get3A_407 = arith.index_cast %add3A_385 : i32 to index
          %get3A_408 = arith.constant 48 : index
          %get3A_409 = tpu.vector_load %arg12[%get3A_407, %get3A_408] {strides = array<i32>} : memref<128x64xf32, #tpu.memory_space<vmem>>, vector<16xf32>,
          %mul3A_410 = arith.mulf %get3A_409, %broadcast_in_dim3A_381 : vector<16xf32>
          %swap3A_411 = arith.index_cast %add3A_385 : i32 to index
          %swap3A_412 = arith.constant 48 : index
          %swap3A_413 = tpu.vector_load %arg12[%swap3A_411, %swap3A_412] {strides = array<i32>} : memref<128x64xf32, #tpu.memory_space<vmem>>, vector<16xf32>,
          tpu.vector_store %arg12[%swap3A_411, %swap3A_412], %mul3A_410 {strides = array<i32>} : memref<128x64xf32, #tpu.memory_space<vmem>>, vector<16xf32>,
          %slice3A_414 = vector.extract_strided_slice %get3A_171 {offsets = [7], sizes = [1], strides = [1]} : vector<16xf32> to vector<1xf32>
          %squeeze3A_415 = vector.extract %slice3A_414[0] : f32 from vector<1xf32>
          %broadcast_in_dim3A_416 = vector.broadcast %squeeze3A_415 : f32 to vector<16xf32>
          %mul3A_417 = arith.constant 16 : i32
          %mul3A_418 = arith.muli %scan3A_167, %mul3A_417 : i32
          %add3A_419 = arith.constant 7 : i32
          %add3A_420 = arith.addi %mul3A_418, %add3A_419 : i32
          %get3A_421 = arith.index_cast %add3A_420 : i32 to index
          %get3A_422 = arith.constant 0 : index
          %get3A_423 = tpu.vector_load %arg12[%get3A_421, %get3A_422] {strides = array<i32>} : memref<128x64xf32, #tpu.memory_space<vmem>>, vector<16xf32>,
          %mul3A_424 = arith.mulf %get3A_423, %broadcast_in_dim3A_416 : vector<16xf32>
          %swap3A_425 = arith.index_cast %add3A_420 : i32 to index
          %swap3A_426 = arith.constant 0 : index
          %swap3A_427 = tpu.vector_load %arg12[%swap3A_425, %swap3A_426] {strides = array<i32>} : memref<128x64xf32, #tpu.memory_space<vmem>>, vector<16xf32>,
          tpu.vector_store %arg12[%swap3A_425, %swap3A_426], %mul3A_424 {strides = array<i32>} : memref<128x64xf32, #tpu.memory_space<vmem>>, vector<16xf32>,
          %get3A_428 = arith.index_cast %add3A_420 : i32 to index
          %get3A_429 = arith.constant 16 : index
          %get3A_430 = tpu.vector_load %arg12[%get3A_428, %get3A_429] {strides = array<i32>} : memref<128x64xf32, #tpu.memory_space<vmem>>, vector<16xf32>,
          %mul3A_431 = arith.mulf %get3A_430, %broadcast_in_dim3A_416 : vector<16xf32>
          %swap3A_432 = arith.index_cast %add3A_420 : i32 to index
          %swap3A_433 = arith.constant 16 : index
          %swap3A_434 = tpu.vector_load %arg12[%swap3A_432, %swap3A_433] {strides = array<i32>} : memref<128x64xf32, #tpu.memory_space<vmem>>, vector<16xf32>,
          tpu.vector_store %arg12[%swap3A_432, %swap3A_433], %mul3A_431 {strides = array<i32>} : memref<128x64xf32, #tpu.memory_space<vmem>>, vector<16xf32>,
          %get3A_435 = arith.index_cast %add3A_420 : i32 to index
          %get3A_436 = arith.constant 32 : index
          %get3A_437 = tpu.vector_load %arg12[%get3A_435, %get3A_436] {strides = array<i32>} : memref<128x64xf32, #tpu.memory_space<vmem>>, vector<16xf32>,
          %mul3A_438 = arith.mulf %get3A_437, %broadcast_in_dim3A_416 : vector<16xf32>
          %swap3A_439 = arith.index_cast %add3A_420 : i32 to index
          %swap3A_440 = arith.constant 32 : index
          %swap3A_441 = tpu.vector_load %arg12[%swap3A_439, %swap3A_440] {strides = array<i32>} : memref<128x64xf32, #tpu.memory_space<vmem>>, vector<16xf32>,
          tpu.vector_store %arg12[%swap3A_439, %swap3A_440], %mul3A_438 {strides = array<i32>} : memref<128x64xf32, #tpu.memory_space<vmem>>, vector<16xf32>,
          %get3A_442 = arith.index_cast %add3A_420 : i32 to index
          %get3A_443 = arith.constant 48 : index
          %get3A_444 = tpu.vector_load %arg12[%get3A_442, %get3A_443] {strides = array<i32>} : memref<128x64xf32, #tpu.memory_space<vmem>>, vector<16xf32>,
          %mul3A_445 = arith.mulf %get3A_444, %broadcast_in_dim3A_416 : vector<16xf32>
          %swap3A_446 = arith.index_cast %add3A_420 : i32 to index
          %swap3A_447 = arith.constant 48 : index
          %swap3A_448 = tpu.vector_load %arg12[%swap3A_446, %swap3A_447] {strides = array<i32>} : memref<128x64xf32, #tpu.memory_space<vmem>>, vector<16xf32>,
          tpu.vector_store %arg12[%swap3A_446, %swap3A_447], %mul3A_445 {strides = array<i32>} : memref<128x64xf32, #tpu.memory_space<vmem>>, vector<16xf32>,
          %slice3A_449 = vector.extract_strided_slice %get3A_171 {offsets = [8], sizes = [1], strides = [1]} : vector<16xf32> to vector<1xf32>
          %squeeze3A_450 = vector.extract %slice3A_449[0] : f32 from vector<1xf32>
          %broadcast_in_dim3A_451 = vector.broadcast %squeeze3A_450 : f32 to vector<16xf32>
          %mul3A_452 = arith.constant 16 : i32
          %mul3A_453 = arith.muli %scan3A_167, %mul3A_452 : i32
          %add3A_454 = arith.constant 8 : i32
          %add3A_455 = arith.addi %mul3A_453, %add3A_454 : i32
          %get3A_456 = arith.index_cast %add3A_455 : i32 to index
          %get3A_457 = arith.constant 0 : index
          %get3A_458 = tpu.vector_load %arg12[%get3A_456, %get3A_457] {strides = array<i32>} : memref<128x64xf32, #tpu.memory_space<vmem>>, vector<16xf32>,
          %mul3A_459 = arith.mulf %get3A_458, %broadcast_in_dim3A_451 : vector<16xf32>
          %swap3A_460 = arith.index_cast %add3A_455 : i32 to index
          %swap3A_461 = arith.constant 0 : index
          %swap3A_462 = tpu.vector_load %arg12[%swap3A_460, %swap3A_461] {strides = array<i32>} : memref<128x64xf32, #tpu.memory_space<vmem>>, vector<16xf32>,
          tpu.vector_store %arg12[%swap3A_460, %swap3A_461], %mul3A_459 {strides = array<i32>} : memref<128x64xf32, #tpu.memory_space<vmem>>, vector<16xf32>,
          %get3A_463 = arith.index_cast %add3A_455 : i32 to index
          %get3A_464 = arith.constant 16 : index
          %get3A_465 = tpu.vector_load %arg12[%get3A_463, %get3A_464] {strides = array<i32>} : memref<128x64xf32, #tpu.memory_space<vmem>>, vector<16xf32>,
          %mul3A_466 = arith.mulf %get3A_465, %broadcast_in_dim3A_451 : vector<16xf32>
          %swap3A_467 = arith.index_cast %add3A_455 : i32 to index
          %swap3A_468 = arith.constant 16 : index
          %swap3A_469 = tpu.vector_load %arg12[%swap3A_467, %swap3A_468] {strides = array<i32>} : memref<128x64xf32, #tpu.memory_space<vmem>>, vector<16xf32>,
          tpu.vector_store %arg12[%swap3A_467, %swap3A_468], %mul3A_466 {strides = array<i32>} : memref<128x64xf32, #tpu.memory_space<vmem>>, vector<16xf32>,
          %get3A_470 = arith.index_cast %add3A_455 : i32 to index
          %get3A_471 = arith.constant 32 : index
          %get3A_472 = tpu.vector_load %arg12[%get3A_470, %get3A_471] {strides = array<i32>} : memref<128x64xf32, #tpu.memory_space<vmem>>, vector<16xf32>,
          %mul3A_473 = arith.mulf %get3A_472, %broadcast_in_dim3A_451 : vector<16xf32>
          %swap3A_474 = arith.index_cast %add3A_455 : i32 to index
          %swap3A_475 = arith.constant 32 : index
          %swap3A_476 = tpu.vector_load %arg12[%swap3A_474, %swap3A_475] {strides = array<i32>} : memref<128x64xf32, #tpu.memory_space<vmem>>, vector<16xf32>,
          tpu.vector_store %arg12[%swap3A_474, %swap3A_475], %mul3A_473 {strides = array<i32>} : memref<128x64xf32, #tpu.memory_space<vmem>>, vector<16xf32>,
          %get3A_477 = arith.index_cast %add3A_455 : i32 to index
          %get3A_478 = arith.constant 48 : index
          %get3A_479 = tpu.vector_load %arg12[%get3A_477, %get3A_478] {strides = array<i32>} : memref<128x64xf32, #tpu.memory_space<vmem>>, vector<16xf32>,
          %mul3A_480 = arith.mulf %get3A_479, %broadcast_in_dim3A_451 : vector<16xf32>
          %swap3A_481 = arith.index_cast %add3A_455 : i32 to index
          %swap3A_482 = arith.constant 48 : index
          %swap3A_483 = tpu.vector_load %arg12[%swap3A_481, %swap3A_482] {strides = array<i32>} : memref<128x64xf32, #tpu.memory_space<vmem>>, vector<16xf32>,
          tpu.vector_store %arg12[%swap3A_481, %swap3A_482], %mul3A_480 {strides = array<i32>} : memref<128x64xf32, #tpu.memory_space<vmem>>, vector<16xf32>,
          %slice3A_484 = vector.extract_strided_slice %get3A_171 {offsets = [9], sizes = [1], strides = [1]} : vector<16xf32> to vector<1xf32>
          %squeeze3A_485 = vector.extract %slice3A_484[0] : f32 from vector<1xf32>
          %broadcast_in_dim3A_486 = vector.broadcast %squeeze3A_485 : f32 to vector<16xf32>
          %mul3A_487 = arith.constant 16 : i32
          %mul3A_488 = arith.muli %scan3A_167, %mul3A_487 : i32
          %add3A_489 = arith.constant 9 : i32
          %add3A_490 = arith.addi %mul3A_488, %add3A_489 : i32
          %get3A_491 = arith.index_cast %add3A_490 : i32 to index
          %get3A_492 = arith.constant 0 : index
          %get3A_493 = tpu.vector_load %arg12[%get3A_491, %get3A_492] {strides = array<i32>} : memref<128x64xf32, #tpu.memory_space<vmem>>, vector<16xf32>,
          %mul3A_494 = arith.mulf %get3A_493, %broadcast_in_dim3A_486 : vector<16xf32>
          %swap3A_495 = arith.index_cast %add3A_490 : i32 to index
          %swap3A_496 = arith.constant 0 : index
          %swap3A_497 = tpu.vector_load %arg12[%swap3A_495, %swap3A_496] {strides = array<i32>} : memref<128x64xf32, #tpu.memory_space<vmem>>, vector<16xf32>,
          tpu.vector_store %arg12[%swap3A_495, %swap3A_496], %mul3A_494 {strides = array<i32>} : memref<128x64xf32, #tpu.memory_space<vmem>>, vector<16xf32>,
          %get3A_498 = arith.index_cast %add3A_490 : i32 to index
          %get3A_499 = arith.constant 16 : index
          %get3A_500 = tpu.vector_load %arg12[%get3A_498, %get3A_499] {strides = array<i32>} : memref<128x64xf32, #tpu.memory_space<vmem>>, vector<16xf32>,
          %mul3A_501 = arith.mulf %get3A_500, %broadcast_in_dim3A_486 : vector<16xf32>
          %swap3A_502 = arith.index_cast %add3A_490 : i32 to index
          %swap3A_503 = arith.constant 16 : index
          %swap3A_504 = tpu.vector_load %arg12[%swap3A_502, %swap3A_503] {strides = array<i32>} : memref<128x64xf32, #tpu.memory_space<vmem>>, vector<16xf32>,
          tpu.vector_store %arg12[%swap3A_502, %swap3A_503], %mul3A_501 {strides = array<i32>} : memref<128x64xf32, #tpu.memory_space<vmem>>, vector<16xf32>,
          %get3A_505 = arith.index_cast %add3A_490 : i32 to index
          %get3A_506 = arith.constant 32 : index
          %get3A_507 = tpu.vector_load %arg12[%get3A_505, %get3A_506] {strides = array<i32>} : memref<128x64xf32, #tpu.memory_space<vmem>>, vector<16xf32>,
          %mul3A_508 = arith.mulf %get3A_507, %broadcast_in_dim3A_486 : vector<16xf32>
          %swap3A_509 = arith.index_cast %add3A_490 : i32 to index
          %swap3A_510 = arith.constant 32 : index
          %swap3A_511 = tpu.vector_load %arg12[%swap3A_509, %swap3A_510] {strides = array<i32>} : memref<128x64xf32, #tpu.memory_space<vmem>>, vector<16xf32>,
          tpu.vector_store %arg12[%swap3A_509, %swap3A_510], %mul3A_508 {strides = array<i32>} : memref<128x64xf32, #tpu.memory_space<vmem>>, vector<16xf32>,
          %get3A_512 = arith.index_cast %add3A_490 : i32 to index
          %get3A_513 = arith.constant 48 : index
          %get3A_514 = tpu.vector_load %arg12[%get3A_512, %get3A_513] {strides = array<i32>} : memref<128x64xf32, #tpu.memory_space<vmem>>, vector<16xf32>,
          %mul3A_515 = arith.mulf %get3A_514, %broadcast_in_dim3A_486 : vector<16xf32>
          %swap3A_516 = arith.index_cast %add3A_490 : i32 to index
          %swap3A_517 = arith.constant 48 : index
          %swap3A_518 = tpu.vector_load %arg12[%swap3A_516, %swap3A_517] {strides = array<i32>} : memref<128x64xf32, #tpu.memory_space<vmem>>, vector<16xf32>,
          tpu.vector_store %arg12[%swap3A_516, %swap3A_517], %mul3A_515 {strides = array<i32>} : memref<128x64xf32, #tpu.memory_space<vmem>>, vector<16xf32>,
          %slice3A_519 = vector.extract_strided_slice %get3A_171 {offsets = [10], sizes = [1], strides = [1]} : vector<16xf32> to vector<1xf32>
          %squeeze3A_520 = vector.extract %slice3A_519[0] : f32 from vector<1xf32>
          %broadcast_in_dim3A_521 = vector.broadcast %squeeze3A_520 : f32 to vector<16xf32>
          %mul3A_522 = arith.constant 16 : i32
          %mul3A_523 = arith.muli %scan3A_167, %mul3A_522 : i32
          %add3A_524 = arith.constant 10 : i32
          %add3A_525 = arith.addi %mul3A_523, %add3A_524 : i32
          %get3A_526 = arith.index_cast %add3A_525 : i32 to index
          %get3A_527 = arith.constant 0 : index
          %get3A_528 = tpu.vector_load %arg12[%get3A_526, %get3A_527] {strides = array<i32>} : memref<128x64xf32, #tpu.memory_space<vmem>>, vector<16xf32>,
          %mul3A_529 = arith.mulf %get3A_528, %broadcast_in_dim3A_521 : vector<16xf32>
          %swap3A_530 = arith.index_cast %add3A_525 : i32 to index
          %swap3A_531 = arith.constant 0 : index
          %swap3A_532 = tpu.vector_load %arg12[%swap3A_530, %swap3A_531] {strides = array<i32>} : memref<128x64xf32, #tpu.memory_space<vmem>>, vector<16xf32>,
          tpu.vector_store %arg12[%swap3A_530, %swap3A_531], %mul3A_529 {strides = array<i32>} : memref<128x64xf32, #tpu.memory_space<vmem>>, vector<16xf32>,
          %get3A_533 = arith.index_cast %add3A_525 : i32 to index
          %get3A_534 = arith.constant 16 : index
          %get3A_535 = tpu.vector_load %arg12[%get3A_533, %get3A_534] {strides = array<i32>} : memref<128x64xf32, #tpu.memory_space<vmem>>, vector<16xf32>,
          %mul3A_536 = arith.mulf %get3A_535, %broadcast_in_dim3A_521 : vector<16xf32>
          %swap3A_537 = arith.index_cast %add3A_525 : i32 to index
          %swap3A_538 = arith.constant 16 : index
          %swap3A_539 = tpu.vector_load %arg12[%swap3A_537, %swap3A_538] {strides = array<i32>} : memref<128x64xf32, #tpu.memory_space<vmem>>, vector<16xf32>,
          tpu.vector_store %arg12[%swap3A_537, %swap3A_538], %mul3A_536 {strides = array<i32>} : memref<128x64xf32, #tpu.memory_space<vmem>>, vector<16xf32>,
          %get3A_540 = arith.index_cast %add3A_525 : i32 to index
          %get3A_541 = arith.constant 32 : index
          %get3A_542 = tpu.vector_load %arg12[%get3A_540, %get3A_541] {strides = array<i32>} : memref<128x64xf32, #tpu.memory_space<vmem>>, vector<16xf32>,
          %mul3A_543 = arith.mulf %get3A_542, %broadcast_in_dim3A_521 : vector<16xf32>
          %swap3A_544 = arith.index_cast %add3A_525 : i32 to index
          %swap3A_545 = arith.constant 32 : index
          %swap3A_546 = tpu.vector_load %arg12[%swap3A_544, %swap3A_545] {strides = array<i32>} : memref<128x64xf32, #tpu.memory_space<vmem>>, vector<16xf32>,
          tpu.vector_store %arg12[%swap3A_544, %swap3A_545], %mul3A_543 {strides = array<i32>} : memref<128x64xf32, #tpu.memory_space<vmem>>, vector<16xf32>,
          %get3A_547 = arith.index_cast %add3A_525 : i32 to index
          %get3A_548 = arith.constant 48 : index
          %get3A_549 = tpu.vector_load %arg12[%get3A_547, %get3A_548] {strides = array<i32>} : memref<128x64xf32, #tpu.memory_space<vmem>>, vector<16xf32>,
          %mul3A_550 = arith.mulf %get3A_549, %broadcast_in_dim3A_521 : vector<16xf32>
          %swap3A_551 = arith.index_cast %add3A_525 : i32 to index
          %swap3A_552 = arith.constant 48 : index
          %swap3A_553 = tpu.vector_load %arg12[%swap3A_551, %swap3A_552] {strides = array<i32>} : memref<128x64xf32, #tpu.memory_space<vmem>>, vector<16xf32>,
          tpu.vector_store %arg12[%swap3A_551, %swap3A_552], %mul3A_550 {strides = array<i32>} : memref<128x64xf32, #tpu.memory_space<vmem>>, vector<16xf32>,
          %slice3A_554 = vector.extract_strided_slice %get3A_171 {offsets = [11], sizes = [1], strides = [1]} : vector<16xf32> to vector<1xf32>
          %squeeze3A_555 = vector.extract %slice3A_554[0] : f32 from vector<1xf32>
          %broadcast_in_dim3A_556 = vector.broadcast %squeeze3A_555 : f32 to vector<16xf32>
          %mul3A_557 = arith.constant 16 : i32
          %mul3A_558 = arith.muli %scan3A_167, %mul3A_557 : i32
          %add3A_559 = arith.constant 11 : i32
          %add3A_560 = arith.addi %mul3A_558, %add3A_559 : i32
          %get3A_561 = arith.index_cast %add3A_560 : i32 to index
          %get3A_562 = arith.constant 0 : index
          %get3A_563 = tpu.vector_load %arg12[%get3A_561, %get3A_562] {strides = array<i32>} : memref<128x64xf32, #tpu.memory_space<vmem>>, vector<16xf32>,
          %mul3A_564 = arith.mulf %get3A_563, %broadcast_in_dim3A_556 : vector<16xf32>
          %swap3A_565 = arith.index_cast %add3A_560 : i32 to index
          %swap3A_566 = arith.constant 0 : index
          %swap3A_567 = tpu.vector_load %arg12[%swap3A_565, %swap3A_566] {strides = array<i32>} : memref<128x64xf32, #tpu.memory_space<vmem>>, vector<16xf32>,
          tpu.vector_store %arg12[%swap3A_565, %swap3A_566], %mul3A_564 {strides = array<i32>} : memref<128x64xf32, #tpu.memory_space<vmem>>, vector<16xf32>,
          %get3A_568 = arith.index_cast %add3A_560 : i32 to index
          %get3A_569 = arith.constant 16 : index
          %get3A_570 = tpu.vector_load %arg12[%get3A_568, %get3A_569] {strides = array<i32>} : memref<128x64xf32, #tpu.memory_space<vmem>>, vector<16xf32>,
          %mul3A_571 = arith.mulf %get3A_570, %broadcast_in_dim3A_556 : vector<16xf32>
          %swap3A_572 = arith.index_cast %add3A_560 : i32 to index
          %swap3A_573 = arith.constant 16 : index
          %swap3A_574 = tpu.vector_load %arg12[%swap3A_572, %swap3A_573] {strides = array<i32>} : memref<128x64xf32, #tpu.memory_space<vmem>>, vector<16xf32>,
          tpu.vector_store %arg12[%swap3A_572, %swap3A_573], %mul3A_571 {strides = array<i32>} : memref<128x64xf32, #tpu.memory_space<vmem>>, vector<16xf32>,
          %get3A_575 = arith.index_cast %add3A_560 : i32 to index
          %get3A_576 = arith.constant 32 : index
          %get3A_577 = tpu.vector_load %arg12[%get3A_575, %get3A_576] {strides = array<i32>} : memref<128x64xf32, #tpu.memory_space<vmem>>, vector<16xf32>,
          %mul3A_578 = arith.mulf %get3A_577, %broadcast_in_dim3A_556 : vector<16xf32>
          %swap3A_579 = arith.index_cast %add3A_560 : i32 to index
          %swap3A_580 = arith.constant 32 : index
          %swap3A_581 = tpu.vector_load %arg12[%swap3A_579, %swap3A_580] {strides = array<i32>} : memref<128x64xf32, #tpu.memory_space<vmem>>, vector<16xf32>,
          tpu.vector_store %arg12[%swap3A_579, %swap3A_580], %mul3A_578 {strides = array<i32>} : memref<128x64xf32, #tpu.memory_space<vmem>>, vector<16xf32>,
          %get3A_582 = arith.index_cast %add3A_560 : i32 to index
          %get3A_583 = arith.constant 48 : index
          %get3A_584 = tpu.vector_load %arg12[%get3A_582, %get3A_583] {strides = array<i32>} : memref<128x64xf32, #tpu.memory_space<vmem>>, vector<16xf32>,
          %mul3A_585 = arith.mulf %get3A_584, %broadcast_in_dim3A_556 : vector<16xf32>
          %swap3A_586 = arith.index_cast %add3A_560 : i32 to index
          %swap3A_587 = arith.constant 48 : index
          %swap3A_588 = tpu.vector_load %arg12[%swap3A_586, %swap3A_587] {strides = array<i32>} : memref<128x64xf32, #tpu.memory_space<vmem>>, vector<16xf32>,
          tpu.vector_store %arg12[%swap3A_586, %swap3A_587], %mul3A_585 {strides = array<i32>} : memref<128x64xf32, #tpu.memory_space<vmem>>, vector<16xf32>,
          %slice3A_589 = vector.extract_strided_slice %get3A_171 {offsets = [12], sizes = [1], strides = [1]} : vector<16xf32> to vector<1xf32>
          %squeeze3A_590 = vector.extract %slice3A_589[0] : f32 from vector<1xf32>
          %broadcast_in_dim3A_591 = vector.broadcast %squeeze3A_590 : f32 to vector<16xf32>
          %mul3A_592 = arith.constant 16 : i32
          %mul3A_593 = arith.muli %scan3A_167, %mul3A_592 : i32
          %add3A_594 = arith.constant 12 : i32
          %add3A_595 = arith.addi %mul3A_593, %add3A_594 : i32
          %get3A_596 = arith.index_cast %add3A_595 : i32 to index
          %get3A_597 = arith.constant 0 : index
          %get3A_598 = tpu.vector_load %arg12[%get3A_596, %get3A_597] {strides = array<i32>} : memref<128x64xf32, #tpu.memory_space<vmem>>, vector<16xf32>,
          %mul3A_599 = arith.mulf %get3A_598, %broadcast_in_dim3A_591 : vector<16xf32>
          %swap3A_600 = arith.index_cast %add3A_595 : i32 to index
          %swap3A_601 = arith.constant 0 : index
          %swap3A_602 = tpu.vector_load %arg12[%swap3A_600, %swap3A_601] {strides = array<i32>} : memref<128x64xf32, #tpu.memory_space<vmem>>, vector<16xf32>,
          tpu.vector_store %arg12[%swap3A_600, %swap3A_601], %mul3A_599 {strides = array<i32>} : memref<128x64xf32, #tpu.memory_space<vmem>>, vector<16xf32>,
          %get3A_603 = arith.index_cast %add3A_595 : i32 to index
          %get3A_604 = arith.constant 16 : index
          %get3A_605 = tpu.vector_load %arg12[%get3A_603, %get3A_604] {strides = array<i32>} : memref<128x64xf32, #tpu.memory_space<vmem>>, vector<16xf32>,
          %mul3A_606 = arith.mulf %get3A_605, %broadcast_in_dim3A_591 : vector<16xf32>
          %swap3A_607 = arith.index_cast %add3A_595 : i32 to index
          %swap3A_608 = arith.constant 16 : index
          %swap3A_609 = tpu.vector_load %arg12[%swap3A_607, %swap3A_608] {strides = array<i32>} : memref<128x64xf32, #tpu.memory_space<vmem>>, vector<16xf32>,
          tpu.vector_store %arg12[%swap3A_607, %swap3A_608], %mul3A_606 {strides = array<i32>} : memref<128x64xf32, #tpu.memory_space<vmem>>, vector<16xf32>,
          %get3A_610 = arith.index_cast %add3A_595 : i32 to index
          %get3A_611 = arith.constant 32 : index
          %get3A_612 = tpu.vector_load %arg12[%get3A_610, %get3A_611] {strides = array<i32>} : memref<128x64xf32, #tpu.memory_space<vmem>>, vector<16xf32>,
          %mul3A_613 = arith.mulf %get3A_612, %broadcast_in_dim3A_591 : vector<16xf32>
          %swap3A_614 = arith.index_cast %add3A_595 : i32 to index
          %swap3A_615 = arith.constant 32 : index
          %swap3A_616 = tpu.vector_load %arg12[%swap3A_614, %swap3A_615] {strides = array<i32>} : memref<128x64xf32, #tpu.memory_space<vmem>>, vector<16xf32>,
          tpu.vector_store %arg12[%swap3A_614, %swap3A_615], %mul3A_613 {strides = array<i32>} : memref<128x64xf32, #tpu.memory_space<vmem>>, vector<16xf32>,
          %get3A_617 = arith.index_cast %add3A_595 : i32 to index
          %get3A_618 = arith.constant 48 : index
          %get3A_619 = tpu.vector_load %arg12[%get3A_617, %get3A_618] {strides = array<i32>} : memref<128x64xf32, #tpu.memory_space<vmem>>, vector<16xf32>,
          %mul3A_620 = arith.mulf %get3A_619, %broadcast_in_dim3A_591 : vector<16xf32>
          %swap3A_621 = arith.index_cast %add3A_595 : i32 to index
          %swap3A_622 = arith.constant 48 : index
          %swap3A_623 = tpu.vector_load %arg12[%swap3A_621, %swap3A_622] {strides = array<i32>} : memref<128x64xf32, #tpu.memory_space<vmem>>, vector<16xf32>,
          tpu.vector_store %arg12[%swap3A_621, %swap3A_622], %mul3A_620 {strides = array<i32>} : memref<128x64xf32, #tpu.memory_space<vmem>>, vector<16xf32>,
          %slice3A_624 = vector.extract_strided_slice %get3A_171 {offsets = [13], sizes = [1], strides = [1]} : vector<16xf32> to vector<1xf32>
          %squeeze3A_625 = vector.extract %slice3A_624[0] : f32 from vector<1xf32>
          %broadcast_in_dim3A_626 = vector.broadcast %squeeze3A_625 : f32 to vector<16xf32>
          %mul3A_627 = arith.constant 16 : i32
          %mul3A_628 = arith.muli %scan3A_167, %mul3A_627 : i32
          %add3A_629 = arith.constant 13 : i32
          %add3A_630 = arith.addi %mul3A_628, %add3A_629 : i32
          %get3A_631 = arith.index_cast %add3A_630 : i32 to index
          %get3A_632 = arith.constant 0 : index
          %get3A_633 = tpu.vector_load %arg12[%get3A_631, %get3A_632] {strides = array<i32>} : memref<128x64xf32, #tpu.memory_space<vmem>>, vector<16xf32>,
          %mul3A_634 = arith.mulf %get3A_633, %broadcast_in_dim3A_626 : vector<16xf32>
          %swap3A_635 = arith.index_cast %add3A_630 : i32 to index
          %swap3A_636 = arith.constant 0 : index
          %swap3A_637 = tpu.vector_load %arg12[%swap3A_635, %swap3A_636] {strides = array<i32>} : memref<128x64xf32, #tpu.memory_space<vmem>>, vector<16xf32>,
          tpu.vector_store %arg12[%swap3A_635, %swap3A_636], %mul3A_634 {strides = array<i32>} : memref<128x64xf32, #tpu.memory_space<vmem>>, vector<16xf32>,
          %get3A_638 = arith.index_cast %add3A_630 : i32 to index
          %get3A_639 = arith.constant 16 : index
          %get3A_640 = tpu.vector_load %arg12[%get3A_638, %get3A_639] {strides = array<i32>} : memref<128x64xf32, #tpu.memory_space<vmem>>, vector<16xf32>,
          %mul3A_641 = arith.mulf %get3A_640, %broadcast_in_dim3A_626 : vector<16xf32>
          %swap3A_642 = arith.index_cast %add3A_630 : i32 to index
          %swap3A_643 = arith.constant 16 : index
          %swap3A_644 = tpu.vector_load %arg12[%swap3A_642, %swap3A_643] {strides = array<i32>} : memref<128x64xf32, #tpu.memory_space<vmem>>, vector<16xf32>,
          tpu.vector_store %arg12[%swap3A_642, %swap3A_643], %mul3A_641 {strides = array<i32>} : memref<128x64xf32, #tpu.memory_space<vmem>>, vector<16xf32>,
          %get3A_645 = arith.index_cast %add3A_630 : i32 to index
          %get3A_646 = arith.constant 32 : index
          %get3A_647 = tpu.vector_load %arg12[%get3A_645, %get3A_646] {strides = array<i32>} : memref<128x64xf32, #tpu.memory_space<vmem>>, vector<16xf32>,
          %mul3A_648 = arith.mulf %get3A_647, %broadcast_in_dim3A_626 : vector<16xf32>
          %swap3A_649 = arith.index_cast %add3A_630 : i32 to index
          %swap3A_650 = arith.constant 32 : index
          %swap3A_651 = tpu.vector_load %arg12[%swap3A_649, %swap3A_650] {strides = array<i32>} : memref<128x64xf32, #tpu.memory_space<vmem>>, vector<16xf32>,
          tpu.vector_store %arg12[%swap3A_649, %swap3A_650], %mul3A_648 {strides = array<i32>} : memref<128x64xf32, #tpu.memory_space<vmem>>, vector<16xf32>,
          %get3A_652 = arith.index_cast %add3A_630 : i32 to index
          %get3A_653 = arith.constant 48 : index
          %get3A_654 = tpu.vector_load %arg12[%get3A_652, %get3A_653] {strides = array<i32>} : memref<128x64xf32, #tpu.memory_space<vmem>>, vector<16xf32>,
          %mul3A_655 = arith.mulf %get3A_654, %broadcast_in_dim3A_626 : vector<16xf32>
          %swap3A_656 = arith.index_cast %add3A_630 : i32 to index
          %swap3A_657 = arith.constant 48 : index
          %swap3A_658 = tpu.vector_load %arg12[%swap3A_656, %swap3A_657] {strides = array<i32>} : memref<128x64xf32, #tpu.memory_space<vmem>>, vector<16xf32>,
          tpu.vector_store %arg12[%swap3A_656, %swap3A_657], %mul3A_655 {strides = array<i32>} : memref<128x64xf32, #tpu.memory_space<vmem>>, vector<16xf32>,
          %slice3A_659 = vector.extract_strided_slice %get3A_171 {offsets = [14], sizes = [1], strides = [1]} : vector<16xf32> to vector<1xf32>
          %squeeze3A_660 = vector.extract %slice3A_659[0] : f32 from vector<1xf32>
          %broadcast_in_dim3A_661 = vector.broadcast %squeeze3A_660 : f32 to vector<16xf32>
          %mul3A_662 = arith.constant 16 : i32
          %mul3A_663 = arith.muli %scan3A_167, %mul3A_662 : i32
          %add3A_664 = arith.constant 14 : i32
          %add3A_665 = arith.addi %mul3A_663, %add3A_664 : i32
          %get3A_666 = arith.index_cast %add3A_665 : i32 to index
          %get3A_667 = arith.constant 0 : index
          %get3A_668 = tpu.vector_load %arg12[%get3A_666, %get3A_667] {strides = array<i32>} : memref<128x64xf32, #tpu.memory_space<vmem>>, vector<16xf32>,
          %mul3A_669 = arith.mulf %get3A_668, %broadcast_in_dim3A_661 : vector<16xf32>
          %swap3A_670 = arith.index_cast %add3A_665 : i32 to index
          %swap3A_671 = arith.constant 0 : index
          %swap3A_672 = tpu.vector_load %arg12[%swap3A_670, %swap3A_671] {strides = array<i32>} : memref<128x64xf32, #tpu.memory_space<vmem>>, vector<16xf32>,
          tpu.vector_store %arg12[%swap3A_670, %swap3A_671], %mul3A_669 {strides = array<i32>} : memref<128x64xf32, #tpu.memory_space<vmem>>, vector<16xf32>,
          %get3A_673 = arith.index_cast %add3A_665 : i32 to index
          %get3A_674 = arith.constant 16 : index
          %get3A_675 = tpu.vector_load %arg12[%get3A_673, %get3A_674] {strides = array<i32>} : memref<128x64xf32, #tpu.memory_space<vmem>>, vector<16xf32>,
          %mul3A_676 = arith.mulf %get3A_675, %broadcast_in_dim3A_661 : vector<16xf32>
          %swap3A_677 = arith.index_cast %add3A_665 : i32 to index
          %swap3A_678 = arith.constant 16 : index
          %swap3A_679 = tpu.vector_load %arg12[%swap3A_677, %swap3A_678] {strides = array<i32>} : memref<128x64xf32, #tpu.memory_space<vmem>>, vector<16xf32>,
          tpu.vector_store %arg12[%swap3A_677, %swap3A_678], %mul3A_676 {strides = array<i32>} : memref<128x64xf32, #tpu.memory_space<vmem>>, vector<16xf32>,
          %get3A_680 = arith.index_cast %add3A_665 : i32 to index
          %get3A_681 = arith.constant 32 : index
          %get3A_682 = tpu.vector_load %arg12[%get3A_680, %get3A_681] {strides = array<i32>} : memref<128x64xf32, #tpu.memory_space<vmem>>, vector<16xf32>,
          %mul3A_683 = arith.mulf %get3A_682, %broadcast_in_dim3A_661 : vector<16xf32>
          %swap3A_684 = arith.index_cast %add3A_665 : i32 to index
          %swap3A_685 = arith.constant 32 : index
          %swap3A_686 = tpu.vector_load %arg12[%swap3A_684, %swap3A_685] {strides = array<i32>} : memref<128x64xf32, #tpu.memory_space<vmem>>, vector<16xf32>,
          tpu.vector_store %arg12[%swap3A_684, %swap3A_685], %mul3A_683 {strides = array<i32>} : memref<128x64xf32, #tpu.memory_space<vmem>>, vector<16xf32>,
          %get3A_687 = arith.index_cast %add3A_665 : i32 to index
          %get3A_688 = arith.constant 48 : index
          %get3A_689 = tpu.vector_load %arg12[%get3A_687, %get3A_688] {strides = array<i32>} : memref<128x64xf32, #tpu.memory_space<vmem>>, vector<16xf32>,
          %mul3A_690 = arith.mulf %get3A_689, %broadcast_in_dim3A_661 : vector<16xf32>
          %swap3A_691 = arith.index_cast %add3A_665 : i32 to index
          %swap3A_692 = arith.constant 48 : index
          %swap3A_693 = tpu.vector_load %arg12[%swap3A_691, %swap3A_692] {strides = array<i32>} : memref<128x64xf32, #tpu.memory_space<vmem>>, vector<16xf32>,
          tpu.vector_store %arg12[%swap3A_691, %swap3A_692], %mul3A_690 {strides = array<i32>} : memref<128x64xf32, #tpu.memory_space<vmem>>, vector<16xf32>,
          %slice3A_694 = vector.extract_strided_slice %get3A_171 {offsets = [15], sizes = [1], strides = [1]} : vector<16xf32> to vector<1xf32>
          %squeeze3A_695 = vector.extract %slice3A_694[0] : f32 from vector<1xf32>
          %broadcast_in_dim3A_696 = vector.broadcast %squeeze3A_695 : f32 to vector<16xf32>
          %mul3A_697 = arith.constant 16 : i32
          %mul3A_698 = arith.muli %scan3A_167, %mul3A_697 : i32
          %add3A_699 = arith.constant 15 : i32
          %add3A_700 = arith.addi %mul3A_698, %add3A_699 : i32
          %get3A_701 = arith.index_cast %add3A_700 : i32 to index
          %get3A_702 = arith.constant 0 : index
          %get3A_703 = tpu.vector_load %arg12[%get3A_701, %get3A_702] {strides = array<i32>} : memref<128x64xf32, #tpu.memory_space<vmem>>, vector<16xf32>,
          %mul3A_704 = arith.mulf %get3A_703, %broadcast_in_dim3A_696 : vector<16xf32>
          %swap3A_705 = arith.index_cast %add3A_700 : i32 to index
          %swap3A_706 = arith.constant 0 : index
          %swap3A_707 = tpu.vector_load %arg12[%swap3A_705, %swap3A_706] {strides = array<i32>} : memref<128x64xf32, #tpu.memory_space<vmem>>, vector<16xf32>,
          tpu.vector_store %arg12[%swap3A_705, %swap3A_706], %mul3A_704 {strides = array<i32>} : memref<128x64xf32, #tpu.memory_space<vmem>>, vector<16xf32>,
          %get3A_708 = arith.index_cast %add3A_700 : i32 to index
          %get3A_709 = arith.constant 16 : index
          %get3A_710 = tpu.vector_load %arg12[%get3A_708, %get3A_709] {strides = array<i32>} : memref<128x64xf32, #tpu.memory_space<vmem>>, vector<16xf32>,
          %mul3A_711 = arith.mulf %get3A_710, %broadcast_in_dim3A_696 : vector<16xf32>
          %swap3A_712 = arith.index_cast %add3A_700 : i32 to index
          %swap3A_713 = arith.constant 16 : index
          %swap3A_714 = tpu.vector_load %arg12[%swap3A_712, %swap3A_713] {strides = array<i32>} : memref<128x64xf32, #tpu.memory_space<vmem>>, vector<16xf32>,
          tpu.vector_store %arg12[%swap3A_712, %swap3A_713], %mul3A_711 {strides = array<i32>} : memref<128x64xf32, #tpu.memory_space<vmem>>, vector<16xf32>,
          %get3A_715 = arith.index_cast %add3A_700 : i32 to index
          %get3A_716 = arith.constant 32 : index
          %get3A_717 = tpu.vector_load %arg12[%get3A_715, %get3A_716] {strides = array<i32>} : memref<128x64xf32, #tpu.memory_space<vmem>>, vector<16xf32>,
          %mul3A_718 = arith.mulf %get3A_717, %broadcast_in_dim3A_696 : vector<16xf32>
          %swap3A_719 = arith.index_cast %add3A_700 : i32 to index
          %swap3A_720 = arith.constant 32 : index
          %swap3A_721 = tpu.vector_load %arg12[%swap3A_719, %swap3A_720] {strides = array<i32>} : memref<128x64xf32, #tpu.memory_space<vmem>>, vector<16xf32>,
          tpu.vector_store %arg12[%swap3A_719, %swap3A_720], %mul3A_718 {strides = array<i32>} : memref<128x64xf32, #tpu.memory_space<vmem>>, vector<16xf32>,
          %get3A_722 = arith.index_cast %add3A_700 : i32 to index
          %get3A_723 = arith.constant 48 : index
          %get3A_724 = tpu.vector_load %arg12[%get3A_722, %get3A_723] {strides = array<i32>} : memref<128x64xf32, #tpu.memory_space<vmem>>, vector<16xf32>,
          %mul3A_725 = arith.mulf %get3A_724, %broadcast_in_dim3A_696 : vector<16xf32>
          %swap3A_726 = arith.index_cast %add3A_700 : i32 to index
          %swap3A_727 = arith.constant 48 : index
          %swap3A_728 = tpu.vector_load %arg12[%swap3A_726, %swap3A_727] {strides = array<i32>} : memref<128x64xf32, #tpu.memory_space<vmem>>, vector<16xf32>,
          tpu.vector_store %arg12[%swap3A_726, %swap3A_727], %mul3A_725 {strides = array<i32>} : memref<128x64xf32, #tpu.memory_space<vmem>>, vector<16xf32>,
        }
        %scan3A_112 = arith.constant 8 : i32
        %dma_start3A_113 = arith.constant 0 : i32
        %dma_start3A_114 = tpu.memref_slice %arg10[%mul3A_100, %dma_start3A_113] : memref<160x128xi32, #tpu.memory_space<vmem>> -> memref<1x128xi32, #tpu.memory_space<vmem>>
        %dma_start3A_115 = tpu.memref_squeeze %dma_start3A_114 : memref<1x128xi32, #tpu.memory_space<vmem>> -> memref<128xi32, #tpu.memory_space<vmem>>
        %dma_start3A_116 = arith.constant 0 : i32
        %dma_start3A_117 = arith.constant 0 : i32
        %dma_start3A_118 = tpu.memref_slice %arg15[%dma_start3A_116, %dma_start3A_117] : memref<10112x64xf32, #tpu.memory_space<vmem_shared>> -> memref<10112x64xf32, #tpu.memory_space<vmem_shared>>
        tpu.enqueue_indirect_dma source(%arg12 : memref<128x64xf32, #tpu.memory_space<vmem>>) target(%dma_start3A_118 : memref<10112x64xf32, #tpu.memory_space<vmem_shared>>) offsets(%dma_start3A_115 : memref<128xi32, #tpu.memory_space<vmem>>) semaphore(%arg18 : memref<!tpu.dma_semaphore, #tpu.memory_space<semaphore_mem>>) {add = true}
        %dma_wait3A_119 = arith.constant 0 : i32
        %dma_wait3A_120 = tpu.memref_slice %arg10[%mul3A_100, %dma_wait3A_119] : memref<160x128xi32, #tpu.memory_space<vmem>> -> memref<1x128xi32, #tpu.memory_space<vmem>>
        %dma_wait3A_121 = tpu.memref_squeeze %dma_wait3A_120 : memref<1x128xi32, #tpu.memory_space<vmem>> -> memref<128xi32, #tpu.memory_space<vmem>>
        %dma_wait3A_122 = arith.constant 0 : i32
        %dma_wait3A_123 = arith.constant 0 : i32
        %dma_wait3A_124 = tpu.memref_slice %arg15[%dma_wait3A_122, %dma_wait3A_123] : memref<10112x64xf32, #tpu.memory_space<vmem_shared>> -> memref<10112x64xf32, #tpu.memory_space<vmem_shared>>
        tpu.wait_indirect_dma semaphore(%arg19 : memref<!tpu.dma_semaphore, #tpu.memory_space<semaphore_mem>>) src(%arg13 : memref<128x64xf32, #tpu.memory_space<vmem>>) dst(%dma_wait3A_124 : memref<10112x64xf32, #tpu.memory_space<vmem_shared>>)
        %add3A_125 = arith.constant 1 : i32
        %add3A_126 = arith.addi %mul3A_100, %add3A_125 : i32
        %dma_start3A_127 = arith.constant 0 : i32
        %dma_start3A_128 = tpu.memref_slice %arg9[%add3A_126, %dma_start3A_127] : memref<160x128xi32, #tpu.memory_space<vmem>> -> memref<1x128xi32, #tpu.memory_space<vmem>>
        %dma_start3A_129 = tpu.memref_squeeze %dma_start3A_128 : memref<1x128xi32, #tpu.memory_space<vmem>> -> memref<128xi32, #tpu.memory_space<vmem>>
        %dma_start3A_130 = arith.constant 0 : i32
        %dma_start3A_131 = arith.constant 0 : i32
        %dma_start3A_132 = tpu.memref_slice %arg3[%dma_start3A_130, %dma_start3A_131] : memref<10000x64xf32, #tpu.memory_space<hbm>> -> memref<10000x64xf32, #tpu.memory_space<hbm>>
        tpu.enqueue_indirect_dma source(%dma_start3A_132 : memref<10000x64xf32, #tpu.memory_space<hbm>>) target(%arg13 : memref<128x64xf32, #tpu.memory_space<vmem>>) offsets(%dma_start3A_129 : memref<128xi32, #tpu.memory_space<vmem>>) semaphore(%arg17 : memref<!tpu.dma_semaphore, #tpu.memory_space<semaphore_mem>>)
        %add3A_133 = arith.constant 1 : i32
        %add3A_134 = arith.addi %mul3A_100, %add3A_133 : i32
        %dma_wait3A_135 = arith.constant 0 : i32
        %dma_wait3A_136 = tpu.memref_slice %arg9[%add3A_134, %dma_wait3A_135] : memref<160x128xi32, #tpu.memory_space<vmem>> -> memref<1x128xi32, #tpu.memory_space<vmem>>
        %dma_wait3A_137 = tpu.memref_squeeze %dma_wait3A_136 : memref<1x128xi32, #tpu.memory_space<vmem>> -> memref<128xi32, #tpu.memory_space<vmem>>
        %dma_wait3A_138 = arith.constant 0 : i32
        %dma_wait3A_139 = arith.constant 0 : i32
        %dma_wait3A_140 = tpu.memref_slice %arg3[%dma_wait3A_138, %dma_wait3A_139] : memref<10000x64xf32, #tpu.memory_space<hbm>> -> memref<10000x64xf32, #tpu.memory_space<hbm>>
        tpu.wait_indirect_dma semaphore(%arg17 : memref<!tpu.dma_semaphore, #tpu.memory_space<semaphore_mem>>) src(%dma_wait3A_140 : memref<10000x64xf32, #tpu.memory_space<hbm>>) dst(%arg13 : memref<128x64xf32, #tpu.memory_space<vmem>>)
        %scan3A_141 = arith.constant 0 : i32
        %scan3A_142 = arith.constant 0 : i32
        %scan3A_143 = arith.constant 8 : i32
        %scan3A_144 = arith.addi %scan3A_142, %scan3A_143 : i32
        %scan3A_145 = arith.constant 1 : i32
        scf.for %scan3A_167 = %scan3A_142 to %scan3A_144 step %scan3A_145  : i32 {
          %mul3A_168 = arith.constant 16 : i32
          %mul3A_169 = arith.muli %scan3A_167, %mul3A_168 : i32
          %get3A = arith.index_cast %add3A_134 : i32 to index
          %get3A_170 = arith.index_cast %mul3A_169 : i32 to index
          %get3A_171 = tpu.vector_load %arg11[%get3A, %get3A_170] {strides = array<i32>} : memref<160x128xf32, #tpu.memory_space<vmem>>, vector<16xf32>,
          %slice3A = vector.extract_strided_slice %get3A_171 {offsets = [0], sizes = [1], strides = [1]} : vector<16xf32> to vector<1xf32>
          %squeeze3A = vector.extract %slice3A[0] : f32 from vector<1xf32>
          %broadcast_in_dim3A_172 = vector.broadcast %squeeze3A : f32 to vector<16xf32>
          %mul3A_173 = arith.constant 16 : i32
          %mul3A_174 = arith.muli %scan3A_167, %mul3A_173 : i32
          %add3A_175 = arith.constant 0 : i32
          %add3A_176 = arith.addi %mul3A_174, %add3A_175 : i32
          %get3A_177 = arith.index_cast %add3A_176 : i32 to index
          %get3A_178 = arith.constant 0 : index
          %get3A_179 = tpu.vector_load %arg13[%get3A_177, %get3A_178] {strides = array<i32>} : memref<128x64xf32, #tpu.memory_space<vmem>>, vector<16xf32>,
          %mul3A_180 = arith.mulf %get3A_179, %broadcast_in_dim3A_172 : vector<16xf32>
          %swap3A = arith.index_cast %add3A_176 : i32 to index
          %swap3A_181 = arith.constant 0 : index
          %swap3A_182 = tpu.vector_load %arg13[%swap3A, %swap3A_181] {strides = array<i32>} : memref<128x64xf32, #tpu.memory_space<vmem>>, vector<16xf32>,
          tpu.vector_store %arg13[%swap3A, %swap3A_181], %mul3A_180 {strides = array<i32>} : memref<128x64xf32, #tpu.memory_space<vmem>>, vector<16xf32>,
          %get3A_183 = arith.index_cast %add3A_176 : i32 to index
          %get3A_184 = arith.constant 16 : index
          %get3A_185 = tpu.vector_load %arg13[%get3A_183, %get3A_184] {strides = array<i32>} : memref<128x64xf32, #tpu.memory_space<vmem>>, vector<16xf32>,
          %mul3A_186 = arith.mulf %get3A_185, %broadcast_in_dim3A_172 : vector<16xf32>
          %swap3A_187 = arith.index_cast %add3A_176 : i32 to index
          %swap3A_188 = arith.constant 16 : index
          %swap3A_189 = tpu.vector_load %arg13[%swap3A_187, %swap3A_188] {strides = array<i32>} : memref<128x64xf32, #tpu.memory_space<vmem>>, vector<16xf32>,
          tpu.vector_store %arg13[%swap3A_187, %swap3A_188], %mul3A_186 {strides = array<i32>} : memref<128x64xf32, #tpu.memory_space<vmem>>, vector<16xf32>,
          %get3A_190 = arith.index_cast %add3A_176 : i32 to index
          %get3A_191 = arith.constant 32 : index
          %get3A_192 = tpu.vector_load %arg13[%get3A_190, %get3A_191] {strides = array<i32>} : memref<128x64xf32, #tpu.memory_space<vmem>>, vector<16xf32>,
          %mul3A_193 = arith.mulf %get3A_192, %broadcast_in_dim3A_172 : vector<16xf32>
          %swap3A_194 = arith.index_cast %add3A_176 : i32 to index
          %swap3A_195 = arith.constant 32 : index
          %swap3A_196 = tpu.vector_load %arg13[%swap3A_194, %swap3A_195] {strides = array<i32>} : memref<128x64xf32, #tpu.memory_space<vmem>>, vector<16xf32>,
          tpu.vector_store %arg13[%swap3A_194, %swap3A_195], %mul3A_193 {strides = array<i32>} : memref<128x64xf32, #tpu.memory_space<vmem>>, vector<16xf32>,
          %get3A_197 = arith.index_cast %add3A_176 : i32 to index
          %get3A_198 = arith.constant 48 : index
          %get3A_199 = tpu.vector_load %arg13[%get3A_197, %get3A_198] {strides = array<i32>} : memref<128x64xf32, #tpu.memory_space<vmem>>, vector<16xf32>,
          %mul3A_200 = arith.mulf %get3A_199, %broadcast_in_dim3A_172 : vector<16xf32>
          %swap3A_201 = arith.index_cast %add3A_176 : i32 to index
          %swap3A_202 = arith.constant 48 : index
          %swap3A_203 = tpu.vector_load %arg13[%swap3A_201, %swap3A_202] {strides = array<i32>} : memref<128x64xf32, #tpu.memory_space<vmem>>, vector<16xf32>,
          tpu.vector_store %arg13[%swap3A_201, %swap3A_202], %mul3A_200 {strides = array<i32>} : memref<128x64xf32, #tpu.memory_space<vmem>>, vector<16xf32>,
          %slice3A_204 = vector.extract_strided_slice %get3A_171 {offsets = [1], sizes = [1], strides = [1]} : vector<16xf32> to vector<1xf32>
          %squeeze3A_205 = vector.extract %slice3A_204[0] : f32 from vector<1xf32>
          %broadcast_in_dim3A_206 = vector.broadcast %squeeze3A_205 : f32 to vector<16xf32>
          %mul3A_207 = arith.constant 16 : i32
          %mul3A_208 = arith.muli %scan3A_167, %mul3A_207 : i32
          %add3A_209 = arith.constant 1 : i32
          %add3A_210 = arith.addi %mul3A_208, %add3A_209 : i32
          %get3A_211 = arith.index_cast %add3A_210 : i32 to index
          %get3A_212 = arith.constant 0 : index
          %get3A_213 = tpu.vector_load %arg13[%get3A_211, %get3A_212] {strides = array<i32>} : memref<128x64xf32, #tpu.memory_space<vmem>>, vector<16xf32>,
          %mul3A_214 = arith.mulf %get3A_213, %broadcast_in_dim3A_206 : vector<16xf32>
          %swap3A_215 = arith.index_cast %add3A_210 : i32 to index
          %swap3A_216 = arith.constant 0 : index
          %swap3A_217 = tpu.vector_load %arg13[%swap3A_215, %swap3A_216] {strides = array<i32>} : memref<128x64xf32, #tpu.memory_space<vmem>>, vector<16xf32>,
          tpu.vector_store %arg13[%swap3A_215, %swap3A_216], %mul3A_214 {strides = array<i32>} : memref<128x64xf32, #tpu.memory_space<vmem>>, vector<16xf32>,
          %get3A_218 = arith.index_cast %add3A_210 : i32 to index
          %get3A_219 = arith.constant 16 : index
          %get3A_220 = tpu.vector_load %arg13[%get3A_218, %get3A_219] {strides = array<i32>} : memref<128x64xf32, #tpu.memory_space<vmem>>, vector<16xf32>,
          %mul3A_221 = arith.mulf %get3A_220, %broadcast_in_dim3A_206 : vector<16xf32>
          %swap3A_222 = arith.index_cast %add3A_210 : i32 to index
          %swap3A_223 = arith.constant 16 : index
          %swap3A_224 = tpu.vector_load %arg13[%swap3A_222, %swap3A_223] {strides = array<i32>} : memref<128x64xf32, #tpu.memory_space<vmem>>, vector<16xf32>,
          tpu.vector_store %arg13[%swap3A_222, %swap3A_223], %mul3A_221 {strides = array<i32>} : memref<128x64xf32, #tpu.memory_space<vmem>>, vector<16xf32>,
          %get3A_225 = arith.index_cast %add3A_210 : i32 to index
          %get3A_226 = arith.constant 32 : index
          %get3A_227 = tpu.vector_load %arg13[%get3A_225, %get3A_226] {strides = array<i32>} : memref<128x64xf32, #tpu.memory_space<vmem>>, vector<16xf32>,
          %mul3A_228 = arith.mulf %get3A_227, %broadcast_in_dim3A_206 : vector<16xf32>
          %swap3A_229 = arith.index_cast %add3A_210 : i32 to index
          %swap3A_230 = arith.constant 32 : index
          %swap3A_231 = tpu.vector_load %arg13[%swap3A_229, %swap3A_230] {strides = array<i32>} : memref<128x64xf32, #tpu.memory_space<vmem>>, vector<16xf32>,
          tpu.vector_store %arg13[%swap3A_229, %swap3A_230], %mul3A_228 {strides = array<i32>} : memref<128x64xf32, #tpu.memory_space<vmem>>, vector<16xf32>,
          %get3A_232 = arith.index_cast %add3A_210 : i32 to index
          %get3A_233 = arith.constant 48 : index
          %get3A_234 = tpu.vector_load %arg13[%get3A_232, %get3A_233] {strides = array<i32>} : memref<128x64xf32, #tpu.memory_space<vmem>>, vector<16xf32>,
          %mul3A_235 = arith.mulf %get3A_234, %broadcast_in_dim3A_206 : vector<16xf32>
          %swap3A_236 = arith.index_cast %add3A_210 : i32 to index
          %swap3A_237 = arith.constant 48 : index
          %swap3A_238 = tpu.vector_load %arg13[%swap3A_236, %swap3A_237] {strides = array<i32>} : memref<128x64xf32, #tpu.memory_space<vmem>>, vector<16xf32>,
          tpu.vector_store %arg13[%swap3A_236, %swap3A_237], %mul3A_235 {strides = array<i32>} : memref<128x64xf32, #tpu.memory_space<vmem>>, vector<16xf32>,
          %slice3A_239 = vector.extract_strided_slice %get3A_171 {offsets = [2], sizes = [1], strides = [1]} : vector<16xf32> to vector<1xf32>
          %squeeze3A_240 = vector.extract %slice3A_239[0] : f32 from vector<1xf32>
          %broadcast_in_dim3A_241 = vector.broadcast %squeeze3A_240 : f32 to vector<16xf32>
          %mul3A_242 = arith.constant 16 : i32
          %mul3A_243 = arith.muli %scan3A_167, %mul3A_242 : i32
          %add3A_244 = arith.constant 2 : i32
          %add3A_245 = arith.addi %mul3A_243, %add3A_244 : i32
          %get3A_246 = arith.index_cast %add3A_245 : i32 to index
          %get3A_247 = arith.constant 0 : index
          %get3A_248 = tpu.vector_load %arg13[%get3A_246, %get3A_247] {strides = array<i32>} : memref<128x64xf32, #tpu.memory_space<vmem>>, vector<16xf32>,
          %mul3A_249 = arith.mulf %get3A_248, %broadcast_in_dim3A_241 : vector<16xf32>
          %swap3A_250 = arith.index_cast %add3A_245 : i32 to index
          %swap3A_251 = arith.constant 0 : index
          %swap3A_252 = tpu.vector_load %arg13[%swap3A_250, %swap3A_251] {strides = array<i32>} : memref<128x64xf32, #tpu.memory_space<vmem>>, vector<16xf32>,
          tpu.vector_store %arg13[%swap3A_250, %swap3A_251], %mul3A_249 {strides = array<i32>} : memref<128x64xf32, #tpu.memory_space<vmem>>, vector<16xf32>,
          %get3A_253 = arith.index_cast %add3A_245 : i32 to index
          %get3A_254 = arith.constant 16 : index
          %get3A_255 = tpu.vector_load %arg13[%get3A_253, %get3A_254] {strides = array<i32>} : memref<128x64xf32, #tpu.memory_space<vmem>>, vector<16xf32>,
          %mul3A_256 = arith.mulf %get3A_255, %broadcast_in_dim3A_241 : vector<16xf32>
          %swap3A_257 = arith.index_cast %add3A_245 : i32 to index
          %swap3A_258 = arith.constant 16 : index
          %swap3A_259 = tpu.vector_load %arg13[%swap3A_257, %swap3A_258] {strides = array<i32>} : memref<128x64xf32, #tpu.memory_space<vmem>>, vector<16xf32>,
          tpu.vector_store %arg13[%swap3A_257, %swap3A_258], %mul3A_256 {strides = array<i32>} : memref<128x64xf32, #tpu.memory_space<vmem>>, vector<16xf32>,
          %get3A_260 = arith.index_cast %add3A_245 : i32 to index
          %get3A_261 = arith.constant 32 : index
          %get3A_262 = tpu.vector_load %arg13[%get3A_260, %get3A_261] {strides = array<i32>} : memref<128x64xf32, #tpu.memory_space<vmem>>, vector<16xf32>,
          %mul3A_263 = arith.mulf %get3A_262, %broadcast_in_dim3A_241 : vector<16xf32>
          %swap3A_264 = arith.index_cast %add3A_245 : i32 to index
          %swap3A_265 = arith.constant 32 : index
          %swap3A_266 = tpu.vector_load %arg13[%swap3A_264, %swap3A_265] {strides = array<i32>} : memref<128x64xf32, #tpu.memory_space<vmem>>, vector<16xf32>,
          tpu.vector_store %arg13[%swap3A_264, %swap3A_265], %mul3A_263 {strides = array<i32>} : memref<128x64xf32, #tpu.memory_space<vmem>>, vector<16xf32>,
          %get3A_267 = arith.index_cast %add3A_245 : i32 to index
          %get3A_268 = arith.constant 48 : index
          %get3A_269 = tpu.vector_load %arg13[%get3A_267, %get3A_268] {strides = array<i32>} : memref<128x64xf32, #tpu.memory_space<vmem>>, vector<16xf32>,
          %mul3A_270 = arith.mulf %get3A_269, %broadcast_in_dim3A_241 : vector<16xf32>
          %swap3A_271 = arith.index_cast %add3A_245 : i32 to index
          %swap3A_272 = arith.constant 48 : index
          %swap3A_273 = tpu.vector_load %arg13[%swap3A_271, %swap3A_272] {strides = array<i32>} : memref<128x64xf32, #tpu.memory_space<vmem>>, vector<16xf32>,
          tpu.vector_store %arg13[%swap3A_271, %swap3A_272], %mul3A_270 {strides = array<i32>} : memref<128x64xf32, #tpu.memory_space<vmem>>, vector<16xf32>,
          %slice3A_274 = vector.extract_strided_slice %get3A_171 {offsets = [3], sizes = [1], strides = [1]} : vector<16xf32> to vector<1xf32>
          %squeeze3A_275 = vector.extract %slice3A_274[0] : f32 from vector<1xf32>
          %broadcast_in_dim3A_276 = vector.broadcast %squeeze3A_275 : f32 to vector<16xf32>
          %mul3A_277 = arith.constant 16 : i32
          %mul3A_278 = arith.muli %scan3A_167, %mul3A_277 : i32
          %add3A_279 = arith.constant 3 : i32
          %add3A_280 = arith.addi %mul3A_278, %add3A_279 : i32
          %get3A_281 = arith.index_cast %add3A_280 : i32 to index
          %get3A_282 = arith.constant 0 : index
          %get3A_283 = tpu.vector_load %arg13[%get3A_281, %get3A_282] {strides = array<i32>} : memref<128x64xf32, #tpu.memory_space<vmem>>, vector<16xf32>,
          %mul3A_284 = arith.mulf %get3A_283, %broadcast_in_dim3A_276 : vector<16xf32>
          %swap3A_285 = arith.index_cast %add3A_280 : i32 to index
          %swap3A_286 = arith.constant 0 : index
          %swap3A_287 = tpu.vector_load %arg13[%swap3A_285, %swap3A_286] {strides = array<i32>} : memref<128x64xf32, #tpu.memory_space<vmem>>, vector<16xf32>,
          tpu.vector_store %arg13[%swap3A_285, %swap3A_286], %mul3A_284 {strides = array<i32>} : memref<128x64xf32, #tpu.memory_space<vmem>>, vector<16xf32>,
          %get3A_288 = arith.index_cast %add3A_280 : i32 to index
          %get3A_289 = arith.constant 16 : index
          %get3A_290 = tpu.vector_load %arg13[%get3A_288, %get3A_289] {strides = array<i32>} : memref<128x64xf32, #tpu.memory_space<vmem>>, vector<16xf32>,
          %mul3A_291 = arith.mulf %get3A_290, %broadcast_in_dim3A_276 : vector<16xf32>
          %swap3A_292 = arith.index_cast %add3A_280 : i32 to index
          %swap3A_293 = arith.constant 16 : index
          %swap3A_294 = tpu.vector_load %arg13[%swap3A_292, %swap3A_293] {strides = array<i32>} : memref<128x64xf32, #tpu.memory_space<vmem>>, vector<16xf32>,
          tpu.vector_store %arg13[%swap3A_292, %swap3A_293], %mul3A_291 {strides = array<i32>} : memref<128x64xf32, #tpu.memory_space<vmem>>, vector<16xf32>,
          %get3A_295 = arith.index_cast %add3A_280 : i32 to index
          %get3A_296 = arith.constant 32 : index
          %get3A_297 = tpu.vector_load %arg13[%get3A_295, %get3A_296] {strides = array<i32>} : memref<128x64xf32, #tpu.memory_space<vmem>>, vector<16xf32>,
          %mul3A_298 = arith.mulf %get3A_297, %broadcast_in_dim3A_276 : vector<16xf32>
          %swap3A_299 = arith.index_cast %add3A_280 : i32 to index
          %swap3A_300 = arith.constant 32 : index
          %swap3A_301 = tpu.vector_load %arg13[%swap3A_299, %swap3A_300] {strides = array<i32>} : memref<128x64xf32, #tpu.memory_space<vmem>>, vector<16xf32>,
          tpu.vector_store %arg13[%swap3A_299, %swap3A_300], %mul3A_298 {strides = array<i32>} : memref<128x64xf32, #tpu.memory_space<vmem>>, vector<16xf32>,
          %get3A_302 = arith.index_cast %add3A_280 : i32 to index
          %get3A_303 = arith.constant 48 : index
          %get3A_304 = tpu.vector_load %arg13[%get3A_302, %get3A_303] {strides = array<i32>} : memref<128x64xf32, #tpu.memory_space<vmem>>, vector<16xf32>,
          %mul3A_305 = arith.mulf %get3A_304, %broadcast_in_dim3A_276 : vector<16xf32>
          %swap3A_306 = arith.index_cast %add3A_280 : i32 to index
          %swap3A_307 = arith.constant 48 : index
          %swap3A_308 = tpu.vector_load %arg13[%swap3A_306, %swap3A_307] {strides = array<i32>} : memref<128x64xf32, #tpu.memory_space<vmem>>, vector<16xf32>,
          tpu.vector_store %arg13[%swap3A_306, %swap3A_307], %mul3A_305 {strides = array<i32>} : memref<128x64xf32, #tpu.memory_space<vmem>>, vector<16xf32>,
          %slice3A_309 = vector.extract_strided_slice %get3A_171 {offsets = [4], sizes = [1], strides = [1]} : vector<16xf32> to vector<1xf32>
          %squeeze3A_310 = vector.extract %slice3A_309[0] : f32 from vector<1xf32>
          %broadcast_in_dim3A_311 = vector.broadcast %squeeze3A_310 : f32 to vector<16xf32>
          %mul3A_312 = arith.constant 16 : i32
          %mul3A_313 = arith.muli %scan3A_167, %mul3A_312 : i32
          %add3A_314 = arith.constant 4 : i32
          %add3A_315 = arith.addi %mul3A_313, %add3A_314 : i32
          %get3A_316 = arith.index_cast %add3A_315 : i32 to index
          %get3A_317 = arith.constant 0 : index
          %get3A_318 = tpu.vector_load %arg13[%get3A_316, %get3A_317] {strides = array<i32>} : memref<128x64xf32, #tpu.memory_space<vmem>>, vector<16xf32>,
          %mul3A_319 = arith.mulf %get3A_318, %broadcast_in_dim3A_311 : vector<16xf32>
          %swap3A_320 = arith.index_cast %add3A_315 : i32 to index
          %swap3A_321 = arith.constant 0 : index
          %swap3A_322 = tpu.vector_load %arg13[%swap3A_320, %swap3A_321] {strides = array<i32>} : memref<128x64xf32, #tpu.memory_space<vmem>>, vector<16xf32>,
          tpu.vector_store %arg13[%swap3A_320, %swap3A_321], %mul3A_319 {strides = array<i32>} : memref<128x64xf32, #tpu.memory_space<vmem>>, vector<16xf32>,
          %get3A_323 = arith.index_cast %add3A_315 : i32 to index
          %get3A_324 = arith.constant 16 : index
          %get3A_325 = tpu.vector_load %arg13[%get3A_323, %get3A_324] {strides = array<i32>} : memref<128x64xf32, #tpu.memory_space<vmem>>, vector<16xf32>,
          %mul3A_326 = arith.mulf %get3A_325, %broadcast_in_dim3A_311 : vector<16xf32>
          %swap3A_327 = arith.index_cast %add3A_315 : i32 to index
          %swap3A_328 = arith.constant 16 : index
          %swap3A_329 = tpu.vector_load %arg13[%swap3A_327, %swap3A_328] {strides = array<i32>} : memref<128x64xf32, #tpu.memory_space<vmem>>, vector<16xf32>,
          tpu.vector_store %arg13[%swap3A_327, %swap3A_328], %mul3A_326 {strides = array<i32>} : memref<128x64xf32, #tpu.memory_space<vmem>>, vector<16xf32>,
          %get3A_330 = arith.index_cast %add3A_315 : i32 to index
          %get3A_331 = arith.constant 32 : index
          %get3A_332 = tpu.vector_load %arg13[%get3A_330, %get3A_331] {strides = array<i32>} : memref<128x64xf32, #tpu.memory_space<vmem>>, vector<16xf32>,
          %mul3A_333 = arith.mulf %get3A_332, %broadcast_in_dim3A_311 : vector<16xf32>
          %swap3A_334 = arith.index_cast %add3A_315 : i32 to index
          %swap3A_335 = arith.constant 32 : index
          %swap3A_336 = tpu.vector_load %arg13[%swap3A_334, %swap3A_335] {strides = array<i32>} : memref<128x64xf32, #tpu.memory_space<vmem>>, vector<16xf32>,
          tpu.vector_store %arg13[%swap3A_334, %swap3A_335], %mul3A_333 {strides = array<i32>} : memref<128x64xf32, #tpu.memory_space<vmem>>, vector<16xf32>,
          %get3A_337 = arith.index_cast %add3A_315 : i32 to index
          %get3A_338 = arith.constant 48 : index
          %get3A_339 = tpu.vector_load %arg13[%get3A_337, %get3A_338] {strides = array<i32>} : memref<128x64xf32, #tpu.memory_space<vmem>>, vector<16xf32>,
          %mul3A_340 = arith.mulf %get3A_339, %broadcast_in_dim3A_311 : vector<16xf32>
          %swap3A_341 = arith.index_cast %add3A_315 : i32 to index
          %swap3A_342 = arith.constant 48 : index
          %swap3A_343 = tpu.vector_load %arg13[%swap3A_341, %swap3A_342] {strides = array<i32>} : memref<128x64xf32, #tpu.memory_space<vmem>>, vector<16xf32>,
          tpu.vector_store %arg13[%swap3A_341, %swap3A_342], %mul3A_340 {strides = array<i32>} : memref<128x64xf32, #tpu.memory_space<vmem>>, vector<16xf32>,
          %slice3A_344 = vector.extract_strided_slice %get3A_171 {offsets = [5], sizes = [1], strides = [1]} : vector<16xf32> to vector<1xf32>
          %squeeze3A_345 = vector.extract %slice3A_344[0] : f32 from vector<1xf32>
          %broadcast_in_dim3A_346 = vector.broadcast %squeeze3A_345 : f32 to vector<16xf32>
          %mul3A_347 = arith.constant 16 : i32
          %mul3A_348 = arith.muli %scan3A_167, %mul3A_347 : i32
          %add3A_349 = arith.constant 5 : i32
          %add3A_350 = arith.addi %mul3A_348, %add3A_349 : i32
          %get3A_351 = arith.index_cast %add3A_350 : i32 to index
          %get3A_352 = arith.constant 0 : index
          %get3A_353 = tpu.vector_load %arg13[%get3A_351, %get3A_352] {strides = array<i32>} : memref<128x64xf32, #tpu.memory_space<vmem>>, vector<16xf32>,
          %mul3A_354 = arith.mulf %get3A_353, %broadcast_in_dim3A_346 : vector<16xf32>
          %swap3A_355 = arith.index_cast %add3A_350 : i32 to index
          %swap3A_356 = arith.constant 0 : index
          %swap3A_357 = tpu.vector_load %arg13[%swap3A_355, %swap3A_356] {strides = array<i32>} : memref<128x64xf32, #tpu.memory_space<vmem>>, vector<16xf32>,
          tpu.vector_store %arg13[%swap3A_355, %swap3A_356], %mul3A_354 {strides = array<i32>} : memref<128x64xf32, #tpu.memory_space<vmem>>, vector<16xf32>,
          %get3A_358 = arith.index_cast %add3A_350 : i32 to index
          %get3A_359 = arith.constant 16 : index
          %get3A_360 = tpu.vector_load %arg13[%get3A_358, %get3A_359] {strides = array<i32>} : memref<128x64xf32, #tpu.memory_space<vmem>>, vector<16xf32>,
          %mul3A_361 = arith.mulf %get3A_360, %broadcast_in_dim3A_346 : vector<16xf32>
          %swap3A_362 = arith.index_cast %add3A_350 : i32 to index
          %swap3A_363 = arith.constant 16 : index
          %swap3A_364 = tpu.vector_load %arg13[%swap3A_362, %swap3A_363] {strides = array<i32>} : memref<128x64xf32, #tpu.memory_space<vmem>>, vector<16xf32>,
          tpu.vector_store %arg13[%swap3A_362, %swap3A_363], %mul3A_361 {strides = array<i32>} : memref<128x64xf32, #tpu.memory_space<vmem>>, vector<16xf32>,
          %get3A_365 = arith.index_cast %add3A_350 : i32 to index
          %get3A_366 = arith.constant 32 : index
          %get3A_367 = tpu.vector_load %arg13[%get3A_365, %get3A_366] {strides = array<i32>} : memref<128x64xf32, #tpu.memory_space<vmem>>, vector<16xf32>,
          %mul3A_368 = arith.mulf %get3A_367, %broadcast_in_dim3A_346 : vector<16xf32>
          %swap3A_369 = arith.index_cast %add3A_350 : i32 to index
          %swap3A_370 = arith.constant 32 : index
          %swap3A_371 = tpu.vector_load %arg13[%swap3A_369, %swap3A_370] {strides = array<i32>} : memref<128x64xf32, #tpu.memory_space<vmem>>, vector<16xf32>,
          tpu.vector_store %arg13[%swap3A_369, %swap3A_370], %mul3A_368 {strides = array<i32>} : memref<128x64xf32, #tpu.memory_space<vmem>>, vector<16xf32>,
          %get3A_372 = arith.index_cast %add3A_350 : i32 to index
          %get3A_373 = arith.constant 48 : index
          %get3A_374 = tpu.vector_load %arg13[%get3A_372, %get3A_373] {strides = array<i32>} : memref<128x64xf32, #tpu.memory_space<vmem>>, vector<16xf32>,
          %mul3A_375 = arith.mulf %get3A_374, %broadcast_in_dim3A_346 : vector<16xf32>
          %swap3A_376 = arith.index_cast %add3A_350 : i32 to index
          %swap3A_377 = arith.constant 48 : index
          %swap3A_378 = tpu.vector_load %arg13[%swap3A_376, %swap3A_377] {strides = array<i32>} : memref<128x64xf32, #tpu.memory_space<vmem>>, vector<16xf32>,
          tpu.vector_store %arg13[%swap3A_376, %swap3A_377], %mul3A_375 {strides = array<i32>} : memref<128x64xf32, #tpu.memory_space<vmem>>, vector<16xf32>,
          %slice3A_379 = vector.extract_strided_slice %get3A_171 {offsets = [6], sizes = [1], strides = [1]} : vector<16xf32> to vector<1xf32>
          %squeeze3A_380 = vector.extract %slice3A_379[0] : f32 from vector<1xf32>
          %broadcast_in_dim3A_381 = vector.broadcast %squeeze3A_380 : f32 to vector<16xf32>
          %mul3A_382 = arith.constant 16 : i32
          %mul3A_383 = arith.muli %scan3A_167, %mul3A_382 : i32
          %add3A_384 = arith.constant 6 : i32
          %add3A_385 = arith.addi %mul3A_383, %add3A_384 : i32
          %get3A_386 = arith.index_cast %add3A_385 : i32 to index
          %get3A_387 = arith.constant 0 : index
          %get3A_388 = tpu.vector_load %arg13[%get3A_386, %get3A_387] {strides = array<i32>} : memref<128x64xf32, #tpu.memory_space<vmem>>, vector<16xf32>,
          %mul3A_389 = arith.mulf %get3A_388, %broadcast_in_dim3A_381 : vector<16xf32>
          %swap3A_390 = arith.index_cast %add3A_385 : i32 to index
          %swap3A_391 = arith.constant 0 : index
          %swap3A_392 = tpu.vector_load %arg13[%swap3A_390, %swap3A_391] {strides = array<i32>} : memref<128x64xf32, #tpu.memory_space<vmem>>, vector<16xf32>,
          tpu.vector_store %arg13[%swap3A_390, %swap3A_391], %mul3A_389 {strides = array<i32>} : memref<128x64xf32, #tpu.memory_space<vmem>>, vector<16xf32>,
          %get3A_393 = arith.index_cast %add3A_385 : i32 to index
          %get3A_394 = arith.constant 16 : index
          %get3A_395 = tpu.vector_load %arg13[%get3A_393, %get3A_394] {strides = array<i32>} : memref<128x64xf32, #tpu.memory_space<vmem>>, vector<16xf32>,
          %mul3A_396 = arith.mulf %get3A_395, %broadcast_in_dim3A_381 : vector<16xf32>
          %swap3A_397 = arith.index_cast %add3A_385 : i32 to index
          %swap3A_398 = arith.constant 16 : index
          %swap3A_399 = tpu.vector_load %arg13[%swap3A_397, %swap3A_398] {strides = array<i32>} : memref<128x64xf32, #tpu.memory_space<vmem>>, vector<16xf32>,
          tpu.vector_store %arg13[%swap3A_397, %swap3A_398], %mul3A_396 {strides = array<i32>} : memref<128x64xf32, #tpu.memory_space<vmem>>, vector<16xf32>,
          %get3A_400 = arith.index_cast %add3A_385 : i32 to index
          %get3A_401 = arith.constant 32 : index
          %get3A_402 = tpu.vector_load %arg13[%get3A_400, %get3A_401] {strides = array<i32>} : memref<128x64xf32, #tpu.memory_space<vmem>>, vector<16xf32>,
          %mul3A_403 = arith.mulf %get3A_402, %broadcast_in_dim3A_381 : vector<16xf32>
          %swap3A_404 = arith.index_cast %add3A_385 : i32 to index
          %swap3A_405 = arith.constant 32 : index
          %swap3A_406 = tpu.vector_load %arg13[%swap3A_404, %swap3A_405] {strides = array<i32>} : memref<128x64xf32, #tpu.memory_space<vmem>>, vector<16xf32>,
          tpu.vector_store %arg13[%swap3A_404, %swap3A_405], %mul3A_403 {strides = array<i32>} : memref<128x64xf32, #tpu.memory_space<vmem>>, vector<16xf32>,
          %get3A_407 = arith.index_cast %add3A_385 : i32 to index
          %get3A_408 = arith.constant 48 : index
          %get3A_409 = tpu.vector_load %arg13[%get3A_407, %get3A_408] {strides = array<i32>} : memref<128x64xf32, #tpu.memory_space<vmem>>, vector<16xf32>,
          %mul3A_410 = arith.mulf %get3A_409, %broadcast_in_dim3A_381 : vector<16xf32>
          %swap3A_411 = arith.index_cast %add3A_385 : i32 to index
          %swap3A_412 = arith.constant 48 : index
          %swap3A_413 = tpu.vector_load %arg13[%swap3A_411, %swap3A_412] {strides = array<i32>} : memref<128x64xf32, #tpu.memory_space<vmem>>, vector<16xf32>,
          tpu.vector_store %arg13[%swap3A_411, %swap3A_412], %mul3A_410 {strides = array<i32>} : memref<128x64xf32, #tpu.memory_space<vmem>>, vector<16xf32>,
          %slice3A_414 = vector.extract_strided_slice %get3A_171 {offsets = [7], sizes = [1], strides = [1]} : vector<16xf32> to vector<1xf32>
          %squeeze3A_415 = vector.extract %slice3A_414[0] : f32 from vector<1xf32>
          %broadcast_in_dim3A_416 = vector.broadcast %squeeze3A_415 : f32 to vector<16xf32>
          %mul3A_417 = arith.constant 16 : i32
          %mul3A_418 = arith.muli %scan3A_167, %mul3A_417 : i32
          %add3A_419 = arith.constant 7 : i32
          %add3A_420 = arith.addi %mul3A_418, %add3A_419 : i32
          %get3A_421 = arith.index_cast %add3A_420 : i32 to index
          %get3A_422 = arith.constant 0 : index
          %get3A_423 = tpu.vector_load %arg13[%get3A_421, %get3A_422] {strides = array<i32>} : memref<128x64xf32, #tpu.memory_space<vmem>>, vector<16xf32>,
          %mul3A_424 = arith.mulf %get3A_423, %broadcast_in_dim3A_416 : vector<16xf32>
          %swap3A_425 = arith.index_cast %add3A_420 : i32 to index
          %swap3A_426 = arith.constant 0 : index
          %swap3A_427 = tpu.vector_load %arg13[%swap3A_425, %swap3A_426] {strides = array<i32>} : memref<128x64xf32, #tpu.memory_space<vmem>>, vector<16xf32>,
          tpu.vector_store %arg13[%swap3A_425, %swap3A_426], %mul3A_424 {strides = array<i32>} : memref<128x64xf32, #tpu.memory_space<vmem>>, vector<16xf32>,
          %get3A_428 = arith.index_cast %add3A_420 : i32 to index
          %get3A_429 = arith.constant 16 : index
          %get3A_430 = tpu.vector_load %arg13[%get3A_428, %get3A_429] {strides = array<i32>} : memref<128x64xf32, #tpu.memory_space<vmem>>, vector<16xf32>,
          %mul3A_431 = arith.mulf %get3A_430, %broadcast_in_dim3A_416 : vector<16xf32>
          %swap3A_432 = arith.index_cast %add3A_420 : i32 to index
          %swap3A_433 = arith.constant 16 : index
          %swap3A_434 = tpu.vector_load %arg13[%swap3A_432, %swap3A_433] {strides = array<i32>} : memref<128x64xf32, #tpu.memory_space<vmem>>, vector<16xf32>,
          tpu.vector_store %arg13[%swap3A_432, %swap3A_433], %mul3A_431 {strides = array<i32>} : memref<128x64xf32, #tpu.memory_space<vmem>>, vector<16xf32>,
          %get3A_435 = arith.index_cast %add3A_420 : i32 to index
          %get3A_436 = arith.constant 32 : index
          %get3A_437 = tpu.vector_load %arg13[%get3A_435, %get3A_436] {strides = array<i32>} : memref<128x64xf32, #tpu.memory_space<vmem>>, vector<16xf32>,
          %mul3A_438 = arith.mulf %get3A_437, %broadcast_in_dim3A_416 : vector<16xf32>
          %swap3A_439 = arith.index_cast %add3A_420 : i32 to index
          %swap3A_440 = arith.constant 32 : index
          %swap3A_441 = tpu.vector_load %arg13[%swap3A_439, %swap3A_440] {strides = array<i32>} : memref<128x64xf32, #tpu.memory_space<vmem>>, vector<16xf32>,
          tpu.vector_store %arg13[%swap3A_439, %swap3A_440], %mul3A_438 {strides = array<i32>} : memref<128x64xf32, #tpu.memory_space<vmem>>, vector<16xf32>,
          %get3A_442 = arith.index_cast %add3A_420 : i32 to index
          %get3A_443 = arith.constant 48 : index
          %get3A_444 = tpu.vector_load %arg13[%get3A_442, %get3A_443] {strides = array<i32>} : memref<128x64xf32, #tpu.memory_space<vmem>>, vector<16xf32>,
          %mul3A_445 = arith.mulf %get3A_444, %broadcast_in_dim3A_416 : vector<16xf32>
          %swap3A_446 = arith.index_cast %add3A_420 : i32 to index
          %swap3A_447 = arith.constant 48 : index
          %swap3A_448 = tpu.vector_load %arg13[%swap3A_446, %swap3A_447] {strides = array<i32>} : memref<128x64xf32, #tpu.memory_space<vmem>>, vector<16xf32>,
          tpu.vector_store %arg13[%swap3A_446, %swap3A_447], %mul3A_445 {strides = array<i32>} : memref<128x64xf32, #tpu.memory_space<vmem>>, vector<16xf32>,
          %slice3A_449 = vector.extract_strided_slice %get3A_171 {offsets = [8], sizes = [1], strides = [1]} : vector<16xf32> to vector<1xf32>
          %squeeze3A_450 = vector.extract %slice3A_449[0] : f32 from vector<1xf32>
          %broadcast_in_dim3A_451 = vector.broadcast %squeeze3A_450 : f32 to vector<16xf32>
          %mul3A_452 = arith.constant 16 : i32
          %mul3A_453 = arith.muli %scan3A_167, %mul3A_452 : i32
          %add3A_454 = arith.constant 8 : i32
          %add3A_455 = arith.addi %mul3A_453, %add3A_454 : i32
          %get3A_456 = arith.index_cast %add3A_455 : i32 to index
          %get3A_457 = arith.constant 0 : index
          %get3A_458 = tpu.vector_load %arg13[%get3A_456, %get3A_457] {strides = array<i32>} : memref<128x64xf32, #tpu.memory_space<vmem>>, vector<16xf32>,
          %mul3A_459 = arith.mulf %get3A_458, %broadcast_in_dim3A_451 : vector<16xf32>
          %swap3A_460 = arith.index_cast %add3A_455 : i32 to index
          %swap3A_461 = arith.constant 0 : index
          %swap3A_462 = tpu.vector_load %arg13[%swap3A_460, %swap3A_461] {strides = array<i32>} : memref<128x64xf32, #tpu.memory_space<vmem>>, vector<16xf32>,
          tpu.vector_store %arg13[%swap3A_460, %swap3A_461], %mul3A_459 {strides = array<i32>} : memref<128x64xf32, #tpu.memory_space<vmem>>, vector<16xf32>,
          %get3A_463 = arith.index_cast %add3A_455 : i32 to index
          %get3A_464 = arith.constant 16 : index
          %get3A_465 = tpu.vector_load %arg13[%get3A_463, %get3A_464] {strides = array<i32>} : memref<128x64xf32, #tpu.memory_space<vmem>>, vector<16xf32>,
          %mul3A_466 = arith.mulf %get3A_465, %broadcast_in_dim3A_451 : vector<16xf32>
          %swap3A_467 = arith.index_cast %add3A_455 : i32 to index
          %swap3A_468 = arith.constant 16 : index
          %swap3A_469 = tpu.vector_load %arg13[%swap3A_467, %swap3A_468] {strides = array<i32>} : memref<128x64xf32, #tpu.memory_space<vmem>>, vector<16xf32>,
          tpu.vector_store %arg13[%swap3A_467, %swap3A_468], %mul3A_466 {strides = array<i32>} : memref<128x64xf32, #tpu.memory_space<vmem>>, vector<16xf32>,
          %get3A_470 = arith.index_cast %add3A_455 : i32 to index
          %get3A_471 = arith.constant 32 : index
          %get3A_472 = tpu.vector_load %arg13[%get3A_470, %get3A_471] {strides = array<i32>} : memref<128x64xf32, #tpu.memory_space<vmem>>, vector<16xf32>,
          %mul3A_473 = arith.mulf %get3A_472, %broadcast_in_dim3A_451 : vector<16xf32>
          %swap3A_474 = arith.index_cast %add3A_455 : i32 to index
          %swap3A_475 = arith.constant 32 : index
          %swap3A_476 = tpu.vector_load %arg13[%swap3A_474, %swap3A_475] {strides = array<i32>} : memref<128x64xf32, #tpu.memory_space<vmem>>, vector<16xf32>,
          tpu.vector_store %arg13[%swap3A_474, %swap3A_475], %mul3A_473 {strides = array<i32>} : memref<128x64xf32, #tpu.memory_space<vmem>>, vector<16xf32>,
          %get3A_477 = arith.index_cast %add3A_455 : i32 to index
          %get3A_478 = arith.constant 48 : index
          %get3A_479 = tpu.vector_load %arg13[%get3A_477, %get3A_478] {strides = array<i32>} : memref<128x64xf32, #tpu.memory_space<vmem>>, vector<16xf32>,
          %mul3A_480 = arith.mulf %get3A_479, %broadcast_in_dim3A_451 : vector<16xf32>
          %swap3A_481 = arith.index_cast %add3A_455 : i32 to index
          %swap3A_482 = arith.constant 48 : index
          %swap3A_483 = tpu.vector_load %arg13[%swap3A_481, %swap3A_482] {strides = array<i32>} : memref<128x64xf32, #tpu.memory_space<vmem>>, vector<16xf32>,
          tpu.vector_store %arg13[%swap3A_481, %swap3A_482], %mul3A_480 {strides = array<i32>} : memref<128x64xf32, #tpu.memory_space<vmem>>, vector<16xf32>,
          %slice3A_484 = vector.extract_strided_slice %get3A_171 {offsets = [9], sizes = [1], strides = [1]} : vector<16xf32> to vector<1xf32>
          %squeeze3A_485 = vector.extract %slice3A_484[0] : f32 from vector<1xf32>
          %broadcast_in_dim3A_486 = vector.broadcast %squeeze3A_485 : f32 to vector<16xf32>
          %mul3A_487 = arith.constant 16 : i32
          %mul3A_488 = arith.muli %scan3A_167, %mul3A_487 : i32
          %add3A_489 = arith.constant 9 : i32
          %add3A_490 = arith.addi %mul3A_488, %add3A_489 : i32
          %get3A_491 = arith.index_cast %add3A_490 : i32 to index
          %get3A_492 = arith.constant 0 : index
          %get3A_493 = tpu.vector_load %arg13[%get3A_491, %get3A_492] {strides = array<i32>} : memref<128x64xf32, #tpu.memory_space<vmem>>, vector<16xf32>,
          %mul3A_494 = arith.mulf %get3A_493, %broadcast_in_dim3A_486 : vector<16xf32>
          %swap3A_495 = arith.index_cast %add3A_490 : i32 to index
          %swap3A_496 = arith.constant 0 : index
          %swap3A_497 = tpu.vector_load %arg13[%swap3A_495, %swap3A_496] {strides = array<i32>} : memref<128x64xf32, #tpu.memory_space<vmem>>, vector<16xf32>,
          tpu.vector_store %arg13[%swap3A_495, %swap3A_496], %mul3A_494 {strides = array<i32>} : memref<128x64xf32, #tpu.memory_space<vmem>>, vector<16xf32>,
          %get3A_498 = arith.index_cast %add3A_490 : i32 to index
          %get3A_499 = arith.constant 16 : index
          %get3A_500 = tpu.vector_load %arg13[%get3A_498, %get3A_499] {strides = array<i32>} : memref<128x64xf32, #tpu.memory_space<vmem>>, vector<16xf32>,
          %mul3A_501 = arith.mulf %get3A_500, %broadcast_in_dim3A_486 : vector<16xf32>
          %swap3A_502 = arith.index_cast %add3A_490 : i32 to index
          %swap3A_503 = arith.constant 16 : index
          %swap3A_504 = tpu.vector_load %arg13[%swap3A_502, %swap3A_503] {strides = array<i32>} : memref<128x64xf32, #tpu.memory_space<vmem>>, vector<16xf32>,
          tpu.vector_store %arg13[%swap3A_502, %swap3A_503], %mul3A_501 {strides = array<i32>} : memref<128x64xf32, #tpu.memory_space<vmem>>, vector<16xf32>,
          %get3A_505 = arith.index_cast %add3A_490 : i32 to index
          %get3A_506 = arith.constant 32 : index
          %get3A_507 = tpu.vector_load %arg13[%get3A_505, %get3A_506] {strides = array<i32>} : memref<128x64xf32, #tpu.memory_space<vmem>>, vector<16xf32>,
          %mul3A_508 = arith.mulf %get3A_507, %broadcast_in_dim3A_486 : vector<16xf32>
          %swap3A_509 = arith.index_cast %add3A_490 : i32 to index
          %swap3A_510 = arith.constant 32 : index
          %swap3A_511 = tpu.vector_load %arg13[%swap3A_509, %swap3A_510] {strides = array<i32>} : memref<128x64xf32, #tpu.memory_space<vmem>>, vector<16xf32>,
          tpu.vector_store %arg13[%swap3A_509, %swap3A_510], %mul3A_508 {strides = array<i32>} : memref<128x64xf32, #tpu.memory_space<vmem>>, vector<16xf32>,
          %get3A_512 = arith.index_cast %add3A_490 : i32 to index
          %get3A_513 = arith.constant 48 : index
          %get3A_514 = tpu.vector_load %arg13[%get3A_512, %get3A_513] {strides = array<i32>} : memref<128x64xf32, #tpu.memory_space<vmem>>, vector<16xf32>,
          %mul3A_515 = arith.mulf %get3A_514, %broadcast_in_dim3A_486 : vector<16xf32>
          %swap3A_516 = arith.index_cast %add3A_490 : i32 to index
          %swap3A_517 = arith.constant 48 : index
          %swap3A_518 = tpu.vector_load %arg13[%swap3A_516, %swap3A_517] {strides = array<i32>} : memref<128x64xf32, #tpu.memory_space<vmem>>, vector<16xf32>,
          tpu.vector_store %arg13[%swap3A_516, %swap3A_517], %mul3A_515 {strides = array<i32>} : memref<128x64xf32, #tpu.memory_space<vmem>>, vector<16xf32>,
          %slice3A_519 = vector.extract_strided_slice %get3A_171 {offsets = [10], sizes = [1], strides = [1]} : vector<16xf32> to vector<1xf32>
          %squeeze3A_520 = vector.extract %slice3A_519[0] : f32 from vector<1xf32>
          %broadcast_in_dim3A_521 = vector.broadcast %squeeze3A_520 : f32 to vector<16xf32>
          %mul3A_522 = arith.constant 16 : i32
          %mul3A_523 = arith.muli %scan3A_167, %mul3A_522 : i32
          %add3A_524 = arith.constant 10 : i32
          %add3A_525 = arith.addi %mul3A_523, %add3A_524 : i32
          %get3A_526 = arith.index_cast %add3A_525 : i32 to index
          %get3A_527 = arith.constant 0 : index
          %get3A_528 = tpu.vector_load %arg13[%get3A_526, %get3A_527] {strides = array<i32>} : memref<128x64xf32, #tpu.memory_space<vmem>>, vector<16xf32>,
          %mul3A_529 = arith.mulf %get3A_528, %broadcast_in_dim3A_521 : vector<16xf32>
          %swap3A_530 = arith.index_cast %add3A_525 : i32 to index
          %swap3A_531 = arith.constant 0 : index
          %swap3A_532 = tpu.vector_load %arg13[%swap3A_530, %swap3A_531] {strides = array<i32>} : memref<128x64xf32, #tpu.memory_space<vmem>>, vector<16xf32>,
          tpu.vector_store %arg13[%swap3A_530, %swap3A_531], %mul3A_529 {strides = array<i32>} : memref<128x64xf32, #tpu.memory_space<vmem>>, vector<16xf32>,
          %get3A_533 = arith.index_cast %add3A_525 : i32 to index
          %get3A_534 = arith.constant 16 : index
          %get3A_535 = tpu.vector_load %arg13[%get3A_533, %get3A_534] {strides = array<i32>} : memref<128x64xf32, #tpu.memory_space<vmem>>, vector<16xf32>,
          %mul3A_536 = arith.mulf %get3A_535, %broadcast_in_dim3A_521 : vector<16xf32>
          %swap3A_537 = arith.index_cast %add3A_525 : i32 to index
          %swap3A_538 = arith.constant 16 : index
          %swap3A_539 = tpu.vector_load %arg13[%swap3A_537, %swap3A_538] {strides = array<i32>} : memref<128x64xf32, #tpu.memory_space<vmem>>, vector<16xf32>,
          tpu.vector_store %arg13[%swap3A_537, %swap3A_538], %mul3A_536 {strides = array<i32>} : memref<128x64xf32, #tpu.memory_space<vmem>>, vector<16xf32>,
          %get3A_540 = arith.index_cast %add3A_525 : i32 to index
          %get3A_541 = arith.constant 32 : index
          %get3A_542 = tpu.vector_load %arg13[%get3A_540, %get3A_541] {strides = array<i32>} : memref<128x64xf32, #tpu.memory_space<vmem>>, vector<16xf32>,
          %mul3A_543 = arith.mulf %get3A_542, %broadcast_in_dim3A_521 : vector<16xf32>
          %swap3A_544 = arith.index_cast %add3A_525 : i32 to index
          %swap3A_545 = arith.constant 32 : index
          %swap3A_546 = tpu.vector_load %arg13[%swap3A_544, %swap3A_545] {strides = array<i32>} : memref<128x64xf32, #tpu.memory_space<vmem>>, vector<16xf32>,
          tpu.vector_store %arg13[%swap3A_544, %swap3A_545], %mul3A_543 {strides = array<i32>} : memref<128x64xf32, #tpu.memory_space<vmem>>, vector<16xf32>,
          %get3A_547 = arith.index_cast %add3A_525 : i32 to index
          %get3A_548 = arith.constant 48 : index
          %get3A_549 = tpu.vector_load %arg13[%get3A_547, %get3A_548] {strides = array<i32>} : memref<128x64xf32, #tpu.memory_space<vmem>>, vector<16xf32>,
          %mul3A_550 = arith.mulf %get3A_549, %broadcast_in_dim3A_521 : vector<16xf32>
          %swap3A_551 = arith.index_cast %add3A_525 : i32 to index
          %swap3A_552 = arith.constant 48 : index
          %swap3A_553 = tpu.vector_load %arg13[%swap3A_551, %swap3A_552] {strides = array<i32>} : memref<128x64xf32, #tpu.memory_space<vmem>>, vector<16xf32>,
          tpu.vector_store %arg13[%swap3A_551, %swap3A_552], %mul3A_550 {strides = array<i32>} : memref<128x64xf32, #tpu.memory_space<vmem>>, vector<16xf32>,
          %slice3A_554 = vector.extract_strided_slice %get3A_171 {offsets = [11], sizes = [1], strides = [1]} : vector<16xf32> to vector<1xf32>
          %squeeze3A_555 = vector.extract %slice3A_554[0] : f32 from vector<1xf32>
          %broadcast_in_dim3A_556 = vector.broadcast %squeeze3A_555 : f32 to vector<16xf32>
          %mul3A_557 = arith.constant 16 : i32
          %mul3A_558 = arith.muli %scan3A_167, %mul3A_557 : i32
          %add3A_559 = arith.constant 11 : i32
          %add3A_560 = arith.addi %mul3A_558, %add3A_559 : i32
          %get3A_561 = arith.index_cast %add3A_560 : i32 to index
          %get3A_562 = arith.constant 0 : index
          %get3A_563 = tpu.vector_load %arg13[%get3A_561, %get3A_562] {strides = array<i32>} : memref<128x64xf32, #tpu.memory_space<vmem>>, vector<16xf32>,
          %mul3A_564 = arith.mulf %get3A_563, %broadcast_in_dim3A_556 : vector<16xf32>
          %swap3A_565 = arith.index_cast %add3A_560 : i32 to index
          %swap3A_566 = arith.constant 0 : index
          %swap3A_567 = tpu.vector_load %arg13[%swap3A_565, %swap3A_566] {strides = array<i32>} : memref<128x64xf32, #tpu.memory_space<vmem>>, vector<16xf32>,
          tpu.vector_store %arg13[%swap3A_565, %swap3A_566], %mul3A_564 {strides = array<i32>} : memref<128x64xf32, #tpu.memory_space<vmem>>, vector<16xf32>,
          %get3A_568 = arith.index_cast %add3A_560 : i32 to index
          %get3A_569 = arith.constant 16 : index
          %get3A_570 = tpu.vector_load %arg13[%get3A_568, %get3A_569] {strides = array<i32>} : memref<128x64xf32, #tpu.memory_space<vmem>>, vector<16xf32>,
          %mul3A_571 = arith.mulf %get3A_570, %broadcast_in_dim3A_556 : vector<16xf32>
          %swap3A_572 = arith.index_cast %add3A_560 : i32 to index
          %swap3A_573 = arith.constant 16 : index
          %swap3A_574 = tpu.vector_load %arg13[%swap3A_572, %swap3A_573] {strides = array<i32>} : memref<128x64xf32, #tpu.memory_space<vmem>>, vector<16xf32>,
          tpu.vector_store %arg13[%swap3A_572, %swap3A_573], %mul3A_571 {strides = array<i32>} : memref<128x64xf32, #tpu.memory_space<vmem>>, vector<16xf32>,
          %get3A_575 = arith.index_cast %add3A_560 : i32 to index
          %get3A_576 = arith.constant 32 : index
          %get3A_577 = tpu.vector_load %arg13[%get3A_575, %get3A_576] {strides = array<i32>} : memref<128x64xf32, #tpu.memory_space<vmem>>, vector<16xf32>,
          %mul3A_578 = arith.mulf %get3A_577, %broadcast_in_dim3A_556 : vector<16xf32>
          %swap3A_579 = arith.index_cast %add3A_560 : i32 to index
          %swap3A_580 = arith.constant 32 : index
          %swap3A_581 = tpu.vector_load %arg13[%swap3A_579, %swap3A_580] {strides = array<i32>} : memref<128x64xf32, #tpu.memory_space<vmem>>, vector<16xf32>,
          tpu.vector_store %arg13[%swap3A_579, %swap3A_580], %mul3A_578 {strides = array<i32>} : memref<128x64xf32, #tpu.memory_space<vmem>>, vector<16xf32>,
          %get3A_582 = arith.index_cast %add3A_560 : i32 to index
          %get3A_583 = arith.constant 48 : index
          %get3A_584 = tpu.vector_load %arg13[%get3A_582, %get3A_583] {strides = array<i32>} : memref<128x64xf32, #tpu.memory_space<vmem>>, vector<16xf32>,
          %mul3A_585 = arith.mulf %get3A_584, %broadcast_in_dim3A_556 : vector<16xf32>
          %swap3A_586 = arith.index_cast %add3A_560 : i32 to index
          %swap3A_587 = arith.constant 48 : index
          %swap3A_588 = tpu.vector_load %arg13[%swap3A_586, %swap3A_587] {strides = array<i32>} : memref<128x64xf32, #tpu.memory_space<vmem>>, vector<16xf32>,
          tpu.vector_store %arg13[%swap3A_586, %swap3A_587], %mul3A_585 {strides = array<i32>} : memref<128x64xf32, #tpu.memory_space<vmem>>, vector<16xf32>,
          %slice3A_589 = vector.extract_strided_slice %get3A_171 {offsets = [12], sizes = [1], strides = [1]} : vector<16xf32> to vector<1xf32>
          %squeeze3A_590 = vector.extract %slice3A_589[0] : f32 from vector<1xf32>
          %broadcast_in_dim3A_591 = vector.broadcast %squeeze3A_590 : f32 to vector<16xf32>
          %mul3A_592 = arith.constant 16 : i32
          %mul3A_593 = arith.muli %scan3A_167, %mul3A_592 : i32
          %add3A_594 = arith.constant 12 : i32
          %add3A_595 = arith.addi %mul3A_593, %add3A_594 : i32
          %get3A_596 = arith.index_cast %add3A_595 : i32 to index
          %get3A_597 = arith.constant 0 : index
          %get3A_598 = tpu.vector_load %arg13[%get3A_596, %get3A_597] {strides = array<i32>} : memref<128x64xf32, #tpu.memory_space<vmem>>, vector<16xf32>,
          %mul3A_599 = arith.mulf %get3A_598, %broadcast_in_dim3A_591 : vector<16xf32>
          %swap3A_600 = arith.index_cast %add3A_595 : i32 to index
          %swap3A_601 = arith.constant 0 : index
          %swap3A_602 = tpu.vector_load %arg13[%swap3A_600, %swap3A_601] {strides = array<i32>} : memref<128x64xf32, #tpu.memory_space<vmem>>, vector<16xf32>,
          tpu.vector_store %arg13[%swap3A_600, %swap3A_601], %mul3A_599 {strides = array<i32>} : memref<128x64xf32, #tpu.memory_space<vmem>>, vector<16xf32>,
          %get3A_603 = arith.index_cast %add3A_595 : i32 to index
          %get3A_604 = arith.constant 16 : index
          %get3A_605 = tpu.vector_load %arg13[%get3A_603, %get3A_604] {strides = array<i32>} : memref<128x64xf32, #tpu.memory_space<vmem>>, vector<16xf32>,
          %mul3A_606 = arith.mulf %get3A_605, %broadcast_in_dim3A_591 : vector<16xf32>
          %swap3A_607 = arith.index_cast %add3A_595 : i32 to index
          %swap3A_608 = arith.constant 16 : index
          %swap3A_609 = tpu.vector_load %arg13[%swap3A_607, %swap3A_608] {strides = array<i32>} : memref<128x64xf32, #tpu.memory_space<vmem>>, vector<16xf32>,
          tpu.vector_store %arg13[%swap3A_607, %swap3A_608], %mul3A_606 {strides = array<i32>} : memref<128x64xf32, #tpu.memory_space<vmem>>, vector<16xf32>,
          %get3A_610 = arith.index_cast %add3A_595 : i32 to index
          %get3A_611 = arith.constant 32 : index
          %get3A_612 = tpu.vector_load %arg13[%get3A_610, %get3A_611] {strides = array<i32>} : memref<128x64xf32, #tpu.memory_space<vmem>>, vector<16xf32>,
          %mul3A_613 = arith.mulf %get3A_612, %broadcast_in_dim3A_591 : vector<16xf32>
          %swap3A_614 = arith.index_cast %add3A_595 : i32 to index
          %swap3A_615 = arith.constant 32 : index
          %swap3A_616 = tpu.vector_load %arg13[%swap3A_614, %swap3A_615] {strides = array<i32>} : memref<128x64xf32, #tpu.memory_space<vmem>>, vector<16xf32>,
          tpu.vector_store %arg13[%swap3A_614, %swap3A_615], %mul3A_613 {strides = array<i32>} : memref<128x64xf32, #tpu.memory_space<vmem>>, vector<16xf32>,
          %get3A_617 = arith.index_cast %add3A_595 : i32 to index
          %get3A_618 = arith.constant 48 : index
          %get3A_619 = tpu.vector_load %arg13[%get3A_617, %get3A_618] {strides = array<i32>} : memref<128x64xf32, #tpu.memory_space<vmem>>, vector<16xf32>,
          %mul3A_620 = arith.mulf %get3A_619, %broadcast_in_dim3A_591 : vector<16xf32>
          %swap3A_621 = arith.index_cast %add3A_595 : i32 to index
          %swap3A_622 = arith.constant 48 : index
          %swap3A_623 = tpu.vector_load %arg13[%swap3A_621, %swap3A_622] {strides = array<i32>} : memref<128x64xf32, #tpu.memory_space<vmem>>, vector<16xf32>,
          tpu.vector_store %arg13[%swap3A_621, %swap3A_622], %mul3A_620 {strides = array<i32>} : memref<128x64xf32, #tpu.memory_space<vmem>>, vector<16xf32>,
          %slice3A_624 = vector.extract_strided_slice %get3A_171 {offsets = [13], sizes = [1], strides = [1]} : vector<16xf32> to vector<1xf32>
          %squeeze3A_625 = vector.extract %slice3A_624[0] : f32 from vector<1xf32>
          %broadcast_in_dim3A_626 = vector.broadcast %squeeze3A_625 : f32 to vector<16xf32>
          %mul3A_627 = arith.constant 16 : i32
          %mul3A_628 = arith.muli %scan3A_167, %mul3A_627 : i32
          %add3A_629 = arith.constant 13 : i32
          %add3A_630 = arith.addi %mul3A_628, %add3A_629 : i32
          %get3A_631 = arith.index_cast %add3A_630 : i32 to index
          %get3A_632 = arith.constant 0 : index
          %get3A_633 = tpu.vector_load %arg13[%get3A_631, %get3A_632] {strides = array<i32>} : memref<128x64xf32, #tpu.memory_space<vmem>>, vector<16xf32>,
          %mul3A_634 = arith.mulf %get3A_633, %broadcast_in_dim3A_626 : vector<16xf32>
          %swap3A_635 = arith.index_cast %add3A_630 : i32 to index
          %swap3A_636 = arith.constant 0 : index
          %swap3A_637 = tpu.vector_load %arg13[%swap3A_635, %swap3A_636] {strides = array<i32>} : memref<128x64xf32, #tpu.memory_space<vmem>>, vector<16xf32>,
          tpu.vector_store %arg13[%swap3A_635, %swap3A_636], %mul3A_634 {strides = array<i32>} : memref<128x64xf32, #tpu.memory_space<vmem>>, vector<16xf32>,
          %get3A_638 = arith.index_cast %add3A_630 : i32 to index
          %get3A_639 = arith.constant 16 : index
          %get3A_640 = tpu.vector_load %arg13[%get3A_638, %get3A_639] {strides = array<i32>} : memref<128x64xf32, #tpu.memory_space<vmem>>, vector<16xf32>,
          %mul3A_641 = arith.mulf %get3A_640, %broadcast_in_dim3A_626 : vector<16xf32>
          %swap3A_642 = arith.index_cast %add3A_630 : i32 to index
          %swap3A_643 = arith.constant 16 : index
          %swap3A_644 = tpu.vector_load %arg13[%swap3A_642, %swap3A_643] {strides = array<i32>} : memref<128x64xf32, #tpu.memory_space<vmem>>, vector<16xf32>,
          tpu.vector_store %arg13[%swap3A_642, %swap3A_643], %mul3A_641 {strides = array<i32>} : memref<128x64xf32, #tpu.memory_space<vmem>>, vector<16xf32>,
          %get3A_645 = arith.index_cast %add3A_630 : i32 to index
          %get3A_646 = arith.constant 32 : index
          %get3A_647 = tpu.vector_load %arg13[%get3A_645, %get3A_646] {strides = array<i32>} : memref<128x64xf32, #tpu.memory_space<vmem>>, vector<16xf32>,
          %mul3A_648 = arith.mulf %get3A_647, %broadcast_in_dim3A_626 : vector<16xf32>
          %swap3A_649 = arith.index_cast %add3A_630 : i32 to index
          %swap3A_650 = arith.constant 32 : index
          %swap3A_651 = tpu.vector_load %arg13[%swap3A_649, %swap3A_650] {strides = array<i32>} : memref<128x64xf32, #tpu.memory_space<vmem>>, vector<16xf32>,
          tpu.vector_store %arg13[%swap3A_649, %swap3A_650], %mul3A_648 {strides = array<i32>} : memref<128x64xf32, #tpu.memory_space<vmem>>, vector<16xf32>,
          %get3A_652 = arith.index_cast %add3A_630 : i32 to index
          %get3A_653 = arith.constant 48 : index
          %get3A_654 = tpu.vector_load %arg13[%get3A_652, %get3A_653] {strides = array<i32>} : memref<128x64xf32, #tpu.memory_space<vmem>>, vector<16xf32>,
          %mul3A_655 = arith.mulf %get3A_654, %broadcast_in_dim3A_626 : vector<16xf32>
          %swap3A_656 = arith.index_cast %add3A_630 : i32 to index
          %swap3A_657 = arith.constant 48 : index
          %swap3A_658 = tpu.vector_load %arg13[%swap3A_656, %swap3A_657] {strides = array<i32>} : memref<128x64xf32, #tpu.memory_space<vmem>>, vector<16xf32>,
          tpu.vector_store %arg13[%swap3A_656, %swap3A_657], %mul3A_655 {strides = array<i32>} : memref<128x64xf32, #tpu.memory_space<vmem>>, vector<16xf32>,
          %slice3A_659 = vector.extract_strided_slice %get3A_171 {offsets = [14], sizes = [1], strides = [1]} : vector<16xf32> to vector<1xf32>
          %squeeze3A_660 = vector.extract %slice3A_659[0] : f32 from vector<1xf32>
          %broadcast_in_dim3A_661 = vector.broadcast %squeeze3A_660 : f32 to vector<16xf32>
          %mul3A_662 = arith.constant 16 : i32
          %mul3A_663 = arith.muli %scan3A_167, %mul3A_662 : i32
          %add3A_664 = arith.constant 14 : i32
          %add3A_665 = arith.addi %mul3A_663, %add3A_664 : i32
          %get3A_666 = arith.index_cast %add3A_665 : i32 to index
          %get3A_667 = arith.constant 0 : index
          %get3A_668 = tpu.vector_load %arg13[%get3A_666, %get3A_667] {strides = array<i32>} : memref<128x64xf32, #tpu.memory_space<vmem>>, vector<16xf32>,
          %mul3A_669 = arith.mulf %get3A_668, %broadcast_in_dim3A_661 : vector<16xf32>
          %swap3A_670 = arith.index_cast %add3A_665 : i32 to index
          %swap3A_671 = arith.constant 0 : index
          %swap3A_672 = tpu.vector_load %arg13[%swap3A_670, %swap3A_671] {strides = array<i32>} : memref<128x64xf32, #tpu.memory_space<vmem>>, vector<16xf32>,
          tpu.vector_store %arg13[%swap3A_670, %swap3A_671], %mul3A_669 {strides = array<i32>} : memref<128x64xf32, #tpu.memory_space<vmem>>, vector<16xf32>,
          %get3A_673 = arith.index_cast %add3A_665 : i32 to index
          %get3A_674 = arith.constant 16 : index
          %get3A_675 = tpu.vector_load %arg13[%get3A_673, %get3A_674] {strides = array<i32>} : memref<128x64xf32, #tpu.memory_space<vmem>>, vector<16xf32>,
          %mul3A_676 = arith.mulf %get3A_675, %broadcast_in_dim3A_661 : vector<16xf32>
          %swap3A_677 = arith.index_cast %add3A_665 : i32 to index
          %swap3A_678 = arith.constant 16 : index
          %swap3A_679 = tpu.vector_load %arg13[%swap3A_677, %swap3A_678] {strides = array<i32>} : memref<128x64xf32, #tpu.memory_space<vmem>>, vector<16xf32>,
          tpu.vector_store %arg13[%swap3A_677, %swap3A_678], %mul3A_676 {strides = array<i32>} : memref<128x64xf32, #tpu.memory_space<vmem>>, vector<16xf32>,
          %get3A_680 = arith.index_cast %add3A_665 : i32 to index
          %get3A_681 = arith.constant 32 : index
          %get3A_682 = tpu.vector_load %arg13[%get3A_680, %get3A_681] {strides = array<i32>} : memref<128x64xf32, #tpu.memory_space<vmem>>, vector<16xf32>,
          %mul3A_683 = arith.mulf %get3A_682, %broadcast_in_dim3A_661 : vector<16xf32>
          %swap3A_684 = arith.index_cast %add3A_665 : i32 to index
          %swap3A_685 = arith.constant 32 : index
          %swap3A_686 = tpu.vector_load %arg13[%swap3A_684, %swap3A_685] {strides = array<i32>} : memref<128x64xf32, #tpu.memory_space<vmem>>, vector<16xf32>,
          tpu.vector_store %arg13[%swap3A_684, %swap3A_685], %mul3A_683 {strides = array<i32>} : memref<128x64xf32, #tpu.memory_space<vmem>>, vector<16xf32>,
          %get3A_687 = arith.index_cast %add3A_665 : i32 to index
          %get3A_688 = arith.constant 48 : index
          %get3A_689 = tpu.vector_load %arg13[%get3A_687, %get3A_688] {strides = array<i32>} : memref<128x64xf32, #tpu.memory_space<vmem>>, vector<16xf32>,
          %mul3A_690 = arith.mulf %get3A_689, %broadcast_in_dim3A_661 : vector<16xf32>
          %swap3A_691 = arith.index_cast %add3A_665 : i32 to index
          %swap3A_692 = arith.constant 48 : index
          %swap3A_693 = tpu.vector_load %arg13[%swap3A_691, %swap3A_692] {strides = array<i32>} : memref<128x64xf32, #tpu.memory_space<vmem>>, vector<16xf32>,
          tpu.vector_store %arg13[%swap3A_691, %swap3A_692], %mul3A_690 {strides = array<i32>} : memref<128x64xf32, #tpu.memory_space<vmem>>, vector<16xf32>,
          %slice3A_694 = vector.extract_strided_slice %get3A_171 {offsets = [15], sizes = [1], strides = [1]} : vector<16xf32> to vector<1xf32>
          %squeeze3A_695 = vector.extract %slice3A_694[0] : f32 from vector<1xf32>
          %broadcast_in_dim3A_696 = vector.broadcast %squeeze3A_695 : f32 to vector<16xf32>
          %mul3A_697 = arith.constant 16 : i32
          %mul3A_698 = arith.muli %scan3A_167, %mul3A_697 : i32
          %add3A_699 = arith.constant 15 : i32
          %add3A_700 = arith.addi %mul3A_698, %add3A_699 : i32
          %get3A_701 = arith.index_cast %add3A_700 : i32 to index
          %get3A_702 = arith.constant 0 : index
          %get3A_703 = tpu.vector_load %arg13[%get3A_701, %get3A_702] {strides = array<i32>} : memref<128x64xf32, #tpu.memory_space<vmem>>, vector<16xf32>,
          %mul3A_704 = arith.mulf %get3A_703, %broadcast_in_dim3A_696 : vector<16xf32>
          %swap3A_705 = arith.index_cast %add3A_700 : i32 to index
          %swap3A_706 = arith.constant 0 : index
          %swap3A_707 = tpu.vector_load %arg13[%swap3A_705, %swap3A_706] {strides = array<i32>} : memref<128x64xf32, #tpu.memory_space<vmem>>, vector<16xf32>,
          tpu.vector_store %arg13[%swap3A_705, %swap3A_706], %mul3A_704 {strides = array<i32>} : memref<128x64xf32, #tpu.memory_space<vmem>>, vector<16xf32>,
          %get3A_708 = arith.index_cast %add3A_700 : i32 to index
          %get3A_709 = arith.constant 16 : index
          %get3A_710 = tpu.vector_load %arg13[%get3A_708, %get3A_709] {strides = array<i32>} : memref<128x64xf32, #tpu.memory_space<vmem>>, vector<16xf32>,
          %mul3A_711 = arith.mulf %get3A_710, %broadcast_in_dim3A_696 : vector<16xf32>
          %swap3A_712 = arith.index_cast %add3A_700 : i32 to index
          %swap3A_713 = arith.constant 16 : index
          %swap3A_714 = tpu.vector_load %arg13[%swap3A_712, %swap3A_713] {strides = array<i32>} : memref<128x64xf32, #tpu.memory_space<vmem>>, vector<16xf32>,
          tpu.vector_store %arg13[%swap3A_712, %swap3A_713], %mul3A_711 {strides = array<i32>} : memref<128x64xf32, #tpu.memory_space<vmem>>, vector<16xf32>,
          %get3A_715 = arith.index_cast %add3A_700 : i32 to index
          %get3A_716 = arith.constant 32 : index
          %get3A_717 = tpu.vector_load %arg13[%get3A_715, %get3A_716] {strides = array<i32>} : memref<128x64xf32, #tpu.memory_space<vmem>>, vector<16xf32>,
          %mul3A_718 = arith.mulf %get3A_717, %broadcast_in_dim3A_696 : vector<16xf32>
          %swap3A_719 = arith.index_cast %add3A_700 : i32 to index
          %swap3A_720 = arith.constant 32 : index
          %swap3A_721 = tpu.vector_load %arg13[%swap3A_719, %swap3A_720] {strides = array<i32>} : memref<128x64xf32, #tpu.memory_space<vmem>>, vector<16xf32>,
          tpu.vector_store %arg13[%swap3A_719, %swap3A_720], %mul3A_718 {strides = array<i32>} : memref<128x64xf32, #tpu.memory_space<vmem>>, vector<16xf32>,
          %get3A_722 = arith.index_cast %add3A_700 : i32 to index
          %get3A_723 = arith.constant 48 : index
          %get3A_724 = tpu.vector_load %arg13[%get3A_722, %get3A_723] {strides = array<i32>} : memref<128x64xf32, #tpu.memory_space<vmem>>, vector<16xf32>,
          %mul3A_725 = arith.mulf %get3A_724, %broadcast_in_dim3A_696 : vector<16xf32>
          %swap3A_726 = arith.index_cast %add3A_700 : i32 to index
          %swap3A_727 = arith.constant 48 : index
          %swap3A_728 = tpu.vector_load %arg13[%swap3A_726, %swap3A_727] {strides = array<i32>} : memref<128x64xf32, #tpu.memory_space<vmem>>, vector<16xf32>,
          tpu.vector_store %arg13[%swap3A_726, %swap3A_727], %mul3A_725 {strides = array<i32>} : memref<128x64xf32, #tpu.memory_space<vmem>>, vector<16xf32>,
        }
        %scan3A_146 = arith.constant 8 : i32
        %dma_start3A_147 = arith.constant 0 : i32
        %dma_start3A_148 = tpu.memref_slice %arg10[%add3A_134, %dma_start3A_147] : memref<160x128xi32, #tpu.memory_space<vmem>> -> memref<1x128xi32, #tpu.memory_space<vmem>>
        %dma_start3A_149 = tpu.memref_squeeze %dma_start3A_148 : memref<1x128xi32, #tpu.memory_space<vmem>> -> memref<128xi32, #tpu.memory_space<vmem>>
        %dma_start3A_150 = arith.constant 0 : i32
        %dma_start3A_151 = arith.constant 0 : i32
        %dma_start3A_152 = tpu.memref_slice %arg15[%dma_start3A_150, %dma_start3A_151] : memref<10112x64xf32, #tpu.memory_space<vmem_shared>> -> memref<10112x64xf32, #tpu.memory_space<vmem_shared>>
        tpu.enqueue_indirect_dma source(%arg13 : memref<128x64xf32, #tpu.memory_space<vmem>>) target(%dma_start3A_152 : memref<10112x64xf32, #tpu.memory_space<vmem_shared>>) offsets(%dma_start3A_149 : memref<128xi32, #tpu.memory_space<vmem>>) semaphore(%arg19 : memref<!tpu.dma_semaphore, #tpu.memory_space<semaphore_mem>>) {add = true}
        %dma_wait3A_153 = arith.constant 0 : i32
        %dma_wait3A_154 = tpu.memref_slice %arg10[%add3A_134, %dma_wait3A_153] : memref<160x128xi32, #tpu.memory_space<vmem>> -> memref<1x128xi32, #tpu.memory_space<vmem>>
        %dma_wait3A_155 = tpu.memref_squeeze %dma_wait3A_154 : memref<1x128xi32, #tpu.memory_space<vmem>> -> memref<128xi32, #tpu.memory_space<vmem>>
        %dma_wait3A_156 = arith.constant 0 : i32
        %dma_wait3A_157 = arith.constant 0 : i32
        %dma_wait3A_158 = tpu.memref_slice %arg15[%dma_wait3A_156, %dma_wait3A_157] : memref<10112x64xf32, #tpu.memory_space<vmem_shared>> -> memref<10112x64xf32, #tpu.memory_space<vmem_shared>>
        tpu.wait_indirect_dma semaphore(%arg18 : memref<!tpu.dma_semaphore, #tpu.memory_space<semaphore_mem>>) src(%arg12 : memref<128x64xf32, #tpu.memory_space<vmem>>) dst(%dma_wait3A_158 : memref<10112x64xf32, #tpu.memory_space<vmem_shared>>)
        %add3A_159 = arith.constant 1 : i32
        %add3A_160 = arith.addi %add3A_134, %add3A_159 : i32
        %dma_start3A_161 = arith.constant 0 : i32
        %dma_start3A_162 = tpu.memref_slice %arg9[%add3A_160, %dma_start3A_161] : memref<160x128xi32, #tpu.memory_space<vmem>> -> memref<1x128xi32, #tpu.memory_space<vmem>>
        %dma_start3A_163 = tpu.memref_squeeze %dma_start3A_162 : memref<1x128xi32, #tpu.memory_space<vmem>> -> memref<128xi32, #tpu.memory_space<vmem>>
        %dma_start3A_164 = arith.constant 0 : i32
        %dma_start3A_165 = arith.constant 0 : i32
        %dma_start3A_166 = tpu.memref_slice %arg3[%dma_start3A_164, %dma_start3A_165] : memref<10000x64xf32, #tpu.memory_space<hbm>> -> memref<10000x64xf32, #tpu.memory_space<hbm>>
        tpu.enqueue_indirect_dma source(%dma_start3A_166 : memref<10000x64xf32, #tpu.memory_space<hbm>>) target(%arg12 : memref<128x64xf32, #tpu.memory_space<vmem>>) offsets(%dma_start3A_163 : memref<128xi32, #tpu.memory_space<vmem>>) semaphore(%arg16 : memref<!tpu.dma_semaphore, #tpu.memory_space<semaphore_mem>>)
      }
      %scan3A_84 = arith.constant 79 : i32
      %dma_wait3A = arith.constant 0 : i32
      %dma_wait3A_85 = arith.constant 0 : i32
      %dma_wait3A_86 = tpu.memref_slice %arg9[%dma_wait3A, %dma_wait3A_85] : memref<160x128xi32, #tpu.memory_space<vmem>> -> memref<1x128xi32, #tpu.memory_space<vmem>>
      %dma_wait3A_87 = tpu.memref_squeeze %dma_wait3A_86 : memref<1x128xi32, #tpu.memory_space<vmem>> -> memref<128xi32, #tpu.memory_space<vmem>>
      %dma_wait3A_88 = arith.constant 0 : i32
      %dma_wait3A_89 = arith.constant 0 : i32
      %dma_wait3A_90 = tpu.memref_slice %arg3[%dma_wait3A_88, %dma_wait3A_89] : memref<10000x64xf32, #tpu.memory_space<hbm>> -> memref<10000x64xf32, #tpu.memory_space<hbm>>
      tpu.wait_indirect_dma semaphore(%arg16 : memref<!tpu.dma_semaphore, #tpu.memory_space<semaphore_mem>>) src(%dma_wait3A_90 : memref<10000x64xf32, #tpu.memory_space<hbm>>) dst(%arg12 : memref<128x64xf32, #tpu.memory_space<vmem>>)
      %dma_wait3A_91 = arith.constant 0 : i32
      %dma_wait3A_92 = arith.constant 0 : i32
      %dma_wait3A_93 = tpu.memref_slice %arg10[%dma_wait3A_91, %dma_wait3A_92] : memref<160x128xi32, #tpu.memory_space<vmem>> -> memref<1x128xi32, #tpu.memory_space<vmem>>
      %dma_wait3A_94 = tpu.memref_squeeze %dma_wait3A_93 : memref<1x128xi32, #tpu.memory_space<vmem>> -> memref<128xi32, #tpu.memory_space<vmem>>
      %dma_wait3A_95 = arith.constant 0 : i32
      %dma_wait3A_96 = arith.constant 0 : i32
      %dma_wait3A_97 = tpu.memref_slice %arg15[%dma_wait3A_95, %dma_wait3A_96] : memref<10112x64xf32, #tpu.memory_space<vmem_shared>> -> memref<10112x64xf32, #tpu.memory_space<vmem_shared>>
      tpu.wait_indirect_dma semaphore(%arg19 : memref<!tpu.dma_semaphore, #tpu.memory_space<semaphore_mem>>) src(%arg13 : memref<128x64xf32, #tpu.memory_space<vmem>>) dst(%dma_wait3A_97 : memref<10112x64xf32, #tpu.memory_space<vmem_shared>>)
    } else {
    }
    %mul3A_31 = arith.constant 79 : i32
    %mul3A_32 = arith.muli %arg0, %mul3A_31 : i32
    %add3A_33 = arith.constant 1 : i32
    %add3A_34 = arith.addi %arg0, %add3A_33 : i32
    %mul3A_35 = arith.constant 79 : i32
    %mul3A_36 = arith.muli %add3A_34, %mul3A_35 : i32
    %while3A = arith.constant 0 : i32
    %while3A_37 = arith.subi %mul3A_36, %mul3A_32 : i32
    %while3A_38 = arith.addi %mul3A_32, %while3A_37 : i32
    %while3A_39 = arith.constant 1 : i32
    %while3A_40 = arith.divsi %while3A_37, %while3A_39 : i32
    %while3A_41 = arith.muli %while3A_40, %while3A_39 : i32
    %while3A_42 = arith.addi %mul3A_32, %while3A_41 : i32
    %while3A_43 = arith.constant 1 : i32
    scf.for %while3A_66 = %mul3A_32 to %while3A_42 step %while3A_43  : i32 {
      %scan3A_67 = arith.constant 0 : i32
      %scan3A_68 = arith.constant 0 : i32
      %scan3A_69 = arith.constant 8 : i32
      %scan3A_70 = arith.addi %scan3A_68, %scan3A_69 : i32
      %scan3A_71 = arith.constant 1 : i32
      scf.for %scan3A_73 = %scan3A_68 to %scan3A_70 step %scan3A_71  : i32 {
        %mul3A_74 = arith.constant 16 : i32
        %mul3A_75 = arith.muli %scan3A_73, %mul3A_74 : i32
        %get3A = arith.index_cast %while3A_66 : i32 to index
        %get3A_76 = arith.index_cast %mul3A_75 : i32 to index
        %get3A_77 = tpu.vector_load %arg10[%get3A, %get3A_76] {strides = array<i32>} : memref<160x128xi32, #tpu.memory_space<vmem>>, vector<16xi32>,
        %broadcast_in_dim3A_78 = arith.constant true
        %broadcast_in_dim3A_79 = vector.broadcast %broadcast_in_dim3A_78 : i1 to vector<16xi1>
        %unique3A, %unique3A_80 = tpu.scan_count mask(%broadcast_in_dim3A_79 : vector<16xi1>) value(%get3A_77 : vector<16xi32>) : vector<16xi1>, vector<16xi32>
        %convert_element_type3A_81 = arith.sitofp %unique3A_80 : vector<16xi32> to vector<16xf32>
        tpu.vector_store_idx %arg14[%get3A_77], %convert_element_type3A_81 masked %unique3A {add = true} : memref<10112xf32, #tpu.memory_space<vmem>>[vector<16xi32>], vector<16xf32>, vector<16xi1>
      }
      %scan3A_72 = arith.constant 8 : i32
    }
    %while3A_44 = arith.constant 1 : i32
    scf.for %while3A_66 = %while3A_42 to %while3A_38 step %while3A_44  : i32 {
      %scan3A_67 = arith.constant 0 : i32
      %scan3A_68 = arith.constant 0 : i32
      %scan3A_69 = arith.constant 8 : i32
      %scan3A_70 = arith.addi %scan3A_68, %scan3A_69 : i32
      %scan3A_71 = arith.constant 1 : i32
      scf.for %scan3A_73 = %scan3A_68 to %scan3A_70 step %scan3A_71  : i32 {
        %mul3A_74 = arith.constant 16 : i32
        %mul3A_75 = arith.muli %scan3A_73, %mul3A_74 : i32
        %get3A = arith.index_cast %while3A_66 : i32 to index
        %get3A_76 = arith.index_cast %mul3A_75 : i32 to index
        %get3A_77 = tpu.vector_load %arg10[%get3A, %get3A_76] {strides = array<i32>} : memref<160x128xi32, #tpu.memory_space<vmem>>, vector<16xi32>,
        %broadcast_in_dim3A_78 = arith.constant true
        %broadcast_in_dim3A_79 = vector.broadcast %broadcast_in_dim3A_78 : i1 to vector<16xi1>
        %unique3A, %unique3A_80 = tpu.scan_count mask(%broadcast_in_dim3A_79 : vector<16xi1>) value(%get3A_77 : vector<16xi32>) : vector<16xi1>, vector<16xi32>
        %convert_element_type3A_81 = arith.sitofp %unique3A_80 : vector<16xi32> to vector<16xf32>
        tpu.vector_store_idx %arg14[%get3A_77], %convert_element_type3A_81 masked %unique3A {add = true} : memref<10112xf32, #tpu.memory_space<vmem>>[vector<16xi32>], vector<16xf32>, vector<16xi1>
      }
      %scan3A_72 = arith.constant 8 : i32
    }
    %barrier3A_45 = arith.constant 0 : index
    tpu.barrier barrier_id(%barrier3A_45)
    %add3A_46 = arith.constant 0 : i32
    %add3A_47 = arith.addi %mul3A_14, %add3A_46 : i32
    %add3A_48 = arith.constant 0 : i32
    %add3A_49 = arith.addi %mul3A_14, %add3A_48 : i32
    "tpu.region"() ({
      %run_scoped3A = tpu.sem_alloc : memref<!tpu.dma_semaphore, #tpu.memory_space<semaphore_mem>>
      %dma_start3A = arith.constant 0 : i32
      %dma_start3A_66 = tpu.memref_slice %arg7[%arg0, %add3A_49, %dma_start3A] : memref<2x10112x64xf32, #tpu.memory_space<hbm>> -> memref<1x128x64xf32, #tpu.memory_space<hbm>>
      %dma_start3A_67 = tpu.memref_squeeze %dma_start3A_66 : memref<1x128x64xf32, #tpu.memory_space<hbm>> -> memref<128x64xf32, #tpu.memory_space<hbm>>
      %dma_start3A_68 = arith.constant 0 : i32
      %dma_start3A_69 = tpu.memref_slice %arg15[%add3A_47, %dma_start3A_68] : memref<10112x64xf32, #tpu.memory_space<vmem_shared>> -> memref<128x64xf32, #tpu.memory_space<vmem_shared>>
      tpu.enqueue_dma source(%dma_start3A_69 : memref<128x64xf32, #tpu.memory_space<vmem_shared>>) target(%dma_start3A_67 : memref<128x64xf32, #tpu.memory_space<hbm>>) target_semaphore(%run_scoped3A : memref<!tpu.dma_semaphore, #tpu.memory_space<semaphore_mem>>)
      %dma_wait3A = arith.constant 0 : i32
      %dma_wait3A_70 = tpu.memref_slice %arg7[%arg0, %add3A_49, %dma_wait3A] : memref<2x10112x64xf32, #tpu.memory_space<hbm>> -> memref<1x128x64xf32, #tpu.memory_space<hbm>>
      %dma_wait3A_71 = tpu.memref_squeeze %dma_wait3A_70 : memref<1x128x64xf32, #tpu.memory_space<hbm>> -> memref<128x64xf32, #tpu.memory_space<hbm>>
      %dma_wait3A_72 = arith.constant 0 : i32
      %dma_wait3A_73 = tpu.memref_slice %arg15[%add3A_47, %dma_wait3A_72] : memref<10112x64xf32, #tpu.memory_space<vmem_shared>> -> memref<128x64xf32, #tpu.memory_space<vmem_shared>>
      tpu.wait_dma2 semaphore(%run_scoped3A : memref<!tpu.dma_semaphore, #tpu.memory_space<semaphore_mem>>) src(%dma_wait3A_73 : memref<128x64xf32, #tpu.memory_space<vmem_shared>>) dst(%dma_wait3A_71 : memref<128x64xf32, #tpu.memory_space<hbm>>)
      tpu.yield
    }) : () -> ()
    %add3A_50 = arith.constant 128 : i32
    %add3A_51 = arith.addi %mul3A_14, %add3A_50 : i32
    %add3A_52 = arith.constant 128 : i32
    %add3A_53 = arith.addi %mul3A_14, %add3A_52 : i32
    "tpu.region"() ({
      %run_scoped3A = tpu.sem_alloc : memref<!tpu.dma_semaphore, #tpu.memory_space<semaphore_mem>>
      %dma_start3A = arith.constant 0 : i32
      %dma_start3A_66 = tpu.memref_slice %arg7[%arg0, %add3A_53, %dma_start3A] : memref<2x10112x64xf32, #tpu.memory_space<hbm>> -> memref<1x128x64xf32, #tpu.memory_space<hbm>>
      %dma_start3A_67 = tpu.memref_squeeze %dma_start3A_66 : memref<1x128x64xf32, #tpu.memory_space<hbm>> -> memref<128x64xf32, #tpu.memory_space<hbm>>
      %dma_start3A_68 = arith.constant 0 : i32
      %dma_start3A_69 = tpu.memref_slice %arg15[%add3A_51, %dma_start3A_68] : memref<10112x64xf32, #tpu.memory_space<vmem_shared>> -> memref<128x64xf32, #tpu.memory_space<vmem_shared>>
      tpu.enqueue_dma source(%dma_start3A_69 : memref<128x64xf32, #tpu.memory_space<vmem_shared>>) target(%dma_start3A_67 : memref<128x64xf32, #tpu.memory_space<hbm>>) target_semaphore(%run_scoped3A : memref<!tpu.dma_semaphore, #tpu.memory_space<semaphore_mem>>)
      %dma_wait3A = arith.constant 0 : i32
      %dma_wait3A_70 = tpu.memref_slice %arg7[%arg0, %add3A_53, %dma_wait3A] : memref<2x10112x64xf32, #tpu.memory_space<hbm>> -> memref<1x128x64xf32, #tpu.memory_space<hbm>>
      %dma_wait3A_71 = tpu.memref_squeeze %dma_wait3A_70 : memref<1x128x64xf32, #tpu.memory_space<hbm>> -> memref<128x64xf32, #tpu.memory_space<hbm>>
      %dma_wait3A_72 = arith.constant 0 : i32
      %dma_wait3A_73 = tpu.memref_slice %arg15[%add3A_51, %dma_wait3A_72] : memref<10112x64xf32, #tpu.memory_space<vmem_shared>> -> memref<128x64xf32, #tpu.memory_space<vmem_shared>>
      tpu.wait_dma2 semaphore(%run_scoped3A : memref<!tpu.dma_semaphore, #tpu.memory_space<semaphore_mem>>) src(%dma_wait3A_73 : memref<128x64xf32, #tpu.memory_space<vmem_shared>>) dst(%dma_wait3A_71 : memref<128x64xf32, #tpu.memory_space<hbm>>)
      tpu.yield
    }) : () -> ()
    %add3A_54 = arith.constant 256 : i32
    %add3A_55 = arith.addi %mul3A_14, %add3A_54 : i32
    %add3A_56 = arith.constant 256 : i32
    %add3A_57 = arith.addi %mul3A_14, %add3A_56 : i32
    "tpu.region"() ({
      %run_scoped3A = tpu.sem_alloc : memref<!tpu.dma_semaphore, #tpu.memory_space<semaphore_mem>>
      %dma_start3A = arith.constant 0 : i32
      %dma_start3A_66 = tpu.memref_slice %arg7[%arg0, %add3A_57, %dma_start3A] : memref<2x10112x64xf32, #tpu.memory_space<hbm>> -> memref<1x128x64xf32, #tpu.memory_space<hbm>>
      %dma_start3A_67 = tpu.memref_squeeze %dma_start3A_66 : memref<1x128x64xf32, #tpu.memory_space<hbm>> -> memref<128x64xf32, #tpu.memory_space<hbm>>
      %dma_start3A_68 = arith.constant 0 : i32
      %dma_start3A_69 = tpu.memref_slice %arg15[%add3A_55, %dma_start3A_68] : memref<10112x64xf32, #tpu.memory_space<vmem_shared>> -> memref<128x64xf32, #tpu.memory_space<vmem_shared>>
      tpu.enqueue_dma source(%dma_start3A_69 : memref<128x64xf32, #tpu.memory_space<vmem_shared>>) target(%dma_start3A_67 : memref<128x64xf32, #tpu.memory_space<hbm>>) target_semaphore(%run_scoped3A : memref<!tpu.dma_semaphore, #tpu.memory_space<semaphore_mem>>)
      %dma_wait3A = arith.constant 0 : i32
      %dma_wait3A_70 = tpu.memref_slice %arg7[%arg0, %add3A_57, %dma_wait3A] : memref<2x10112x64xf32, #tpu.memory_space<hbm>> -> memref<1x128x64xf32, #tpu.memory_space<hbm>>
      %dma_wait3A_71 = tpu.memref_squeeze %dma_wait3A_70 : memref<1x128x64xf32, #tpu.memory_space<hbm>> -> memref<128x64xf32, #tpu.memory_space<hbm>>
      %dma_wait3A_72 = arith.constant 0 : i32
      %dma_wait3A_73 = tpu.memref_slice %arg15[%add3A_55, %dma_wait3A_72] : memref<10112x64xf32, #tpu.memory_space<vmem_shared>> -> memref<128x64xf32, #tpu.memory_space<vmem_shared>>
      tpu.wait_dma2 semaphore(%run_scoped3A : memref<!tpu.dma_semaphore, #tpu.memory_space<semaphore_mem>>) src(%dma_wait3A_73 : memref<128x64xf32, #tpu.memory_space<vmem_shared>>) dst(%dma_wait3A_71 : memref<128x64xf32, #tpu.memory_space<hbm>>)
      tpu.yield
    }) : () -> ()
    %add3A_58 = arith.constant 384 : i32
    %add3A_59 = arith.addi %mul3A_14, %add3A_58 : i32
    %add3A_60 = arith.constant 384 : i32
    %add3A_61 = arith.addi %mul3A_14, %add3A_60 : i32
    "tpu.region"() ({
      %run_scoped3A = tpu.sem_alloc : memref<!tpu.dma_semaphore, #tpu.memory_space<semaphore_mem>>
      %dma_start3A = arith.constant 0 : i32
      %dma_start3A_66 = tpu.memref_slice %arg7[%arg0, %add3A_61, %dma_start3A] : memref<2x10112x64xf32, #tpu.memory_space<hbm>> -> memref<1x128x64xf32, #tpu.memory_space<hbm>>
      %dma_start3A_67 = tpu.memref_squeeze %dma_start3A_66 : memref<1x128x64xf32, #tpu.memory_space<hbm>> -> memref<128x64xf32, #tpu.memory_space<hbm>>
      %dma_start3A_68 = arith.constant 0 : i32
      %dma_start3A_69 = tpu.memref_slice %arg15[%add3A_59, %dma_start3A_68] : memref<10112x64xf32, #tpu.memory_space<vmem_shared>> -> memref<128x64xf32, #tpu.memory_space<vmem_shared>>
      tpu.enqueue_dma source(%dma_start3A_69 : memref<128x64xf32, #tpu.memory_space<vmem_shared>>) target(%dma_start3A_67 : memref<128x64xf32, #tpu.memory_space<hbm>>) target_semaphore(%run_scoped3A : memref<!tpu.dma_semaphore, #tpu.memory_space<semaphore_mem>>)
      %dma_wait3A = arith.constant 0 : i32
      %dma_wait3A_70 = tpu.memref_slice %arg7[%arg0, %add3A_61, %dma_wait3A] : memref<2x10112x64xf32, #tpu.memory_space<hbm>> -> memref<1x128x64xf32, #tpu.memory_space<hbm>>
      %dma_wait3A_71 = tpu.memref_squeeze %dma_wait3A_70 : memref<1x128x64xf32, #tpu.memory_space<hbm>> -> memref<128x64xf32, #tpu.memory_space<hbm>>
      %dma_wait3A_72 = arith.constant 0 : i32
      %dma_wait3A_73 = tpu.memref_slice %arg15[%add3A_59, %dma_wait3A_72] : memref<10112x64xf32, #tpu.memory_space<vmem_shared>> -> memref<128x64xf32, #tpu.memory_space<vmem_shared>>
      tpu.wait_dma2 semaphore(%run_scoped3A : memref<!tpu.dma_semaphore, #tpu.memory_space<semaphore_mem>>) src(%dma_wait3A_73 : memref<128x64xf32, #tpu.memory_space<vmem_shared>>) dst(%dma_wait3A_71 : memref<128x64xf32, #tpu.memory_space<hbm>>)
      tpu.yield
    }) : () -> ()
    %add3A_62 = arith.constant 512 : i32
    %add3A_63 = arith.addi %mul3A_14, %add3A_62 : i32
    %add3A_64 = arith.constant 512 : i32
    %add3A_65 = arith.addi %mul3A_14, %add3A_64 : i32
    "tpu.region"() ({
      %run_scoped3A = tpu.sem_alloc : memref<!tpu.dma_semaphore, #tpu.memory_space<semaphore_mem>>
      %dma_start3A = arith.constant 0 : i32
      %dma_start3A_66 = tpu.memref_slice %arg7[%arg0, %add3A_65, %dma_start3A] : memref<2x10112x64xf32, #tpu.memory_space<hbm>> -> memref<1x120x64xf32, #tpu.memory_space<hbm>>
      %dma_start3A_67 = tpu.memref_squeeze %dma_start3A_66 : memref<1x120x64xf32, #tpu.memory_space<hbm>> -> memref<120x64xf32, #tpu.memory_space<hbm>>
      %dma_start3A_68 = arith.constant 0 : i32
      %dma_start3A_69 = tpu.memref_slice %arg15[%add3A_63, %dma_start3A_68] : memref<10112x64xf32, #tpu.memory_space<vmem_shared>> -> memref<120x64xf32, #tpu.memory_space<vmem_shared>>
      tpu.enqueue_dma source(%dma_start3A_69 : memref<120x64xf32, #tpu.memory_space<vmem_shared>>) target(%dma_start3A_67 : memref<120x64xf32, #tpu.memory_space<hbm>>) target_semaphore(%run_scoped3A : memref<!tpu.dma_semaphore, #tpu.memory_space<semaphore_mem>>)
      %dma_wait3A = arith.constant 0 : i32
      %dma_wait3A_70 = tpu.memref_slice %arg7[%arg0, %add3A_65, %dma_wait3A] : memref<2x10112x64xf32, #tpu.memory_space<hbm>> -> memref<1x120x64xf32, #tpu.memory_space<hbm>>
      %dma_wait3A_71 = tpu.memref_squeeze %dma_wait3A_70 : memref<1x120x64xf32, #tpu.memory_space<hbm>> -> memref<120x64xf32, #tpu.memory_space<hbm>>
      %dma_wait3A_72 = arith.constant 0 : i32
      %dma_wait3A_73 = tpu.memref_slice %arg15[%add3A_63, %dma_wait3A_72] : memref<10112x64xf32, #tpu.memory_space<vmem_shared>> -> memref<120x64xf32, #tpu.memory_space<vmem_shared>>
      tpu.wait_dma2 semaphore(%run_scoped3A : memref<!tpu.dma_semaphore, #tpu.memory_space<semaphore_mem>>) src(%dma_wait3A_73 : memref<120x64xf32, #tpu.memory_space<vmem_shared>>) dst(%dma_wait3A_71 : memref<120x64xf32, #tpu.memory_space<hbm>>)
      tpu.yield
    }) : () -> ()
    "tpu.region"() ({
      %run_scoped3A = tpu.sem_alloc : memref<!tpu.dma_semaphore, #tpu.memory_space<semaphore_mem>>
      %dma_start3A = arith.constant 0 : i32
      %dma_start3A_66 = tpu.memref_slice %arg8[%arg0, %arg1, %dma_start3A] : memref<2x16x10112xf32, #tpu.memory_space<hbm>> -> memref<1x1x10112xf32, #tpu.memory_space<hbm>>
      %dma_start3A_67 = tpu.memref_squeeze %dma_start3A_66 : memref<1x1x10112xf32, #tpu.memory_space<hbm>> -> memref<10112xf32, #tpu.memory_space<hbm>>
      %dma_start3A_68 = arith.constant 0 : i32
      %dma_start3A_69 = tpu.memref_slice %arg8[%arg0, %arg1, %dma_start3A_68] : memref<2x16x10112xf32, #tpu.memory_space<hbm>> -> memref<1x1x10112xf32, #tpu.memory_space<hbm>>
      %dma_start3A_70 = tpu.memref_squeeze %dma_start3A_69 : memref<1x1x10112xf32, #tpu.memory_space<hbm>> -> memref<10112xf32, #tpu.memory_space<hbm>>
      tpu.enqueue_dma source(%arg14 : memref<10112xf32, #tpu.memory_space<vmem>>) target(%dma_start3A_70 : memref<10112xf32, #tpu.memory_space<hbm>>) target_semaphore(%run_scoped3A : memref<!tpu.dma_semaphore, #tpu.memory_space<semaphore_mem>>)
      %dma_wait3A = arith.constant 0 : i32
      %dma_wait3A_71 = tpu.memref_slice %arg8[%arg0, %arg1, %dma_wait3A] : memref<2x16x10112xf32, #tpu.memory_space<hbm>> -> memref<1x1x10112xf32, #tpu.memory_space<hbm>>
      %dma_wait3A_72 = tpu.memref_squeeze %dma_wait3A_71 : memref<1x1x10112xf32, #tpu.memory_space<hbm>> -> memref<10112xf32, #tpu.memory_space<hbm>>
      %dma_wait3A_73 = arith.constant 0 : i32
      %dma_wait3A_74 = tpu.memref_slice %arg8[%arg0, %arg1, %dma_wait3A_73] : memref<2x16x10112xf32, #tpu.memory_space<hbm>> -> memref<1x1x10112xf32, #tpu.memory_space<hbm>>
      %dma_wait3A_75 = tpu.memref_squeeze %dma_wait3A_74 : memref<1x1x10112xf32, #tpu.memory_space<hbm>> -> memref<10112xf32, #tpu.memory_space<hbm>>
      tpu.wait_dma2 semaphore(%run_scoped3A : memref<!tpu.dma_semaphore, #tpu.memory_space<semaphore_mem>>) src(%arg14 : memref<10112xf32, #tpu.memory_space<vmem>>) dst(%dma_wait3A_75 : memref<10112xf32, #tpu.memory_space<hbm>>)
      tpu.yield
    }) : () -> ()
    return
  }
}

module attributes {stable_mosaic.version = 14 : i64} {
  func.func @_node_mm_body(%arg0: memref<10000x128xf32, #tpu.memory_space<vmem>>, %arg1: memref<128x64xf32, #tpu.memory_space<vmem>>, %arg2: memref<1x64xf32, #tpu.memory_space<vmem>>, %arg3: memref<10000x64xf32, #tpu.memory_space<vmem>>) attributes {dimension_semantics = [], scalar_prefetch = 0 : i64, scratch_operands = 0 : i64, tpu.core_type = #tpu.core_type<tc>} {
    %get3A = arith.constant 0 : index
    %get3A_0 = arith.constant 0 : index
    %get3A_1 = vector.load %arg0[%get3A, %get3A_0] : memref<10000x128xf32, #tpu.memory_space<vmem>>, vector<10000x128xf32>
    %get3A_2 = arith.constant 0 : index
    %get3A_3 = arith.constant 0 : index
    %get3A_4 = vector.load %arg1[%get3A_2, %get3A_3] : memref<128x64xf32, #tpu.memory_space<vmem>>, vector<128x64xf32>
    %dot_general3A = arith.constant dense<0.000000e+00> : vector<10000x64xf32>
    %dot_general3A_5 = tpu.matmul %get3A_1, %get3A_4, %dot_general3A {dimension_numbers = #tpu.dot_dimension_numbers<[1], [0], [0], [1], [0, 0, 1, 1], [], []>, transpose_lhs_hint = false} : vector<10000x128xf32>, vector<128x64xf32>, vector<10000x64xf32> -> vector<10000x64xf32>
    %get3A_6 = arith.constant 0 : index
    %get3A_7 = arith.constant 0 : index
    %get3A_8 = vector.load %arg2[%get3A_6, %get3A_7] : memref<1x64xf32, #tpu.memory_space<vmem>>, vector<1x64xf32>
    %add3A = vector.broadcast %get3A_8 : vector<1x64xf32> to vector<10000x64xf32>
    %add3A_9 = arith.addf %dot_general3A_5, %add3A : vector<10000x64xf32>
    %swap3A = arith.constant 0 : index
    %swap3A_10 = arith.constant 0 : index
    %swap3A_11 = vector.load %arg3[%swap3A, %swap3A_10] : memref<10000x64xf32, #tpu.memory_space<vmem>>, vector<10000x64xf32>
    tpu.vector_store %arg3[%swap3A, %swap3A_10], %add3A_9 {strides = array<i32>} : memref<10000x64xf32, #tpu.memory_space<vmem>>, vector<10000x64xf32>,
    return
  }
}

module attributes {stable_mosaic.version = 14 : i64} {
  func.func @_edge_gate_body(%arg0: i32, %arg1: memref<10000x128xf32, #tpu.memory_space<vmem>>, %arg2: memref<128x8xf32, #tpu.memory_space<vmem>>, %arg3: memref<1x1xf32, #tpu.memory_space<smem>>, %arg4: memref<10000x8xf32, #tpu.memory_space<vmem>>) attributes {dimension_semantics = [#tpu.dimension_semantics<arbitrary>], iteration_bounds = array<i64: 4>, scalar_prefetch = 0 : i64, scratch_operands = 0 : i64, tpu.core_type = #tpu.core_type<tc>, window_params = [{transform_indices = @transform_0, window_bounds = array<i64: 10000, 128>}, {pipeline_mode = #tpu.pipeline_mode<synchronous>, transform_indices = @transform_1, window_bounds = array<i64: 128, 8>}, {transform_indices = @transform_2, window_bounds = array<i64: 1, 1>}, {transform_indices = @transform_3, window_bounds = array<i64: 10000, 8>}]} {
    %get3A = arith.constant 0 : index
    %get3A_0 = arith.constant 0 : index
    %get3A_1 = vector.load %arg1[%get3A, %get3A_0] : memref<10000x128xf32, #tpu.memory_space<vmem>>, vector<10000x128xf32>
    %get3A_2 = arith.constant 0 : index
    %get3A_3 = arith.constant 0 : index
    %get3A_4 = vector.load %arg2[%get3A_2, %get3A_3] : memref<128x8xf32, #tpu.memory_space<vmem>>, vector<128x8xf32>
    %dot_general3A = arith.constant dense<0.000000e+00> : vector<10000x8xf32>
    %dot_general3A_5 = tpu.matmul %get3A_1, %get3A_4, %dot_general3A {dimension_numbers = #tpu.dot_dimension_numbers<[1], [0], [0], [1], [0, 0, 1, 1], [], []>, transpose_lhs_hint = false} : vector<10000x128xf32>, vector<128x8xf32>, vector<10000x8xf32> -> vector<10000x8xf32>
    %get3A_6 = arith.constant 0 : index
    %get3A_7 = arith.constant 0 : index
    %get3A_8 = memref.load %arg3[%get3A_6, %get3A_7] : memref<1x1xf32, #tpu.memory_space<smem>>
    %add3A = vector.broadcast %get3A_8 : f32 to vector<10000x8xf32>
    %add3A_9 = arith.addf %dot_general3A_5, %add3A : vector<10000x8xf32>
    %logistic3A = arith.negf %add3A_9 : vector<10000x8xf32>
    %logistic3A_10 = math.exp %logistic3A : vector<10000x8xf32>
    %logistic3A_11 = arith.constant 1.000000e+00 : f32
    %logistic3A_12 = vector.broadcast %logistic3A_11 : f32 to vector<10000x8xf32>
    %logistic3A_13 = arith.addf %logistic3A_12, %logistic3A_10 : vector<10000x8xf32>
    %logistic3A_14 = arith.divf %logistic3A_12, %logistic3A_13 : vector<10000x8xf32>
    %swap3A = arith.constant 0 : index
    %swap3A_15 = arith.constant 0 : index
    %swap3A_16 = vector.load %arg4[%swap3A, %swap3A_15] : memref<10000x8xf32, #tpu.memory_space<vmem>>, vector<10000x8xf32>
    tpu.vector_store %arg4[%swap3A, %swap3A_15], %logistic3A_14 {strides = array<i32>} : memref<10000x8xf32, #tpu.memory_space<vmem>>, vector<10000x8xf32>,
    return
  }
  func.func @transform_0(%arg0: i32) -> (i32, i32) {
    %c0_i32 = arith.constant 0 : i32
    %c0_i32_0 = arith.constant 0 : i32
    return %arg0, %c0_i32 : i32, i32
  }
  func.func @transform_1(%arg0: i32) -> (i32, i32) {
    %c0_i32 = arith.constant 0 : i32
    %c0_i32_0 = arith.constant 0 : i32
    %c0_i32_1 = arith.constant 0 : i32
    return %c0_i32, %c0_i32_0 : i32, i32
  }
  func.func @transform_2(%arg0: i32) -> (i32, i32) {
    %c0_i32 = arith.constant 0 : i32
    %c0_i32_0 = arith.constant 0 : i32
    %c0_i32_1 = arith.constant 0 : i32
    return %c0_i32, %c0_i32_0 : i32, i32
  }
  func.func @transform_3(%arg0: i32) -> (i32, i32) {
    %c0_i32 = arith.constant 0 : i32
    %c0_i32_0 = arith.constant 0 : i32
    return %arg0, %c0_i32 : i32, i32
  }
}

module attributes {stable_mosaic.version = 14 : i64} {
  func.func @_combine_body(%arg0: i32, %arg1: memref<2x2000x64xf32, #tpu.memory_space<vmem>>, %arg2: memref<2000x32xf32, #tpu.memory_space<vmem>>, %arg3: memref<2000x128xf32, #tpu.memory_space<vmem>>) attributes {dimension_semantics = [#tpu.dimension_semantics<arbitrary>], iteration_bounds = array<i64: 5>, scalar_prefetch = 0 : i64, scratch_operands = 0 : i64, tpu.core_type = #tpu.core_type<tc>, window_params = [{transform_indices = @transform_0, window_bounds = array<i64: 2, 2000, 64>}, {transform_indices = @transform_1, window_bounds = array<i64: 2000, 32>}, {transform_indices = @transform_2, window_bounds = array<i64: 2000, 128>}]} {
    %get3A = arith.constant 0 : index
    %get3A_0 = arith.constant 0 : index
    %get3A_1 = vector.load %arg2[%get3A, %get3A_0] : memref<2000x32xf32, #tpu.memory_space<vmem>>, vector<2000x32xf32>
    %reduce_sum3A = arith.constant dense<0.000000e+00> : vector<2000xf32>
    %reduce_sum3A_2 = vector.multi_reduction <add>, %get3A_1, %reduce_sum3A [1] : vector<2000x32xf32> to vector<2000xf32>
    %broadcast_in_dim3A = vector.shape_cast %reduce_sum3A_2 : vector<2000xf32> to vector<2000x1xf32>
    %max3A = arith.constant 1.000000e+00 : f32
    %max3A_3 = vector.broadcast %max3A : f32 to vector<2000x1xf32>
    %max3A_4 = arith.maximumf %broadcast_in_dim3A, %max3A_3 : vector<2000x1xf32>
    %div3A = arith.constant 1.000000e+00 : f32
    %div3A_5 = vector.broadcast %div3A : f32 to vector<2000x1xf32>
    %div3A_6 = arith.divf %div3A_5, %max3A_4 : vector<2000x1xf32>
    %get3A_7 = arith.constant 0 : index
    %get3A_8 = arith.constant 0 : index
    %get3A_9 = arith.constant 0 : index
    %get3A_10 = vector.load %arg1[%get3A_7, %get3A_8, %get3A_9] : memref<2x2000x64xf32, #tpu.memory_space<vmem>>, vector<1x2000x64xf32>
    %get3A_11 = vector.shape_cast %get3A_10 : vector<1x2000x64xf32> to vector<2000x64xf32>
    %mul3A = vector.broadcast %div3A_6 : vector<2000x1xf32> to vector<2000x64xf32>
    %mul3A_12 = arith.mulf %get3A_11, %mul3A : vector<2000x64xf32>
    %swap3A = arith.constant 0 : index
    %swap3A_13 = arith.constant 0 : index
    %swap3A_14 = vector.load %arg3[%swap3A, %swap3A_13] : memref<2000x128xf32, #tpu.memory_space<vmem>>, vector<2000x64xf32>
    tpu.vector_store %arg3[%swap3A, %swap3A_13], %mul3A_12 {strides = array<i32>} : memref<2000x128xf32, #tpu.memory_space<vmem>>, vector<2000x64xf32>,
    %get3A_15 = arith.constant 1 : index
    %get3A_16 = arith.constant 0 : index
    %get3A_17 = arith.constant 0 : index
    %get3A_18 = vector.load %arg1[%get3A_15, %get3A_16, %get3A_17] : memref<2x2000x64xf32, #tpu.memory_space<vmem>>, vector<1x2000x64xf32>
    %get3A_19 = vector.shape_cast %get3A_18 : vector<1x2000x64xf32> to vector<2000x64xf32>
    %mul3A_20 = vector.broadcast %div3A_6 : vector<2000x1xf32> to vector<2000x64xf32>
    %mul3A_21 = arith.mulf %get3A_19, %mul3A_20 : vector<2000x64xf32>
    %swap3A_22 = arith.constant 0 : index
    %swap3A_23 = arith.constant 64 : index
    %swap3A_24 = vector.load %arg3[%swap3A_22, %swap3A_23] : memref<2000x128xf32, #tpu.memory_space<vmem>>, vector<2000x64xf32>
    tpu.vector_store %arg3[%swap3A_22, %swap3A_23], %mul3A_21 {strides = array<i32>} : memref<2000x128xf32, #tpu.memory_space<vmem>>, vector<2000x64xf32>,
    return
  }
  func.func @transform_0(%arg0: i32) -> (i32, i32, i32) {
    %c0_i32 = arith.constant 0 : i32
    %c0_i32_0 = arith.constant 0 : i32
    %c0_i32_1 = arith.constant 0 : i32
    return %c0_i32, %arg0, %c0_i32_0 : i32, i32, i32
  }
  func.func @transform_1(%arg0: i32) -> (i32, i32) {
    %c0_i32 = arith.constant 0 : i32
    %c0_i32_0 = arith.constant 0 : i32
    return %arg0, %c0_i32 : i32, i32
  }
  func.func @transform_2(%arg0: i32) -> (i32, i32) {
    %c0_i32 = arith.constant 0 : i32
    %c0_i32_0 = arith.constant 0 : i32
    return %arg0, %c0_i32 : i32, i32
  }
}

</mosaic_0001>

<sc_bundles>
// kernel: kernel.7.cloned.1.call-start
scs
__scs_entry_jumppad:
0x0: {  	(pc) =	sbr.rel $0x88, $3  }
0x1: {  	(tag) =	ssettag $0x0;
	lr =	simm.s32 $0x1  }
0x2: {  	[smem:$0x3F9A] =	sst lr;
	_ =	strace $0xD0000000  }
0x3: {  	_ = 	snop  }
0x4: {  	_ = 	snop  }
0x5: {  	_ = 	snop  }
0x6: {  	_ = 	snop  }
0x7: {  	_ = 	snop  }
__scs_overlays_trampoline_lowered:
0x8: {  	[smem:$0x3FA9] =	sst s0  }
0x9: {  	[smem:$0x3FAA] =	sst s1  }
0xa: {  	[smem:$0x3FAB] =	sst s2  }
0xb: {  	[smem:$0x3FAC] =	sst s3  }
0xc: {  	[smem:$0x3FAD] =	sst s4  }
0xd: {  	[smem:$0x3FAE] =	sst s5  }
0xe: {  	[smem:$0x3FAF] =	sst s6  }
0xf: {  	[smem:$0x3FB0] =	sst s7  }
0x10: {  	[smem:$0x3FB1] =	sst s8  }
0x11: {  	[smem:$0x3FB2] =	sst s9;
	s0 =	simm.s32 @!p0 $0x0  }
0x12: {  	s1 =	sld [smem:$0x3F98];
	s0 =	simm.s32 @p0 $0x1  }
0x13: {  	[smem:$0x3FB3] =	sst s0;
	s0 =	simm.s32 @!p1 $0x0  }
0x14: {  	s2 =	sld [smem:$0x3F97];
	s0 =	simm.s32 @p1 $0x1  }
0x15: {  	[smem:$0x3FB4] =	sst s0;
	s0 =	simm.s32 @!p2 $0x0  }
0x16: {  	s3 =	sld [smem:$0x3FDB];
	s0 =	simm.s32 @p2 $0x1  }
0x17: {  	s4 =	simm.s32 $0x1BF5;
	[smem:$0x3FB6] =	sst s0  }
0x18: {  	s0 =	sld [smem:$0x3F99];
	_ =	swait.ge [sflag:s4], $0x0  }
0x19: {  	s7 =	sld [smem:$0x3F9A]  }
0x1a: {  	s8 =	sadd.s32 $0xFFFFE003, lr  }
0x1b: {  	s9 =	sadd.s32 $0xFFFFFEF7, lr;
	s5 =	simm.s32 $0xFFFFFFFF;
	p2 =	slt.u32 s8, $0xFFFFF086  }
0x1c: {  	p1 =	slt.u32 s9, $0xF7A;
	s5 =	simm.s32 @!p2 $0x0  }
0x1d: {  	s5 =	simm.s32 @p1 $0x1;
	p0 =	seq.s32 s7, s2  }
0x1e: {  	s7 =	smul.u32 @!p0 $0xF7A, s2;
	p2 =	seq.s32 @!p0 s5, $0x0  }
0x1f: {  	s9 =	smul.u32 $0xF7A, s1;
	s8 =	simm.s32 @!p0 $0x1BF5;
	p2 =	por !p2, p0  }
0x20: {  	[sflag:s8] =	ssyncset.s32 @!p0 $0xFFFFF086;
	s6 =	sadd.s32 @!p0 s3, s7;
	s7 =	simm.s32 @!p0 $0x108  }
0x21: {  	s3 =	sadd.s32 s3, s9;
	s6 =	sadd.s32 @!p0 $0x88, s6;
	s7 =	simm.s32 @p2 $0x1082  }
0x22: {  	[simem:s7], [sflag:s8] =	dma.local @!p0 [hbm:s6], $0xF7A  }
0x23: {  	s9 =	sor.u32 $0xD0000000, s2;
	s6 =	simm.s32 $0x108;
	_ =	swait.ge @!p0 [sflag:s8], $0x0  }
0x24: {  	s3 =	sadd.s32 $0x88, s3;
	s6 =	simm.s32 @!p1 $0x1082;
	[sflag:s4] =	ssyncset.s32 $0xFFFFF086  }
0x25: {  	[simem:s6], [sflag:s4] =	dma.local [hbm:s3], $0xF7A  }
0x26: {  	[smem:$0x3F9A] =	sst s1;
	(tag) =	ssettag s2;
	_ =	strace s9  }
0x27: {  	s1 =	sld [smem:$0x3FAA]  }
0x28: {  	s2 =	sld [smem:$0x3FAB]  }
0x29: {  	s4 =	sld [smem:$0x3FAD]  }
0x2a: {  	p0 =	seq.s32 s5, $0x0;
	s5 =	sld [smem:$0x3FAE]  }
0x2b: {  	s6 =	sld [smem:$0x3FAF]  }
0x2c: {  	s7 =	sld [smem:$0x3FB0]  }
0x2d: {  	s3 =	simm.s32 $0x108;
	s8 =	sld [smem:$0x3FB1]  }
0x2e: {  	s3 =	simm.s32 @!p0 $0x1082;
	s9 =	sld [smem:$0x3FB2]  }
0x2f: {  	lr =	sadd.s32 s0, s3;
	s0 =	sld [smem:$0x3FA9]  }
0x30: {  	s3 =	sld [smem:$0x3FAC]  }
0x31: {  	[smem:$0x3FB5] =	sst s10  }
0x32: {  	s10 =	sld [smem:$0x3FB3];
	_ =	sdelay $0x3  }
0x33: {  	p0 =	seq.s32 s10, $0x1;
	s10 =	sld [smem:$0x3FB5];
	_ =	sdelay $0x3  }
0x34: {  	[smem:$0x3FB5] =	sst s10  }
0x35: {  	s10 =	sld [smem:$0x3FB4];
	_ =	sdelay $0x3  }
0x36: {  	p1 =	seq.s32 s10, $0x1;
	s10 =	sld [smem:$0x3FB5];
	_ =	sdelay $0x3  }
0x37: {  	[smem:$0x3FB5] =	sst s10  }
0x38: {  	s10 =	sld [smem:$0x3FB6]  }
0x39: {  	_ = 	snop;
	(pc) =	sbr.ind lr, $3  }
0x3a: {  	_ = 	snop  }
0x3b: {  	_ = 	snop  }
0x3c: {  	p2 =	seq.s32 s10, $0x1;
	s10 =	sld [smem:$0x3FB5]  }
0x3d: {  	_ =	shalt  }
0x3e: {  	_ =	shalt  }
0x3f: {  	_ =	shalt  }
0x40: {  	_ =	shalt  }
0x41: {  	_ =	shalt  }
0x42: {  	_ =	shalt  }
0x43: {  	_ =	shalt  }
0x44: {  	_ =	shalt  }
0x45: {  	_ =	shalt  }
0x46: {  	_ =	shalt  }
0x47: {  	_ =	shalt  }
0x48: {  	_ =	shalt  }
0x49: {  	_ =	shalt  }
0x4a: {  	_ =	shalt  }
0x4b: {  	_ =	shalt  }
0x4c: {  	_ =	shalt  }
0x4d: {  	_ =	shalt  }
0x4e: {  	_ =	shalt  }
0x4f: {  	_ =	shalt  }
0x50: {  	_ =	shalt  }
0x51: {  	_ =	shalt  }
0x52: {  	_ =	shalt  }
0x53: {  	_ =	shalt  }
0x54: {  	_ =	shalt  }
0x55: {  	_ =	shalt  }
0x56: {  	_ =	shalt  }
0x57: {  	_ =	shalt  }
0x58: {  	_ =	shalt  }
0x59: {  	_ =	shalt  }
0x5a: {  	_ =	shalt  }
0x5b: {  	_ =	shalt  }
0x5c: {  	_ =	shalt  }
0x5d: {  	_ =	shalt  }
0x5e: {  	_ =	shalt  }
0x5f: {  	_ =	shalt  }
0x60: {  	_ =	shalt  }
0x61: {  	_ =	shalt  }
0x62: {  	_ =	shalt  }
0x63: {  	_ =	shalt  }
0x64: {  	_ =	shalt  }
0x65: {  	_ =	shalt  }
0x66: {  	_ =	shalt  }
0x67: {  	_ =	shalt  }
0x68: {  	_ =	shalt  }
0x69: {  	_ =	shalt  }
0x6a: {  	_ =	shalt  }
0x6b: {  	_ =	shalt  }
0x6c: {  	_ =	shalt  }
0x6d: {  	_ =	shalt  }
0x6e: {  	_ =	shalt  }
0x6f: {  	_ =	shalt  }
0x70: {  	_ =	shalt  }
0x71: {  	_ =	shalt  }
0x72: {  	_ =	shalt  }
0x73: {  	_ =	shalt  }
0x74: {  	_ =	shalt  }
0x75: {  	_ =	shalt  }
0x76: {  	_ =	shalt  }
0x77: {  	_ =	shalt  }
0x78: {  	_ =	shalt  }
0x79: {  	_ =	shalt  }
0x7a: {  	_ =	shalt  }
0x7b: {  	_ =	shalt  }
0x7c: {  	_ =	shalt  }
0x7d: {  	_ =	shalt  }
0x7e: {  	_ =	shalt  }
0x7f: {  	_ =	shalt  }
0x80: {  	_ =	shalt  }
0x81: {  	_ =	shalt  }
0x82: {  	_ =	shalt  }
0x83: {  	_ =	shalt  }
0x84: {  	_ =	shalt  }
0x85: {  	_ =	shalt  }
0x86: {  	_ =	shalt  }
0x87: {  	_ =	shalt  }
.Lfunc_end0:
.L_simem_size_0:
called_computation_lowered:
.L_overlay_start_0:
0x88: {  	s2 =	sld [smem:$0x3FD9]  }
0x89: {  	s3 =	sld [smem:$0x3FFE];
	_ =	sdelay $0x1  }
0x8a: {  	s1 =	srdreg.scid  }
0x8b: {  	s0 =	sand.u32 $0x1, s1  }
0x8c: {  	s17 =	sshll.u32 s0, $0xA;
	s2 =	sadd.s32 s3, s2  }
0x8d: {  	s2 =	sadd.s32 s2, s17  }
0x8e: {  	[smem:$0x3FC1] =	sst s2  }
0x8f: {  	_ = 	snop  }
0x90: {  	s2 =	sld [smem:$0x3FD0];
	(tm) =	ssettm $0x1  }
0x91: {  	s18 =	sld [smem:$0x3FFB];
	_ =	sdelay $0x3  }
0x92: {  	_ =	strace s18  }
0x93: {  	s3 =	sld [smem:$0x3FFC];
	_ =	sdelay $0x3  }
0x94: {  	_ =	strace s3  }
0x95: {  	s3 =	sld [smem:$0x3FFD];
	_ =	sdelay $0x3  }
0x96: {  	_ =	strace s3  }
0x97: {  	_ =	strace $0x8FFFFFFF  }
0x98: {  	s19 =	sld [smem:$0x3FDB];
	_ =	sdelay $0x1  }
0x99: {  	s4 =	simm.s32 $_scs_section_size  }
0x9a: {  	s5 =	simm.s32 $_size__tile_overlayer_lowered;
	s6 =	simm.s32 $_tile_overlayer_lowered  }
0x9b: {  	s22 =	simm.s32 $0x1BFF;
	s21 =	sshll.u32 s6, $0x1;
	s3 =	sadd.s32 s4, s19  }
0x9c: {  	s7 =	simm.s32 $0x0;
	s20 =	sshll.u32 s5, $0x1;
	s5 =	sadd.s32 s21, s3  }
0x9d: {  	[timem:s7], [sflag:s22] =	dma.local [hbm:s5], s20  }
0x9e: {  	_ =	swait.ge [sflag:s22], s20  }
0x9f: {  	s4 =	ssub.s32 $0x0, s20;
	[sflag:s22] =	ssyncset.done $0x0  }
0xa0: {  	[sflag:s22] =	ssyncadd.s32 s4;
	_ =	sdelay $0x1  }
0xa1: {  	s23 =	simm.s32 $0x1B8B  }
0xa2: {  	_ =	swait.ge [sflag:s23], $0x1  }
0xa3: {  	[sflag:s23] =	ssyncset.done $0x0  }
0xa4: {  	s25 =	simm.s32 $0x1B8E;
	s24 =	sld [smem:$0x3FFE];
	[sflag:s23] =	ssyncadd.s32 $0xFFFFFFFF  }
0xa5: {  	s26 =	simm.s32 $execute0_lowered;
	[smem:$0x3FD2] =	sst s25  }
0xa6: {  	s5 =	sshll.u32 s26, $0x1;
	_ =	strace $0x80000046;
	[dreg:$0x1] =	wrdreg $0xFFFFFFFF  }
0xa7: {  	s28 =	simm.s32 $_size_execute0_lowered;
	s3 =	sadd.s32 s3, s5;
	[dreg:$0x0] =	wrdreg $0x0  }
0xa8: {  	s5 =	sshll.u32 s28, $0x1;
	[dreg:$0x2] =	wrdreg s3  }
0xa9: {  	[dreg:$0x3] =	wrdreg s5  }
0xaa: {  	[dreg:$0x4] =	wrdreg $0xC0  }
0xab: {  	_ =	task [dreg:s7], $0x5FFFF  }
0xac: {  	[dreg:$0x1] =	wrdreg $0xFFFFFFFF  }
0xad: {  	[dreg:$0x0] =	wrdreg $0x60  }
0xae: {  	[dreg:$0x2] =	wrdreg s2  }
0xaf: {  	[dreg:$0x3] =	wrdreg s24  }
0xb0: {  	[dreg:$0x4] =	wrdreg $0x157800  }
0xb1: {  	[dreg:$0x5] =	wrdreg $0x9  }
0xb2: {  	_ =	task.clear_ibuf [dreg:s7], $0x6FFFF;
	_ =	strace $0x90000046  }
0xb3: {  	s29 =	simm.s32 $0x9;
	_ =	strace $0x80000048  }
0xb4: {  	_ =	swait.ge [sflag:s29], $0x1  }
0xb5: {  	[sflag:s29] =	ssyncadd.s32 $0xFFFFFFFF  }
0xb6: {  	_ =	strace $0x90000048  }
0xb7: {  	_ =	sfence  }
0xb8: {  	s30 =	sld [smem:$0x0];
	_ =	sdelay $0x2  }
0xb9: {  	s31 =	sshll.u32 s1, $0xD;
	s1 =	sshrl.u32 s1, $0x2  }
0xba: {  	s3 =	sand.u32 $0x4000, s31;
	s1 =	sadd.s32 s1, s30  }
0xbb: {  	s0 =	sor.u32 s3, s0;
	s1 =	sshll.u32 s1, $0x11  }
0xbc: {  	s0 =	sor.u32 s1, s0  }
0xbd: {  	s0 =	sadd.s32 $0x8F2B, s0  }
0xbe: {  	[sflag:s0] =	ssyncadd.remote.s32 $0x1  }
0xbf: {  	_ =	sfence.sel $0xFFFF  }
0xc0: {  	[dreg:$0x0] =	wrdreg $0xFFFFFFFF;
	(pc) =	sbr.abs _section_cstart, $3  }
0xc1: {  	[dreg:$0x1] =	wrdreg $0xFFFFFFFF  }
0xc2: {  	_ =	task.clear_ibuf [dreg:s7], $0x2FFFF;
	_ =	strace $0x9FFFFFFF  }
0xc3: {  	(tm) =	ssettm $0x7FFFFFFF  }
tec
execute0_lowered:
.L_overlay_start_1:
0x0: {  	(tag) =	ssettag $0x1  }
0x1: {  	s1 =	rddreg [dreg:$0x0]  }
0x2: {  	s0 =	rddreg [dreg:$0x1]  }
0x3: {  	s10 =	stileid.u32;
	s2 =	srdreg.scid  }
0x4: {  	s3 =	rddreg [dreg:$0x2];
	s4 =	simm.s32 $0x0;
	s28 =	simm.s32 $0x1  }
0x5: {  	s29 =	simm.s32 $0x4;
	s30 =	simm.s32 $0x2;
	s6 =	smul.u32 $0xA00, s10  }
0x6: {  	s31 =	simm.s32 $0x3;
	s2 =	sand.u32 $0x1, s2;
	s8 =	smul.u32 $0x2780, s10  }
0x7: {  	[smem:$0x7FF] =	sst s4;
	s5 =	sadd.s32 $0x2000, s0;
	s15 =	smul.u32 $0x9E00, s10  }
0x8: {  	s14 =	sadd.s32 $0x33A00, s0;
	s7 =	smul.u32 $0x27800, s2;
	_ =	strace $0x80000047  }
0x9: {  	s22 =	ssub.s32 $0x2, s2;
	s18 =	smul.u32 $0x9E000, s2;
	p0 =	seq.s32 s2, $0x1  }
0xa: {  	s2 =	smul.u32 $0x9E00, s2;
	s6 =	sadd.s32 s6, s0;
	s9 =	sshrl.u32 s22, $0x1  }
0xb: {  	s25 =	sadd.s32 $0x2000, s15;
	s26 =	sadd.s32 $0x4000, s15;
	s16 =	sadd.s32 $0x6000, s15  }
0xc: {  	s17 =	sadd.s32 $0x8000, s15;
	s7 =	sadd.s32 s8, s7;
	s23 =	sadd.s32 $0x1FA00, s6  }
0xd: {  	s24 =	sadd.s32 $0x15A00, s6;
	s6 =	sadd.s32 $0x29A00, s6;
	s10 =	sadd.s32 s25, s3  }
0xe: {  	s11 =	sadd.s32 s26, s3;
	s12 =	sadd.s32 s16, s3;
	s13 =	sadd.s32 s17, s3  }
0xf: {  	s8 =	sadd.s32 s18, s26;
	s19 =	sadd.s32 s18, s16;
	[dreg:$0x4] =	wrdreg s23  }
0x10: {  	s20 =	sadd.s32 s18, s17;
	s2 =	sshrl.u32 s2, $0x2;
	[dreg:$0x5] =	wrdreg s24  }
0x11: {  	s26 =	simm.s32 $0x11000;
	s7 =	sshrl.u32 s7, $0x3;
	[dreg:$0x6] =	wrdreg s6  }
0x12: {  	s6 =	sadd.s32 s18, s25;
	s21 =	sshrl.u32 s19, $0x3;
	s23 =	sadd.s32 $0x5000, s2  }
0x13: {  	s24 =	simm.s32 $0xF000;
	s25 =	simm.s32 $0x80;
	s2 =	simm.s32 $0x13000  }
0x14: {  	s0 =	sadd.s32 s7, s0;
	s7 =	ssub.s32 s22, s9;
	s9 =	sadd.s32 s15, s3  }
0x15: {  	s15 =	sadd.s32 s15, s18;
	s6 =	sshrl.u32 s6, $0x3;
	s22 =	sshrl.u32 s20, $0x3  }
0x16: {  	s17 =	sadd.s32 s14, s21;
	s21 =	simm.s32 $0x5;
	s15 =	sshrl.u32 s15, $0x3  }
0x17: {  	v0 =	vmov s23;
	s23 =	simm.s32 $0x0;
	s6 =	sadd.s32 s14, s6;
	s15 =	sadd.s32 s14, s15  }
0x18: {  	s18 =	sadd.s32 s14, s22;
	[dreg:$0x7] =	wrdreg s15;
	s15 =	sshrl.u32 s8, $0x3  }
0x19: {  	s19 =	sadd.s32 $0x5B200, s0;
	[dreg:$0x8] =	wrdreg s6;
	s6 =	sadd.s32 s14, s15  }
0x1a: {  	v1 =	vimm.f32 $0.0e+00;
	s20 =	smax.u32 s7, $0x1;
	s7 =	simm.s32 $0x5000;
	[dreg:$0x9] =	wrdreg s6  }
.LBB2_1:
0x1b: {  	s0 =	rddreg [dreg:$0x4]  }
0x1c: {  	[tilespmem:s4], [sflag:$0x5] =	stream.linear.gather [hbm4b:s0+s4], $0x5000, $0x38;
	[tilespmem:$0x1F580] =	vst v63  }
0x1d: {  	_ =	swait.ge [sflag:s21], $0x5000  }
0x1e: {  	[sflag:s21] =	ssyncset.done $0x0  }
0x1f: {  	s16 =	rddreg [dreg:$0x5];
	[sflag:s21] =	ssyncadd.s32 $0xFFFFB000  }
0x20: {  	[tilespmem:s7], [sflag:$0x5] =	stream.linear.gather [hbm4b:s16+s4], $0x5000, $0x38;
	[tilespmem:$0x1F580] =	vst v63  }
0x21: {  	_ =	swait.ge [sflag:s21], $0x5000  }
0x22: {  	[sflag:s21] =	ssyncset.done $0x0  }
0x23: {  	s6 =	simm.s32 $0xA000;
	s22 =	rddreg [dreg:$0x6];
	[sflag:s21] =	ssyncadd.s32 $0xFFFFB000  }
0x24: {  	[tilespmem:s6], [sflag:$0x5] =	stream.linear.gather [hbm4b:s22+s4], $0x5000, $0x38;
	[tilespmem:$0x1F580] =	vst v63  }
0x25: {  	_ =	swait.ge [sflag:s21], $0x5000  }
0x26: {  	[sflag:s21] =	ssyncset.done $0x0  }
0x27: {  	s0 =	simm.s32 $0x0;
	s6 =	simm.s32 $0x100;
	[sflag:s21] =	ssyncadd.s32 $0xFFFFB000  }
.LBB2_2:
0x28: {  	p1 =	sne.s32 s6, $0x7F00;
	[tilespmem:s0+$0x11030] =	vst v1  }
0x29: {  	[tilespmem:s0+$0xF000] =	vst v1  }
0x2a: {  	[tilespmem:s0+$0x11000] =	vst v1  }
.Ltmp0:
0x2b: {  	[tilespmem:s0+$0xF010] =	vst v1;
	(pc) =	sbr.rel @p1 .LBB2_2-.Ltmp0, $4  }
0x2c: {  	[tilespmem:s0+$0x11010] =	vst v1  }
0x2d: {  	[tilespmem:s0+$0xF020] =	vst v1  }
0x2e: {  	[tilespmem:s0+$0x11020] =	vst v1  }
0x2f: {  	[tilespmem:s0+$0xF030] =	vst v1;
	s0 =	sshra.s32 s6, $0x2;
	s6 =	sadd.s32 $0x100, s6  }
0x30: {  	[tilespmem:s0+$0x11030] =	vst v1  }
0x31: {  	[tilespmem:s0+$0xF000] =	vst v1  }
0x32: {  	[tilespmem:s0+$0x11000] =	vst v1  }
0x33: {  	[tilespmem:s0+$0xF010] =	vst v1  }
0x34: {  	[tilespmem:s0+$0x11010] =	vst v1  }
0x35: {  	[tilespmem:s0+$0xF020] =	vst v1  }
0x36: {  	[tilespmem:s0+$0x11020] =	vst v1  }
0x37: {  	[tilespmem:s0+$0xF030] =	vst v1;
	s0 =	simm.s32 $0x40;
	s6 =	simm.s32 $0x0  }
.LBB2_4:
0x38: {  	p1 =	sne.s32 s0, $0x9DC0;
	[tilespmem:s6+$0x13000] =	vst v1;
	s6 =	smov.u32 s0;
	s0 =	sadd.s32 $0x40, s0  }
.Ltmp1:
0x39: {  	(pc) =	sbr.rel @p1 .LBB2_4-.Ltmp1, $2  }
0x3a: {  	_ =	sdelay $0x2  }
0x3b: {  	s6 =	sshra.s32 s6, $0x2  }
0x3c: {  	[tilespmem:s6+$0x13000] =	vst v1  }
0x3d: {  	[spmem:s9] =	stream.linear.scatter [tilespmem:s24], [sflag:$0x5], $0x2000, $0x38;
	[tilespmem:$0x1F580] =	vst v63  }
0x3e: {  	_ =	swait.ge [sflag:s21], $0x2000  }
0x3f: {  	[sflag:s21] =	ssyncset.done $0x0  }
0x40: {  	[sflag:s21] =	ssyncadd.s32 $0xFFFFE000  }
0x41: {  	[spmem:s10] =	stream.linear.scatter [tilespmem:s24], [sflag:$0x5], $0x2000, $0x38;
	[tilespmem:$0x1F580] =	vst v63  }
0x42: {  	_ =	swait.ge [sflag:s21], $0x2000  }
0x43: {  	[sflag:s21] =	ssyncset.done $0x0  }
0x44: {  	[sflag:s21] =	ssyncadd.s32 $0xFFFFE000  }
0x45: {  	[spmem:s11] =	stream.linear.scatter [tilespmem:s24], [sflag:$0x5], $0x2000, $0x38;
	[tilespmem:$0x1F580] =	vst v63  }
0x46: {  	_ =	swait.ge [sflag:s21], $0x2000  }
0x47: {  	[sflag:s21] =	ssyncset.done $0x0  }
0x48: {  	[sflag:s21] =	ssyncadd.s32 $0xFFFFE000  }
0x49: {  	[spmem:s12] =	stream.linear.scatter [tilespmem:s24], [sflag:$0x5], $0x2000, $0x38;
	[tilespmem:$0x1F580] =	vst v63  }
0x4a: {  	_ =	swait.ge [sflag:s21], $0x2000  }
0x4b: {  	[sflag:s21] =	ssyncset.done $0x0  }
0x4c: {  	[sflag:s21] =	ssyncadd.s32 $0xFFFFE000  }
0x4d: {  	[spmem:s13] =	stream.linear.scatter [tilespmem:s24], [sflag:$0x5], $0x1E00, $0x38;
	[tilespmem:$0x1F580] =	vst v63  }
.Ltmp2:
0x4e: {  	_ =	swait.ge [sflag:s21], $0x1E00;
	(pc) =	sbr.rel @!p0 .LBB2_6-.Ltmp2, $4  }
0x4f: {  	[sflag:s21] =	ssyncset.done $0x0  }
0x50: {  	[sflag:s21] =	ssyncadd.s32 $0xFFFFE200  }
0x51: {  	s0 =	simm.s32 $0x0;
	[bflag:$0x0] =	sbarrier.arrive $0xFFFF  }
0x52: {  	[spmem:s3] =	stream.indirect.scatter.add.f32 [tilespmem:s26], [sflag:$0x4], $0x40, s7, s25, $0xb8;
	[tilespmem:$0x1F580] =	vst v63  }
0x53: {  	[tilespmem:s24], [sflag:$0x1] =	stream.indirect.gather [hbm4b:s5+s25], $0x40, s0, s25, $0xb8;
	[tilespmem:$0x1F580] =	vst v63  }
0x54: {  	s6 =	simm.s32 $0xA000;
	s7 =	simm.s32 $0xA080  }
.LBB2_13:
0x55: {  	v2 =	vmov s6  }
0x56: {  	_ =	swait.ge [sflag:s28], $0x2000  }
0x57: {  	s8 =	sshll.u32 s0, $0xA;
	[sflag:s28] =	ssyncset.done $0x0  }
0x58: {  	s14 =	simm.s32 $0xF200;
	s15 =	simm.s32 $0x0;
	[sflag:s28] =	ssyncadd.s32 $0xFFFFE000  }
.LBB2_14:
0x59: {  	s16 =	sshra.s32 s15, $0x2  }
0x5a: {  	v3 =	vld.idx.msk [tilespmem:v2+s16+$0x0 ss:$0x1], $0xffff;
	_ =	sdelay $0x1  }
0x5b: {  	v4 =	vld [tilespmem:s14+$0xFFFFFE00];
	_ =	sdelay $0x1  }
0x5c: {  	v43 =	vld [tilespmem:s14+$0xFFFFFE10]  }
0x5d: {  	v5 =	vbroadcast v3, $0x0  }
0x5e: {  	v44 =	vld [tilespmem:s14+$0xFFFFFE20]  }
0x5f: {  	v4 =	vmul.f32 v5, v4  }
0x60: {  	v45 =	vld [tilespmem:s14+$0xFFFFFE30]  }
0x61: {  	[tilespmem:s14+$0xFFFFFE00] =	vst v4;
	v4 =	vmul.f32 v43, v5  }
0x62: {  	v46 =	vld [tilespmem:s14+$0xFFFFFE40]  }
0x63: {  	[tilespmem:s14+$0xFFFFFE10] =	vst v4;
	v4 =	vmul.f32 v44, v5  }
0x64: {  	v48 =	vld [tilespmem:s14+$0xFFFFFE50]  }
0x65: {  	v47 =	vbroadcast v3, $0x1;
	[tilespmem:s14+$0xFFFFFE20] =	vst v4;
	v4 =	vmul.f32 v45, v5  }
0x66: {  	v49 =	vld [tilespmem:s14+$0xFFFFFE60]  }
0x67: {  	[tilespmem:s14+$0xFFFFFE30] =	vst v4;
	v4 =	vmul.f32 v46, v47  }
0x68: {  	v50 =	vld [tilespmem:s14+$0xFFFFFE70]  }
0x69: {  	[tilespmem:s14+$0xFFFFFE40] =	vst v4;
	v4 =	vmul.f32 v48, v47  }
0x6a: {  	v51 =	vld [tilespmem:s14+$0xFFFFFE80]  }
0x6b: {  	[tilespmem:s14+$0xFFFFFE50] =	vst v4;
	v4 =	vmul.f32 v49, v47  }
0x6c: {  	v53 =	vld [tilespmem:s14+$0xFFFFFE90]  }
0x6d: {  	v52 =	vbroadcast v3, $0x2;
	[tilespmem:s14+$0xFFFFFE60] =	vst v4;
	v4 =	vmul.f32 v50, v47  }
0x6e: {  	v54 =	vld [tilespmem:s14+$0xFFFFFEA0]  }
0x6f: {  	[tilespmem:s14+$0xFFFFFE70] =	vst v4;
	v4 =	vmul.f32 v51, v52  }
0x70: {  	v55 =	vld [tilespmem:s14+$0xFFFFFEB0]  }
0x71: {  	[tilespmem:s14+$0xFFFFFE80] =	vst v4;
	v4 =	vmul.f32 v53, v52  }
0x72: {  	v56 =	vld [tilespmem:s14+$0xFFFFFEC0]  }
0x73: {  	[tilespmem:s14+$0xFFFFFE90] =	vst v4;
	v4 =	vmul.f32 v54, v52  }
0x74: {  	v58 =	vld [tilespmem:s14+$0xFFFFFED0]  }
0x75: {  	v57 =	vbroadcast v3, $0x3;
	[tilespmem:s14+$0xFFFFFEA0] =	vst v4;
	v4 =	vmul.f32 v55, v52  }
0x76: {  	v59 =	vld [tilespmem:s14+$0xFFFFFEE0]  }
0x77: {  	[tilespmem:s14+$0xFFFFFEB0] =	vst v4;
	v4 =	vmul.f32 v56, v57  }
0x78: {  	v60 =	vld [tilespmem:s14+$0xFFFFFEF0]  }
0x79: {  	[tilespmem:s14+$0xFFFFFEC0] =	vst v4;
	v4 =	vmul.f32 v58, v57  }
0x7a: {  	v61 =	vld [tilespmem:s14+$0xFFFFFF00]  }
0x7b: {  	[tilespmem:s14+$0xFFFFFED0] =	vst v4;
	v4 =	vmul.f32 v59, v57  }
0x7c: {  	v63 =	vld [tilespmem:s14+$0xFFFFFF10]  }
0x7d: {  	v62 =	vbroadcast v3, $0x4;
	[tilespmem:s14+$0xFFFFFEE0] =	vst v4;
	v4 =	vmul.f32 v60, v57  }
0x7e: {  	v8 =	vld [tilespmem:s14+$0xFFFFFF20]  }
0x7f: {  	[tilespmem:s14+$0xFFFFFEF0] =	vst v4;
	v4 =	vmul.f32 v61, v62  }
0x80: {  	v9 =	vld [tilespmem:s14+$0xFFFFFF30]  }
0x81: {  	[tilespmem:s14+$0xFFFFFF00] =	vst v4;
	v4 =	vmul.f32 v63, v62  }
0x82: {  	v10 =	vld [tilespmem:s14+$0xFFFFFF40]  }
0x83: {  	[tilespmem:s14+$0xFFFFFF10] =	vst v4;
	v4 =	vmul.f32 v8, v62  }
0x84: {  	v12 =	vld [tilespmem:s14+$0xFFFFFF50]  }
0x85: {  	v11 =	vbroadcast v3, $0x5;
	[tilespmem:s14+$0xFFFFFF20] =	vst v4;
	v4 =	vmul.f32 v9, v62  }
0x86: {  	v13 =	vld [tilespmem:s14+$0xFFFFFF60]  }
0x87: {  	[tilespmem:s14+$0xFFFFFF30] =	vst v4;
	v4 =	vmul.f32 v10, v11  }
0x88: {  	v14 =	vld [tilespmem:s14+$0xFFFFFF70]  }
0x89: {  	[tilespmem:s14+$0xFFFFFF40] =	vst v4;
	v4 =	vmul.f32 v12, v11  }
0x8a: {  	v15 =	vld [tilespmem:s14+$0xFFFFFF80]  }
0x8b: {  	[tilespmem:s14+$0xFFFFFF50] =	vst v4;
	v4 =	vmul.f32 v13, v11  }
0x8c: {  	v17 =	vld [tilespmem:s14+$0xFFFFFF90]  }
0x8d: {  	v16 =	vbroadcast v3, $0x6;
	[tilespmem:s14+$0xFFFFFF60] =	vst v4;
	v4 =	vmul.f32 v14, v11  }
0x8e: {  	v18 =	vld [tilespmem:s14+$0xFFFFFFA0]  }
0x8f: {  	[tilespmem:s14+$0xFFFFFF70] =	vst v4;
	v4 =	vmul.f32 v15, v16  }
0x90: {  	v19 =	vld [tilespmem:s14+$0xFFFFFFB0]  }
0x91: {  	[tilespmem:s14+$0xFFFFFF80] =	vst v4;
	v4 =	vmul.f32 v17, v16  }
0x92: {  	v20 =	vld [tilespmem:s14+$0xFFFFFFC0]  }
0x93: {  	[tilespmem:s14+$0xFFFFFF90] =	vst v4;
	v4 =	vmul.f32 v18, v16  }
0x94: {  	v22 =	vld [tilespmem:s14+$0xFFFFFFD0]  }
0x95: {  	v21 =	vbroadcast v3, $0x7;
	[tilespmem:s14+$0xFFFFFFA0] =	vst v4;
	v4 =	vmul.f32 v19, v16  }
0x96: {  	v23 =	vld [tilespmem:s14+$0xFFFFFFE0]  }
0x97: {  	[tilespmem:s14+$0xFFFFFFB0] =	vst v4;
	v4 =	vmul.f32 v20, v21  }
0x98: {  	v24 =	vld [tilespmem:s14+$0xFFFFFFF0]  }
0x99: {  	[tilespmem:s14+$0xFFFFFFC0] =	vst v4;
	v4 =	vmul.f32 v22, v21  }
0x9a: {  	v25 =	vld [tilespmem:s14+$0x0]  }
0x9b: {  	[tilespmem:s14+$0xFFFFFFD0] =	vst v4;
	v4 =	vmul.f32 v23, v21  }
0x9c: {  	v27 =	vld [tilespmem:s14+$0x10]  }
0x9d: {  	v26 =	vbroadcast v3, $0x8;
	[tilespmem:s14+$0xFFFFFFE0] =	vst v4;
	v4 =	vmul.f32 v24, v21  }
0x9e: {  	v28 =	vld [tilespmem:s14+$0x20]  }
0x9f: {  	[tilespmem:s14+$0xFFFFFFF0] =	vst v4;
	v4 =	vmul.f32 v25, v26  }
0xa0: {  	v29 =	vld [tilespmem:s14+$0x30]  }
0xa1: {  	[tilespmem:s14+$0x0] =	vst v4;
	v4 =	vmul.f32 v27, v26  }
0xa2: {  	v30 =	vld [tilespmem:s14+$0x40]  }
0xa3: {  	[tilespmem:s14+$0x10] =	vst v4;
	v4 =	vmul.f32 v28, v26  }
0xa4: {  	v32 =	vld [tilespmem:s14+$0x50]  }
0xa5: {  	v31 =	vbroadcast v3, $0x9;
	[tilespmem:s14+$0x20] =	vst v4;
	v4 =	vmul.f32 v29, v26  }
0xa6: {  	v33 =	vld [tilespmem:s14+$0x60]  }
0xa7: {  	[tilespmem:s14+$0x30] =	vst v4;
	v4 =	vmul.f32 v30, v31  }
0xa8: {  	v34 =	vld [tilespmem:s14+$0x70]  }
0xa9: {  	[tilespmem:s14+$0x40] =	vst v4;
	v4 =	vmul.f32 v32, v31  }
0xaa: {  	v35 =	vld [tilespmem:s14+$0x80]  }
0xab: {  	[tilespmem:s14+$0x50] =	vst v4;
	v4 =	vmul.f32 v33, v31  }
0xac: {  	v37 =	vld [tilespmem:s14+$0x90]  }
0xad: {  	v36 =	vbroadcast v3, $0xA;
	[tilespmem:s14+$0x60] =	vst v4;
	v4 =	vmul.f32 v34, v31  }
0xae: {  	v38 =	vld [tilespmem:s14+$0xA0]  }
0xaf: {  	[tilespmem:s14+$0x70] =	vst v4;
	v4 =	vmul.f32 v35, v36  }
0xb0: {  	v39 =	vld [tilespmem:s14+$0xB0]  }
0xb1: {  	[tilespmem:s14+$0x80] =	vst v4;
	v4 =	vmul.f32 v37, v36  }
0xb2: {  	v40 =	vld [tilespmem:s14+$0xC0]  }
0xb3: {  	[tilespmem:s14+$0x90] =	vst v4;
	v4 =	vmul.f32 v38, v36  }
0xb4: {  	v42 =	vld [tilespmem:s14+$0xD0]  }
0xb5: {  	v41 =	vbroadcast v3, $0xB;
	[tilespmem:s14+$0xA0] =	vst v4;
	v4 =	vmul.f32 v39, v36  }
0xb6: {  	v43 =	vld [tilespmem:s14+$0xE0]  }
0xb7: {  	[tilespmem:s14+$0xB0] =	vst v4;
	v4 =	vmul.f32 v40, v41  }
0xb8: {  	v44 =	vld [tilespmem:s14+$0xF0]  }
0xb9: {  	[tilespmem:s14+$0xC0] =	vst v4;
	v4 =	vmul.f32 v42, v41  }
0xba: {  	v45 =	vld [tilespmem:s14+$0x100]  }
0xbb: {  	[tilespmem:s14+$0xD0] =	vst v4;
	v4 =	vmul.f32 v43, v41  }
0xbc: {  	v47 =	vld [tilespmem:s14+$0x110]  }
0xbd: {  	v46 =	vbroadcast v3, $0xC;
	[tilespmem:s14+$0xE0] =	vst v4;
	v4 =	vmul.f32 v44, v41  }
0xbe: {  	v48 =	vld [tilespmem:s14+$0x120]  }
0xbf: {  	[tilespmem:s14+$0xF0] =	vst v4;
	v4 =	vmul.f32 v45, v46  }
0xc0: {  	v49 =	vld [tilespmem:s14+$0x130]  }
0xc1: {  	[tilespmem:s14+$0x100] =	vst v4;
	v4 =	vmul.f32 v47, v46  }
0xc2: {  	v50 =	vld [tilespmem:s14+$0x140]  }
0xc3: {  	[tilespmem:s14+$0x110] =	vst v4;
	v4 =	vmul.f32 v48, v46  }
0xc4: {  	v52 =	vld [tilespmem:s14+$0x150]  }
0xc5: {  	v51 =	vbroadcast v3, $0xD;
	[tilespmem:s14+$0x120] =	vst v4;
	v4 =	vmul.f32 v49, v46  }
0xc6: {  	v53 =	vld [tilespmem:s14+$0x160]  }
0xc7: {  	[tilespmem:s14+$0x130] =	vst v4;
	v4 =	vmul.f32 v50, v51  }
0xc8: {  	v54 =	vld [tilespmem:s14+$0x170]  }
0xc9: {  	[tilespmem:s14+$0x140] =	vst v4;
	v4 =	vmul.f32 v52, v51  }
0xca: {  	v55 =	vld [tilespmem:s14+$0x180]  }
0xcb: {  	[tilespmem:s14+$0x150] =	vst v4;
	v4 =	vmul.f32 v53, v51  }
0xcc: {  	v57 =	vld [tilespmem:s14+$0x190]  }
0xcd: {  	v56 =	vbroadcast v3, $0xE;
	[tilespmem:s14+$0x160] =	vst v4;
	v4 =	vmul.f32 v54, v51  }
0xce: {  	v58 =	vld [tilespmem:s14+$0x1A0]  }
0xcf: {  	[tilespmem:s14+$0x170] =	vst v4;
	v4 =	vmul.f32 v55, v56  }
0xd0: {  	v59 =	vld [tilespmem:s14+$0x1B0]  }
0xd1: {  	[tilespmem:s14+$0x180] =	vst v4;
	v4 =	vmul.f32 v57, v56  }
0xd2: {  	v60 =	vld [tilespmem:s14+$0x1C0]  }
0xd3: {  	[tilespmem:s14+$0x190] =	vst v4;
	v4 =	vmul.f32 v58, v56  }
0xd4: {  	v61 =	vld [tilespmem:s14+$0x1D0]  }
0xd5: {  	v3 =	vbroadcast v3, $0xF;
	[tilespmem:s14+$0x1A0] =	vst v4;
	v4 =	vmul.f32 v59, v56  }
0xd6: {  	v62 =	vld [tilespmem:s14+$0x1E0]  }
0xd7: {  	v63 =	vld [tilespmem:s14+$0x1F0];
	[tilespmem:s14+$0x1B0] =	vst v4;
	v4 =	vmul.f32 v60, v3;
	_ =	sdelay $0x1  }
0xd8: {  	p1 =	sne.s32 s15, $0x1C0;
	[tilespmem:s14+$0x1C0] =	vst v4;
	v4 =	vmul.f32 v61, v3  }
.Ltmp3:
0xd9: {  	_ = 	snop;
	(pc) =	sbr.rel @p1 .LBB2_14-.Ltmp3, $4  }
0xda: {  	[tilespmem:s14+$0x1D0] =	vst v4;
	v4 =	vmul.f32 v62, v3  }
0xdb: {  	v3 =	vmul.f32 v63, v3  }
0xdc: {  	[tilespmem:s14+$0x1E0] =	vst v4  }
0xdd: {  	s15 =	sadd.s32 $0x40, s15;
	[tilespmem:s14+$0x1F0] =	vst v3;
	s14 =	sadd.s32 $0x400, s14  }
0xde: {  	s8 =	sshrl.u32 s8, $0x2  }
0xdf: {  	s14 =	sadd.s32 $0x5000, s8  }
0xe0: {  	[spmem:s3] =	stream.indirect.scatter.add.f32 [tilespmem:s24], [sflag:$0x3], $0x40, s14, s25, $0xb8;
	[tilespmem:$0x1F580] =	vst v63  }
0xe1: {  	_ =	swait.ge [sflag:s29], $0x2000  }
0xe2: {  	s22 =	sshll.u32 s0, $0x8;
	[sflag:s29] =	ssyncset.done $0x0  }
0xe3: {  	s22 =	sor.u32 $0x80, s22;
	[sflag:s29] =	ssyncadd.s32 $0xFFFFE000  }
0xe4: {  	v2 =	vmov s7;
	[tilespmem:s26], [sflag:$0x2] =	stream.indirect.gather [hbm4b:s5+s25], $0x40, s22, s25, $0xb8;
	[tilespmem:$0x1F580] =	vst v63  }
0xe5: {  	_ =	swait.ge [sflag:s30], $0x2000  }
0xe6: {  	[sflag:s30] =	ssyncset.done $0x0  }
0xe7: {  	s15 =	simm.s32 $0x11200;
	s14 =	simm.s32 $0x0;
	[sflag:s30] =	ssyncadd.s32 $0xFFFFE000  }
.LBB2_16:
0xe8: {  	s16 =	sshra.s32 s14, $0x2  }
0xe9: {  	v3 =	vld.idx.msk [tilespmem:v2+s16+$0x0 ss:$0x1], $0xffff;
	_ =	sdelay $0x1  }
0xea: {  	v4 =	vld [tilespmem:s15+$0xFFFFFE00];
	_ =	sdelay $0x1  }
0xeb: {  	v43 =	vld [tilespmem:s15+$0xFFFFFE10]  }
0xec: {  	v5 =	vbroadcast v3, $0x0  }
0xed: {  	v44 =	vld [tilespmem:s15+$0xFFFFFE20]  }
0xee: {  	v4 =	vmul.f32 v5, v4  }
0xef: {  	v45 =	vld [tilespmem:s15+$0xFFFFFE30]  }
0xf0: {  	[tilespmem:s15+$0xFFFFFE00] =	vst v4;
	v4 =	vmul.f32 v43, v5  }
0xf1: {  	v46 =	vld [tilespmem:s15+$0xFFFFFE40]  }
0xf2: {  	[tilespmem:s15+$0xFFFFFE10] =	vst v4;
	v4 =	vmul.f32 v44, v5  }
0xf3: {  	v48 =	vld [tilespmem:s15+$0xFFFFFE50]  }
0xf4: {  	v47 =	vbroadcast v3, $0x1;
	[tilespmem:s15+$0xFFFFFE20] =	vst v4;
	v4 =	vmul.f32 v45, v5  }
0xf5: {  	v49 =	vld [tilespmem:s15+$0xFFFFFE60]  }
0xf6: {  	[tilespmem:s15+$0xFFFFFE30] =	vst v4;
	v4 =	vmul.f32 v46, v47  }
0xf7: {  	v50 =	vld [tilespmem:s15+$0xFFFFFE70]  }
0xf8: {  	[tilespmem:s15+$0xFFFFFE40] =	vst v4;
	v4 =	vmul.f32 v48, v47  }
0xf9: {  	v51 =	vld [tilespmem:s15+$0xFFFFFE80]  }
0xfa: {  	[tilespmem:s15+$0xFFFFFE50] =	vst v4;
	v4 =	vmul.f32 v49, v47  }
0xfb: {  	v53 =	vld [tilespmem:s15+$0xFFFFFE90]  }
0xfc: {  	v52 =	vbroadcast v3, $0x2;
	[tilespmem:s15+$0xFFFFFE60] =	vst v4;
	v4 =	vmul.f32 v50, v47  }
0xfd: {  	v54 =	vld [tilespmem:s15+$0xFFFFFEA0]  }
0xfe: {  	[tilespmem:s15+$0xFFFFFE70] =	vst v4;
	v4 =	vmul.f32 v51, v52  }
0xff: {  	v55 =	vld [tilespmem:s15+$0xFFFFFEB0]  }
0x100: {  	[tilespmem:s15+$0xFFFFFE80] =	vst v4;
	v4 =	vmul.f32 v53, v52  }
0x101: {  	v56 =	vld [tilespmem:s15+$0xFFFFFEC0]  }
0x102: {  	[tilespmem:s15+$0xFFFFFE90] =	vst v4;
	v4 =	vmul.f32 v54, v52  }
0x103: {  	v58 =	vld [tilespmem:s15+$0xFFFFFED0]  }
0x104: {  	v57 =	vbroadcast v3, $0x3;
	[tilespmem:s15+$0xFFFFFEA0] =	vst v4;
	v4 =	vmul.f32 v55, v52  }
0x105: {  	v59 =	vld [tilespmem:s15+$0xFFFFFEE0]  }
0x106: {  	[tilespmem:s15+$0xFFFFFEB0] =	vst v4;
	v4 =	vmul.f32 v56, v57  }
0x107: {  	v60 =	vld [tilespmem:s15+$0xFFFFFEF0]  }
0x108: {  	[tilespmem:s15+$0xFFFFFEC0] =	vst v4;
	v4 =	vmul.f32 v58, v57  }
0x109: {  	v61 =	vld [tilespmem:s15+$0xFFFFFF00]  }
0x10a: {  	[tilespmem:s15+$0xFFFFFED0] =	vst v4;
	v4 =	vmul.f32 v59, v57  }
0x10b: {  	v63 =	vld [tilespmem:s15+$0xFFFFFF10]  }
0x10c: {  	v62 =	vbroadcast v3, $0x4;
	[tilespmem:s15+$0xFFFFFEE0] =	vst v4;
	v4 =	vmul.f32 v60, v57  }
0x10d: {  	v8 =	vld [tilespmem:s15+$0xFFFFFF20]  }
0x10e: {  	[tilespmem:s15+$0xFFFFFEF0] =	vst v4;
	v4 =	vmul.f32 v61, v62  }
0x10f: {  	v9 =	vld [tilespmem:s15+$0xFFFFFF30]  }
0x110: {  	[tilespmem:s15+$0xFFFFFF00] =	vst v4;
	v4 =	vmul.f32 v63, v62  }
0x111: {  	v10 =	vld [tilespmem:s15+$0xFFFFFF40]  }
0x112: {  	[tilespmem:s15+$0xFFFFFF10] =	vst v4;
	v4 =	vmul.f32 v8, v62  }
0x113: {  	v12 =	vld [tilespmem:s15+$0xFFFFFF50]  }
0x114: {  	v11 =	vbroadcast v3, $0x5;
	[tilespmem:s15+$0xFFFFFF20] =	vst v4;
	v4 =	vmul.f32 v9, v62  }
0x115: {  	v13 =	vld [tilespmem:s15+$0xFFFFFF60]  }
0x116: {  	[tilespmem:s15+$0xFFFFFF30] =	vst v4;
	v4 =	vmul.f32 v10, v11  }
0x117: {  	v14 =	vld [tilespmem:s15+$0xFFFFFF70]  }
0x118: {  	[tilespmem:s15+$0xFFFFFF40] =	vst v4;
	v4 =	vmul.f32 v12, v11  }
0x119: {  	v15 =	vld [tilespmem:s15+$0xFFFFFF80]  }
0x11a: {  	[tilespmem:s15+$0xFFFFFF50] =	vst v4;
	v4 =	vmul.f32 v13, v11  }
0x11b: {  	v17 =	vld [tilespmem:s15+$0xFFFFFF90]  }
0x11c: {  	v16 =	vbroadcast v3, $0x6;
	[tilespmem:s15+$0xFFFFFF60] =	vst v4;
	v4 =	vmul.f32 v14, v11  }
0x11d: {  	v18 =	vld [tilespmem:s15+$0xFFFFFFA0]  }
0x11e: {  	[tilespmem:s15+$0xFFFFFF70] =	vst v4;
	v4 =	vmul.f32 v15, v16  }
0x11f: {  	v19 =	vld [tilespmem:s15+$0xFFFFFFB0]  }
0x120: {  	[tilespmem:s15+$0xFFFFFF80] =	vst v4;
	v4 =	vmul.f32 v17, v16  }
0x121: {  	v20 =	vld [tilespmem:s15+$0xFFFFFFC0]  }
0x122: {  	[tilespmem:s15+$0xFFFFFF90] =	vst v4;
	v4 =	vmul.f32 v18, v16  }
0x123: {  	v22 =	vld [tilespmem:s15+$0xFFFFFFD0]  }
0x124: {  	v21 =	vbroadcast v3, $0x7;
	[tilespmem:s15+$0xFFFFFFA0] =	vst v4;
	v4 =	vmul.f32 v19, v16  }
0x125: {  	v23 =	vld [tilespmem:s15+$0xFFFFFFE0]  }
0x126: {  	[tilespmem:s15+$0xFFFFFFB0] =	vst v4;
	v4 =	vmul.f32 v20, v21  }
0x127: {  	v24 =	vld [tilespmem:s15+$0xFFFFFFF0]  }
0x128: {  	[tilespmem:s15+$0xFFFFFFC0] =	vst v4;
	v4 =	vmul.f32 v22, v21  }
0x129: {  	v25 =	vld [tilespmem:s15+$0x0]  }
0x12a: {  	[tilespmem:s15+$0xFFFFFFD0] =	vst v4;
	v4 =	vmul.f32 v23, v21  }
0x12b: {  	v27 =	vld [tilespmem:s15+$0x10]  }
0x12c: {  	v26 =	vbroadcast v3, $0x8;
	[tilespmem:s15+$0xFFFFFFE0] =	vst v4;
	v4 =	vmul.f32 v24, v21  }
0x12d: {  	v28 =	vld [tilespmem:s15+$0x20]  }
0x12e: {  	[tilespmem:s15+$0xFFFFFFF0] =	vst v4;
	v4 =	vmul.f32 v25, v26  }
0x12f: {  	v29 =	vld [tilespmem:s15+$0x30]  }
0x130: {  	[tilespmem:s15+$0x0] =	vst v4;
	v4 =	vmul.f32 v27, v26  }
0x131: {  	v30 =	vld [tilespmem:s15+$0x40]  }
0x132: {  	[tilespmem:s15+$0x10] =	vst v4;
	v4 =	vmul.f32 v28, v26  }
0x133: {  	v32 =	vld [tilespmem:s15+$0x50]  }
0x134: {  	v31 =	vbroadcast v3, $0x9;
	[tilespmem:s15+$0x20] =	vst v4;
	v4 =	vmul.f32 v29, v26  }
0x135: {  	v33 =	vld [tilespmem:s15+$0x60]  }
0x136: {  	[tilespmem:s15+$0x30] =	vst v4;
	v4 =	vmul.f32 v30, v31  }
0x137: {  	v34 =	vld [tilespmem:s15+$0x70]  }
0x138: {  	[tilespmem:s15+$0x40] =	vst v4;
	v4 =	vmul.f32 v32, v31  }
0x139: {  	v35 =	vld [tilespmem:s15+$0x80]  }
0x13a: {  	[tilespmem:s15+$0x50] =	vst v4;
	v4 =	vmul.f32 v33, v31  }
0x13b: {  	v37 =	vld [tilespmem:s15+$0x90]  }
0x13c: {  	v36 =	vbroadcast v3, $0xA;
	[tilespmem:s15+$0x60] =	vst v4;
	v4 =	vmul.f32 v34, v31  }
0x13d: {  	v38 =	vld [tilespmem:s15+$0xA0]  }
0x13e: {  	[tilespmem:s15+$0x70] =	vst v4;
	v4 =	vmul.f32 v35, v36  }
0x13f: {  	v39 =	vld [tilespmem:s15+$0xB0]  }
0x140: {  	[tilespmem:s15+$0x80] =	vst v4;
	v4 =	vmul.f32 v37, v36  }
0x141: {  	v40 =	vld [tilespmem:s15+$0xC0]  }
0x142: {  	[tilespmem:s15+$0x90] =	vst v4;
	v4 =	vmul.f32 v38, v36  }
0x143: {  	v42 =	vld [tilespmem:s15+$0xD0]  }
0x144: {  	v41 =	vbroadcast v3, $0xB;
	[tilespmem:s15+$0xA0] =	vst v4;
	v4 =	vmul.f32 v39, v36  }
0x145: {  	v43 =	vld [tilespmem:s15+$0xE0]  }
0x146: {  	[tilespmem:s15+$0xB0] =	vst v4;
	v4 =	vmul.f32 v40, v41  }
0x147: {  	v44 =	vld [tilespmem:s15+$0xF0]  }
0x148: {  	[tilespmem:s15+$0xC0] =	vst v4;
	v4 =	vmul.f32 v42, v41  }
0x149: {  	v45 =	vld [tilespmem:s15+$0x100]  }
0x14a: {  	[tilespmem:s15+$0xD0] =	vst v4;
	v4 =	vmul.f32 v43, v41  }
0x14b: {  	v47 =	vld [tilespmem:s15+$0x110]  }
0x14c: {  	v46 =	vbroadcast v3, $0xC;
	[tilespmem:s15+$0xE0] =	vst v4;
	v4 =	vmul.f32 v44, v41  }
0x14d: {  	v48 =	vld [tilespmem:s15+$0x120]  }
0x14e: {  	[tilespmem:s15+$0xF0] =	vst v4;
	v4 =	vmul.f32 v45, v46  }
0x14f: {  	v49 =	vld [tilespmem:s15+$0x130]  }
0x150: {  	[tilespmem:s15+$0x100] =	vst v4;
	v4 =	vmul.f32 v47, v46  }
0x151: {  	v50 =	vld [tilespmem:s15+$0x140]  }
0x152: {  	[tilespmem:s15+$0x110] =	vst v4;
	v4 =	vmul.f32 v48, v46  }
0x153: {  	v52 =	vld [tilespmem:s15+$0x150]  }
0x154: {  	v51 =	vbroadcast v3, $0xD;
	[tilespmem:s15+$0x120] =	vst v4;
	v4 =	vmul.f32 v49, v46  }
0x155: {  	v53 =	vld [tilespmem:s15+$0x160]  }
0x156: {  	[tilespmem:s15+$0x130] =	vst v4;
	v4 =	vmul.f32 v50, v51  }
0x157: {  	v54 =	vld [tilespmem:s15+$0x170]  }
0x158: {  	[tilespmem:s15+$0x140] =	vst v4;
	v4 =	vmul.f32 v52, v51  }
0x159: {  	v55 =	vld [tilespmem:s15+$0x180]  }
0x15a: {  	[tilespmem:s15+$0x150] =	vst v4;
	v4 =	vmul.f32 v53, v51  }
0x15b: {  	v57 =	vld [tilespmem:s15+$0x190]  }
0x15c: {  	v56 =	vbroadcast v3, $0xE;
	[tilespmem:s15+$0x160] =	vst v4;
	v4 =	vmul.f32 v54, v51  }
0x15d: {  	v58 =	vld [tilespmem:s15+$0x1A0]  }
0x15e: {  	[tilespmem:s15+$0x170] =	vst v4;
	v4 =	vmul.f32 v55, v56  }
0x15f: {  	v59 =	vld [tilespmem:s15+$0x1B0]  }
0x160: {  	[tilespmem:s15+$0x180] =	vst v4;
	v4 =	vmul.f32 v57, v56  }
0x161: {  	v60 =	vld [tilespmem:s15+$0x1C0]  }
0x162: {  	[tilespmem:s15+$0x190] =	vst v4;
	v4 =	vmul.f32 v58, v56  }
0x163: {  	v61 =	vld [tilespmem:s15+$0x1D0]  }
0x164: {  	v3 =	vbroadcast v3, $0xF;
	[tilespmem:s15+$0x1A0] =	vst v4;
	v4 =	vmul.f32 v59, v56  }
0x165: {  	v62 =	vld [tilespmem:s15+$0x1E0]  }
0x166: {  	v63 =	vld [tilespmem:s15+$0x1F0];
	[tilespmem:s15+$0x1B0] =	vst v4;
	v4 =	vmul.f32 v60, v3;
	_ =	sdelay $0x1  }
0x167: {  	p1 =	sne.s32 s14, $0x1C0;
	[tilespmem:s15+$0x1C0] =	vst v4;
	v4 =	vmul.f32 v61, v3  }
.Ltmp4:
0x168: {  	_ = 	snop;
	(pc) =	sbr.rel @p1 .LBB2_16-.Ltmp4, $4  }
0x169: {  	[tilespmem:s15+$0x1D0] =	vst v4;
	v4 =	vmul.f32 v62, v3  }
0x16a: {  	v3 =	vmul.f32 v63, v3  }
0x16b: {  	[tilespmem:s15+$0x1E0] =	vst v4  }
0x16c: {  	s14 =	sadd.s32 $0x40, s14;
	[tilespmem:s15+$0x1F0] =	vst v3;
	s15 =	sadd.s32 $0x400, s15  }
0x16d: {  	s14 =	sadd.s32 $0x5000, s22;
	s0 =	sadd.s32 $0x1, s0  }
0x16e: {  	[spmem:s3] =	stream.indirect.scatter.add.f32 [tilespmem:s26], [sflag:$0x4], $0x40, s14, s25, $0xb8;
	[tilespmem:$0x1F580] =	vst v63  }
0x16f: {  	p1 =	sne.s32 s0, $0x4F  }
.Ltmp5:
0x170: {  	_ = 	snop;
	(pc) =	sbr.rel @p1 .LBB2_13-.Ltmp5, $4  }
.Ltmp6:
0x171: {  	_ =	swait.ge [sflag:s31], $0x2000;
	(pc) =	sbr.rel @!p1 .LBB2_18-.Ltmp6, $4  }
0x172: {  	s8 =	sadd.s32 $0x100, s8;
	[sflag:s31] =	ssyncset.done $0x0  }
0x173: {  	s6 =	sadd.s32 $0x100, s6;
	s7 =	sadd.s32 $0x100, s7;
	[sflag:s31] =	ssyncadd.s32 $0xFFFFE000  }
0x174: {  	[tilespmem:s24], [sflag:$0x1] =	stream.indirect.gather [hbm4b:s5+s25], $0x40, s8, s25, $0xb8;
	[tilespmem:$0x1F580] =	vst v63  }
0x175: {  	_ = 	snop  }
.LBB2_6:
0x176: {  	[tilespmem:s24], [sflag:$0x1] =	stream.indirect.gather [hbm4b:s1+s25], $0x40, s0, s25, $0xb8;
	[tilespmem:$0x1F580] =	vst v63  }
0x177: {  	s6 =	simm.s32 $0xA000;
	s7 =	simm.s32 $0xA080  }
.LBB2_7:
0x178: {  	v2 =	vmov s6  }
0x179: {  	_ =	swait.ge [sflag:s28], $0x2000  }
0x17a: {  	s8 =	sshll.u32 s0, $0xA;
	[sflag:s28] =	ssyncset.done $0x0  }
0x17b: {  	s22 =	simm.s32 $0xF200;
	s14 =	simm.s32 $0x0;
	[sflag:s28] =	ssyncadd.s32 $0xFFFFE000  }
.LBB2_8:
0x17c: {  	s15 =	sshra.s32 s14, $0x2  }
0x17d: {  	v3 =	vld.idx.msk [tilespmem:v2+s15+$0x0 ss:$0x1], $0xffff;
	_ =	sdelay $0x1  }
0x17e: {  	v4 =	vld [tilespmem:s22+$0xFFFFFE00];
	_ =	sdelay $0x1  }
0x17f: {  	v43 =	vld [tilespmem:s22+$0xFFFFFE10]  }
0x180: {  	v5 =	vbroadcast v3, $0x0  }
0x181: {  	v44 =	vld [tilespmem:s22+$0xFFFFFE20]  }
0x182: {  	v4 =	vmul.f32 v5, v4  }
0x183: {  	v45 =	vld [tilespmem:s22+$0xFFFFFE30]  }
0x184: {  	[tilespmem:s22+$0xFFFFFE00] =	vst v4;
	v4 =	vmul.f32 v43, v5  }
0x185: {  	v46 =	vld [tilespmem:s22+$0xFFFFFE40]  }
0x186: {  	[tilespmem:s22+$0xFFFFFE10] =	vst v4;
	v4 =	vmul.f32 v44, v5  }
0x187: {  	v48 =	vld [tilespmem:s22+$0xFFFFFE50]  }
0x188: {  	v47 =	vbroadcast v3, $0x1;
	[tilespmem:s22+$0xFFFFFE20] =	vst v4;
	v4 =	vmul.f32 v45, v5  }
0x189: {  	v49 =	vld [tilespmem:s22+$0xFFFFFE60]  }
0x18a: {  	[tilespmem:s22+$0xFFFFFE30] =	vst v4;
	v4 =	vmul.f32 v46, v47  }
0x18b: {  	v50 =	vld [tilespmem:s22+$0xFFFFFE70]  }
0x18c: {  	[tilespmem:s22+$0xFFFFFE40] =	vst v4;
	v4 =	vmul.f32 v48, v47  }
0x18d: {  	v51 =	vld [tilespmem:s22+$0xFFFFFE80]  }
0x18e: {  	[tilespmem:s22+$0xFFFFFE50] =	vst v4;
	v4 =	vmul.f32 v49, v47  }
0x18f: {  	v53 =	vld [tilespmem:s22+$0xFFFFFE90]  }
0x190: {  	v52 =	vbroadcast v3, $0x2;
	[tilespmem:s22+$0xFFFFFE60] =	vst v4;
	v4 =	vmul.f32 v50, v47  }
0x191: {  	v54 =	vld [tilespmem:s22+$0xFFFFFEA0]  }
0x192: {  	[tilespmem:s22+$0xFFFFFE70] =	vst v4;
	v4 =	vmul.f32 v51, v52  }
0x193: {  	v55 =	vld [tilespmem:s22+$0xFFFFFEB0]  }
0x194: {  	[tilespmem:s22+$0xFFFFFE80] =	vst v4;
	v4 =	vmul.f32 v53, v52  }
0x195: {  	v56 =	vld [tilespmem:s22+$0xFFFFFEC0]  }
0x196: {  	[tilespmem:s22+$0xFFFFFE90] =	vst v4;
	v4 =	vmul.f32 v54, v52  }
0x197: {  	v58 =	vld [tilespmem:s22+$0xFFFFFED0]  }
0x198: {  	v57 =	vbroadcast v3, $0x3;
	[tilespmem:s22+$0xFFFFFEA0] =	vst v4;
	v4 =	vmul.f32 v55, v52  }
0x199: {  	v59 =	vld [tilespmem:s22+$0xFFFFFEE0]  }
0x19a: {  	[tilespmem:s22+$0xFFFFFEB0] =	vst v4;
	v4 =	vmul.f32 v56, v57  }
0x19b: {  	v60 =	vld [tilespmem:s22+$0xFFFFFEF0]  }
0x19c: {  	[tilespmem:s22+$0xFFFFFEC0] =	vst v4;
	v4 =	vmul.f32 v58, v57  }
0x19d: {  	v61 =	vld [tilespmem:s22+$0xFFFFFF00]  }
0x19e: {  	[tilespmem:s22+$0xFFFFFED0] =	vst v4;
	v4 =	vmul.f32 v59, v57  }
0x19f: {  	v63 =	vld [tilespmem:s22+$0xFFFFFF10]  }
0x1a0: {  	v62 =	vbroadcast v3, $0x4;
	[tilespmem:s22+$0xFFFFFEE0] =	vst v4;
	v4 =	vmul.f32 v60, v57  }
0x1a1: {  	v8 =	vld [tilespmem:s22+$0xFFFFFF20]  }
0x1a2: {  	[tilespmem:s22+$0xFFFFFEF0] =	vst v4;
	v4 =	vmul.f32 v61, v62  }
0x1a3: {  	v9 =	vld [tilespmem:s22+$0xFFFFFF30]  }
0x1a4: {  	[tilespmem:s22+$0xFFFFFF00] =	vst v4;
	v4 =	vmul.f32 v63, v62  }
0x1a5: {  	v10 =	vld [tilespmem:s22+$0xFFFFFF40]  }
0x1a6: {  	[tilespmem:s22+$0xFFFFFF10] =	vst v4;
	v4 =	vmul.f32 v8, v62  }
0x1a7: {  	v12 =	vld [tilespmem:s22+$0xFFFFFF50]  }
0x1a8: {  	v11 =	vbroadcast v3, $0x5;
	[tilespmem:s22+$0xFFFFFF20] =	vst v4;
	v4 =	vmul.f32 v9, v62  }
0x1a9: {  	v13 =	vld [tilespmem:s22+$0xFFFFFF60]  }
0x1aa: {  	[tilespmem:s22+$0xFFFFFF30] =	vst v4;
	v4 =	vmul.f32 v10, v11  }
0x1ab: {  	v14 =	vld [tilespmem:s22+$0xFFFFFF70]  }
0x1ac: {  	[tilespmem:s22+$0xFFFFFF40] =	vst v4;
	v4 =	vmul.f32 v12, v11  }
0x1ad: {  	v15 =	vld [tilespmem:s22+$0xFFFFFF80]  }
0x1ae: {  	[tilespmem:s22+$0xFFFFFF50] =	vst v4;
	v4 =	vmul.f32 v13, v11  }
0x1af: {  	v17 =	vld [tilespmem:s22+$0xFFFFFF90]  }
0x1b0: {  	v16 =	vbroadcast v3, $0x6;
	[tilespmem:s22+$0xFFFFFF60] =	vst v4;
	v4 =	vmul.f32 v14, v11  }
0x1b1: {  	v18 =	vld [tilespmem:s22+$0xFFFFFFA0]  }
0x1b2: {  	[tilespmem:s22+$0xFFFFFF70] =	vst v4;
	v4 =	vmul.f32 v15, v16  }
0x1b3: {  	v19 =	vld [tilespmem:s22+$0xFFFFFFB0]  }
0x1b4: {  	[tilespmem:s22+$0xFFFFFF80] =	vst v4;
	v4 =	vmul.f32 v17, v16  }
0x1b5: {  	v20 =	vld [tilespmem:s22+$0xFFFFFFC0]  }
0x1b6: {  	[tilespmem:s22+$0xFFFFFF90] =	vst v4;
	v4 =	vmul.f32 v18, v16  }
0x1b7: {  	v22 =	vld [tilespmem:s22+$0xFFFFFFD0]  }
0x1b8: {  	v21 =	vbroadcast v3, $0x7;
	[tilespmem:s22+$0xFFFFFFA0] =	vst v4;
	v4 =	vmul.f32 v19, v16  }
0x1b9: {  	v23 =	vld [tilespmem:s22+$0xFFFFFFE0]  }
0x1ba: {  	[tilespmem:s22+$0xFFFFFFB0] =	vst v4;
	v4 =	vmul.f32 v20, v21  }
0x1bb: {  	v24 =	vld [tilespmem:s22+$0xFFFFFFF0]  }
0x1bc: {  	[tilespmem:s22+$0xFFFFFFC0] =	vst v4;
	v4 =	vmul.f32 v22, v21  }
0x1bd: {  	v25 =	vld [tilespmem:s22+$0x0]  }
0x1be: {  	[tilespmem:s22+$0xFFFFFFD0] =	vst v4;
	v4 =	vmul.f32 v23, v21  }
0x1bf: {  	v27 =	vld [tilespmem:s22+$0x10]  }
0x1c0: {  	v26 =	vbroadcast v3, $0x8;
	[tilespmem:s22+$0xFFFFFFE0] =	vst v4;
	v4 =	vmul.f32 v24, v21  }
0x1c1: {  	v28 =	vld [tilespmem:s22+$0x20]  }
0x1c2: {  	[tilespmem:s22+$0xFFFFFFF0] =	vst v4;
	v4 =	vmul.f32 v25, v26  }
0x1c3: {  	v29 =	vld [tilespmem:s22+$0x30]  }
0x1c4: {  	[tilespmem:s22+$0x0] =	vst v4;
	v4 =	vmul.f32 v27, v26  }
0x1c5: {  	v30 =	vld [tilespmem:s22+$0x40]  }
0x1c6: {  	[tilespmem:s22+$0x10] =	vst v4;
	v4 =	vmul.f32 v28, v26  }
0x1c7: {  	v32 =	vld [tilespmem:s22+$0x50]  }
0x1c8: {  	v31 =	vbroadcast v3, $0x9;
	[tilespmem:s22+$0x20] =	vst v4;
	v4 =	vmul.f32 v29, v26  }
0x1c9: {  	v33 =	vld [tilespmem:s22+$0x60]  }
0x1ca: {  	[tilespmem:s22+$0x30] =	vst v4;
	v4 =	vmul.f32 v30, v31  }
0x1cb: {  	v34 =	vld [tilespmem:s22+$0x70]  }
0x1cc: {  	[tilespmem:s22+$0x40] =	vst v4;
	v4 =	vmul.f32 v32, v31  }
0x1cd: {  	v35 =	vld [tilespmem:s22+$0x80]  }
0x1ce: {  	[tilespmem:s22+$0x50] =	vst v4;
	v4 =	vmul.f32 v33, v31  }
0x1cf: {  	v37 =	vld [tilespmem:s22+$0x90]  }
0x1d0: {  	v36 =	vbroadcast v3, $0xA;
	[tilespmem:s22+$0x60] =	vst v4;
	v4 =	vmul.f32 v34, v31  }
0x1d1: {  	v38 =	vld [tilespmem:s22+$0xA0]  }
0x1d2: {  	[tilespmem:s22+$0x70] =	vst v4;
	v4 =	vmul.f32 v35, v36  }
0x1d3: {  	v39 =	vld [tilespmem:s22+$0xB0]  }
0x1d4: {  	[tilespmem:s22+$0x80] =	vst v4;
	v4 =	vmul.f32 v37, v36  }
0x1d5: {  	v40 =	vld [tilespmem:s22+$0xC0]  }
0x1d6: {  	[tilespmem:s22+$0x90] =	vst v4;
	v4 =	vmul.f32 v38, v36  }
0x1d7: {  	v42 =	vld [tilespmem:s22+$0xD0]  }
0x1d8: {  	v41 =	vbroadcast v3, $0xB;
	[tilespmem:s22+$0xA0] =	vst v4;
	v4 =	vmul.f32 v39, v36  }
0x1d9: {  	v43 =	vld [tilespmem:s22+$0xE0]  }
0x1da: {  	[tilespmem:s22+$0xB0] =	vst v4;
	v4 =	vmul.f32 v40, v41  }
0x1db: {  	v44 =	vld [tilespmem:s22+$0xF0]  }
0x1dc: {  	[tilespmem:s22+$0xC0] =	vst v4;
	v4 =	vmul.f32 v42, v41  }
0x1dd: {  	v45 =	vld [tilespmem:s22+$0x100]  }
0x1de: {  	[tilespmem:s22+$0xD0] =	vst v4;
	v4 =	vmul.f32 v43, v41  }
0x1df: {  	v47 =	vld [tilespmem:s22+$0x110]  }
0x1e0: {  	v46 =	vbroadcast v3, $0xC;
	[tilespmem:s22+$0xE0] =	vst v4;
	v4 =	vmul.f32 v44, v41  }
0x1e1: {  	v48 =	vld [tilespmem:s22+$0x120]  }
0x1e2: {  	[tilespmem:s22+$0xF0] =	vst v4;
	v4 =	vmul.f32 v45, v46  }
0x1e3: {  	v49 =	vld [tilespmem:s22+$0x130]  }
0x1e4: {  	[tilespmem:s22+$0x100] =	vst v4;
	v4 =	vmul.f32 v47, v46  }
0x1e5: {  	v50 =	vld [tilespmem:s22+$0x140]  }
0x1e6: {  	[tilespmem:s22+$0x110] =	vst v4;
	v4 =	vmul.f32 v48, v46  }
0x1e7: {  	v52 =	vld [tilespmem:s22+$0x150]  }
0x1e8: {  	v51 =	vbroadcast v3, $0xD;
	[tilespmem:s22+$0x120] =	vst v4;
	v4 =	vmul.f32 v49, v46  }
0x1e9: {  	v53 =	vld [tilespmem:s22+$0x160]  }
0x1ea: {  	[tilespmem:s22+$0x130] =	vst v4;
	v4 =	vmul.f32 v50, v51  }
0x1eb: {  	v54 =	vld [tilespmem:s22+$0x170]  }
0x1ec: {  	[tilespmem:s22+$0x140] =	vst v4;
	v4 =	vmul.f32 v52, v51  }
0x1ed: {  	v55 =	vld [tilespmem:s22+$0x180]  }
0x1ee: {  	[tilespmem:s22+$0x150] =	vst v4;
	v4 =	vmul.f32 v53, v51  }
0x1ef: {  	v57 =	vld [tilespmem:s22+$0x190]  }
0x1f0: {  	v56 =	vbroadcast v3, $0xE;
	[tilespmem:s22+$0x160] =	vst v4;
	v4 =	vmul.f32 v54, v51  }
0x1f1: {  	v58 =	vld [tilespmem:s22+$0x1A0]  }
0x1f2: {  	[tilespmem:s22+$0x170] =	vst v4;
	v4 =	vmul.f32 v55, v56  }
0x1f3: {  	v59 =	vld [tilespmem:s22+$0x1B0]  }
0x1f4: {  	[tilespmem:s22+$0x180] =	vst v4;
	v4 =	vmul.f32 v57, v56  }
0x1f5: {  	v60 =	vld [tilespmem:s22+$0x1C0]  }
0x1f6: {  	[tilespmem:s22+$0x190] =	vst v4;
	v4 =	vmul.f32 v58, v56  }
0x1f7: {  	v61 =	vld [tilespmem:s22+$0x1D0]  }
0x1f8: {  	v3 =	vbroadcast v3, $0xF;
	[tilespmem:s22+$0x1A0] =	vst v4;
	v4 =	vmul.f32 v59, v56  }
0x1f9: {  	v62 =	vld [tilespmem:s22+$0x1E0]  }
0x1fa: {  	v63 =	vld [tilespmem:s22+$0x1F0];
	[tilespmem:s22+$0x1B0] =	vst v4;
	v4 =	vmul.f32 v60, v3;
	_ =	sdelay $0x1  }
0x1fb: {  	p1 =	sne.s32 s14, $0x1C0;
	[tilespmem:s22+$0x1C0] =	vst v4;
	v4 =	vmul.f32 v61, v3  }
.Ltmp7:
0x1fc: {  	_ = 	snop;
	(pc) =	sbr.rel @p1 .LBB2_8-.Ltmp7, $4  }
0x1fd: {  	[tilespmem:s22+$0x1D0] =	vst v4;
	v4 =	vmul.f32 v62, v3  }
0x1fe: {  	v3 =	vmul.f32 v63, v3  }
0x1ff: {  	[tilespmem:s22+$0x1E0] =	vst v4  }
0x200: {  	s14 =	sadd.s32 $0x40, s14;
	[tilespmem:s22+$0x1F0] =	vst v3;
	s22 =	sadd.s32 $0x400, s22  }
0x201: {  	s8 =	sshrl.u32 s8, $0x2  }
0x202: {  	s14 =	sadd.s32 $0x5000, s8  }
0x203: {  	[spmem:s3] =	stream.indirect.scatter.add.f32 [tilespmem:s24], [sflag:$0x3], $0x40, s14, s25, $0xb8;
	[tilespmem:$0x1F580] =	vst v63  }
0x204: {  	_ =	swait.ge [sflag:s29], $0x2000  }
0x205: {  	s22 =	sshll.u32 s0, $0x8;
	[sflag:s29] =	ssyncset.done $0x0  }
0x206: {  	s22 =	sor.u32 $0x80, s22;
	[sflag:s29] =	ssyncadd.s32 $0xFFFFE000  }
0x207: {  	v2 =	vmov s7;
	[tilespmem:s26], [sflag:$0x2] =	stream.indirect.gather [hbm4b:s1+s25], $0x40, s22, s25, $0xb8;
	[tilespmem:$0x1F580] =	vst v63  }
0x208: {  	_ =	swait.ge [sflag:s30], $0x2000  }
0x209: {  	[sflag:s30] =	ssyncset.done $0x0  }
0x20a: {  	s15 =	simm.s32 $0x11200;
	s14 =	simm.s32 $0x0;
	[sflag:s30] =	ssyncadd.s32 $0xFFFFE000  }
.LBB2_10:
0x20b: {  	s16 =	sshra.s32 s14, $0x2  }
0x20c: {  	v3 =	vld.idx.msk [tilespmem:v2+s16+$0x0 ss:$0x1], $0xffff;
	_ =	sdelay $0x1  }
0x20d: {  	v4 =	vld [tilespmem:s15+$0xFFFFFE00];
	_ =	sdelay $0x1  }
0x20e: {  	v43 =	vld [tilespmem:s15+$0xFFFFFE10]  }
0x20f: {  	v5 =	vbroadcast v3, $0x0  }
0x210: {  	v44 =	vld [tilespmem:s15+$0xFFFFFE20]  }
0x211: {  	v4 =	vmul.f32 v5, v4  }
0x212: {  	v45 =	vld [tilespmem:s15+$0xFFFFFE30]  }
0x213: {  	[tilespmem:s15+$0xFFFFFE00] =	vst v4;
	v4 =	vmul.f32 v43, v5  }
0x214: {  	v46 =	vld [tilespmem:s15+$0xFFFFFE40]  }
0x215: {  	[tilespmem:s15+$0xFFFFFE10] =	vst v4;
	v4 =	vmul.f32 v44, v5  }
0x216: {  	v48 =	vld [tilespmem:s15+$0xFFFFFE50]  }
0x217: {  	v47 =	vbroadcast v3, $0x1;
	[tilespmem:s15+$0xFFFFFE20] =	vst v4;
	v4 =	vmul.f32 v45, v5  }
0x218: {  	v49 =	vld [tilespmem:s15+$0xFFFFFE60]  }
0x219: {  	[tilespmem:s15+$0xFFFFFE30] =	vst v4;
	v4 =	vmul.f32 v46, v47  }
0x21a: {  	v50 =	vld [tilespmem:s15+$0xFFFFFE70]  }
0x21b: {  	[tilespmem:s15+$0xFFFFFE40] =	vst v4;
	v4 =	vmul.f32 v48, v47  }
0x21c: {  	v51 =	vld [tilespmem:s15+$0xFFFFFE80]  }
0x21d: {  	[tilespmem:s15+$0xFFFFFE50] =	vst v4;
	v4 =	vmul.f32 v49, v47  }
0x21e: {  	v53 =	vld [tilespmem:s15+$0xFFFFFE90]  }
0x21f: {  	v52 =	vbroadcast v3, $0x2;
	[tilespmem:s15+$0xFFFFFE60] =	vst v4;
	v4 =	vmul.f32 v50, v47  }
0x220: {  	v54 =	vld [tilespmem:s15+$0xFFFFFEA0]  }
0x221: {  	[tilespmem:s15+$0xFFFFFE70] =	vst v4;
	v4 =	vmul.f32 v51, v52  }
0x222: {  	v55 =	vld [tilespmem:s15+$0xFFFFFEB0]  }
0x223: {  	[tilespmem:s15+$0xFFFFFE80] =	vst v4;
	v4 =	vmul.f32 v53, v52  }
0x224: {  	v56 =	vld [tilespmem:s15+$0xFFFFFEC0]  }
0x225: {  	[tilespmem:s15+$0xFFFFFE90] =	vst v4;
	v4 =	vmul.f32 v54, v52  }
0x226: {  	v58 =	vld [tilespmem:s15+$0xFFFFFED0]  }
0x227: {  	v57 =	vbroadcast v3, $0x3;
	[tilespmem:s15+$0xFFFFFEA0] =	vst v4;
	v4 =	vmul.f32 v55, v52  }
0x228: {  	v59 =	vld [tilespmem:s15+$0xFFFFFEE0]  }
0x229: {  	[tilespmem:s15+$0xFFFFFEB0] =	vst v4;
	v4 =	vmul.f32 v56, v57  }
0x22a: {  	v60 =	vld [tilespmem:s15+$0xFFFFFEF0]  }
0x22b: {  	[tilespmem:s15+$0xFFFFFEC0] =	vst v4;
	v4 =	vmul.f32 v58, v57  }
0x22c: {  	v61 =	vld [tilespmem:s15+$0xFFFFFF00]  }
0x22d: {  	[tilespmem:s15+$0xFFFFFED0] =	vst v4;
	v4 =	vmul.f32 v59, v57  }
0x22e: {  	v63 =	vld [tilespmem:s15+$0xFFFFFF10]  }
0x22f: {  	v62 =	vbroadcast v3, $0x4;
	[tilespmem:s15+$0xFFFFFEE0] =	vst v4;
	v4 =	vmul.f32 v60, v57  }
0x230: {  	v8 =	vld [tilespmem:s15+$0xFFFFFF20]  }
0x231: {  	[tilespmem:s15+$0xFFFFFEF0] =	vst v4;
	v4 =	vmul.f32 v61, v62  }
0x232: {  	v9 =	vld [tilespmem:s15+$0xFFFFFF30]  }
0x233: {  	[tilespmem:s15+$0xFFFFFF00] =	vst v4;
	v4 =	vmul.f32 v63, v62  }
0x234: {  	v10 =	vld [tilespmem:s15+$0xFFFFFF40]  }
0x235: {  	[tilespmem:s15+$0xFFFFFF10] =	vst v4;
	v4 =	vmul.f32 v8, v62  }
0x236: {  	v12 =	vld [tilespmem:s15+$0xFFFFFF50]  }
0x237: {  	v11 =	vbroadcast v3, $0x5;
	[tilespmem:s15+$0xFFFFFF20] =	vst v4;
	v4 =	vmul.f32 v9, v62  }
0x238: {  	v13 =	vld [tilespmem:s15+$0xFFFFFF60]  }
0x239: {  	[tilespmem:s15+$0xFFFFFF30] =	vst v4;
	v4 =	vmul.f32 v10, v11  }
0x23a: {  	v14 =	vld [tilespmem:s15+$0xFFFFFF70]  }
0x23b: {  	[tilespmem:s15+$0xFFFFFF40] =	vst v4;
	v4 =	vmul.f32 v12, v11  }
0x23c: {  	v15 =	vld [tilespmem:s15+$0xFFFFFF80]  }
0x23d: {  	[tilespmem:s15+$0xFFFFFF50] =	vst v4;
	v4 =	vmul.f32 v13, v11  }
0x23e: {  	v17 =	vld [tilespmem:s15+$0xFFFFFF90]  }
0x23f: {  	v16 =	vbroadcast v3, $0x6;
	[tilespmem:s15+$0xFFFFFF60] =	vst v4;
	v4 =	vmul.f32 v14, v11  }
0x240: {  	v18 =	vld [tilespmem:s15+$0xFFFFFFA0]  }
0x241: {  	[tilespmem:s15+$0xFFFFFF70] =	vst v4;
	v4 =	vmul.f32 v15, v16  }
0x242: {  	v19 =	vld [tilespmem:s15+$0xFFFFFFB0]  }
0x243: {  	[tilespmem:s15+$0xFFFFFF80] =	vst v4;
	v4 =	vmul.f32 v17, v16  }
0x244: {  	v20 =	vld [tilespmem:s15+$0xFFFFFFC0]  }
0x245: {  	[tilespmem:s15+$0xFFFFFF90] =	vst v4;
	v4 =	vmul.f32 v18, v16  }
0x246: {  	v22 =	vld [tilespmem:s15+$0xFFFFFFD0]  }
0x247: {  	v21 =	vbroadcast v3, $0x7;
	[tilespmem:s15+$0xFFFFFFA0] =	vst v4;
	v4 =	vmul.f32 v19, v16  }
0x248: {  	v23 =	vld [tilespmem:s15+$0xFFFFFFE0]  }
0x249: {  	[tilespmem:s15+$0xFFFFFFB0] =	vst v4;
	v4 =	vmul.f32 v20, v21  }
0x24a: {  	v24 =	vld [tilespmem:s15+$0xFFFFFFF0]  }
0x24b: {  	[tilespmem:s15+$0xFFFFFFC0] =	vst v4;
	v4 =	vmul.f32 v22, v21  }
0x24c: {  	v25 =	vld [tilespmem:s15+$0x0]  }
0x24d: {  	[tilespmem:s15+$0xFFFFFFD0] =	vst v4;
	v4 =	vmul.f32 v23, v21  }
0x24e: {  	v27 =	vld [tilespmem:s15+$0x10]  }
0x24f: {  	v26 =	vbroadcast v3, $0x8;
	[tilespmem:s15+$0xFFFFFFE0] =	vst v4;
	v4 =	vmul.f32 v24, v21  }
0x250: {  	v28 =	vld [tilespmem:s15+$0x20]  }
0x251: {  	[tilespmem:s15+$0xFFFFFFF0] =	vst v4;
	v4 =	vmul.f32 v25, v26  }
0x252: {  	v29 =	vld [tilespmem:s15+$0x30]  }
0x253: {  	[tilespmem:s15+$0x0] =	vst v4;
	v4 =	vmul.f32 v27, v26  }
0x254: {  	v30 =	vld [tilespmem:s15+$0x40]  }
0x255: {  	[tilespmem:s15+$0x10] =	vst v4;
	v4 =	vmul.f32 v28, v26  }
0x256: {  	v32 =	vld [tilespmem:s15+$0x50]  }
0x257: {  	v31 =	vbroadcast v3, $0x9;
	[tilespmem:s15+$0x20] =	vst v4;
	v4 =	vmul.f32 v29, v26  }
0x258: {  	v33 =	vld [tilespmem:s15+$0x60]  }
0x259: {  	[tilespmem:s15+$0x30] =	vst v4;
	v4 =	vmul.f32 v30, v31  }
0x25a: {  	v34 =	vld [tilespmem:s15+$0x70]  }
0x25b: {  	[tilespmem:s15+$0x40] =	vst v4;
	v4 =	vmul.f32 v32, v31  }
0x25c: {  	v35 =	vld [tilespmem:s15+$0x80]  }
0x25d: {  	[tilespmem:s15+$0x50] =	vst v4;
	v4 =	vmul.f32 v33, v31  }
0x25e: {  	v37 =	vld [tilespmem:s15+$0x90]  }
0x25f: {  	v36 =	vbroadcast v3, $0xA;
	[tilespmem:s15+$0x60] =	vst v4;
	v4 =	vmul.f32 v34, v31  }
0x260: {  	v38 =	vld [tilespmem:s15+$0xA0]  }
0x261: {  	[tilespmem:s15+$0x70] =	vst v4;
	v4 =	vmul.f32 v35, v36  }
0x262: {  	v39 =	vld [tilespmem:s15+$0xB0]  }
0x263: {  	[tilespmem:s15+$0x80] =	vst v4;
	v4 =	vmul.f32 v37, v36  }
0x264: {  	v40 =	vld [tilespmem:s15+$0xC0]  }
0x265: {  	[tilespmem:s15+$0x90] =	vst v4;
	v4 =	vmul.f32 v38, v36  }
0x266: {  	v42 =	vld [tilespmem:s15+$0xD0]  }
0x267: {  	v41 =	vbroadcast v3, $0xB;
	[tilespmem:s15+$0xA0] =	vst v4;
	v4 =	vmul.f32 v39, v36  }
0x268: {  	v43 =	vld [tilespmem:s15+$0xE0]  }
0x269: {  	[tilespmem:s15+$0xB0] =	vst v4;
	v4 =	vmul.f32 v40, v41  }
0x26a: {  	v44 =	vld [tilespmem:s15+$0xF0]  }
0x26b: {  	[tilespmem:s15+$0xC0] =	vst v4;
	v4 =	vmul.f32 v42, v41  }
0x26c: {  	v45 =	vld [tilespmem:s15+$0x100]  }
0x26d: {  	[tilespmem:s15+$0xD0] =	vst v4;
	v4 =	vmul.f32 v43, v41  }
0x26e: {  	v47 =	vld [tilespmem:s15+$0x110]  }
0x26f: {  	v46 =	vbroadcast v3, $0xC;
	[tilespmem:s15+$0xE0] =	vst v4;
	v4 =	vmul.f32 v44, v41  }
0x270: {  	v48 =	vld [tilespmem:s15+$0x120]  }
0x271: {  	[tilespmem:s15+$0xF0] =	vst v4;
	v4 =	vmul.f32 v45, v46  }
0x272: {  	v49 =	vld [tilespmem:s15+$0x130]  }
0x273: {  	[tilespmem:s15+$0x100] =	vst v4;
	v4 =	vmul.f32 v47, v46  }
0x274: {  	v50 =	vld [tilespmem:s15+$0x140]  }
0x275: {  	[tilespmem:s15+$0x110] =	vst v4;
	v4 =	vmul.f32 v48, v46  }
0x276: {  	v52 =	vld [tilespmem:s15+$0x150]  }
0x277: {  	v51 =	vbroadcast v3, $0xD;
	[tilespmem:s15+$0x120] =	vst v4;
	v4 =	vmul.f32 v49, v46  }
0x278: {  	v53 =	vld [tilespmem:s15+$0x160]  }
0x279: {  	[tilespmem:s15+$0x130] =	vst v4;
	v4 =	vmul.f32 v50, v51  }
0x27a: {  	v54 =	vld [tilespmem:s15+$0x170]  }
0x27b: {  	[tilespmem:s15+$0x140] =	vst v4;
	v4 =	vmul.f32 v52, v51  }
0x27c: {  	v55 =	vld [tilespmem:s15+$0x180]  }
0x27d: {  	[tilespmem:s15+$0x150] =	vst v4;
	v4 =	vmul.f32 v53, v51  }
0x27e: {  	v57 =	vld [tilespmem:s15+$0x190]  }
0x27f: {  	v56 =	vbroadcast v3, $0xE;
	[tilespmem:s15+$0x160] =	vst v4;
	v4 =	vmul.f32 v54, v51  }
0x280: {  	v58 =	vld [tilespmem:s15+$0x1A0]  }
0x281: {  	[tilespmem:s15+$0x170] =	vst v4;
	v4 =	vmul.f32 v55, v56  }
0x282: {  	v59 =	vld [tilespmem:s15+$0x1B0]  }
0x283: {  	[tilespmem:s15+$0x180] =	vst v4;
	v4 =	vmul.f32 v57, v56  }
0x284: {  	v60 =	vld [tilespmem:s15+$0x1C0]  }
0x285: {  	[tilespmem:s15+$0x190] =	vst v4;
	v4 =	vmul.f32 v58, v56  }
0x286: {  	v61 =	vld [tilespmem:s15+$0x1D0]  }
0x287: {  	v3 =	vbroadcast v3, $0xF;
	[tilespmem:s15+$0x1A0] =	vst v4;
	v4 =	vmul.f32 v59, v56  }
0x288: {  	v62 =	vld [tilespmem:s15+$0x1E0]  }
0x289: {  	v63 =	vld [tilespmem:s15+$0x1F0];
	[tilespmem:s15+$0x1B0] =	vst v4;
	v4 =	vmul.f32 v60, v3;
	_ =	sdelay $0x1  }
0x28a: {  	p1 =	sne.s32 s14, $0x1C0;
	[tilespmem:s15+$0x1C0] =	vst v4;
	v4 =	vmul.f32 v61, v3  }
.Ltmp8:
0x28b: {  	_ = 	snop;
	(pc) =	sbr.rel @p1 .LBB2_10-.Ltmp8, $4  }
0x28c: {  	[tilespmem:s15+$0x1D0] =	vst v4;
	v4 =	vmul.f32 v62, v3  }
0x28d: {  	v3 =	vmul.f32 v63, v3  }
0x28e: {  	[tilespmem:s15+$0x1E0] =	vst v4  }
0x28f: {  	s14 =	sadd.s32 $0x40, s14;
	[tilespmem:s15+$0x1F0] =	vst v3;
	s15 =	sadd.s32 $0x400, s15  }
0x290: {  	s14 =	sadd.s32 $0x5000, s22;
	s0 =	sadd.s32 $0x1, s0  }
0x291: {  	[spmem:s3] =	stream.indirect.scatter.add.f32 [tilespmem:s26], [sflag:$0x4], $0x40, s14, s25, $0xb8;
	[tilespmem:$0x1F580] =	vst v63  }
0x292: {  	p1 =	seq.s32 s0, $0x4F  }
.Ltmp9:
0x293: {  	_ = 	snop;
	(pc) =	sbr.rel @!p1 .LBB2_7-.Ltmp9, $4  }
0x294: {  	_ =	swait.ge [sflag:s31], $0x2000  }
0x295: {  	s8 =	sadd.s32 $0x100, s8;
	[sflag:s31] =	ssyncset.done $0x0  }
0x296: {  	s6 =	sadd.s32 $0x100, s6;
	s7 =	sadd.s32 $0x100, s7;
	[sflag:s31] =	ssyncadd.s32 $0xFFFFE000  }
0x297: {  	[tilespmem:s24], [sflag:$0x1] =	stream.indirect.gather [hbm4b:s1+s25], $0x40, s8, s25, $0xb8;
	[tilespmem:$0x1F580] =	vst v63  }
.LBB2_18:
0x298: {  	_ =	swait.ge [sflag:s28], $0x2000  }
0x299: {  	[sflag:s28] =	ssyncset.done $0x0  }
0x29a: {  	[sflag:s28] =	ssyncadd.s32 $0xFFFFE000  }
0x29b: {  	_ =	swait.ge [sflag:s29], $0x2000  }
0x29c: {  	[sflag:s29] =	ssyncset.done $0x0  }
0x29d: {  	s0 =	simm.s32 $0x1C0;
	[sflag:s29] =	ssyncadd.s32 $0xFFFFE000  }
.LBB2_19:
0x29e: {  	s6 =	sshra.s32 s0, $0x2  }
0x29f: {  	v2 =	vld.idx.msk [tilespmem:v0+s6+$0xFFFFFF90 ss:$0x1], $0xffff;
	_ =	sdelay $0x4  }
0x2a0: {  	(xrf1) =	vunique.msk.u32 $0xffff, v2;
	_ =	sdelay $0xd  }
0x2a1: {  	_, v3, vm0 =	vpop (xrf1);
	_ =	sdelay $0x3  }
0x2a2: {  	v3 =	vcvt.s32.f32 v3;
	_ =	sdelay $0x1  }
0x2a3: {  	[tilespmem:v2+s2+$0x0] =	vst.idx.add.f32.msk vm0, v3  }
0x2a4: {  	v2 =	vld.idx.msk [tilespmem:v0+s6+$0xFFFFFFA0 ss:$0x1], $0xffff;
	_ =	sdelay $0x4  }
0x2a5: {  	(xrf1) =	vunique.msk.u32 $0xffff, v2;
	_ =	sdelay $0xd  }
0x2a6: {  	_, v3, vm0 =	vpop (xrf1);
	_ =	sdelay $0x3  }
0x2a7: {  	v3 =	vcvt.s32.f32 v3;
	_ =	sdelay $0x1  }
0x2a8: {  	[tilespmem:v2+s2+$0x0] =	vst.idx.add.f32.msk vm0, v3  }
0x2a9: {  	v2 =	vld.idx.msk [tilespmem:v0+s6+$0xFFFFFFB0 ss:$0x1], $0xffff;
	_ =	sdelay $0x4  }
0x2aa: {  	(xrf1) =	vunique.msk.u32 $0xffff, v2;
	_ =	sdelay $0xd  }
0x2ab: {  	_, v3, vm0 =	vpop (xrf1);
	_ =	sdelay $0x3  }
0x2ac: {  	v3 =	vcvt.s32.f32 v3;
	_ =	sdelay $0x1  }
0x2ad: {  	[tilespmem:v2+s2+$0x0] =	vst.idx.add.f32.msk vm0, v3  }
0x2ae: {  	v2 =	vld.idx.msk [tilespmem:v0+s6+$0xFFFFFFC0 ss:$0x1], $0xffff;
	_ =	sdelay $0x4  }
0x2af: {  	(xrf1) =	vunique.msk.u32 $0xffff, v2;
	_ =	sdelay $0xd  }
0x2b0: {  	_, v3, vm0 =	vpop (xrf1);
	_ =	sdelay $0x3  }
0x2b1: {  	v3 =	vcvt.s32.f32 v3;
	_ =	sdelay $0x1  }
0x2b2: {  	[tilespmem:v2+s2+$0x0] =	vst.idx.add.f32.msk vm0, v3  }
0x2b3: {  	v2 =	vld.idx.msk [tilespmem:v0+s6+$0xFFFFFFD0 ss:$0x1], $0xffff;
	_ =	sdelay $0x4  }
0x2b4: {  	(xrf1) =	vunique.msk.u32 $0xffff, v2;
	_ =	sdelay $0xd  }
0x2b5: {  	_, v3, vm0 =	vpop (xrf1);
	_ =	sdelay $0x3  }
0x2b6: {  	v3 =	vcvt.s32.f32 v3;
	_ =	sdelay $0x1  }
0x2b7: {  	[tilespmem:v2+s2+$0x0] =	vst.idx.add.f32.msk vm0, v3  }
0x2b8: {  	v2 =	vld.idx.msk [tilespmem:v0+s6+$0xFFFFFFE0 ss:$0x1], $0xffff;
	_ =	sdelay $0x4  }
0x2b9: {  	(xrf1) =	vunique.msk.u32 $0xffff, v2;
	_ =	sdelay $0xd  }
0x2ba: {  	_, v3, vm0 =	vpop (xrf1);
	_ =	sdelay $0x3  }
0x2bb: {  	v3 =	vcvt.s32.f32 v3;
	_ =	sdelay $0x1  }
0x2bc: {  	[tilespmem:v2+s2+$0x0] =	vst.idx.add.f32.msk vm0, v3  }
0x2bd: {  	v2 =	vld.idx.msk [tilespmem:v0+s6+$0xFFFFFFF0 ss:$0x1], $0xffff;
	_ =	sdelay $0x4  }
0x2be: {  	(xrf1) =	vunique.msk.u32 $0xffff, v2;
	_ =	sdelay $0xd  }
0x2bf: {  	_, v3, vm0 =	vpop (xrf1);
	_ =	sdelay $0x3  }
0x2c0: {  	v3 =	vcvt.s32.f32 v3;
	_ =	sdelay $0x1  }
0x2c1: {  	[tilespmem:v2+s2+$0x0] =	vst.idx.add.f32.msk vm0, v3  }
0x2c2: {  	v2 =	vld.idx.msk [tilespmem:v0+s6+$0x0 ss:$0x1], $0xffff;
	_ =	sdelay $0x4  }
0x2c3: {  	(xrf1) =	vunique.msk.u32 $0xffff, v2;
	_ =	sdelay $0xd  }
0x2c4: {  	_, v3, vm0 =	vpop (xrf1)  }
0x2c5: {  	p1 =	sne.s32 s0, $0x9DC0  }
.Ltmp10:
0x2c6: {  	_ = 	snop;
	(pc) =	sbr.rel @p1 .LBB2_19-.Ltmp10, $3  }
0x2c7: {  	_ = 	snop  }
0x2c8: {  	v3 =	vcvt.s32.f32 v3;
	_ =	sdelay $0x1  }
0x2c9: {  	s0 =	sadd.s32 $0x200, s0;
	[tilespmem:v2+s2+$0x0] =	vst.idx.add.f32.msk vm0, v3  }
0x2ca: {  	s0 =	stileid.u32  }
0x2cb: {  	[bflag:$0x0] =	sbarrier.arrive $0xFFFF;
	s0 =	sshll.u32 s0, $0x6  }
0x2cc: {  	s6 =	sshrl.u32 s9, $0x3;
	s7 =	rddreg [dreg:$0x7];
	s0 =	sor.u32 $0x1C05, s0  }
0x2cd: {  	[hbm:s7], [sflag:s0] =	dma.local [spmem:s6], $0x400  }
0x2ce: {  	_ =	swait.ge [sflag:s21], $0x400  }
0x2cf: {  	[sflag:s21] =	ssyncset.done $0x0  }
0x2d0: {  	s7 =	sshrl.u32 s10, $0x3;
	s8 =	rddreg [dreg:$0x8];
	[sflag:s21] =	ssyncadd.s32 $0xFFFFFC00  }
0x2d1: {  	[hbm:s8], [sflag:s0] =	dma.local [spmem:s7], $0x400  }
0x2d2: {  	_ =	swait.ge [sflag:s21], $0x400  }
0x2d3: {  	[sflag:s21] =	ssyncset.done $0x0  }
0x2d4: {  	s14 =	sshrl.u32 s11, $0x3;
	s15 =	rddreg [dreg:$0x9];
	[sflag:s21] =	ssyncadd.s32 $0xFFFFFC00  }
0x2d5: {  	[hbm:s15], [sflag:s0] =	dma.local [spmem:s14], $0x400  }
0x2d6: {  	_ =	swait.ge [sflag:s21], $0x400  }
0x2d7: {  	[sflag:s21] =	ssyncset.done $0x0  }
0x2d8: {  	s16 =	sshrl.u32 s12, $0x3;
	[sflag:s21] =	ssyncadd.s32 $0xFFFFFC00  }
0x2d9: {  	[hbm:s17], [sflag:s0] =	dma.local [spmem:s16], $0x400  }
0x2da: {  	_ =	swait.ge [sflag:s21], $0x400  }
0x2db: {  	[sflag:s21] =	ssyncset.done $0x0  }
0x2dc: {  	s22 =	sshrl.u32 s13, $0x3;
	[sflag:s21] =	ssyncadd.s32 $0xFFFFFC00  }
0x2dd: {  	[hbm:s18], [sflag:s0] =	dma.local [spmem:s22], $0x3C0  }
0x2de: {  	s23 =	sadd.s32 $0x1, s23;
	_ =	swait.ge [sflag:s21], $0x3C0  }
0x2df: {  	p1 =	sne.s32 s23, s20;
	[sflag:s21] =	ssyncset.done $0x0  }
.Ltmp11:
0x2e0: {  	[sflag:s21] =	ssyncadd.s32 $0xFFFFFC40;
	(pc) =	sbr.rel @p1 .LBB2_1-.Ltmp11, $4  }
0x2e1: {  	[hbm4b:s19+s4] =	stream.linear.scatter [tilespmem:s2], [sflag:$0x5], $0x2780, $0x38;
	[tilespmem:$0x1F580] =	vst v63  }
0x2e2: {  	_ =	swait.ge [sflag:s21], $0x2780  }
0x2e3: {  	[sflag:s21] =	ssyncset.done $0x0  }
0x2e4: {  	s7 =	simm.s32 $0x5000;
	[sflag:s21] =	ssyncadd.s32 $0xFFFFD880  }
0x2e5: {  	_ =	sfence.sel $0x180000  }
0x2e6: {  	[bflag:$0x0] =	sbarrier.arrive $0xFFFF  }
0x2e7: {  	_ =	strace $0x90000047  }
0x2e8: {  	s0 =	stileid.u32;
	[bflag:$0x2] =	sbarrier.arrive $0xFFFF  }
0x2e9: {  	p0 =	sne.s32 s0, $0x0;
	s0 =	rddreg [dreg:$0x3]  }
0x2ea: {  	s0 =	sadd.s32 @!p0 $0x100000, s0  }
0x2eb: {  	[sflag:s0] =	ssyncadd.tile.s32 @!p0 $0x1;
	_ =	shalt  }
.Lfunc_end2:
_tile_overlayer_lowered:
.L_overlay_start_2:
0x2ec: {  	(tag) =	ssettag $0x2  }
0x2ed: {  	s0 =	rddreg [dreg:$0x0];
	s2 =	stileid.u32  }
0x2ee: {  	s1 =	rddreg [dreg:$0x1];
	p0 =	sne.s32 s2, $0x0  }
0x2ef: {  	s3 =	rddreg [dreg:$0x2];
	[bflag:$0x3] =	sbarrier.arrive $0xFFFF;
	s2 =	simm.s32 @!p0 $0x1C05  }
0x2f0: {  	[timem:s3], [sflag:s2] =	dma.local @!p0 [hbm:s0], s1  }
0x2f1: {  	s0 =	simm.s32 @!p0 $0x5  }
0x2f2: {  	_ =	swait.ge @!p0 [sflag:s0], s1  }
0x2f3: {  	s1 =	ssub.s32 @!p0 $0x0, s1;
	[sflag:s0] =	ssyncset.done @!p0 $0x0  }
0x2f4: {  	[sflag:s0] =	ssyncadd.s32 @!p0 s1  }
0x2f5: {  	[bflag:$0x3] =	sbarrier.arrive $0xFFFF  }
0x2f6: {  	_ =	shalt  }

</sc_bundles>
